<compile_context>
chip_gen: v7x
topology: tpu7x:2x2x1
jax: 0.10.2.dev20260603
libtpu: 0.0.44.dev20260713+nightly
codegen_flags: <defaults>
</compile_context>

<pallas_src>
import functools

import jax
import jax.numpy as jnp
from jax import lax
from jax.experimental import pallas as pl
from jax.experimental.pallas import tpu as pltpu
from jax.experimental.pallas import tpu_sc as plsc

NC = 2
NS = 16
L = 16
NW = NC * NS
CE = 1024
CR = CE // 128
NBUF = 3


def _agg_body(x_hbm, w_hbm, src_hbm, dst_hbm, anch_hbm, ones_hbm, zeros_hbm,
              s_out, cnt_out, h_scr,
              h_vm, src_vm0, src_vm1, src_vm2, w_vm0, w_vm1, w_vm2,
              dst_vm0, dst_vm1, dst_vm2, m_vm0, m_vm1, m_vm2,
              anch_vm, xa_vm, ones_vm,
              s_sh, cnt_sh, sem_in, sem_sc,
              *, nacc, sl, rpw, chunks, arows):
    c = lax.axis_index("c")
    s = lax.axis_index("s")
    wid = s * NC + c

    off = s * sl
    pltpu.sync_copy(zeros_hbm.at[pl.ds(off, sl)], s_sh.at[pl.ds(off, sl)])
    pltpu.sync_copy(zeros_hbm.at[pl.ds(off, sl)], cnt_sh.at[pl.ds(off, sl)])
    pltpu.sync_copy(ones_hbm, ones_vm)
    plsc.subcore_barrier()

    @pl.when(s == 0)
    def _build_h():
        nblk = arows // 8

        def set_ones(blk, carry):
            pltpu.sync_copy(anch_hbm.at[pl.ds(blk * 8, 8)], anch_vm)

            def row(j, cc):
                pltpu.sync_copy(ones_vm.at[0], s_sh.at[anch_vm.at[j]])
                return cc
            lax.fori_loop(0, 8, row, 0)
            return carry
        lax.fori_loop(0, nblk, set_ones, 0)

        def add_x(blk, carry):
            pltpu.sync_copy(anch_hbm.at[pl.ds(blk * 8, 8)], anch_vm)

            def row(j, cc):
                pltpu.sync_copy(x_hbm.at[anch_vm.at[j]], xa_vm.at[0])
                pltpu.sync_copy(xa_vm.at[0], s_sh.at[anch_vm.at[j]], add=True)
                return cc
            lax.fori_loop(0, 8, row, 0)
            return carry
        lax.fori_loop(0, nblk, add_x, 0)

        pltpu.sync_copy(s_sh, h_scr.at[c])

    plsc.subcore_barrier()

    pltpu.sync_copy(zeros_hbm.at[pl.ds(off, sl)], s_sh.at[pl.ds(off, sl)])
    pltpu.sync_copy(h_scr.at[c], h_vm)
    plsc.subcore_barrier()

    ebase = wid * rpw * 128
    rbase = wid * rpw
    src_vms = (src_vm0, src_vm1, src_vm2)
    w_vms = (w_vm0, w_vm1, w_vm2)
    dst_vms = (dst_vm0, dst_vm1, dst_vm2)
    m_vms = (m_vm0, m_vm1, m_vm2)

    def fire_in(k, b):
        er = ebase + k * CE
        rr = rbase + k * CR
        pltpu.async_copy(src_hbm.at[pl.ds(er, CE)], src_vms[b], sem_in.at[b])
        pltpu.async_copy(w_hbm.at[pl.ds(er, CE)], w_vms[b], sem_in.at[b])
        pltpu.async_copy(dst_hbm.at[pl.ds(rr, CR)], dst_vms[b], sem_in.at[b])

    def wait_in(b):
        pltpu.make_async_copy(src_hbm.at[pl.ds(0, CE)], src_vms[b],
                              sem_in.at[b]).wait()
        pltpu.make_async_copy(w_hbm.at[pl.ds(0, CE)], w_vms[b],
                              sem_in.at[b]).wait()
        pltpu.make_async_copy(dst_hbm.at[pl.ds(0, CR)], dst_vms[b],
                              sem_in.at[b]).wait()

    def fire_sc(b):
        for j in range(CR):
            pltpu.async_copy(m_vms[b].at[pl.ds(j * 128, 128)],
                             s_sh.at[dst_vms[b].at[j]], sem_sc.at[b],
                             add=True)
            pltpu.async_copy(ones_vm.at[0],
                             cnt_sh.at[dst_vms[b].at[j]], sem_sc.at[b],
                             add=True)

    def drain_sc(b):
        for j in range(CR):
            pltpu.make_async_copy(m_vms[b].at[pl.ds(j * 128, 128)],
                                  s_sh.at[dst_vms[b].at[j]],
                                  sem_sc.at[b]).wait()
            pltpu.make_async_copy(ones_vm.at[0],
                                  cnt_sh.at[dst_vms[b].at[j]],
                                  sem_sc.at[b]).wait()

    fire_in(0, 0)

    def super_body(q, carry):
        k0 = q * NBUF
        for b in range(NBUF):
            k = k0 + b
            nb = (b + 1) % NBUF

            @pl.when(k >= 2)
            def _drain():
                drain_sc(nb)

            @pl.when(k + 1 < chunks)
            def _prefetch():
                fire_in(k + 1, nb)

            wait_in(b)

            src_b, w_b, m_b = src_vms[b], w_vms[b], m_vms[b]

            @plsc.parallel_loop(0, CE // L, unroll=4)
            def compute(i):
                idx = src_b[pl.ds(i * L, L)]
                hv = plsc.load_gather(h_vm, [idx])
                wv = w_b[pl.ds(i * L, L)]
                m_b[pl.ds(i * L, L)] = hv * wv

            fire_sc(b)
        return carry

    lax.fori_loop(0, chunks // NBUF, super_body, 0)
    drain_sc((chunks - 2) % NBUF)
    drain_sc((chunks - 1) % NBUF)
    plsc.subcore_barrier()

    pltpu.sync_copy(s_sh.at[pl.ds(off, sl)], s_out.at[c, pl.ds(off, sl)])
    pltpu.sync_copy(cnt_sh.at[pl.ds(off, sl)], cnt_out.at[c, pl.ds(off, sl)])


def _combine_body(s_ref, c_ref, o_ref):
    stot = s_ref[0] + s_ref[1]
    ctot = jnp.maximum(c_ref[0] + c_ref[1], 1.0)
    o_ref[...] = stot / ctot


def kernel(x, w, src, dst, anchors):
    n = x.shape[0]
    e = src.shape[0]
    a = anchors.shape[0]
    arows = a // 128

    nacc = -(-(n + 256) // (128 * NS)) * (128 * NS)
    sl = nacc // NS
    rows = nacc // 128

    per_super = NW * CE * NBUF
    e_pad = -(-e // per_super) * per_super
    pad = e_pad - e
    rpw = e_pad // (NW * 128)
    chunks = e_pad // (NW * CE)

    src_p = jnp.concatenate([src, jnp.zeros((pad,), jnp.int32)])
    w_p = jnp.concatenate([w, jnp.zeros((pad,), jnp.float32)])
    dst_pad = n + (jnp.arange(pad, dtype=jnp.int32) % 256)
    dst_p = jnp.concatenate([dst, dst_pad]).reshape(e_pad // 128, 128)
    anch2 = anchors.reshape(arows, 128)
    ones2 = jnp.ones((1, 128), jnp.float32)
    zeros = jnp.zeros((nacc,), jnp.float32)

    mesh = plsc.VectorSubcoreMesh(core_axis_name="c", subcore_axis_name="s",
                                  num_cores=NC, num_subcores=NS)
    body = functools.partial(_agg_body, nacc=nacc, sl=sl, rpw=rpw,
                             chunks=chunks, arows=arows)
    agg = pl.kernel(
        body,
        out_type=[
            jax.ShapeDtypeStruct((NC, nacc), jnp.float32),
            jax.ShapeDtypeStruct((NC, nacc), jnp.float32),
            jax.ShapeDtypeStruct((NC, nacc), jnp.float32),
        ],
        mesh=mesh,
        scratch_types=[
            pltpu.VMEM((nacc,), jnp.float32),
            pltpu.VMEM((CE,), jnp.int32),
            pltpu.VMEM((CE,), jnp.int32),
            pltpu.VMEM((CE,), jnp.int32),
            pltpu.VMEM((CE,), jnp.float32),
            pltpu.VMEM((CE,), jnp.float32),
            pltpu.VMEM((CE,), jnp.float32),
            pltpu.VMEM((CR, 128), jnp.int32),
            pltpu.VMEM((CR, 128), jnp.int32),
            pltpu.VMEM((CR, 128), jnp.int32),
            pltpu.VMEM((CE,), jnp.float32),
            pltpu.VMEM((CE,), jnp.float32),
            pltpu.VMEM((CE,), jnp.float32),
            pltpu.VMEM((8, 128), jnp.int32),
            pltpu.VMEM((1, 128), jnp.float32),
            pltpu.VMEM((1, 128), jnp.float32),
            pltpu.VMEM_SHARED((nacc,), jnp.float32),
            pltpu.VMEM_SHARED((nacc,), jnp.float32),
            pltpu.SemaphoreType.DMA((NBUF,)),
            pltpu.SemaphoreType.DMA((NBUF,)),
        ],
        compiler_params=pltpu.CompilerParams(needs_layout_passes=False),
    )
    s_part, cnt_part, _ = agg(x, w_p, src_p, dst_p, anch2, ones2, zeros)

    combine = pl.pallas_call(
        _combine_body,
        out_shape=jax.ShapeDtypeStruct((rows, 128), jnp.float32),
    )
    ho = combine(s_part.reshape(NC, rows, 128), cnt_part.reshape(NC, rows, 128))
    h_o = ho.reshape(-1)[:n]
    return (h_o, x)

# --- scband reference (transcript-rebuilt; emitter-appended) ---
"""Pipeline reference for scband-neighbor-agg-layer-7069516169828 (READ-ONLY COPY).

The authoritative reference and input builder live on the scoring server;
editing this copy changes nothing except your own understanding.
"""

import jax, jax.numpy as jnp
import numpy as np

N = 100000   # ent_num / n_nodes
T = 6400000  # n_triples (avg_degree=64)
R = 500      # n_relations
A = 4096     # n_anchors


def setup_inputs(seed: int = 0) -> dict:
    key = jax.random.key(seed)
    k1, k2, k3, k4, k5, k6 = jax.random.split(key, 6)
    # kg_triples = (src, rel, dst)
    src_t = jax.random.randint(k1, (T,), 0, N, dtype=jnp.int32)
    dst_t = jax.random.randint(k2, (T,), 0, N, dtype=jnp.int32)
    rel = jax.random.randint(k3, (T,), 0, R, dtype=jnp.int32)
    # init tensors passed to __init__
    edge_weights = jax.random.uniform(k4, (R,), dtype=jnp.float32)
    node_weights = jax.random.uniform(k5, (N,), dtype=jnp.float32)
    # graph construction as in __init__: triple edges then self-loop edges over kg_entities=arange(N)
    max_w = jnp.max(edge_weights) + 0.5
    self_idx = jnp.arange(N, dtype=jnp.int32)
    src = jnp.concatenate([src_t, self_idx])
    dst = jnp.concatenate([dst_t, self_idx])
    w = jnp.concatenate([edge_weights[rel], jnp.full((N,), max_w, dtype=jnp.float32)])
    # ndata['x'] = node_weights[kg_entities] = node_weights (kg_entities covers all nodes)
    x = node_weights
    anchors = jax.random.randint(k6, (A,), 0, N, dtype=jnp.int32)
    return {"x": x, "w": w, "src": src, "dst": dst, "anchors": anchors}


def reference(x, w, src, dst, anchors):
    n = x.shape[0]
    # h = zeros; h[anchors] = 1; h[anchors] += x[anchors]
    h = jnp.zeros((n,), dtype=x.dtype)
    h = h.at[anchors].set(1.0)
    h = h.at[anchors].add(x[anchors])
    # update_all(u_mul_e('h','w','m'), mean('m','o'))
    m = h[src] * w
    s = jax.ops.segment_sum(m, dst, num_segments=n)
    cnt = jax.ops.segment_sum(jnp.ones_like(w), dst, num_segments=n)
    h_o = s / jnp.maximum(cnt, 1.0)  # every node has a self-loop -> cnt >= 1
    return (h_o, x)

if __name__ == "__main__":
    import jax
    _d = setup_inputs()
    print(jax.jit(kernel)(*tuple(_d.values())))

</pallas_src>

<mosaic_0001>
#map = affine_map<(d0, d1) -> (0)>
#map1 = affine_map<(d0, d1) -> (0, 0)>
module attributes {stable_mosaic.version = 14 : i64} {
  func.func @_agg_body(%arg0: i32, %arg1: i32, %arg2: memref<100000xf32, #tpu.memory_space<hbm>>, %arg3: memref<6586368xf32, #tpu.memory_space<hbm>>, %arg4: memref<6586368xi32, #tpu.memory_space<hbm>>, %arg5: memref<51456x128xi32, #tpu.memory_space<hbm>>, %arg6: memref<32x128xi32, #tpu.memory_space<hbm>>, %arg7: memref<1x128xf32, #tpu.memory_space<hbm>>, %arg8: memref<100352xf32, #tpu.memory_space<hbm>>, %arg9: memref<2x100352xf32, #tpu.memory_space<hbm>>, %arg10: memref<2x100352xf32, #tpu.memory_space<hbm>>, %arg11: memref<2x100352xf32, #tpu.memory_space<hbm>>, %arg12: memref<100352xf32, #tpu.memory_space<vmem>>, %arg13: memref<1024xi32, #tpu.memory_space<vmem>>, %arg14: memref<1024xi32, #tpu.memory_space<vmem>>, %arg15: memref<1024xi32, #tpu.memory_space<vmem>>, %arg16: memref<1024xf32, #tpu.memory_space<vmem>>, %arg17: memref<1024xf32, #tpu.memory_space<vmem>>, %arg18: memref<1024xf32, #tpu.memory_space<vmem>>, %arg19: memref<8x128xi32, #tpu.memory_space<vmem>>, %arg20: memref<8x128xi32, #tpu.memory_space<vmem>>, %arg21: memref<8x128xi32, #tpu.memory_space<vmem>>, %arg22: memref<1024xf32, #tpu.memory_space<vmem>>, %arg23: memref<1024xf32, #tpu.memory_space<vmem>>, %arg24: memref<1024xf32, #tpu.memory_space<vmem>>, %arg25: memref<8x128xi32, #tpu.memory_space<vmem>>, %arg26: memref<1x128xf32, #tpu.memory_space<vmem>>, %arg27: memref<1x128xf32, #tpu.memory_space<vmem>>, %arg28: memref<100352xf32, #tpu.memory_space<vmem_shared>>, %arg29: memref<100352xf32, #tpu.memory_space<vmem_shared>>, %arg30: memref<3x!tpu.dma_semaphore, #tpu.memory_space<semaphore_mem>>, %arg31: memref<3x!tpu.dma_semaphore, #tpu.memory_space<semaphore_mem>>) attributes {dimension_semantics = [#tpu.dimension_semantics<core_parallel>, #tpu.dimension_semantics<subcore_parallel>], iteration_bounds = array<i64: 2, 16>, scalar_prefetch = 0 : i64, scratch_operands = 20 : i64, tpu.core_type = #tpu.core_type<sc_vector_subcore>, window_params = [{transform_indices = #map}, {transform_indices = #map}, {transform_indices = #map}, {transform_indices = #map1}, {transform_indices = #map1}, {transform_indices = #map1}, {transform_indices = #map}, {transform_indices = #map1}, {transform_indices = #map1}, {transform_indices = #map1}]} {
    %mul3A = arith.constant 2 : i32
    %mul3A_0 = arith.muli %arg1, %mul3A : i32
    %add3A = arith.addi %mul3A_0, %arg0 : i32
    %mul3A_1 = arith.constant 6272 : i32
    %mul3A_2 = arith.muli %arg1, %mul3A_1 : i32
    "tpu.region"() ({
      %run_scoped3A = tpu.sem_alloc : memref<!tpu.dma_semaphore, #tpu.memory_space<semaphore_mem>>
      %dma_start3A_422 = tpu.memref_slice %arg28[%mul3A_2] : memref<100352xf32, #tpu.memory_space<vmem_shared>> -> memref<6272xf32, #tpu.memory_space<vmem_shared>>
      %dma_start3A_423 = tpu.memref_slice %arg8[%mul3A_2] : memref<100352xf32, #tpu.memory_space<hbm>> -> memref<6272xf32, #tpu.memory_space<hbm>>
      tpu.enqueue_dma source(%dma_start3A_423 : memref<6272xf32, #tpu.memory_space<hbm>>) target(%dma_start3A_422 : memref<6272xf32, #tpu.memory_space<vmem_shared>>) target_semaphore(%run_scoped3A : memref<!tpu.dma_semaphore, #tpu.memory_space<semaphore_mem>>)
      %dma_wait3A_424 = tpu.memref_slice %arg28[%mul3A_2] : memref<100352xf32, #tpu.memory_space<vmem_shared>> -> memref<6272xf32, #tpu.memory_space<vmem_shared>>
      %dma_wait3A_425 = tpu.memref_slice %arg8[%mul3A_2] : memref<100352xf32, #tpu.memory_space<hbm>> -> memref<6272xf32, #tpu.memory_space<hbm>>
      tpu.wait_dma2 semaphore(%run_scoped3A : memref<!tpu.dma_semaphore, #tpu.memory_space<semaphore_mem>>) src(%dma_wait3A_425 : memref<6272xf32, #tpu.memory_space<hbm>>) dst(%dma_wait3A_424 : memref<6272xf32, #tpu.memory_space<vmem_shared>>)
      tpu.yield
    }) : () -> ()
    "tpu.region"() ({
      %run_scoped3A = tpu.sem_alloc : memref<!tpu.dma_semaphore, #tpu.memory_space<semaphore_mem>>
      %dma_start3A_422 = tpu.memref_slice %arg29[%mul3A_2] : memref<100352xf32, #tpu.memory_space<vmem_shared>> -> memref<6272xf32, #tpu.memory_space<vmem_shared>>
      %dma_start3A_423 = tpu.memref_slice %arg8[%mul3A_2] : memref<100352xf32, #tpu.memory_space<hbm>> -> memref<6272xf32, #tpu.memory_space<hbm>>
      tpu.enqueue_dma source(%dma_start3A_423 : memref<6272xf32, #tpu.memory_space<hbm>>) target(%dma_start3A_422 : memref<6272xf32, #tpu.memory_space<vmem_shared>>) target_semaphore(%run_scoped3A : memref<!tpu.dma_semaphore, #tpu.memory_space<semaphore_mem>>)
      %dma_wait3A_424 = tpu.memref_slice %arg29[%mul3A_2] : memref<100352xf32, #tpu.memory_space<vmem_shared>> -> memref<6272xf32, #tpu.memory_space<vmem_shared>>
      %dma_wait3A_425 = tpu.memref_slice %arg8[%mul3A_2] : memref<100352xf32, #tpu.memory_space<hbm>> -> memref<6272xf32, #tpu.memory_space<hbm>>
      tpu.wait_dma2 semaphore(%run_scoped3A : memref<!tpu.dma_semaphore, #tpu.memory_space<semaphore_mem>>) src(%dma_wait3A_425 : memref<6272xf32, #tpu.memory_space<hbm>>) dst(%dma_wait3A_424 : memref<6272xf32, #tpu.memory_space<vmem_shared>>)
      tpu.yield
    }) : () -> ()
    "tpu.region"() ({
      %run_scoped3A = tpu.sem_alloc : memref<!tpu.dma_semaphore, #tpu.memory_space<semaphore_mem>>
      tpu.enqueue_dma source(%arg7 : memref<1x128xf32, #tpu.memory_space<hbm>>) target(%arg27 : memref<1x128xf32, #tpu.memory_space<vmem>>) target_semaphore(%run_scoped3A : memref<!tpu.dma_semaphore, #tpu.memory_space<semaphore_mem>>)
      tpu.wait_dma2 semaphore(%run_scoped3A : memref<!tpu.dma_semaphore, #tpu.memory_space<semaphore_mem>>) src(%arg7 : memref<1x128xf32, #tpu.memory_space<hbm>>) dst(%arg27 : memref<1x128xf32, #tpu.memory_space<vmem>>)
      tpu.yield
    }) : () -> ()
    %barrier3A = arith.constant 0 : index
    tpu.barrier barrier_id(%barrier3A)
    %eq3A = arith.constant 0 : i32
    %eq3A_3 = arith.cmpi eq, %arg1, %eq3A : i32
    %convert_element_type3A = arith.extui %eq3A_3 : i1 to i32
    %cond3A = arith.constant 0 : i32
    %cond3A_4 = arith.cmpi ne, %convert_element_type3A, %cond3A : i32
    scf.if %cond3A_4 {
      %scan3A_422 = arith.constant 0 : i32
      %scan3A_423 = arith.constant 0 : i32
      %scan3A_424 = arith.constant 4 : i32
      %scan3A_425 = arith.addi %scan3A_423, %scan3A_424 : i32
      %scan3A_426 = arith.constant 1 : i32
      scf.for %scan3A_434 = %scan3A_423 to %scan3A_425 step %scan3A_426  : i32 {
        %mul3A_435 = arith.constant 8 : i32
        %mul3A_436 = arith.muli %scan3A_434, %mul3A_435 : i32
        "tpu.region"() ({
          %run_scoped3A = tpu.sem_alloc : memref<!tpu.dma_semaphore, #tpu.memory_space<semaphore_mem>>
          %dma_start3A_443 = arith.constant 0 : i32
          %dma_start3A_444 = tpu.memref_slice %arg6[%mul3A_436, %dma_start3A_443] : memref<32x128xi32, #tpu.memory_space<hbm>> -> memref<8x128xi32, #tpu.memory_space<hbm>>
          %dma_start3A_445 = arith.constant 0 : i32
          %dma_start3A_446 = tpu.memref_slice %arg6[%mul3A_436, %dma_start3A_445] : memref<32x128xi32, #tpu.memory_space<hbm>> -> memref<8x128xi32, #tpu.memory_space<hbm>>
          tpu.enqueue_dma source(%dma_start3A_446 : memref<8x128xi32, #tpu.memory_space<hbm>>) target(%arg25 : memref<8x128xi32, #tpu.memory_space<vmem>>) target_semaphore(%run_scoped3A : memref<!tpu.dma_semaphore, #tpu.memory_space<semaphore_mem>>)
          %dma_wait3A_447 = arith.constant 0 : i32
          %dma_wait3A_448 = tpu.memref_slice %arg6[%mul3A_436, %dma_wait3A_447] : memref<32x128xi32, #tpu.memory_space<hbm>> -> memref<8x128xi32, #tpu.memory_space<hbm>>
          %dma_wait3A_449 = arith.constant 0 : i32
          %dma_wait3A_450 = tpu.memref_slice %arg6[%mul3A_436, %dma_wait3A_449] : memref<32x128xi32, #tpu.memory_space<hbm>> -> memref<8x128xi32, #tpu.memory_space<hbm>>
          tpu.wait_dma2 semaphore(%run_scoped3A : memref<!tpu.dma_semaphore, #tpu.memory_space<semaphore_mem>>) src(%dma_wait3A_450 : memref<8x128xi32, #tpu.memory_space<hbm>>) dst(%arg25 : memref<8x128xi32, #tpu.memory_space<vmem>>)
          tpu.yield
        }) : () -> ()
        %scan3A_437 = arith.constant 0 : i32
        %scan3A_438 = arith.constant 0 : i32
        %scan3A_439 = arith.constant 8 : i32
        %scan3A_440 = arith.addi %scan3A_438, %scan3A_439 : i32
        %scan3A_441 = arith.constant 1 : i32
        scf.for %scan3A_443 = %scan3A_438 to %scan3A_440 step %scan3A_441  : i32 {
          %run_scoped3A = arith.constant 0 : i32
          "tpu.region"() ({
            %run_scoped3A_444 = tpu.sem_alloc : memref<!tpu.dma_semaphore, #tpu.memory_space<semaphore_mem>>
            %dma_start3A_445 = arith.constant 0 : i32
            %dma_start3A_446 = tpu.memref_slice %arg27[%run_scoped3A, %dma_start3A_445] : memref<1x128xf32, #tpu.memory_space<vmem>> -> memref<1x128xf32, #tpu.memory_space<vmem>>
            %dma_start3A_447 = tpu.memref_squeeze %dma_start3A_446 : memref<1x128xf32, #tpu.memory_space<vmem>> -> memref<128xf32, #tpu.memory_space<vmem>>
            %dma_start3A_448 = arith.constant 0 : i32
            %dma_start3A_449 = tpu.memref_slice %arg25[%scan3A_443, %dma_start3A_448] : memref<8x128xi32, #tpu.memory_space<vmem>> -> memref<1x128xi32, #tpu.memory_space<vmem>>
            %dma_start3A_450 = tpu.memref_squeeze %dma_start3A_449 : memref<1x128xi32, #tpu.memory_space<vmem>> -> memref<128xi32, #tpu.memory_space<vmem>>
            %dma_start3A_451 = arith.constant 0 : i32
            %dma_start3A_452 = tpu.memref_slice %arg28[%dma_start3A_451] : memref<100352xf32, #tpu.memory_space<vmem_shared>> -> memref<100352xf32, #tpu.memory_space<vmem_shared>>
            tpu.enqueue_indirect_dma source(%dma_start3A_447 : memref<128xf32, #tpu.memory_space<vmem>>) target(%dma_start3A_452 : memref<100352xf32, #tpu.memory_space<vmem_shared>>) offsets(%dma_start3A_450 : memref<128xi32, #tpu.memory_space<vmem>>) semaphore(%run_scoped3A_444 : memref<!tpu.dma_semaphore, #tpu.memory_space<semaphore_mem>>)
            %dma_wait3A_453 = arith.constant 0 : i32
            %dma_wait3A_454 = tpu.memref_slice %arg27[%run_scoped3A, %dma_wait3A_453] : memref<1x128xf32, #tpu.memory_space<vmem>> -> memref<1x128xf32, #tpu.memory_space<vmem>>
            %dma_wait3A_455 = tpu.memref_squeeze %dma_wait3A_454 : memref<1x128xf32, #tpu.memory_space<vmem>> -> memref<128xf32, #tpu.memory_space<vmem>>
            %dma_wait3A_456 = arith.constant 0 : i32
            %dma_wait3A_457 = tpu.memref_slice %arg25[%scan3A_443, %dma_wait3A_456] : memref<8x128xi32, #tpu.memory_space<vmem>> -> memref<1x128xi32, #tpu.memory_space<vmem>>
            %dma_wait3A_458 = tpu.memref_squeeze %dma_wait3A_457 : memref<1x128xi32, #tpu.memory_space<vmem>> -> memref<128xi32, #tpu.memory_space<vmem>>
            %dma_wait3A_459 = arith.constant 0 : i32
            %dma_wait3A_460 = tpu.memref_slice %arg28[%dma_wait3A_459] : memref<100352xf32, #tpu.memory_space<vmem_shared>> -> memref<100352xf32, #tpu.memory_space<vmem_shared>>
            tpu.wait_indirect_dma semaphore(%run_scoped3A_444 : memref<!tpu.dma_semaphore, #tpu.memory_space<semaphore_mem>>) src(%dma_wait3A_455 : memref<128xf32, #tpu.memory_space<vmem>>) dst(%dma_wait3A_460 : memref<100352xf32, #tpu.memory_space<vmem_shared>>)
            tpu.yield
          }) : () -> ()
        }
        %scan3A_442 = arith.constant 8 : i32
      }
      %scan3A_427 = arith.constant 4 : i32
      %scan3A_428 = arith.constant 0 : i32
      %scan3A_429 = arith.constant 0 : i32
      %scan3A_430 = arith.constant 4 : i32
      %scan3A_431 = arith.addi %scan3A_429, %scan3A_430 : i32
      %scan3A_432 = arith.constant 1 : i32
      scf.for %scan3A_434 = %scan3A_429 to %scan3A_431 step %scan3A_432  : i32 {
        %mul3A_435 = arith.constant 8 : i32
        %mul3A_436 = arith.muli %scan3A_434, %mul3A_435 : i32
        "tpu.region"() ({
          %run_scoped3A = tpu.sem_alloc : memref<!tpu.dma_semaphore, #tpu.memory_space<semaphore_mem>>
          %dma_start3A_443 = arith.constant 0 : i32
          %dma_start3A_444 = tpu.memref_slice %arg6[%mul3A_436, %dma_start3A_443] : memref<32x128xi32, #tpu.memory_space<hbm>> -> memref<8x128xi32, #tpu.memory_space<hbm>>
          %dma_start3A_445 = arith.constant 0 : i32
          %dma_start3A_446 = tpu.memref_slice %arg6[%mul3A_436, %dma_start3A_445] : memref<32x128xi32, #tpu.memory_space<hbm>> -> memref<8x128xi32, #tpu.memory_space<hbm>>
          tpu.enqueue_dma source(%dma_start3A_446 : memref<8x128xi32, #tpu.memory_space<hbm>>) target(%arg25 : memref<8x128xi32, #tpu.memory_space<vmem>>) target_semaphore(%run_scoped3A : memref<!tpu.dma_semaphore, #tpu.memory_space<semaphore_mem>>)
          %dma_wait3A_447 = arith.constant 0 : i32
          %dma_wait3A_448 = tpu.memref_slice %arg6[%mul3A_436, %dma_wait3A_447] : memref<32x128xi32, #tpu.memory_space<hbm>> -> memref<8x128xi32, #tpu.memory_space<hbm>>
          %dma_wait3A_449 = arith.constant 0 : i32
          %dma_wait3A_450 = tpu.memref_slice %arg6[%mul3A_436, %dma_wait3A_449] : memref<32x128xi32, #tpu.memory_space<hbm>> -> memref<8x128xi32, #tpu.memory_space<hbm>>
          tpu.wait_dma2 semaphore(%run_scoped3A : memref<!tpu.dma_semaphore, #tpu.memory_space<semaphore_mem>>) src(%dma_wait3A_450 : memref<8x128xi32, #tpu.memory_space<hbm>>) dst(%arg25 : memref<8x128xi32, #tpu.memory_space<vmem>>)
          tpu.yield
        }) : () -> ()
        %scan3A_437 = arith.constant 0 : i32
        %scan3A_438 = arith.constant 0 : i32
        %scan3A_439 = arith.constant 8 : i32
        %scan3A_440 = arith.addi %scan3A_438, %scan3A_439 : i32
        %scan3A_441 = arith.constant 1 : i32
        scf.for %scan3A_443 = %scan3A_438 to %scan3A_440 step %scan3A_441  : i32 {
          %run_scoped3A = arith.constant 0 : i32
          "tpu.region"() ({
            %run_scoped3A_445 = tpu.sem_alloc : memref<!tpu.dma_semaphore, #tpu.memory_space<semaphore_mem>>
            %dma_start3A_446 = arith.constant 0 : i32
            %dma_start3A_447 = tpu.memref_slice %arg26[%run_scoped3A, %dma_start3A_446] : memref<1x128xf32, #tpu.memory_space<vmem>> -> memref<1x128xf32, #tpu.memory_space<vmem>>
            %dma_start3A_448 = tpu.memref_squeeze %dma_start3A_447 : memref<1x128xf32, #tpu.memory_space<vmem>> -> memref<128xf32, #tpu.memory_space<vmem>>
            %dma_start3A_449 = arith.constant 0 : i32
            %dma_start3A_450 = tpu.memref_slice %arg25[%scan3A_443, %dma_start3A_449] : memref<8x128xi32, #tpu.memory_space<vmem>> -> memref<1x128xi32, #tpu.memory_space<vmem>>
            %dma_start3A_451 = tpu.memref_squeeze %dma_start3A_450 : memref<1x128xi32, #tpu.memory_space<vmem>> -> memref<128xi32, #tpu.memory_space<vmem>>
            %dma_start3A_452 = arith.constant 0 : i32
            %dma_start3A_453 = tpu.memref_slice %arg2[%dma_start3A_452] : memref<100000xf32, #tpu.memory_space<hbm>> -> memref<100000xf32, #tpu.memory_space<hbm>>
            tpu.enqueue_indirect_dma source(%dma_start3A_453 : memref<100000xf32, #tpu.memory_space<hbm>>) target(%dma_start3A_448 : memref<128xf32, #tpu.memory_space<vmem>>) offsets(%dma_start3A_451 : memref<128xi32, #tpu.memory_space<vmem>>) semaphore(%run_scoped3A_445 : memref<!tpu.dma_semaphore, #tpu.memory_space<semaphore_mem>>)
            %dma_wait3A_454 = arith.constant 0 : i32
            %dma_wait3A_455 = tpu.memref_slice %arg26[%run_scoped3A, %dma_wait3A_454] : memref<1x128xf32, #tpu.memory_space<vmem>> -> memref<1x128xf32, #tpu.memory_space<vmem>>
            %dma_wait3A_456 = tpu.memref_squeeze %dma_wait3A_455 : memref<1x128xf32, #tpu.memory_space<vmem>> -> memref<128xf32, #tpu.memory_space<vmem>>
            %dma_wait3A_457 = arith.constant 0 : i32
            %dma_wait3A_458 = tpu.memref_slice %arg25[%scan3A_443, %dma_wait3A_457] : memref<8x128xi32, #tpu.memory_space<vmem>> -> memref<1x128xi32, #tpu.memory_space<vmem>>
            %dma_wait3A_459 = tpu.memref_squeeze %dma_wait3A_458 : memref<1x128xi32, #tpu.memory_space<vmem>> -> memref<128xi32, #tpu.memory_space<vmem>>
            %dma_wait3A_460 = arith.constant 0 : i32
            %dma_wait3A_461 = tpu.memref_slice %arg2[%dma_wait3A_460] : memref<100000xf32, #tpu.memory_space<hbm>> -> memref<100000xf32, #tpu.memory_space<hbm>>
            tpu.wait_indirect_dma semaphore(%run_scoped3A_445 : memref<!tpu.dma_semaphore, #tpu.memory_space<semaphore_mem>>) src(%dma_wait3A_461 : memref<100000xf32, #tpu.memory_space<hbm>>) dst(%dma_wait3A_456 : memref<128xf32, #tpu.memory_space<vmem>>)
            tpu.yield
          }) : () -> ()
          %run_scoped3A_444 = arith.constant 0 : i32
          "tpu.region"() ({
            %run_scoped3A_445 = tpu.sem_alloc : memref<!tpu.dma_semaphore, #tpu.memory_space<semaphore_mem>>
            %dma_start3A_446 = arith.constant 0 : i32
            %dma_start3A_447 = tpu.memref_slice %arg26[%run_scoped3A_444, %dma_start3A_446] : memref<1x128xf32, #tpu.memory_space<vmem>> -> memref<1x128xf32, #tpu.memory_space<vmem>>
            %dma_start3A_448 = tpu.memref_squeeze %dma_start3A_447 : memref<1x128xf32, #tpu.memory_space<vmem>> -> memref<128xf32, #tpu.memory_space<vmem>>
            %dma_start3A_449 = arith.constant 0 : i32
            %dma_start3A_450 = tpu.memref_slice %arg25[%scan3A_443, %dma_start3A_449] : memref<8x128xi32, #tpu.memory_space<vmem>> -> memref<1x128xi32, #tpu.memory_space<vmem>>
            %dma_start3A_451 = tpu.memref_squeeze %dma_start3A_450 : memref<1x128xi32, #tpu.memory_space<vmem>> -> memref<128xi32, #tpu.memory_space<vmem>>
            %dma_start3A_452 = arith.constant 0 : i32
            %dma_start3A_453 = tpu.memref_slice %arg28[%dma_start3A_452] : memref<100352xf32, #tpu.memory_space<vmem_shared>> -> memref<100352xf32, #tpu.memory_space<vmem_shared>>
            tpu.enqueue_indirect_dma source(%dma_start3A_448 : memref<128xf32, #tpu.memory_space<vmem>>) target(%dma_start3A_453 : memref<100352xf32, #tpu.memory_space<vmem_shared>>) offsets(%dma_start3A_451 : memref<128xi32, #tpu.memory_space<vmem>>) semaphore(%run_scoped3A_445 : memref<!tpu.dma_semaphore, #tpu.memory_space<semaphore_mem>>) {add = true}
            %dma_wait3A_454 = arith.constant 0 : i32
            %dma_wait3A_455 = tpu.memref_slice %arg26[%run_scoped3A_444, %dma_wait3A_454] : memref<1x128xf32, #tpu.memory_space<vmem>> -> memref<1x128xf32, #tpu.memory_space<vmem>>
            %dma_wait3A_456 = tpu.memref_squeeze %dma_wait3A_455 : memref<1x128xf32, #tpu.memory_space<vmem>> -> memref<128xf32, #tpu.memory_space<vmem>>
            %dma_wait3A_457 = arith.constant 0 : i32
            %dma_wait3A_458 = tpu.memref_slice %arg25[%scan3A_443, %dma_wait3A_457] : memref<8x128xi32, #tpu.memory_space<vmem>> -> memref<1x128xi32, #tpu.memory_space<vmem>>
            %dma_wait3A_459 = tpu.memref_squeeze %dma_wait3A_458 : memref<1x128xi32, #tpu.memory_space<vmem>> -> memref<128xi32, #tpu.memory_space<vmem>>
            %dma_wait3A_460 = arith.constant 0 : i32
            %dma_wait3A_461 = tpu.memref_slice %arg28[%dma_wait3A_460] : memref<100352xf32, #tpu.memory_space<vmem_shared>> -> memref<100352xf32, #tpu.memory_space<vmem_shared>>
            tpu.wait_indirect_dma semaphore(%run_scoped3A_445 : memref<!tpu.dma_semaphore, #tpu.memory_space<semaphore_mem>>) src(%dma_wait3A_456 : memref<128xf32, #tpu.memory_space<vmem>>) dst(%dma_wait3A_461 : memref<100352xf32, #tpu.memory_space<vmem_shared>>)
            tpu.yield
          }) : () -> ()
        }
        %scan3A_442 = arith.constant 8 : i32
      }
      %scan3A_433 = arith.constant 4 : i32
      "tpu.region"() ({
        %run_scoped3A = tpu.sem_alloc : memref<!tpu.dma_semaphore, #tpu.memory_space<semaphore_mem>>
        %dma_start3A_434 = arith.constant 0 : i32
        %dma_start3A_435 = tpu.memref_slice %arg11[%arg0, %dma_start3A_434] : memref<2x100352xf32, #tpu.memory_space<hbm>> -> memref<1x100352xf32, #tpu.memory_space<hbm>>
        %dma_start3A_436 = tpu.memref_squeeze %dma_start3A_435 : memref<1x100352xf32, #tpu.memory_space<hbm>> -> memref<100352xf32, #tpu.memory_space<hbm>>
        tpu.enqueue_dma source(%arg28 : memref<100352xf32, #tpu.memory_space<vmem_shared>>) target(%dma_start3A_436 : memref<100352xf32, #tpu.memory_space<hbm>>) target_semaphore(%run_scoped3A : memref<!tpu.dma_semaphore, #tpu.memory_space<semaphore_mem>>)
        %dma_wait3A_437 = arith.constant 0 : i32
        %dma_wait3A_438 = tpu.memref_slice %arg11[%arg0, %dma_wait3A_437] : memref<2x100352xf32, #tpu.memory_space<hbm>> -> memref<1x100352xf32, #tpu.memory_space<hbm>>
        %dma_wait3A_439 = tpu.memref_squeeze %dma_wait3A_438 : memref<1x100352xf32, #tpu.memory_space<hbm>> -> memref<100352xf32, #tpu.memory_space<hbm>>
        tpu.wait_dma2 semaphore(%run_scoped3A : memref<!tpu.dma_semaphore, #tpu.memory_space<semaphore_mem>>) src(%arg28 : memref<100352xf32, #tpu.memory_space<vmem_shared>>) dst(%dma_wait3A_439 : memref<100352xf32, #tpu.memory_space<hbm>>)
        tpu.yield
      }) : () -> ()
    } else {
    }
    %barrier3A_5 = arith.constant 0 : index
    tpu.barrier barrier_id(%barrier3A_5)
    "tpu.region"() ({
      %run_scoped3A = tpu.sem_alloc : memref<!tpu.dma_semaphore, #tpu.memory_space<semaphore_mem>>
      %dma_start3A_422 = tpu.memref_slice %arg28[%mul3A_2] : memref<100352xf32, #tpu.memory_space<vmem_shared>> -> memref<6272xf32, #tpu.memory_space<vmem_shared>>
      %dma_start3A_423 = tpu.memref_slice %arg8[%mul3A_2] : memref<100352xf32, #tpu.memory_space<hbm>> -> memref<6272xf32, #tpu.memory_space<hbm>>
      tpu.enqueue_dma source(%dma_start3A_423 : memref<6272xf32, #tpu.memory_space<hbm>>) target(%dma_start3A_422 : memref<6272xf32, #tpu.memory_space<vmem_shared>>) target_semaphore(%run_scoped3A : memref<!tpu.dma_semaphore, #tpu.memory_space<semaphore_mem>>)
      %dma_wait3A_424 = tpu.memref_slice %arg28[%mul3A_2] : memref<100352xf32, #tpu.memory_space<vmem_shared>> -> memref<6272xf32, #tpu.memory_space<vmem_shared>>
      %dma_wait3A_425 = tpu.memref_slice %arg8[%mul3A_2] : memref<100352xf32, #tpu.memory_space<hbm>> -> memref<6272xf32, #tpu.memory_space<hbm>>
      tpu.wait_dma2 semaphore(%run_scoped3A : memref<!tpu.dma_semaphore, #tpu.memory_space<semaphore_mem>>) src(%dma_wait3A_425 : memref<6272xf32, #tpu.memory_space<hbm>>) dst(%dma_wait3A_424 : memref<6272xf32, #tpu.memory_space<vmem_shared>>)
      tpu.yield
    }) : () -> ()
    "tpu.region"() ({
      %run_scoped3A = tpu.sem_alloc : memref<!tpu.dma_semaphore, #tpu.memory_space<semaphore_mem>>
      %dma_start3A_422 = arith.constant 0 : i32
      %dma_start3A_423 = tpu.memref_slice %arg11[%arg0, %dma_start3A_422] : memref<2x100352xf32, #tpu.memory_space<hbm>> -> memref<1x100352xf32, #tpu.memory_space<hbm>>
      %dma_start3A_424 = tpu.memref_squeeze %dma_start3A_423 : memref<1x100352xf32, #tpu.memory_space<hbm>> -> memref<100352xf32, #tpu.memory_space<hbm>>
      %dma_start3A_425 = arith.constant 0 : i32
      %dma_start3A_426 = tpu.memref_slice %arg11[%arg0, %dma_start3A_425] : memref<2x100352xf32, #tpu.memory_space<hbm>> -> memref<1x100352xf32, #tpu.memory_space<hbm>>
      %dma_start3A_427 = tpu.memref_squeeze %dma_start3A_426 : memref<1x100352xf32, #tpu.memory_space<hbm>> -> memref<100352xf32, #tpu.memory_space<hbm>>
      tpu.enqueue_dma source(%dma_start3A_427 : memref<100352xf32, #tpu.memory_space<hbm>>) target(%arg12 : memref<100352xf32, #tpu.memory_space<vmem>>) target_semaphore(%run_scoped3A : memref<!tpu.dma_semaphore, #tpu.memory_space<semaphore_mem>>)
      %dma_wait3A_428 = arith.constant 0 : i32
      %dma_wait3A_429 = tpu.memref_slice %arg11[%arg0, %dma_wait3A_428] : memref<2x100352xf32, #tpu.memory_space<hbm>> -> memref<1x100352xf32, #tpu.memory_space<hbm>>
      %dma_wait3A_430 = tpu.memref_squeeze %dma_wait3A_429 : memref<1x100352xf32, #tpu.memory_space<hbm>> -> memref<100352xf32, #tpu.memory_space<hbm>>
      %dma_wait3A_431 = arith.constant 0 : i32
      %dma_wait3A_432 = tpu.memref_slice %arg11[%arg0, %dma_wait3A_431] : memref<2x100352xf32, #tpu.memory_space<hbm>> -> memref<1x100352xf32, #tpu.memory_space<hbm>>
      %dma_wait3A_433 = tpu.memref_squeeze %dma_wait3A_432 : memref<1x100352xf32, #tpu.memory_space<hbm>> -> memref<100352xf32, #tpu.memory_space<hbm>>
      tpu.wait_dma2 semaphore(%run_scoped3A : memref<!tpu.dma_semaphore, #tpu.memory_space<semaphore_mem>>) src(%dma_wait3A_433 : memref<100352xf32, #tpu.memory_space<hbm>>) dst(%arg12 : memref<100352xf32, #tpu.memory_space<vmem>>)
      tpu.yield
    }) : () -> ()
    %barrier3A_6 = arith.constant 0 : index
    tpu.barrier barrier_id(%barrier3A_6)
    %mul3A_7 = arith.constant 1608 : i32
    %mul3A_8 = arith.muli %add3A, %mul3A_7 : i32
    %mul3A_9 = arith.constant 128 : i32
    %mul3A_10 = arith.muli %mul3A_8, %mul3A_9 : i32
    %mul3A_11 = arith.constant 1608 : i32
    %mul3A_12 = arith.muli %add3A, %mul3A_11 : i32
    %add3A_13 = arith.constant 0 : i32
    %add3A_14 = arith.addi %mul3A_10, %add3A_13 : i32
    %add3A_15 = arith.constant 0 : i32
    %add3A_16 = arith.addi %mul3A_12, %add3A_15 : i32
    %dma_start3A = arith.constant 0 : i32
    %dma_start3A_17 = tpu.memref_slice %arg4[%add3A_14] : memref<6586368xi32, #tpu.memory_space<hbm>> -> memref<1024xi32, #tpu.memory_space<hbm>>
    %dma_start3A_18 = tpu.memref_slice %arg30[%dma_start3A] : memref<3x!tpu.dma_semaphore, #tpu.memory_space<semaphore_mem>> -> memref<1x!tpu.dma_semaphore, #tpu.memory_space<semaphore_mem>>
    %dma_start3A_19 = tpu.memref_squeeze %dma_start3A_18 : memref<1x!tpu.dma_semaphore, #tpu.memory_space<semaphore_mem>> -> memref<!tpu.dma_semaphore, #tpu.memory_space<semaphore_mem>>
    %dma_start3A_20 = tpu.memref_slice %arg4[%add3A_14] : memref<6586368xi32, #tpu.memory_space<hbm>> -> memref<1024xi32, #tpu.memory_space<hbm>>
    tpu.enqueue_dma source(%dma_start3A_20 : memref<1024xi32, #tpu.memory_space<hbm>>) target(%arg13 : memref<1024xi32, #tpu.memory_space<vmem>>) target_semaphore(%dma_start3A_19 : memref<!tpu.dma_semaphore, #tpu.memory_space<semaphore_mem>>)
    %dma_start3A_21 = arith.constant 0 : i32
    %dma_start3A_22 = tpu.memref_slice %arg3[%add3A_14] : memref<6586368xf32, #tpu.memory_space<hbm>> -> memref<1024xf32, #tpu.memory_space<hbm>>
    %dma_start3A_23 = tpu.memref_slice %arg30[%dma_start3A_21] : memref<3x!tpu.dma_semaphore, #tpu.memory_space<semaphore_mem>> -> memref<1x!tpu.dma_semaphore, #tpu.memory_space<semaphore_mem>>
    %dma_start3A_24 = tpu.memref_squeeze %dma_start3A_23 : memref<1x!tpu.dma_semaphore, #tpu.memory_space<semaphore_mem>> -> memref<!tpu.dma_semaphore, #tpu.memory_space<semaphore_mem>>
    %dma_start3A_25 = tpu.memref_slice %arg3[%add3A_14] : memref<6586368xf32, #tpu.memory_space<hbm>> -> memref<1024xf32, #tpu.memory_space<hbm>>
    tpu.enqueue_dma source(%dma_start3A_25 : memref<1024xf32, #tpu.memory_space<hbm>>) target(%arg16 : memref<1024xf32, #tpu.memory_space<vmem>>) target_semaphore(%dma_start3A_24 : memref<!tpu.dma_semaphore, #tpu.memory_space<semaphore_mem>>)
    %dma_start3A_26 = arith.constant 0 : i32
    %dma_start3A_27 = arith.constant 0 : i32
    %dma_start3A_28 = tpu.memref_slice %arg5[%add3A_16, %dma_start3A_27] : memref<51456x128xi32, #tpu.memory_space<hbm>> -> memref<8x128xi32, #tpu.memory_space<hbm>>
    %dma_start3A_29 = tpu.memref_slice %arg30[%dma_start3A_26] : memref<3x!tpu.dma_semaphore, #tpu.memory_space<semaphore_mem>> -> memref<1x!tpu.dma_semaphore, #tpu.memory_space<semaphore_mem>>
    %dma_start3A_30 = tpu.memref_squeeze %dma_start3A_29 : memref<1x!tpu.dma_semaphore, #tpu.memory_space<semaphore_mem>> -> memref<!tpu.dma_semaphore, #tpu.memory_space<semaphore_mem>>
    %dma_start3A_31 = arith.constant 0 : i32
    %dma_start3A_32 = tpu.memref_slice %arg5[%add3A_16, %dma_start3A_31] : memref<51456x128xi32, #tpu.memory_space<hbm>> -> memref<8x128xi32, #tpu.memory_space<hbm>>
    tpu.enqueue_dma source(%dma_start3A_32 : memref<8x128xi32, #tpu.memory_space<hbm>>) target(%arg19 : memref<8x128xi32, #tpu.memory_space<vmem>>) target_semaphore(%dma_start3A_30 : memref<!tpu.dma_semaphore, #tpu.memory_space<semaphore_mem>>)
    %scan3A = arith.constant 0 : i32
    %scan3A_33 = arith.constant 0 : i32
    %scan3A_34 = arith.constant 67 : i32
    %scan3A_35 = arith.addi %scan3A_33, %scan3A_34 : i32
    %scan3A_36 = arith.constant 1 : i32
    scf.for %scan3A_422 = %scan3A_33 to %scan3A_35 step %scan3A_36  : i32 {
      %mul3A_423 = arith.constant 3 : i32
      %mul3A_424 = arith.muli %scan3A_422, %mul3A_423 : i32
      %add3A_425 = arith.constant 0 : i32
      %add3A_426 = arith.addi %mul3A_424, %add3A_425 : i32
      %ge3A = arith.constant 2 : i32
      %ge3A_427 = arith.cmpi sge, %add3A_426, %ge3A : i32
      %convert_element_type3A_428 = arith.extui %ge3A_427 : i1 to i32
      %cond3A_429 = arith.constant 0 : i32
      %cond3A_430 = arith.cmpi ne, %convert_element_type3A_428, %cond3A_429 : i32
      scf.if %cond3A_430 {
        %dma_wait3A_1118 = arith.constant 0 : i32
        %dma_wait3A_1119 = arith.constant 1 : i32
        %dma_wait3A_1120 = arith.constant 0 : i32
        %dma_wait3A_1121 = tpu.memref_slice %arg23[%dma_wait3A_1120] : memref<1024xf32, #tpu.memory_space<vmem>> -> memref<128xf32, #tpu.memory_space<vmem>>
        %dma_wait3A_1122 = arith.constant 0 : i32
        %dma_wait3A_1123 = tpu.memref_slice %arg20[%dma_wait3A_1118, %dma_wait3A_1122] : memref<8x128xi32, #tpu.memory_space<vmem>> -> memref<1x128xi32, #tpu.memory_space<vmem>>
        %dma_wait3A_1124 = tpu.memref_squeeze %dma_wait3A_1123 : memref<1x128xi32, #tpu.memory_space<vmem>> -> memref<128xi32, #tpu.memory_space<vmem>>
        %dma_wait3A_1125 = arith.constant 0 : i32
        %dma_wait3A_1126 = tpu.memref_slice %arg28[%dma_wait3A_1125] : memref<100352xf32, #tpu.memory_space<vmem_shared>> -> memref<100352xf32, #tpu.memory_space<vmem_shared>>
        %dma_wait3A_1127 = tpu.memref_slice %arg31[%dma_wait3A_1119] : memref<3x!tpu.dma_semaphore, #tpu.memory_space<semaphore_mem>> -> memref<1x!tpu.dma_semaphore, #tpu.memory_space<semaphore_mem>>
        %dma_wait3A_1128 = tpu.memref_squeeze %dma_wait3A_1127 : memref<1x!tpu.dma_semaphore, #tpu.memory_space<semaphore_mem>> -> memref<!tpu.dma_semaphore, #tpu.memory_space<semaphore_mem>>
        tpu.wait_indirect_dma semaphore(%dma_wait3A_1128 : memref<!tpu.dma_semaphore, #tpu.memory_space<semaphore_mem>>) src(%dma_wait3A_1121 : memref<128xf32, #tpu.memory_space<vmem>>) dst(%dma_wait3A_1126 : memref<100352xf32, #tpu.memory_space<vmem_shared>>)
        %dma_wait3A_1129 = arith.constant 0 : i32
        %dma_wait3A_1130 = arith.constant 0 : i32
        %dma_wait3A_1131 = arith.constant 1 : i32
        %dma_wait3A_1132 = arith.constant 0 : i32
        %dma_wait3A_1133 = tpu.memref_slice %arg27[%dma_wait3A_1129, %dma_wait3A_1132] : memref<1x128xf32, #tpu.memory_space<vmem>> -> memref<1x128xf32, #tpu.memory_space<vmem>>
        %dma_wait3A_1134 = tpu.memref_squeeze %dma_wait3A_1133 : memref<1x128xf32, #tpu.memory_space<vmem>> -> memref<128xf32, #tpu.memory_space<vmem>>
        %dma_wait3A_1135 = arith.constant 0 : i32
        %dma_wait3A_1136 = tpu.memref_slice %arg20[%dma_wait3A_1130, %dma_wait3A_1135] : memref<8x128xi32, #tpu.memory_space<vmem>> -> memref<1x128xi32, #tpu.memory_space<vmem>>
        %dma_wait3A_1137 = tpu.memref_squeeze %dma_wait3A_1136 : memref<1x128xi32, #tpu.memory_space<vmem>> -> memref<128xi32, #tpu.memory_space<vmem>>
        %dma_wait3A_1138 = arith.constant 0 : i32
        %dma_wait3A_1139 = tpu.memref_slice %arg29[%dma_wait3A_1138] : memref<100352xf32, #tpu.memory_space<vmem_shared>> -> memref<100352xf32, #tpu.memory_space<vmem_shared>>
        %dma_wait3A_1140 = tpu.memref_slice %arg31[%dma_wait3A_1131] : memref<3x!tpu.dma_semaphore, #tpu.memory_space<semaphore_mem>> -> memref<1x!tpu.dma_semaphore, #tpu.memory_space<semaphore_mem>>
        %dma_wait3A_1141 = tpu.memref_squeeze %dma_wait3A_1140 : memref<1x!tpu.dma_semaphore, #tpu.memory_space<semaphore_mem>> -> memref<!tpu.dma_semaphore, #tpu.memory_space<semaphore_mem>>
        tpu.wait_indirect_dma semaphore(%dma_wait3A_1141 : memref<!tpu.dma_semaphore, #tpu.memory_space<semaphore_mem>>) src(%dma_wait3A_1134 : memref<128xf32, #tpu.memory_space<vmem>>) dst(%dma_wait3A_1139 : memref<100352xf32, #tpu.memory_space<vmem_shared>>)
        %dma_wait3A_1142 = arith.constant 1 : i32
        %dma_wait3A_1143 = arith.constant 1 : i32
        %dma_wait3A_1144 = arith.constant 128 : i32
        %dma_wait3A_1145 = tpu.memref_slice %arg23[%dma_wait3A_1144] : memref<1024xf32, #tpu.memory_space<vmem>> -> memref<128xf32, #tpu.memory_space<vmem>>
        %dma_wait3A_1146 = arith.constant 0 : i32
        %dma_wait3A_1147 = tpu.memref_slice %arg20[%dma_wait3A_1142, %dma_wait3A_1146] : memref<8x128xi32, #tpu.memory_space<vmem>> -> memref<1x128xi32, #tpu.memory_space<vmem>>
        %dma_wait3A_1148 = tpu.memref_squeeze %dma_wait3A_1147 : memref<1x128xi32, #tpu.memory_space<vmem>> -> memref<128xi32, #tpu.memory_space<vmem>>
        %dma_wait3A_1149 = arith.constant 0 : i32
        %dma_wait3A_1150 = tpu.memref_slice %arg28[%dma_wait3A_1149] : memref<100352xf32, #tpu.memory_space<vmem_shared>> -> memref<100352xf32, #tpu.memory_space<vmem_shared>>
        %dma_wait3A_1151 = tpu.memref_slice %arg31[%dma_wait3A_1143] : memref<3x!tpu.dma_semaphore, #tpu.memory_space<semaphore_mem>> -> memref<1x!tpu.dma_semaphore, #tpu.memory_space<semaphore_mem>>
        %dma_wait3A_1152 = tpu.memref_squeeze %dma_wait3A_1151 : memref<1x!tpu.dma_semaphore, #tpu.memory_space<semaphore_mem>> -> memref<!tpu.dma_semaphore, #tpu.memory_space<semaphore_mem>>
        tpu.wait_indirect_dma semaphore(%dma_wait3A_1152 : memref<!tpu.dma_semaphore, #tpu.memory_space<semaphore_mem>>) src(%dma_wait3A_1145 : memref<128xf32, #tpu.memory_space<vmem>>) dst(%dma_wait3A_1150 : memref<100352xf32, #tpu.memory_space<vmem_shared>>)
        %dma_wait3A_1153 = arith.constant 0 : i32
        %dma_wait3A_1154 = arith.constant 1 : i32
        %dma_wait3A_1155 = arith.constant 1 : i32
        %dma_wait3A_1156 = arith.constant 0 : i32
        %dma_wait3A_1157 = tpu.memref_slice %arg27[%dma_wait3A_1153, %dma_wait3A_1156] : memref<1x128xf32, #tpu.memory_space<vmem>> -> memref<1x128xf32, #tpu.memory_space<vmem>>
        %dma_wait3A_1158 = tpu.memref_squeeze %dma_wait3A_1157 : memref<1x128xf32, #tpu.memory_space<vmem>> -> memref<128xf32, #tpu.memory_space<vmem>>
        %dma_wait3A_1159 = arith.constant 0 : i32
        %dma_wait3A_1160 = tpu.memref_slice %arg20[%dma_wait3A_1154, %dma_wait3A_1159] : memref<8x128xi32, #tpu.memory_space<vmem>> -> memref<1x128xi32, #tpu.memory_space<vmem>>
        %dma_wait3A_1161 = tpu.memref_squeeze %dma_wait3A_1160 : memref<1x128xi32, #tpu.memory_space<vmem>> -> memref<128xi32, #tpu.memory_space<vmem>>
        %dma_wait3A_1162 = arith.constant 0 : i32
        %dma_wait3A_1163 = tpu.memref_slice %arg29[%dma_wait3A_1162] : memref<100352xf32, #tpu.memory_space<vmem_shared>> -> memref<100352xf32, #tpu.memory_space<vmem_shared>>
        %dma_wait3A_1164 = tpu.memref_slice %arg31[%dma_wait3A_1155] : memref<3x!tpu.dma_semaphore, #tpu.memory_space<semaphore_mem>> -> memref<1x!tpu.dma_semaphore, #tpu.memory_space<semaphore_mem>>
        %dma_wait3A_1165 = tpu.memref_squeeze %dma_wait3A_1164 : memref<1x!tpu.dma_semaphore, #tpu.memory_space<semaphore_mem>> -> memref<!tpu.dma_semaphore, #tpu.memory_space<semaphore_mem>>
        tpu.wait_indirect_dma semaphore(%dma_wait3A_1165 : memref<!tpu.dma_semaphore, #tpu.memory_space<semaphore_mem>>) src(%dma_wait3A_1158 : memref<128xf32, #tpu.memory_space<vmem>>) dst(%dma_wait3A_1163 : memref<100352xf32, #tpu.memory_space<vmem_shared>>)
        %dma_wait3A_1166 = arith.constant 2 : i32
        %dma_wait3A_1167 = arith.constant 1 : i32
        %dma_wait3A_1168 = arith.constant 256 : i32
        %dma_wait3A_1169 = tpu.memref_slice %arg23[%dma_wait3A_1168] : memref<1024xf32, #tpu.memory_space<vmem>> -> memref<128xf32, #tpu.memory_space<vmem>>
        %dma_wait3A_1170 = arith.constant 0 : i32
        %dma_wait3A_1171 = tpu.memref_slice %arg20[%dma_wait3A_1166, %dma_wait3A_1170] : memref<8x128xi32, #tpu.memory_space<vmem>> -> memref<1x128xi32, #tpu.memory_space<vmem>>
        %dma_wait3A_1172 = tpu.memref_squeeze %dma_wait3A_1171 : memref<1x128xi32, #tpu.memory_space<vmem>> -> memref<128xi32, #tpu.memory_space<vmem>>
        %dma_wait3A_1173 = arith.constant 0 : i32
        %dma_wait3A_1174 = tpu.memref_slice %arg28[%dma_wait3A_1173] : memref<100352xf32, #tpu.memory_space<vmem_shared>> -> memref<100352xf32, #tpu.memory_space<vmem_shared>>
        %dma_wait3A_1175 = tpu.memref_slice %arg31[%dma_wait3A_1167] : memref<3x!tpu.dma_semaphore, #tpu.memory_space<semaphore_mem>> -> memref<1x!tpu.dma_semaphore, #tpu.memory_space<semaphore_mem>>
        %dma_wait3A_1176 = tpu.memref_squeeze %dma_wait3A_1175 : memref<1x!tpu.dma_semaphore, #tpu.memory_space<semaphore_mem>> -> memref<!tpu.dma_semaphore, #tpu.memory_space<semaphore_mem>>
        tpu.wait_indirect_dma semaphore(%dma_wait3A_1176 : memref<!tpu.dma_semaphore, #tpu.memory_space<semaphore_mem>>) src(%dma_wait3A_1169 : memref<128xf32, #tpu.memory_space<vmem>>) dst(%dma_wait3A_1174 : memref<100352xf32, #tpu.memory_space<vmem_shared>>)
        %dma_wait3A_1177 = arith.constant 0 : i32
        %dma_wait3A_1178 = arith.constant 2 : i32
        %dma_wait3A_1179 = arith.constant 1 : i32
        %dma_wait3A_1180 = arith.constant 0 : i32
        %dma_wait3A_1181 = tpu.memref_slice %arg27[%dma_wait3A_1177, %dma_wait3A_1180] : memref<1x128xf32, #tpu.memory_space<vmem>> -> memref<1x128xf32, #tpu.memory_space<vmem>>
        %dma_wait3A_1182 = tpu.memref_squeeze %dma_wait3A_1181 : memref<1x128xf32, #tpu.memory_space<vmem>> -> memref<128xf32, #tpu.memory_space<vmem>>
        %dma_wait3A_1183 = arith.constant 0 : i32
        %dma_wait3A_1184 = tpu.memref_slice %arg20[%dma_wait3A_1178, %dma_wait3A_1183] : memref<8x128xi32, #tpu.memory_space<vmem>> -> memref<1x128xi32, #tpu.memory_space<vmem>>
        %dma_wait3A_1185 = tpu.memref_squeeze %dma_wait3A_1184 : memref<1x128xi32, #tpu.memory_space<vmem>> -> memref<128xi32, #tpu.memory_space<vmem>>
        %dma_wait3A_1186 = arith.constant 0 : i32
        %dma_wait3A_1187 = tpu.memref_slice %arg29[%dma_wait3A_1186] : memref<100352xf32, #tpu.memory_space<vmem_shared>> -> memref<100352xf32, #tpu.memory_space<vmem_shared>>
        %dma_wait3A_1188 = tpu.memref_slice %arg31[%dma_wait3A_1179] : memref<3x!tpu.dma_semaphore, #tpu.memory_space<semaphore_mem>> -> memref<1x!tpu.dma_semaphore, #tpu.memory_space<semaphore_mem>>
        %dma_wait3A_1189 = tpu.memref_squeeze %dma_wait3A_1188 : memref<1x!tpu.dma_semaphore, #tpu.memory_space<semaphore_mem>> -> memref<!tpu.dma_semaphore, #tpu.memory_space<semaphore_mem>>
        tpu.wait_indirect_dma semaphore(%dma_wait3A_1189 : memref<!tpu.dma_semaphore, #tpu.memory_space<semaphore_mem>>) src(%dma_wait3A_1182 : memref<128xf32, #tpu.memory_space<vmem>>) dst(%dma_wait3A_1187 : memref<100352xf32, #tpu.memory_space<vmem_shared>>)
        %dma_wait3A_1190 = arith.constant 3 : i32
        %dma_wait3A_1191 = arith.constant 1 : i32
        %dma_wait3A_1192 = arith.constant 384 : i32
        %dma_wait3A_1193 = tpu.memref_slice %arg23[%dma_wait3A_1192] : memref<1024xf32, #tpu.memory_space<vmem>> -> memref<128xf32, #tpu.memory_space<vmem>>
        %dma_wait3A_1194 = arith.constant 0 : i32
        %dma_wait3A_1195 = tpu.memref_slice %arg20[%dma_wait3A_1190, %dma_wait3A_1194] : memref<8x128xi32, #tpu.memory_space<vmem>> -> memref<1x128xi32, #tpu.memory_space<vmem>>
        %dma_wait3A_1196 = tpu.memref_squeeze %dma_wait3A_1195 : memref<1x128xi32, #tpu.memory_space<vmem>> -> memref<128xi32, #tpu.memory_space<vmem>>
        %dma_wait3A_1197 = arith.constant 0 : i32
        %dma_wait3A_1198 = tpu.memref_slice %arg28[%dma_wait3A_1197] : memref<100352xf32, #tpu.memory_space<vmem_shared>> -> memref<100352xf32, #tpu.memory_space<vmem_shared>>
        %dma_wait3A_1199 = tpu.memref_slice %arg31[%dma_wait3A_1191] : memref<3x!tpu.dma_semaphore, #tpu.memory_space<semaphore_mem>> -> memref<1x!tpu.dma_semaphore, #tpu.memory_space<semaphore_mem>>
        %dma_wait3A_1200 = tpu.memref_squeeze %dma_wait3A_1199 : memref<1x!tpu.dma_semaphore, #tpu.memory_space<semaphore_mem>> -> memref<!tpu.dma_semaphore, #tpu.memory_space<semaphore_mem>>
        tpu.wait_indirect_dma semaphore(%dma_wait3A_1200 : memref<!tpu.dma_semaphore, #tpu.memory_space<semaphore_mem>>) src(%dma_wait3A_1193 : memref<128xf32, #tpu.memory_space<vmem>>) dst(%dma_wait3A_1198 : memref<100352xf32, #tpu.memory_space<vmem_shared>>)
        %dma_wait3A_1201 = arith.constant 0 : i32
        %dma_wait3A_1202 = arith.constant 3 : i32
        %dma_wait3A_1203 = arith.constant 1 : i32
        %dma_wait3A_1204 = arith.constant 0 : i32
        %dma_wait3A_1205 = tpu.memref_slice %arg27[%dma_wait3A_1201, %dma_wait3A_1204] : memref<1x128xf32, #tpu.memory_space<vmem>> -> memref<1x128xf32, #tpu.memory_space<vmem>>
        %dma_wait3A_1206 = tpu.memref_squeeze %dma_wait3A_1205 : memref<1x128xf32, #tpu.memory_space<vmem>> -> memref<128xf32, #tpu.memory_space<vmem>>
        %dma_wait3A_1207 = arith.constant 0 : i32
        %dma_wait3A_1208 = tpu.memref_slice %arg20[%dma_wait3A_1202, %dma_wait3A_1207] : memref<8x128xi32, #tpu.memory_space<vmem>> -> memref<1x128xi32, #tpu.memory_space<vmem>>
        %dma_wait3A_1209 = tpu.memref_squeeze %dma_wait3A_1208 : memref<1x128xi32, #tpu.memory_space<vmem>> -> memref<128xi32, #tpu.memory_space<vmem>>
        %dma_wait3A_1210 = arith.constant 0 : i32
        %dma_wait3A_1211 = tpu.memref_slice %arg29[%dma_wait3A_1210] : memref<100352xf32, #tpu.memory_space<vmem_shared>> -> memref<100352xf32, #tpu.memory_space<vmem_shared>>
        %dma_wait3A_1212 = tpu.memref_slice %arg31[%dma_wait3A_1203] : memref<3x!tpu.dma_semaphore, #tpu.memory_space<semaphore_mem>> -> memref<1x!tpu.dma_semaphore, #tpu.memory_space<semaphore_mem>>
        %dma_wait3A_1213 = tpu.memref_squeeze %dma_wait3A_1212 : memref<1x!tpu.dma_semaphore, #tpu.memory_space<semaphore_mem>> -> memref<!tpu.dma_semaphore, #tpu.memory_space<semaphore_mem>>
        tpu.wait_indirect_dma semaphore(%dma_wait3A_1213 : memref<!tpu.dma_semaphore, #tpu.memory_space<semaphore_mem>>) src(%dma_wait3A_1206 : memref<128xf32, #tpu.memory_space<vmem>>) dst(%dma_wait3A_1211 : memref<100352xf32, #tpu.memory_space<vmem_shared>>)
        %dma_wait3A_1214 = arith.constant 4 : i32
        %dma_wait3A_1215 = arith.constant 1 : i32
        %dma_wait3A_1216 = arith.constant 512 : i32
        %dma_wait3A_1217 = tpu.memref_slice %arg23[%dma_wait3A_1216] : memref<1024xf32, #tpu.memory_space<vmem>> -> memref<128xf32, #tpu.memory_space<vmem>>
        %dma_wait3A_1218 = arith.constant 0 : i32
        %dma_wait3A_1219 = tpu.memref_slice %arg20[%dma_wait3A_1214, %dma_wait3A_1218] : memref<8x128xi32, #tpu.memory_space<vmem>> -> memref<1x128xi32, #tpu.memory_space<vmem>>
        %dma_wait3A_1220 = tpu.memref_squeeze %dma_wait3A_1219 : memref<1x128xi32, #tpu.memory_space<vmem>> -> memref<128xi32, #tpu.memory_space<vmem>>
        %dma_wait3A_1221 = arith.constant 0 : i32
        %dma_wait3A_1222 = tpu.memref_slice %arg28[%dma_wait3A_1221] : memref<100352xf32, #tpu.memory_space<vmem_shared>> -> memref<100352xf32, #tpu.memory_space<vmem_shared>>
        %dma_wait3A_1223 = tpu.memref_slice %arg31[%dma_wait3A_1215] : memref<3x!tpu.dma_semaphore, #tpu.memory_space<semaphore_mem>> -> memref<1x!tpu.dma_semaphore, #tpu.memory_space<semaphore_mem>>
        %dma_wait3A_1224 = tpu.memref_squeeze %dma_wait3A_1223 : memref<1x!tpu.dma_semaphore, #tpu.memory_space<semaphore_mem>> -> memref<!tpu.dma_semaphore, #tpu.memory_space<semaphore_mem>>
        tpu.wait_indirect_dma semaphore(%dma_wait3A_1224 : memref<!tpu.dma_semaphore, #tpu.memory_space<semaphore_mem>>) src(%dma_wait3A_1217 : memref<128xf32, #tpu.memory_space<vmem>>) dst(%dma_wait3A_1222 : memref<100352xf32, #tpu.memory_space<vmem_shared>>)
        %dma_wait3A_1225 = arith.constant 0 : i32
        %dma_wait3A_1226 = arith.constant 4 : i32
        %dma_wait3A_1227 = arith.constant 1 : i32
        %dma_wait3A_1228 = arith.constant 0 : i32
        %dma_wait3A_1229 = tpu.memref_slice %arg27[%dma_wait3A_1225, %dma_wait3A_1228] : memref<1x128xf32, #tpu.memory_space<vmem>> -> memref<1x128xf32, #tpu.memory_space<vmem>>
        %dma_wait3A_1230 = tpu.memref_squeeze %dma_wait3A_1229 : memref<1x128xf32, #tpu.memory_space<vmem>> -> memref<128xf32, #tpu.memory_space<vmem>>
        %dma_wait3A_1231 = arith.constant 0 : i32
        %dma_wait3A_1232 = tpu.memref_slice %arg20[%dma_wait3A_1226, %dma_wait3A_1231] : memref<8x128xi32, #tpu.memory_space<vmem>> -> memref<1x128xi32, #tpu.memory_space<vmem>>
        %dma_wait3A_1233 = tpu.memref_squeeze %dma_wait3A_1232 : memref<1x128xi32, #tpu.memory_space<vmem>> -> memref<128xi32, #tpu.memory_space<vmem>>
        %dma_wait3A_1234 = arith.constant 0 : i32
        %dma_wait3A_1235 = tpu.memref_slice %arg29[%dma_wait3A_1234] : memref<100352xf32, #tpu.memory_space<vmem_shared>> -> memref<100352xf32, #tpu.memory_space<vmem_shared>>
        %dma_wait3A_1236 = tpu.memref_slice %arg31[%dma_wait3A_1227] : memref<3x!tpu.dma_semaphore, #tpu.memory_space<semaphore_mem>> -> memref<1x!tpu.dma_semaphore, #tpu.memory_space<semaphore_mem>>
        %dma_wait3A_1237 = tpu.memref_squeeze %dma_wait3A_1236 : memref<1x!tpu.dma_semaphore, #tpu.memory_space<semaphore_mem>> -> memref<!tpu.dma_semaphore, #tpu.memory_space<semaphore_mem>>
        tpu.wait_indirect_dma semaphore(%dma_wait3A_1237 : memref<!tpu.dma_semaphore, #tpu.memory_space<semaphore_mem>>) src(%dma_wait3A_1230 : memref<128xf32, #tpu.memory_space<vmem>>) dst(%dma_wait3A_1235 : memref<100352xf32, #tpu.memory_space<vmem_shared>>)
        %dma_wait3A_1238 = arith.constant 5 : i32
        %dma_wait3A_1239 = arith.constant 1 : i32
        %dma_wait3A_1240 = arith.constant 640 : i32
        %dma_wait3A_1241 = tpu.memref_slice %arg23[%dma_wait3A_1240] : memref<1024xf32, #tpu.memory_space<vmem>> -> memref<128xf32, #tpu.memory_space<vmem>>
        %dma_wait3A_1242 = arith.constant 0 : i32
        %dma_wait3A_1243 = tpu.memref_slice %arg20[%dma_wait3A_1238, %dma_wait3A_1242] : memref<8x128xi32, #tpu.memory_space<vmem>> -> memref<1x128xi32, #tpu.memory_space<vmem>>
        %dma_wait3A_1244 = tpu.memref_squeeze %dma_wait3A_1243 : memref<1x128xi32, #tpu.memory_space<vmem>> -> memref<128xi32, #tpu.memory_space<vmem>>
        %dma_wait3A_1245 = arith.constant 0 : i32
        %dma_wait3A_1246 = tpu.memref_slice %arg28[%dma_wait3A_1245] : memref<100352xf32, #tpu.memory_space<vmem_shared>> -> memref<100352xf32, #tpu.memory_space<vmem_shared>>
        %dma_wait3A_1247 = tpu.memref_slice %arg31[%dma_wait3A_1239] : memref<3x!tpu.dma_semaphore, #tpu.memory_space<semaphore_mem>> -> memref<1x!tpu.dma_semaphore, #tpu.memory_space<semaphore_mem>>
        %dma_wait3A_1248 = tpu.memref_squeeze %dma_wait3A_1247 : memref<1x!tpu.dma_semaphore, #tpu.memory_space<semaphore_mem>> -> memref<!tpu.dma_semaphore, #tpu.memory_space<semaphore_mem>>
        tpu.wait_indirect_dma semaphore(%dma_wait3A_1248 : memref<!tpu.dma_semaphore, #tpu.memory_space<semaphore_mem>>) src(%dma_wait3A_1241 : memref<128xf32, #tpu.memory_space<vmem>>) dst(%dma_wait3A_1246 : memref<100352xf32, #tpu.memory_space<vmem_shared>>)
        %dma_wait3A_1249 = arith.constant 0 : i32
        %dma_wait3A_1250 = arith.constant 5 : i32
        %dma_wait3A_1251 = arith.constant 1 : i32
        %dma_wait3A_1252 = arith.constant 0 : i32
        %dma_wait3A_1253 = tpu.memref_slice %arg27[%dma_wait3A_1249, %dma_wait3A_1252] : memref<1x128xf32, #tpu.memory_space<vmem>> -> memref<1x128xf32, #tpu.memory_space<vmem>>
        %dma_wait3A_1254 = tpu.memref_squeeze %dma_wait3A_1253 : memref<1x128xf32, #tpu.memory_space<vmem>> -> memref<128xf32, #tpu.memory_space<vmem>>
        %dma_wait3A_1255 = arith.constant 0 : i32
        %dma_wait3A_1256 = tpu.memref_slice %arg20[%dma_wait3A_1250, %dma_wait3A_1255] : memref<8x128xi32, #tpu.memory_space<vmem>> -> memref<1x128xi32, #tpu.memory_space<vmem>>
        %dma_wait3A_1257 = tpu.memref_squeeze %dma_wait3A_1256 : memref<1x128xi32, #tpu.memory_space<vmem>> -> memref<128xi32, #tpu.memory_space<vmem>>
        %dma_wait3A_1258 = arith.constant 0 : i32
        %dma_wait3A_1259 = tpu.memref_slice %arg29[%dma_wait3A_1258] : memref<100352xf32, #tpu.memory_space<vmem_shared>> -> memref<100352xf32, #tpu.memory_space<vmem_shared>>
        %dma_wait3A_1260 = tpu.memref_slice %arg31[%dma_wait3A_1251] : memref<3x!tpu.dma_semaphore, #tpu.memory_space<semaphore_mem>> -> memref<1x!tpu.dma_semaphore, #tpu.memory_space<semaphore_mem>>
        %dma_wait3A_1261 = tpu.memref_squeeze %dma_wait3A_1260 : memref<1x!tpu.dma_semaphore, #tpu.memory_space<semaphore_mem>> -> memref<!tpu.dma_semaphore, #tpu.memory_space<semaphore_mem>>
        tpu.wait_indirect_dma semaphore(%dma_wait3A_1261 : memref<!tpu.dma_semaphore, #tpu.memory_space<semaphore_mem>>) src(%dma_wait3A_1254 : memref<128xf32, #tpu.memory_space<vmem>>) dst(%dma_wait3A_1259 : memref<100352xf32, #tpu.memory_space<vmem_shared>>)
        %dma_wait3A_1262 = arith.constant 6 : i32
        %dma_wait3A_1263 = arith.constant 1 : i32
        %dma_wait3A_1264 = arith.constant 768 : i32
        %dma_wait3A_1265 = tpu.memref_slice %arg23[%dma_wait3A_1264] : memref<1024xf32, #tpu.memory_space<vmem>> -> memref<128xf32, #tpu.memory_space<vmem>>
        %dma_wait3A_1266 = arith.constant 0 : i32
        %dma_wait3A_1267 = tpu.memref_slice %arg20[%dma_wait3A_1262, %dma_wait3A_1266] : memref<8x128xi32, #tpu.memory_space<vmem>> -> memref<1x128xi32, #tpu.memory_space<vmem>>
        %dma_wait3A_1268 = tpu.memref_squeeze %dma_wait3A_1267 : memref<1x128xi32, #tpu.memory_space<vmem>> -> memref<128xi32, #tpu.memory_space<vmem>>
        %dma_wait3A_1269 = arith.constant 0 : i32
        %dma_wait3A_1270 = tpu.memref_slice %arg28[%dma_wait3A_1269] : memref<100352xf32, #tpu.memory_space<vmem_shared>> -> memref<100352xf32, #tpu.memory_space<vmem_shared>>
        %dma_wait3A_1271 = tpu.memref_slice %arg31[%dma_wait3A_1263] : memref<3x!tpu.dma_semaphore, #tpu.memory_space<semaphore_mem>> -> memref<1x!tpu.dma_semaphore, #tpu.memory_space<semaphore_mem>>
        %dma_wait3A_1272 = tpu.memref_squeeze %dma_wait3A_1271 : memref<1x!tpu.dma_semaphore, #tpu.memory_space<semaphore_mem>> -> memref<!tpu.dma_semaphore, #tpu.memory_space<semaphore_mem>>
        tpu.wait_indirect_dma semaphore(%dma_wait3A_1272 : memref<!tpu.dma_semaphore, #tpu.memory_space<semaphore_mem>>) src(%dma_wait3A_1265 : memref<128xf32, #tpu.memory_space<vmem>>) dst(%dma_wait3A_1270 : memref<100352xf32, #tpu.memory_space<vmem_shared>>)
        %dma_wait3A_1273 = arith.constant 0 : i32
        %dma_wait3A_1274 = arith.constant 6 : i32
        %dma_wait3A_1275 = arith.constant 1 : i32
        %dma_wait3A_1276 = arith.constant 0 : i32
        %dma_wait3A_1277 = tpu.memref_slice %arg27[%dma_wait3A_1273, %dma_wait3A_1276] : memref<1x128xf32, #tpu.memory_space<vmem>> -> memref<1x128xf32, #tpu.memory_space<vmem>>
        %dma_wait3A_1278 = tpu.memref_squeeze %dma_wait3A_1277 : memref<1x128xf32, #tpu.memory_space<vmem>> -> memref<128xf32, #tpu.memory_space<vmem>>
        %dma_wait3A_1279 = arith.constant 0 : i32
        %dma_wait3A_1280 = tpu.memref_slice %arg20[%dma_wait3A_1274, %dma_wait3A_1279] : memref<8x128xi32, #tpu.memory_space<vmem>> -> memref<1x128xi32, #tpu.memory_space<vmem>>
        %dma_wait3A_1281 = tpu.memref_squeeze %dma_wait3A_1280 : memref<1x128xi32, #tpu.memory_space<vmem>> -> memref<128xi32, #tpu.memory_space<vmem>>
        %dma_wait3A_1282 = arith.constant 0 : i32
        %dma_wait3A_1283 = tpu.memref_slice %arg29[%dma_wait3A_1282] : memref<100352xf32, #tpu.memory_space<vmem_shared>> -> memref<100352xf32, #tpu.memory_space<vmem_shared>>
        %dma_wait3A_1284 = tpu.memref_slice %arg31[%dma_wait3A_1275] : memref<3x!tpu.dma_semaphore, #tpu.memory_space<semaphore_mem>> -> memref<1x!tpu.dma_semaphore, #tpu.memory_space<semaphore_mem>>
        %dma_wait3A_1285 = tpu.memref_squeeze %dma_wait3A_1284 : memref<1x!tpu.dma_semaphore, #tpu.memory_space<semaphore_mem>> -> memref<!tpu.dma_semaphore, #tpu.memory_space<semaphore_mem>>
        tpu.wait_indirect_dma semaphore(%dma_wait3A_1285 : memref<!tpu.dma_semaphore, #tpu.memory_space<semaphore_mem>>) src(%dma_wait3A_1278 : memref<128xf32, #tpu.memory_space<vmem>>) dst(%dma_wait3A_1283 : memref<100352xf32, #tpu.memory_space<vmem_shared>>)
        %dma_wait3A_1286 = arith.constant 7 : i32
        %dma_wait3A_1287 = arith.constant 1 : i32
        %dma_wait3A_1288 = arith.constant 896 : i32
        %dma_wait3A_1289 = tpu.memref_slice %arg23[%dma_wait3A_1288] : memref<1024xf32, #tpu.memory_space<vmem>> -> memref<128xf32, #tpu.memory_space<vmem>>
        %dma_wait3A_1290 = arith.constant 0 : i32
        %dma_wait3A_1291 = tpu.memref_slice %arg20[%dma_wait3A_1286, %dma_wait3A_1290] : memref<8x128xi32, #tpu.memory_space<vmem>> -> memref<1x128xi32, #tpu.memory_space<vmem>>
        %dma_wait3A_1292 = tpu.memref_squeeze %dma_wait3A_1291 : memref<1x128xi32, #tpu.memory_space<vmem>> -> memref<128xi32, #tpu.memory_space<vmem>>
        %dma_wait3A_1293 = arith.constant 0 : i32
        %dma_wait3A_1294 = tpu.memref_slice %arg28[%dma_wait3A_1293] : memref<100352xf32, #tpu.memory_space<vmem_shared>> -> memref<100352xf32, #tpu.memory_space<vmem_shared>>
        %dma_wait3A_1295 = tpu.memref_slice %arg31[%dma_wait3A_1287] : memref<3x!tpu.dma_semaphore, #tpu.memory_space<semaphore_mem>> -> memref<1x!tpu.dma_semaphore, #tpu.memory_space<semaphore_mem>>
        %dma_wait3A_1296 = tpu.memref_squeeze %dma_wait3A_1295 : memref<1x!tpu.dma_semaphore, #tpu.memory_space<semaphore_mem>> -> memref<!tpu.dma_semaphore, #tpu.memory_space<semaphore_mem>>
        tpu.wait_indirect_dma semaphore(%dma_wait3A_1296 : memref<!tpu.dma_semaphore, #tpu.memory_space<semaphore_mem>>) src(%dma_wait3A_1289 : memref<128xf32, #tpu.memory_space<vmem>>) dst(%dma_wait3A_1294 : memref<100352xf32, #tpu.memory_space<vmem_shared>>)
        %dma_wait3A_1297 = arith.constant 0 : i32
        %dma_wait3A_1298 = arith.constant 7 : i32
        %dma_wait3A_1299 = arith.constant 1 : i32
        %dma_wait3A_1300 = arith.constant 0 : i32
        %dma_wait3A_1301 = tpu.memref_slice %arg27[%dma_wait3A_1297, %dma_wait3A_1300] : memref<1x128xf32, #tpu.memory_space<vmem>> -> memref<1x128xf32, #tpu.memory_space<vmem>>
        %dma_wait3A_1302 = tpu.memref_squeeze %dma_wait3A_1301 : memref<1x128xf32, #tpu.memory_space<vmem>> -> memref<128xf32, #tpu.memory_space<vmem>>
        %dma_wait3A_1303 = arith.constant 0 : i32
        %dma_wait3A_1304 = tpu.memref_slice %arg20[%dma_wait3A_1298, %dma_wait3A_1303] : memref<8x128xi32, #tpu.memory_space<vmem>> -> memref<1x128xi32, #tpu.memory_space<vmem>>
        %dma_wait3A_1305 = tpu.memref_squeeze %dma_wait3A_1304 : memref<1x128xi32, #tpu.memory_space<vmem>> -> memref<128xi32, #tpu.memory_space<vmem>>
        %dma_wait3A_1306 = arith.constant 0 : i32
        %dma_wait3A_1307 = tpu.memref_slice %arg29[%dma_wait3A_1306] : memref<100352xf32, #tpu.memory_space<vmem_shared>> -> memref<100352xf32, #tpu.memory_space<vmem_shared>>
        %dma_wait3A_1308 = tpu.memref_slice %arg31[%dma_wait3A_1299] : memref<3x!tpu.dma_semaphore, #tpu.memory_space<semaphore_mem>> -> memref<1x!tpu.dma_semaphore, #tpu.memory_space<semaphore_mem>>
        %dma_wait3A_1309 = tpu.memref_squeeze %dma_wait3A_1308 : memref<1x!tpu.dma_semaphore, #tpu.memory_space<semaphore_mem>> -> memref<!tpu.dma_semaphore, #tpu.memory_space<semaphore_mem>>
        tpu.wait_indirect_dma semaphore(%dma_wait3A_1309 : memref<!tpu.dma_semaphore, #tpu.memory_space<semaphore_mem>>) src(%dma_wait3A_1302 : memref<128xf32, #tpu.memory_space<vmem>>) dst(%dma_wait3A_1307 : memref<100352xf32, #tpu.memory_space<vmem_shared>>)
      } else {
      }
      %add3A_431 = arith.constant 1 : i32
      %add3A_432 = arith.addi %add3A_426, %add3A_431 : i32
      %lt3A = arith.constant 201 : i32
      %lt3A_433 = arith.cmpi slt, %add3A_432, %lt3A : i32
      %convert_element_type3A_434 = arith.extui %lt3A_433 : i1 to i32
      %cond3A_435 = arith.constant 0 : i32
      %cond3A_436 = arith.cmpi ne, %convert_element_type3A_434, %cond3A_435 : i32
      scf.if %cond3A_436 {
        %add3A_1118 = arith.constant 1 : i32
        %add3A_1119 = arith.addi %add3A_426, %add3A_1118 : i32
        %mul3A_1120 = arith.constant 1024 : i32
        %mul3A_1121 = arith.muli %add3A_1119, %mul3A_1120 : i32
        %add3A_1122 = arith.addi %mul3A_10, %mul3A_1121 : i32
        %mul3A_1123 = arith.constant 8 : i32
        %mul3A_1124 = arith.muli %add3A_1119, %mul3A_1123 : i32
        %add3A_1125 = arith.addi %mul3A_12, %mul3A_1124 : i32
        %dma_start3A_1126 = arith.constant 1 : i32
        %dma_start3A_1127 = tpu.memref_slice %arg4[%add3A_1122] : memref<6586368xi32, #tpu.memory_space<hbm>> -> memref<1024xi32, #tpu.memory_space<hbm>>
        %dma_start3A_1128 = tpu.memref_slice %arg30[%dma_start3A_1126] : memref<3x!tpu.dma_semaphore, #tpu.memory_space<semaphore_mem>> -> memref<1x!tpu.dma_semaphore, #tpu.memory_space<semaphore_mem>>
        %dma_start3A_1129 = tpu.memref_squeeze %dma_start3A_1128 : memref<1x!tpu.dma_semaphore, #tpu.memory_space<semaphore_mem>> -> memref<!tpu.dma_semaphore, #tpu.memory_space<semaphore_mem>>
        %dma_start3A_1130 = tpu.memref_slice %arg4[%add3A_1122] : memref<6586368xi32, #tpu.memory_space<hbm>> -> memref<1024xi32, #tpu.memory_space<hbm>>
        tpu.enqueue_dma source(%dma_start3A_1130 : memref<1024xi32, #tpu.memory_space<hbm>>) target(%arg14 : memref<1024xi32, #tpu.memory_space<vmem>>) target_semaphore(%dma_start3A_1129 : memref<!tpu.dma_semaphore, #tpu.memory_space<semaphore_mem>>)
        %dma_start3A_1131 = arith.constant 1 : i32
        %dma_start3A_1132 = tpu.memref_slice %arg3[%add3A_1122] : memref<6586368xf32, #tpu.memory_space<hbm>> -> memref<1024xf32, #tpu.memory_space<hbm>>
        %dma_start3A_1133 = tpu.memref_slice %arg30[%dma_start3A_1131] : memref<3x!tpu.dma_semaphore, #tpu.memory_space<semaphore_mem>> -> memref<1x!tpu.dma_semaphore, #tpu.memory_space<semaphore_mem>>
        %dma_start3A_1134 = tpu.memref_squeeze %dma_start3A_1133 : memref<1x!tpu.dma_semaphore, #tpu.memory_space<semaphore_mem>> -> memref<!tpu.dma_semaphore, #tpu.memory_space<semaphore_mem>>
        %dma_start3A_1135 = tpu.memref_slice %arg3[%add3A_1122] : memref<6586368xf32, #tpu.memory_space<hbm>> -> memref<1024xf32, #tpu.memory_space<hbm>>
        tpu.enqueue_dma source(%dma_start3A_1135 : memref<1024xf32, #tpu.memory_space<hbm>>) target(%arg17 : memref<1024xf32, #tpu.memory_space<vmem>>) target_semaphore(%dma_start3A_1134 : memref<!tpu.dma_semaphore, #tpu.memory_space<semaphore_mem>>)
        %dma_start3A_1136 = arith.constant 1 : i32
        %dma_start3A_1137 = arith.constant 0 : i32
        %dma_start3A_1138 = tpu.memref_slice %arg5[%add3A_1125, %dma_start3A_1137] : memref<51456x128xi32, #tpu.memory_space<hbm>> -> memref<8x128xi32, #tpu.memory_space<hbm>>
        %dma_start3A_1139 = tpu.memref_slice %arg30[%dma_start3A_1136] : memref<3x!tpu.dma_semaphore, #tpu.memory_space<semaphore_mem>> -> memref<1x!tpu.dma_semaphore, #tpu.memory_space<semaphore_mem>>
        %dma_start3A_1140 = tpu.memref_squeeze %dma_start3A_1139 : memref<1x!tpu.dma_semaphore, #tpu.memory_space<semaphore_mem>> -> memref<!tpu.dma_semaphore, #tpu.memory_space<semaphore_mem>>
        %dma_start3A_1141 = arith.constant 0 : i32
        %dma_start3A_1142 = tpu.memref_slice %arg5[%add3A_1125, %dma_start3A_1141] : memref<51456x128xi32, #tpu.memory_space<hbm>> -> memref<8x128xi32, #tpu.memory_space<hbm>>
        tpu.enqueue_dma source(%dma_start3A_1142 : memref<8x128xi32, #tpu.memory_space<hbm>>) target(%arg20 : memref<8x128xi32, #tpu.memory_space<vmem>>) target_semaphore(%dma_start3A_1140 : memref<!tpu.dma_semaphore, #tpu.memory_space<semaphore_mem>>)
      } else {
      }
      %dma_wait3A_437 = arith.constant 0 : i32
      %dma_wait3A_438 = arith.constant 0 : i32
      %dma_wait3A_439 = tpu.memref_slice %arg4[%dma_wait3A_438] : memref<6586368xi32, #tpu.memory_space<hbm>> -> memref<1024xi32, #tpu.memory_space<hbm>>
      %dma_wait3A_440 = tpu.memref_slice %arg30[%dma_wait3A_437] : memref<3x!tpu.dma_semaphore, #tpu.memory_space<semaphore_mem>> -> memref<1x!tpu.dma_semaphore, #tpu.memory_space<semaphore_mem>>
      %dma_wait3A_441 = tpu.memref_squeeze %dma_wait3A_440 : memref<1x!tpu.dma_semaphore, #tpu.memory_space<semaphore_mem>> -> memref<!tpu.dma_semaphore, #tpu.memory_space<semaphore_mem>>
      %dma_wait3A_442 = arith.constant 0 : i32
      %dma_wait3A_443 = tpu.memref_slice %arg4[%dma_wait3A_442] : memref<6586368xi32, #tpu.memory_space<hbm>> -> memref<1024xi32, #tpu.memory_space<hbm>>
      tpu.wait_dma2 semaphore(%dma_wait3A_441 : memref<!tpu.dma_semaphore, #tpu.memory_space<semaphore_mem>>) src(%dma_wait3A_443 : memref<1024xi32, #tpu.memory_space<hbm>>) dst(%arg13 : memref<1024xi32, #tpu.memory_space<vmem>>)
      %dma_wait3A_444 = arith.constant 0 : i32
      %dma_wait3A_445 = arith.constant 0 : i32
      %dma_wait3A_446 = tpu.memref_slice %arg3[%dma_wait3A_445] : memref<6586368xf32, #tpu.memory_space<hbm>> -> memref<1024xf32, #tpu.memory_space<hbm>>
      %dma_wait3A_447 = tpu.memref_slice %arg30[%dma_wait3A_444] : memref<3x!tpu.dma_semaphore, #tpu.memory_space<semaphore_mem>> -> memref<1x!tpu.dma_semaphore, #tpu.memory_space<semaphore_mem>>
      %dma_wait3A_448 = tpu.memref_squeeze %dma_wait3A_447 : memref<1x!tpu.dma_semaphore, #tpu.memory_space<semaphore_mem>> -> memref<!tpu.dma_semaphore, #tpu.memory_space<semaphore_mem>>
      %dma_wait3A_449 = arith.constant 0 : i32
      %dma_wait3A_450 = tpu.memref_slice %arg3[%dma_wait3A_449] : memref<6586368xf32, #tpu.memory_space<hbm>> -> memref<1024xf32, #tpu.memory_space<hbm>>
      tpu.wait_dma2 semaphore(%dma_wait3A_448 : memref<!tpu.dma_semaphore, #tpu.memory_space<semaphore_mem>>) src(%dma_wait3A_450 : memref<1024xf32, #tpu.memory_space<hbm>>) dst(%arg16 : memref<1024xf32, #tpu.memory_space<vmem>>)
      %dma_wait3A_451 = arith.constant 0 : i32
      %dma_wait3A_452 = arith.constant 0 : i32
      %dma_wait3A_453 = arith.constant 0 : i32
      %dma_wait3A_454 = tpu.memref_slice %arg5[%dma_wait3A_452, %dma_wait3A_453] : memref<51456x128xi32, #tpu.memory_space<hbm>> -> memref<8x128xi32, #tpu.memory_space<hbm>>
      %dma_wait3A_455 = tpu.memref_slice %arg30[%dma_wait3A_451] : memref<3x!tpu.dma_semaphore, #tpu.memory_space<semaphore_mem>> -> memref<1x!tpu.dma_semaphore, #tpu.memory_space<semaphore_mem>>
      %dma_wait3A_456 = tpu.memref_squeeze %dma_wait3A_455 : memref<1x!tpu.dma_semaphore, #tpu.memory_space<semaphore_mem>> -> memref<!tpu.dma_semaphore, #tpu.memory_space<semaphore_mem>>
      %dma_wait3A_457 = arith.constant 0 : i32
      %dma_wait3A_458 = arith.constant 0 : i32
      %dma_wait3A_459 = tpu.memref_slice %arg5[%dma_wait3A_457, %dma_wait3A_458] : memref<51456x128xi32, #tpu.memory_space<hbm>> -> memref<8x128xi32, #tpu.memory_space<hbm>>
      tpu.wait_dma2 semaphore(%dma_wait3A_456 : memref<!tpu.dma_semaphore, #tpu.memory_space<semaphore_mem>>) src(%dma_wait3A_459 : memref<8x128xi32, #tpu.memory_space<hbm>>) dst(%arg19 : memref<8x128xi32, #tpu.memory_space<vmem>>)
      %parallel_loop3A = arith.constant 0 : i32
      %parallel_loop3A_460 = arith.constant 64 : i32
      %parallel_loop3A_461 = arith.constant 1 : i32
      scf.for %parallel_loop3A_1118 = %parallel_loop3A to %parallel_loop3A_460 step %parallel_loop3A_461  : i32 {
        %parallel_loop3A_1119 = arith.constant 16 : i32
        %parallel_loop3A_1120 = arith.muli %parallel_loop3A_1118, %parallel_loop3A_1119 : i32
        %parallel_loop3A_1121 = arith.index_cast %parallel_loop3A_1120 : i32 to index
        %parallel_loop3A_1122 = tpu.vector_load %arg13[%parallel_loop3A_1121] {strides = array<i32>} : memref<1024xi32, #tpu.memory_space<vmem>>, vector<16xi32>,
        %parallel_loop3A_1123 = tpu.vector_load_idx %arg12[%parallel_loop3A_1122] : memref<100352xf32, #tpu.memory_space<vmem>>[vector<16xi32>], vector<16xf32>,
        %parallel_loop3A_1124 = arith.constant 16 : i32
        %parallel_loop3A_1125 = arith.muli %parallel_loop3A_1118, %parallel_loop3A_1124 : i32
        %parallel_loop3A_1126 = arith.index_cast %parallel_loop3A_1125 : i32 to index
        %parallel_loop3A_1127 = tpu.vector_load %arg16[%parallel_loop3A_1126] {strides = array<i32>} : memref<1024xf32, #tpu.memory_space<vmem>>, vector<16xf32>,
        %parallel_loop3A_1128 = arith.mulf %parallel_loop3A_1123, %parallel_loop3A_1127 : vector<16xf32>
        %parallel_loop3A_1129 = arith.constant 16 : i32
        %parallel_loop3A_1130 = arith.muli %parallel_loop3A_1118, %parallel_loop3A_1129 : i32
        %parallel_loop3A_1131 = arith.index_cast %parallel_loop3A_1130 : i32 to index
        %parallel_loop3A_1132 = tpu.vector_load %arg22[%parallel_loop3A_1131] {strides = array<i32>} : memref<1024xf32, #tpu.memory_space<vmem>>, vector<16xf32>,
        tpu.vector_store %arg22[%parallel_loop3A_1131], %parallel_loop3A_1128 {strides = array<i32>} : memref<1024xf32, #tpu.memory_space<vmem>>, vector<16xf32>,
      } {sc.loop_unroll_factor = 4 : i64, sc.parallel_access}
      %dma_start3A_462 = arith.constant 0 : i32
      %dma_start3A_463 = arith.constant 0 : i32
      %dma_start3A_464 = arith.constant 0 : i32
      %dma_start3A_465 = tpu.memref_slice %arg22[%dma_start3A_464] : memref<1024xf32, #tpu.memory_space<vmem>> -> memref<128xf32, #tpu.memory_space<vmem>>
      %dma_start3A_466 = arith.constant 0 : i32
      %dma_start3A_467 = tpu.memref_slice %arg19[%dma_start3A_462, %dma_start3A_466] : memref<8x128xi32, #tpu.memory_space<vmem>> -> memref<1x128xi32, #tpu.memory_space<vmem>>
      %dma_start3A_468 = tpu.memref_squeeze %dma_start3A_467 : memref<1x128xi32, #tpu.memory_space<vmem>> -> memref<128xi32, #tpu.memory_space<vmem>>
      %dma_start3A_469 = arith.constant 0 : i32
      %dma_start3A_470 = tpu.memref_slice %arg28[%dma_start3A_469] : memref<100352xf32, #tpu.memory_space<vmem_shared>> -> memref<100352xf32, #tpu.memory_space<vmem_shared>>
      %dma_start3A_471 = tpu.memref_slice %arg31[%dma_start3A_463] : memref<3x!tpu.dma_semaphore, #tpu.memory_space<semaphore_mem>> -> memref<1x!tpu.dma_semaphore, #tpu.memory_space<semaphore_mem>>
      %dma_start3A_472 = tpu.memref_squeeze %dma_start3A_471 : memref<1x!tpu.dma_semaphore, #tpu.memory_space<semaphore_mem>> -> memref<!tpu.dma_semaphore, #tpu.memory_space<semaphore_mem>>
      tpu.enqueue_indirect_dma source(%dma_start3A_465 : memref<128xf32, #tpu.memory_space<vmem>>) target(%dma_start3A_470 : memref<100352xf32, #tpu.memory_space<vmem_shared>>) offsets(%dma_start3A_468 : memref<128xi32, #tpu.memory_space<vmem>>) semaphore(%dma_start3A_472 : memref<!tpu.dma_semaphore, #tpu.memory_space<semaphore_mem>>) {add = true}
      %dma_start3A_473 = arith.constant 0 : i32
      %dma_start3A_474 = arith.constant 0 : i32
      %dma_start3A_475 = arith.constant 0 : i32
      %dma_start3A_476 = arith.constant 0 : i32
      %dma_start3A_477 = tpu.memref_slice %arg27[%dma_start3A_473, %dma_start3A_476] : memref<1x128xf32, #tpu.memory_space<vmem>> -> memref<1x128xf32, #tpu.memory_space<vmem>>
      %dma_start3A_478 = tpu.memref_squeeze %dma_start3A_477 : memref<1x128xf32, #tpu.memory_space<vmem>> -> memref<128xf32, #tpu.memory_space<vmem>>
      %dma_start3A_479 = arith.constant 0 : i32
      %dma_start3A_480 = tpu.memref_slice %arg19[%dma_start3A_474, %dma_start3A_479] : memref<8x128xi32, #tpu.memory_space<vmem>> -> memref<1x128xi32, #tpu.memory_space<vmem>>
      %dma_start3A_481 = tpu.memref_squeeze %dma_start3A_480 : memref<1x128xi32, #tpu.memory_space<vmem>> -> memref<128xi32, #tpu.memory_space<vmem>>
      %dma_start3A_482 = arith.constant 0 : i32
      %dma_start3A_483 = tpu.memref_slice %arg29[%dma_start3A_482] : memref<100352xf32, #tpu.memory_space<vmem_shared>> -> memref<100352xf32, #tpu.memory_space<vmem_shared>>
      %dma_start3A_484 = tpu.memref_slice %arg31[%dma_start3A_475] : memref<3x!tpu.dma_semaphore, #tpu.memory_space<semaphore_mem>> -> memref<1x!tpu.dma_semaphore, #tpu.memory_space<semaphore_mem>>
      %dma_start3A_485 = tpu.memref_squeeze %dma_start3A_484 : memref<1x!tpu.dma_semaphore, #tpu.memory_space<semaphore_mem>> -> memref<!tpu.dma_semaphore, #tpu.memory_space<semaphore_mem>>
      tpu.enqueue_indirect_dma source(%dma_start3A_478 : memref<128xf32, #tpu.memory_space<vmem>>) target(%dma_start3A_483 : memref<100352xf32, #tpu.memory_space<vmem_shared>>) offsets(%dma_start3A_481 : memref<128xi32, #tpu.memory_space<vmem>>) semaphore(%dma_start3A_485 : memref<!tpu.dma_semaphore, #tpu.memory_space<semaphore_mem>>) {add = true}
      %dma_start3A_486 = arith.constant 1 : i32
      %dma_start3A_487 = arith.constant 0 : i32
      %dma_start3A_488 = arith.constant 128 : i32
      %dma_start3A_489 = tpu.memref_slice %arg22[%dma_start3A_488] : memref<1024xf32, #tpu.memory_space<vmem>> -> memref<128xf32, #tpu.memory_space<vmem>>
      %dma_start3A_490 = arith.constant 0 : i32
      %dma_start3A_491 = tpu.memref_slice %arg19[%dma_start3A_486, %dma_start3A_490] : memref<8x128xi32, #tpu.memory_space<vmem>> -> memref<1x128xi32, #tpu.memory_space<vmem>>
      %dma_start3A_492 = tpu.memref_squeeze %dma_start3A_491 : memref<1x128xi32, #tpu.memory_space<vmem>> -> memref<128xi32, #tpu.memory_space<vmem>>
      %dma_start3A_493 = arith.constant 0 : i32
      %dma_start3A_494 = tpu.memref_slice %arg28[%dma_start3A_493] : memref<100352xf32, #tpu.memory_space<vmem_shared>> -> memref<100352xf32, #tpu.memory_space<vmem_shared>>
      %dma_start3A_495 = tpu.memref_slice %arg31[%dma_start3A_487] : memref<3x!tpu.dma_semaphore, #tpu.memory_space<semaphore_mem>> -> memref<1x!tpu.dma_semaphore, #tpu.memory_space<semaphore_mem>>
      %dma_start3A_496 = tpu.memref_squeeze %dma_start3A_495 : memref<1x!tpu.dma_semaphore, #tpu.memory_space<semaphore_mem>> -> memref<!tpu.dma_semaphore, #tpu.memory_space<semaphore_mem>>
      tpu.enqueue_indirect_dma source(%dma_start3A_489 : memref<128xf32, #tpu.memory_space<vmem>>) target(%dma_start3A_494 : memref<100352xf32, #tpu.memory_space<vmem_shared>>) offsets(%dma_start3A_492 : memref<128xi32, #tpu.memory_space<vmem>>) semaphore(%dma_start3A_496 : memref<!tpu.dma_semaphore, #tpu.memory_space<semaphore_mem>>) {add = true}
      %dma_start3A_497 = arith.constant 0 : i32
      %dma_start3A_498 = arith.constant 1 : i32
      %dma_start3A_499 = arith.constant 0 : i32
      %dma_start3A_500 = arith.constant 0 : i32
      %dma_start3A_501 = tpu.memref_slice %arg27[%dma_start3A_497, %dma_start3A_500] : memref<1x128xf32, #tpu.memory_space<vmem>> -> memref<1x128xf32, #tpu.memory_space<vmem>>
      %dma_start3A_502 = tpu.memref_squeeze %dma_start3A_501 : memref<1x128xf32, #tpu.memory_space<vmem>> -> memref<128xf32, #tpu.memory_space<vmem>>
      %dma_start3A_503 = arith.constant 0 : i32
      %dma_start3A_504 = tpu.memref_slice %arg19[%dma_start3A_498, %dma_start3A_503] : memref<8x128xi32, #tpu.memory_space<vmem>> -> memref<1x128xi32, #tpu.memory_space<vmem>>
      %dma_start3A_505 = tpu.memref_squeeze %dma_start3A_504 : memref<1x128xi32, #tpu.memory_space<vmem>> -> memref<128xi32, #tpu.memory_space<vmem>>
      %dma_start3A_506 = arith.constant 0 : i32
      %dma_start3A_507 = tpu.memref_slice %arg29[%dma_start3A_506] : memref<100352xf32, #tpu.memory_space<vmem_shared>> -> memref<100352xf32, #tpu.memory_space<vmem_shared>>
      %dma_start3A_508 = tpu.memref_slice %arg31[%dma_start3A_499] : memref<3x!tpu.dma_semaphore, #tpu.memory_space<semaphore_mem>> -> memref<1x!tpu.dma_semaphore, #tpu.memory_space<semaphore_mem>>
      %dma_start3A_509 = tpu.memref_squeeze %dma_start3A_508 : memref<1x!tpu.dma_semaphore, #tpu.memory_space<semaphore_mem>> -> memref<!tpu.dma_semaphore, #tpu.memory_space<semaphore_mem>>
      tpu.enqueue_indirect_dma source(%dma_start3A_502 : memref<128xf32, #tpu.memory_space<vmem>>) target(%dma_start3A_507 : memref<100352xf32, #tpu.memory_space<vmem_shared>>) offsets(%dma_start3A_505 : memref<128xi32, #tpu.memory_space<vmem>>) semaphore(%dma_start3A_509 : memref<!tpu.dma_semaphore, #tpu.memory_space<semaphore_mem>>) {add = true}
      %dma_start3A_510 = arith.constant 2 : i32
      %dma_start3A_511 = arith.constant 0 : i32
      %dma_start3A_512 = arith.constant 256 : i32
      %dma_start3A_513 = tpu.memref_slice %arg22[%dma_start3A_512] : memref<1024xf32, #tpu.memory_space<vmem>> -> memref<128xf32, #tpu.memory_space<vmem>>
      %dma_start3A_514 = arith.constant 0 : i32
      %dma_start3A_515 = tpu.memref_slice %arg19[%dma_start3A_510, %dma_start3A_514] : memref<8x128xi32, #tpu.memory_space<vmem>> -> memref<1x128xi32, #tpu.memory_space<vmem>>
      %dma_start3A_516 = tpu.memref_squeeze %dma_start3A_515 : memref<1x128xi32, #tpu.memory_space<vmem>> -> memref<128xi32, #tpu.memory_space<vmem>>
      %dma_start3A_517 = arith.constant 0 : i32
      %dma_start3A_518 = tpu.memref_slice %arg28[%dma_start3A_517] : memref<100352xf32, #tpu.memory_space<vmem_shared>> -> memref<100352xf32, #tpu.memory_space<vmem_shared>>
      %dma_start3A_519 = tpu.memref_slice %arg31[%dma_start3A_511] : memref<3x!tpu.dma_semaphore, #tpu.memory_space<semaphore_mem>> -> memref<1x!tpu.dma_semaphore, #tpu.memory_space<semaphore_mem>>
      %dma_start3A_520 = tpu.memref_squeeze %dma_start3A_519 : memref<1x!tpu.dma_semaphore, #tpu.memory_space<semaphore_mem>> -> memref<!tpu.dma_semaphore, #tpu.memory_space<semaphore_mem>>
      tpu.enqueue_indirect_dma source(%dma_start3A_513 : memref<128xf32, #tpu.memory_space<vmem>>) target(%dma_start3A_518 : memref<100352xf32, #tpu.memory_space<vmem_shared>>) offsets(%dma_start3A_516 : memref<128xi32, #tpu.memory_space<vmem>>) semaphore(%dma_start3A_520 : memref<!tpu.dma_semaphore, #tpu.memory_space<semaphore_mem>>) {add = true}
      %dma_start3A_521 = arith.constant 0 : i32
      %dma_start3A_522 = arith.constant 2 : i32
      %dma_start3A_523 = arith.constant 0 : i32
      %dma_start3A_524 = arith.constant 0 : i32
      %dma_start3A_525 = tpu.memref_slice %arg27[%dma_start3A_521, %dma_start3A_524] : memref<1x128xf32, #tpu.memory_space<vmem>> -> memref<1x128xf32, #tpu.memory_space<vmem>>
      %dma_start3A_526 = tpu.memref_squeeze %dma_start3A_525 : memref<1x128xf32, #tpu.memory_space<vmem>> -> memref<128xf32, #tpu.memory_space<vmem>>
      %dma_start3A_527 = arith.constant 0 : i32
      %dma_start3A_528 = tpu.memref_slice %arg19[%dma_start3A_522, %dma_start3A_527] : memref<8x128xi32, #tpu.memory_space<vmem>> -> memref<1x128xi32, #tpu.memory_space<vmem>>
      %dma_start3A_529 = tpu.memref_squeeze %dma_start3A_528 : memref<1x128xi32, #tpu.memory_space<vmem>> -> memref<128xi32, #tpu.memory_space<vmem>>
      %dma_start3A_530 = arith.constant 0 : i32
      %dma_start3A_531 = tpu.memref_slice %arg29[%dma_start3A_530] : memref<100352xf32, #tpu.memory_space<vmem_shared>> -> memref<100352xf32, #tpu.memory_space<vmem_shared>>
      %dma_start3A_532 = tpu.memref_slice %arg31[%dma_start3A_523] : memref<3x!tpu.dma_semaphore, #tpu.memory_space<semaphore_mem>> -> memref<1x!tpu.dma_semaphore, #tpu.memory_space<semaphore_mem>>
      %dma_start3A_533 = tpu.memref_squeeze %dma_start3A_532 : memref<1x!tpu.dma_semaphore, #tpu.memory_space<semaphore_mem>> -> memref<!tpu.dma_semaphore, #tpu.memory_space<semaphore_mem>>
      tpu.enqueue_indirect_dma source(%dma_start3A_526 : memref<128xf32, #tpu.memory_space<vmem>>) target(%dma_start3A_531 : memref<100352xf32, #tpu.memory_space<vmem_shared>>) offsets(%dma_start3A_529 : memref<128xi32, #tpu.memory_space<vmem>>) semaphore(%dma_start3A_533 : memref<!tpu.dma_semaphore, #tpu.memory_space<semaphore_mem>>) {add = true}
      %dma_start3A_534 = arith.constant 3 : i32
      %dma_start3A_535 = arith.constant 0 : i32
      %dma_start3A_536 = arith.constant 384 : i32
      %dma_start3A_537 = tpu.memref_slice %arg22[%dma_start3A_536] : memref<1024xf32, #tpu.memory_space<vmem>> -> memref<128xf32, #tpu.memory_space<vmem>>
      %dma_start3A_538 = arith.constant 0 : i32
      %dma_start3A_539 = tpu.memref_slice %arg19[%dma_start3A_534, %dma_start3A_538] : memref<8x128xi32, #tpu.memory_space<vmem>> -> memref<1x128xi32, #tpu.memory_space<vmem>>
      %dma_start3A_540 = tpu.memref_squeeze %dma_start3A_539 : memref<1x128xi32, #tpu.memory_space<vmem>> -> memref<128xi32, #tpu.memory_space<vmem>>
      %dma_start3A_541 = arith.constant 0 : i32
      %dma_start3A_542 = tpu.memref_slice %arg28[%dma_start3A_541] : memref<100352xf32, #tpu.memory_space<vmem_shared>> -> memref<100352xf32, #tpu.memory_space<vmem_shared>>
      %dma_start3A_543 = tpu.memref_slice %arg31[%dma_start3A_535] : memref<3x!tpu.dma_semaphore, #tpu.memory_space<semaphore_mem>> -> memref<1x!tpu.dma_semaphore, #tpu.memory_space<semaphore_mem>>
      %dma_start3A_544 = tpu.memref_squeeze %dma_start3A_543 : memref<1x!tpu.dma_semaphore, #tpu.memory_space<semaphore_mem>> -> memref<!tpu.dma_semaphore, #tpu.memory_space<semaphore_mem>>
      tpu.enqueue_indirect_dma source(%dma_start3A_537 : memref<128xf32, #tpu.memory_space<vmem>>) target(%dma_start3A_542 : memref<100352xf32, #tpu.memory_space<vmem_shared>>) offsets(%dma_start3A_540 : memref<128xi32, #tpu.memory_space<vmem>>) semaphore(%dma_start3A_544 : memref<!tpu.dma_semaphore, #tpu.memory_space<semaphore_mem>>) {add = true}
      %dma_start3A_545 = arith.constant 0 : i32
      %dma_start3A_546 = arith.constant 3 : i32
      %dma_start3A_547 = arith.constant 0 : i32
      %dma_start3A_548 = arith.constant 0 : i32
      %dma_start3A_549 = tpu.memref_slice %arg27[%dma_start3A_545, %dma_start3A_548] : memref<1x128xf32, #tpu.memory_space<vmem>> -> memref<1x128xf32, #tpu.memory_space<vmem>>
      %dma_start3A_550 = tpu.memref_squeeze %dma_start3A_549 : memref<1x128xf32, #tpu.memory_space<vmem>> -> memref<128xf32, #tpu.memory_space<vmem>>
      %dma_start3A_551 = arith.constant 0 : i32
      %dma_start3A_552 = tpu.memref_slice %arg19[%dma_start3A_546, %dma_start3A_551] : memref<8x128xi32, #tpu.memory_space<vmem>> -> memref<1x128xi32, #tpu.memory_space<vmem>>
      %dma_start3A_553 = tpu.memref_squeeze %dma_start3A_552 : memref<1x128xi32, #tpu.memory_space<vmem>> -> memref<128xi32, #tpu.memory_space<vmem>>
      %dma_start3A_554 = arith.constant 0 : i32
      %dma_start3A_555 = tpu.memref_slice %arg29[%dma_start3A_554] : memref<100352xf32, #tpu.memory_space<vmem_shared>> -> memref<100352xf32, #tpu.memory_space<vmem_shared>>
      %dma_start3A_556 = tpu.memref_slice %arg31[%dma_start3A_547] : memref<3x!tpu.dma_semaphore, #tpu.memory_space<semaphore_mem>> -> memref<1x!tpu.dma_semaphore, #tpu.memory_space<semaphore_mem>>
      %dma_start3A_557 = tpu.memref_squeeze %dma_start3A_556 : memref<1x!tpu.dma_semaphore, #tpu.memory_space<semaphore_mem>> -> memref<!tpu.dma_semaphore, #tpu.memory_space<semaphore_mem>>
      tpu.enqueue_indirect_dma source(%dma_start3A_550 : memref<128xf32, #tpu.memory_space<vmem>>) target(%dma_start3A_555 : memref<100352xf32, #tpu.memory_space<vmem_shared>>) offsets(%dma_start3A_553 : memref<128xi32, #tpu.memory_space<vmem>>) semaphore(%dma_start3A_557 : memref<!tpu.dma_semaphore, #tpu.memory_space<semaphore_mem>>) {add = true}
      %dma_start3A_558 = arith.constant 4 : i32
      %dma_start3A_559 = arith.constant 0 : i32
      %dma_start3A_560 = arith.constant 512 : i32
      %dma_start3A_561 = tpu.memref_slice %arg22[%dma_start3A_560] : memref<1024xf32, #tpu.memory_space<vmem>> -> memref<128xf32, #tpu.memory_space<vmem>>
      %dma_start3A_562 = arith.constant 0 : i32
      %dma_start3A_563 = tpu.memref_slice %arg19[%dma_start3A_558, %dma_start3A_562] : memref<8x128xi32, #tpu.memory_space<vmem>> -> memref<1x128xi32, #tpu.memory_space<vmem>>
      %dma_start3A_564 = tpu.memref_squeeze %dma_start3A_563 : memref<1x128xi32, #tpu.memory_space<vmem>> -> memref<128xi32, #tpu.memory_space<vmem>>
      %dma_start3A_565 = arith.constant 0 : i32
      %dma_start3A_566 = tpu.memref_slice %arg28[%dma_start3A_565] : memref<100352xf32, #tpu.memory_space<vmem_shared>> -> memref<100352xf32, #tpu.memory_space<vmem_shared>>
      %dma_start3A_567 = tpu.memref_slice %arg31[%dma_start3A_559] : memref<3x!tpu.dma_semaphore, #tpu.memory_space<semaphore_mem>> -> memref<1x!tpu.dma_semaphore, #tpu.memory_space<semaphore_mem>>
      %dma_start3A_568 = tpu.memref_squeeze %dma_start3A_567 : memref<1x!tpu.dma_semaphore, #tpu.memory_space<semaphore_mem>> -> memref<!tpu.dma_semaphore, #tpu.memory_space<semaphore_mem>>
      tpu.enqueue_indirect_dma source(%dma_start3A_561 : memref<128xf32, #tpu.memory_space<vmem>>) target(%dma_start3A_566 : memref<100352xf32, #tpu.memory_space<vmem_shared>>) offsets(%dma_start3A_564 : memref<128xi32, #tpu.memory_space<vmem>>) semaphore(%dma_start3A_568 : memref<!tpu.dma_semaphore, #tpu.memory_space<semaphore_mem>>) {add = true}
      %dma_start3A_569 = arith.constant 0 : i32
      %dma_start3A_570 = arith.constant 4 : i32
      %dma_start3A_571 = arith.constant 0 : i32
      %dma_start3A_572 = arith.constant 0 : i32
      %dma_start3A_573 = tpu.memref_slice %arg27[%dma_start3A_569, %dma_start3A_572] : memref<1x128xf32, #tpu.memory_space<vmem>> -> memref<1x128xf32, #tpu.memory_space<vmem>>
      %dma_start3A_574 = tpu.memref_squeeze %dma_start3A_573 : memref<1x128xf32, #tpu.memory_space<vmem>> -> memref<128xf32, #tpu.memory_space<vmem>>
      %dma_start3A_575 = arith.constant 0 : i32
      %dma_start3A_576 = tpu.memref_slice %arg19[%dma_start3A_570, %dma_start3A_575] : memref<8x128xi32, #tpu.memory_space<vmem>> -> memref<1x128xi32, #tpu.memory_space<vmem>>
      %dma_start3A_577 = tpu.memref_squeeze %dma_start3A_576 : memref<1x128xi32, #tpu.memory_space<vmem>> -> memref<128xi32, #tpu.memory_space<vmem>>
      %dma_start3A_578 = arith.constant 0 : i32
      %dma_start3A_579 = tpu.memref_slice %arg29[%dma_start3A_578] : memref<100352xf32, #tpu.memory_space<vmem_shared>> -> memref<100352xf32, #tpu.memory_space<vmem_shared>>
      %dma_start3A_580 = tpu.memref_slice %arg31[%dma_start3A_571] : memref<3x!tpu.dma_semaphore, #tpu.memory_space<semaphore_mem>> -> memref<1x!tpu.dma_semaphore, #tpu.memory_space<semaphore_mem>>
      %dma_start3A_581 = tpu.memref_squeeze %dma_start3A_580 : memref<1x!tpu.dma_semaphore, #tpu.memory_space<semaphore_mem>> -> memref<!tpu.dma_semaphore, #tpu.memory_space<semaphore_mem>>
      tpu.enqueue_indirect_dma source(%dma_start3A_574 : memref<128xf32, #tpu.memory_space<vmem>>) target(%dma_start3A_579 : memref<100352xf32, #tpu.memory_space<vmem_shared>>) offsets(%dma_start3A_577 : memref<128xi32, #tpu.memory_space<vmem>>) semaphore(%dma_start3A_581 : memref<!tpu.dma_semaphore, #tpu.memory_space<semaphore_mem>>) {add = true}
      %dma_start3A_582 = arith.constant 5 : i32
      %dma_start3A_583 = arith.constant 0 : i32
      %dma_start3A_584 = arith.constant 640 : i32
      %dma_start3A_585 = tpu.memref_slice %arg22[%dma_start3A_584] : memref<1024xf32, #tpu.memory_space<vmem>> -> memref<128xf32, #tpu.memory_space<vmem>>
      %dma_start3A_586 = arith.constant 0 : i32
      %dma_start3A_587 = tpu.memref_slice %arg19[%dma_start3A_582, %dma_start3A_586] : memref<8x128xi32, #tpu.memory_space<vmem>> -> memref<1x128xi32, #tpu.memory_space<vmem>>
      %dma_start3A_588 = tpu.memref_squeeze %dma_start3A_587 : memref<1x128xi32, #tpu.memory_space<vmem>> -> memref<128xi32, #tpu.memory_space<vmem>>
      %dma_start3A_589 = arith.constant 0 : i32
      %dma_start3A_590 = tpu.memref_slice %arg28[%dma_start3A_589] : memref<100352xf32, #tpu.memory_space<vmem_shared>> -> memref<100352xf32, #tpu.memory_space<vmem_shared>>
      %dma_start3A_591 = tpu.memref_slice %arg31[%dma_start3A_583] : memref<3x!tpu.dma_semaphore, #tpu.memory_space<semaphore_mem>> -> memref<1x!tpu.dma_semaphore, #tpu.memory_space<semaphore_mem>>
      %dma_start3A_592 = tpu.memref_squeeze %dma_start3A_591 : memref<1x!tpu.dma_semaphore, #tpu.memory_space<semaphore_mem>> -> memref<!tpu.dma_semaphore, #tpu.memory_space<semaphore_mem>>
      tpu.enqueue_indirect_dma source(%dma_start3A_585 : memref<128xf32, #tpu.memory_space<vmem>>) target(%dma_start3A_590 : memref<100352xf32, #tpu.memory_space<vmem_shared>>) offsets(%dma_start3A_588 : memref<128xi32, #tpu.memory_space<vmem>>) semaphore(%dma_start3A_592 : memref<!tpu.dma_semaphore, #tpu.memory_space<semaphore_mem>>) {add = true}
      %dma_start3A_593 = arith.constant 0 : i32
      %dma_start3A_594 = arith.constant 5 : i32
      %dma_start3A_595 = arith.constant 0 : i32
      %dma_start3A_596 = arith.constant 0 : i32
      %dma_start3A_597 = tpu.memref_slice %arg27[%dma_start3A_593, %dma_start3A_596] : memref<1x128xf32, #tpu.memory_space<vmem>> -> memref<1x128xf32, #tpu.memory_space<vmem>>
      %dma_start3A_598 = tpu.memref_squeeze %dma_start3A_597 : memref<1x128xf32, #tpu.memory_space<vmem>> -> memref<128xf32, #tpu.memory_space<vmem>>
      %dma_start3A_599 = arith.constant 0 : i32
      %dma_start3A_600 = tpu.memref_slice %arg19[%dma_start3A_594, %dma_start3A_599] : memref<8x128xi32, #tpu.memory_space<vmem>> -> memref<1x128xi32, #tpu.memory_space<vmem>>
      %dma_start3A_601 = tpu.memref_squeeze %dma_start3A_600 : memref<1x128xi32, #tpu.memory_space<vmem>> -> memref<128xi32, #tpu.memory_space<vmem>>
      %dma_start3A_602 = arith.constant 0 : i32
      %dma_start3A_603 = tpu.memref_slice %arg29[%dma_start3A_602] : memref<100352xf32, #tpu.memory_space<vmem_shared>> -> memref<100352xf32, #tpu.memory_space<vmem_shared>>
      %dma_start3A_604 = tpu.memref_slice %arg31[%dma_start3A_595] : memref<3x!tpu.dma_semaphore, #tpu.memory_space<semaphore_mem>> -> memref<1x!tpu.dma_semaphore, #tpu.memory_space<semaphore_mem>>
      %dma_start3A_605 = tpu.memref_squeeze %dma_start3A_604 : memref<1x!tpu.dma_semaphore, #tpu.memory_space<semaphore_mem>> -> memref<!tpu.dma_semaphore, #tpu.memory_space<semaphore_mem>>
      tpu.enqueue_indirect_dma source(%dma_start3A_598 : memref<128xf32, #tpu.memory_space<vmem>>) target(%dma_start3A_603 : memref<100352xf32, #tpu.memory_space<vmem_shared>>) offsets(%dma_start3A_601 : memref<128xi32, #tpu.memory_space<vmem>>) semaphore(%dma_start3A_605 : memref<!tpu.dma_semaphore, #tpu.memory_space<semaphore_mem>>) {add = true}
      %dma_start3A_606 = arith.constant 6 : i32
      %dma_start3A_607 = arith.constant 0 : i32
      %dma_start3A_608 = arith.constant 768 : i32
      %dma_start3A_609 = tpu.memref_slice %arg22[%dma_start3A_608] : memref<1024xf32, #tpu.memory_space<vmem>> -> memref<128xf32, #tpu.memory_space<vmem>>
      %dma_start3A_610 = arith.constant 0 : i32
      %dma_start3A_611 = tpu.memref_slice %arg19[%dma_start3A_606, %dma_start3A_610] : memref<8x128xi32, #tpu.memory_space<vmem>> -> memref<1x128xi32, #tpu.memory_space<vmem>>
      %dma_start3A_612 = tpu.memref_squeeze %dma_start3A_611 : memref<1x128xi32, #tpu.memory_space<vmem>> -> memref<128xi32, #tpu.memory_space<vmem>>
      %dma_start3A_613 = arith.constant 0 : i32
      %dma_start3A_614 = tpu.memref_slice %arg28[%dma_start3A_613] : memref<100352xf32, #tpu.memory_space<vmem_shared>> -> memref<100352xf32, #tpu.memory_space<vmem_shared>>
      %dma_start3A_615 = tpu.memref_slice %arg31[%dma_start3A_607] : memref<3x!tpu.dma_semaphore, #tpu.memory_space<semaphore_mem>> -> memref<1x!tpu.dma_semaphore, #tpu.memory_space<semaphore_mem>>
      %dma_start3A_616 = tpu.memref_squeeze %dma_start3A_615 : memref<1x!tpu.dma_semaphore, #tpu.memory_space<semaphore_mem>> -> memref<!tpu.dma_semaphore, #tpu.memory_space<semaphore_mem>>
      tpu.enqueue_indirect_dma source(%dma_start3A_609 : memref<128xf32, #tpu.memory_space<vmem>>) target(%dma_start3A_614 : memref<100352xf32, #tpu.memory_space<vmem_shared>>) offsets(%dma_start3A_612 : memref<128xi32, #tpu.memory_space<vmem>>) semaphore(%dma_start3A_616 : memref<!tpu.dma_semaphore, #tpu.memory_space<semaphore_mem>>) {add = true}
      %dma_start3A_617 = arith.constant 0 : i32
      %dma_start3A_618 = arith.constant 6 : i32
      %dma_start3A_619 = arith.constant 0 : i32
      %dma_start3A_620 = arith.constant 0 : i32
      %dma_start3A_621 = tpu.memref_slice %arg27[%dma_start3A_617, %dma_start3A_620] : memref<1x128xf32, #tpu.memory_space<vmem>> -> memref<1x128xf32, #tpu.memory_space<vmem>>
      %dma_start3A_622 = tpu.memref_squeeze %dma_start3A_621 : memref<1x128xf32, #tpu.memory_space<vmem>> -> memref<128xf32, #tpu.memory_space<vmem>>
      %dma_start3A_623 = arith.constant 0 : i32
      %dma_start3A_624 = tpu.memref_slice %arg19[%dma_start3A_618, %dma_start3A_623] : memref<8x128xi32, #tpu.memory_space<vmem>> -> memref<1x128xi32, #tpu.memory_space<vmem>>
      %dma_start3A_625 = tpu.memref_squeeze %dma_start3A_624 : memref<1x128xi32, #tpu.memory_space<vmem>> -> memref<128xi32, #tpu.memory_space<vmem>>
      %dma_start3A_626 = arith.constant 0 : i32
      %dma_start3A_627 = tpu.memref_slice %arg29[%dma_start3A_626] : memref<100352xf32, #tpu.memory_space<vmem_shared>> -> memref<100352xf32, #tpu.memory_space<vmem_shared>>
      %dma_start3A_628 = tpu.memref_slice %arg31[%dma_start3A_619] : memref<3x!tpu.dma_semaphore, #tpu.memory_space<semaphore_mem>> -> memref<1x!tpu.dma_semaphore, #tpu.memory_space<semaphore_mem>>
      %dma_start3A_629 = tpu.memref_squeeze %dma_start3A_628 : memref<1x!tpu.dma_semaphore, #tpu.memory_space<semaphore_mem>> -> memref<!tpu.dma_semaphore, #tpu.memory_space<semaphore_mem>>
      tpu.enqueue_indirect_dma source(%dma_start3A_622 : memref<128xf32, #tpu.memory_space<vmem>>) target(%dma_start3A_627 : memref<100352xf32, #tpu.memory_space<vmem_shared>>) offsets(%dma_start3A_625 : memref<128xi32, #tpu.memory_space<vmem>>) semaphore(%dma_start3A_629 : memref<!tpu.dma_semaphore, #tpu.memory_space<semaphore_mem>>) {add = true}
      %dma_start3A_630 = arith.constant 7 : i32
      %dma_start3A_631 = arith.constant 0 : i32
      %dma_start3A_632 = arith.constant 896 : i32
      %dma_start3A_633 = tpu.memref_slice %arg22[%dma_start3A_632] : memref<1024xf32, #tpu.memory_space<vmem>> -> memref<128xf32, #tpu.memory_space<vmem>>
      %dma_start3A_634 = arith.constant 0 : i32
      %dma_start3A_635 = tpu.memref_slice %arg19[%dma_start3A_630, %dma_start3A_634] : memref<8x128xi32, #tpu.memory_space<vmem>> -> memref<1x128xi32, #tpu.memory_space<vmem>>
      %dma_start3A_636 = tpu.memref_squeeze %dma_start3A_635 : memref<1x128xi32, #tpu.memory_space<vmem>> -> memref<128xi32, #tpu.memory_space<vmem>>
      %dma_start3A_637 = arith.constant 0 : i32
      %dma_start3A_638 = tpu.memref_slice %arg28[%dma_start3A_637] : memref<100352xf32, #tpu.memory_space<vmem_shared>> -> memref<100352xf32, #tpu.memory_space<vmem_shared>>
      %dma_start3A_639 = tpu.memref_slice %arg31[%dma_start3A_631] : memref<3x!tpu.dma_semaphore, #tpu.memory_space<semaphore_mem>> -> memref<1x!tpu.dma_semaphore, #tpu.memory_space<semaphore_mem>>
      %dma_start3A_640 = tpu.memref_squeeze %dma_start3A_639 : memref<1x!tpu.dma_semaphore, #tpu.memory_space<semaphore_mem>> -> memref<!tpu.dma_semaphore, #tpu.memory_space<semaphore_mem>>
      tpu.enqueue_indirect_dma source(%dma_start3A_633 : memref<128xf32, #tpu.memory_space<vmem>>) target(%dma_start3A_638 : memref<100352xf32, #tpu.memory_space<vmem_shared>>) offsets(%dma_start3A_636 : memref<128xi32, #tpu.memory_space<vmem>>) semaphore(%dma_start3A_640 : memref<!tpu.dma_semaphore, #tpu.memory_space<semaphore_mem>>) {add = true}
      %dma_start3A_641 = arith.constant 0 : i32
      %dma_start3A_642 = arith.constant 7 : i32
      %dma_start3A_643 = arith.constant 0 : i32
      %dma_start3A_644 = arith.constant 0 : i32
      %dma_start3A_645 = tpu.memref_slice %arg27[%dma_start3A_641, %dma_start3A_644] : memref<1x128xf32, #tpu.memory_space<vmem>> -> memref<1x128xf32, #tpu.memory_space<vmem>>
      %dma_start3A_646 = tpu.memref_squeeze %dma_start3A_645 : memref<1x128xf32, #tpu.memory_space<vmem>> -> memref<128xf32, #tpu.memory_space<vmem>>
      %dma_start3A_647 = arith.constant 0 : i32
      %dma_start3A_648 = tpu.memref_slice %arg19[%dma_start3A_642, %dma_start3A_647] : memref<8x128xi32, #tpu.memory_space<vmem>> -> memref<1x128xi32, #tpu.memory_space<vmem>>
      %dma_start3A_649 = tpu.memref_squeeze %dma_start3A_648 : memref<1x128xi32, #tpu.memory_space<vmem>> -> memref<128xi32, #tpu.memory_space<vmem>>
      %dma_start3A_650 = arith.constant 0 : i32
      %dma_start3A_651 = tpu.memref_slice %arg29[%dma_start3A_650] : memref<100352xf32, #tpu.memory_space<vmem_shared>> -> memref<100352xf32, #tpu.memory_space<vmem_shared>>
      %dma_start3A_652 = tpu.memref_slice %arg31[%dma_start3A_643] : memref<3x!tpu.dma_semaphore, #tpu.memory_space<semaphore_mem>> -> memref<1x!tpu.dma_semaphore, #tpu.memory_space<semaphore_mem>>
      %dma_start3A_653 = tpu.memref_squeeze %dma_start3A_652 : memref<1x!tpu.dma_semaphore, #tpu.memory_space<semaphore_mem>> -> memref<!tpu.dma_semaphore, #tpu.memory_space<semaphore_mem>>
      tpu.enqueue_indirect_dma source(%dma_start3A_646 : memref<128xf32, #tpu.memory_space<vmem>>) target(%dma_start3A_651 : memref<100352xf32, #tpu.memory_space<vmem_shared>>) offsets(%dma_start3A_649 : memref<128xi32, #tpu.memory_space<vmem>>) semaphore(%dma_start3A_653 : memref<!tpu.dma_semaphore, #tpu.memory_space<semaphore_mem>>) {add = true}
      %add3A_654 = arith.constant 1 : i32
      %add3A_655 = arith.addi %mul3A_424, %add3A_654 : i32
      %ge3A_656 = arith.constant 2 : i32
      %ge3A_657 = arith.cmpi sge, %add3A_655, %ge3A_656 : i32
      %convert_element_type3A_658 = arith.extui %ge3A_657 : i1 to i32
      %cond3A_659 = arith.constant 0 : i32
      %cond3A_660 = arith.cmpi ne, %convert_element_type3A_658, %cond3A_659 : i32
      scf.if %cond3A_660 {
        %dma_wait3A_1118 = arith.constant 0 : i32
        %dma_wait3A_1119 = arith.constant 2 : i32
        %dma_wait3A_1120 = arith.constant 0 : i32
        %dma_wait3A_1121 = tpu.memref_slice %arg24[%dma_wait3A_1120] : memref<1024xf32, #tpu.memory_space<vmem>> -> memref<128xf32, #tpu.memory_space<vmem>>
        %dma_wait3A_1122 = arith.constant 0 : i32
        %dma_wait3A_1123 = tpu.memref_slice %arg21[%dma_wait3A_1118, %dma_wait3A_1122] : memref<8x128xi32, #tpu.memory_space<vmem>> -> memref<1x128xi32, #tpu.memory_space<vmem>>
        %dma_wait3A_1124 = tpu.memref_squeeze %dma_wait3A_1123 : memref<1x128xi32, #tpu.memory_space<vmem>> -> memref<128xi32, #tpu.memory_space<vmem>>
        %dma_wait3A_1125 = arith.constant 0 : i32
        %dma_wait3A_1126 = tpu.memref_slice %arg28[%dma_wait3A_1125] : memref<100352xf32, #tpu.memory_space<vmem_shared>> -> memref<100352xf32, #tpu.memory_space<vmem_shared>>
        %dma_wait3A_1127 = tpu.memref_slice %arg31[%dma_wait3A_1119] : memref<3x!tpu.dma_semaphore, #tpu.memory_space<semaphore_mem>> -> memref<1x!tpu.dma_semaphore, #tpu.memory_space<semaphore_mem>>
        %dma_wait3A_1128 = tpu.memref_squeeze %dma_wait3A_1127 : memref<1x!tpu.dma_semaphore, #tpu.memory_space<semaphore_mem>> -> memref<!tpu.dma_semaphore, #tpu.memory_space<semaphore_mem>>
        tpu.wait_indirect_dma semaphore(%dma_wait3A_1128 : memref<!tpu.dma_semaphore, #tpu.memory_space<semaphore_mem>>) src(%dma_wait3A_1121 : memref<128xf32, #tpu.memory_space<vmem>>) dst(%dma_wait3A_1126 : memref<100352xf32, #tpu.memory_space<vmem_shared>>)
        %dma_wait3A_1129 = arith.constant 0 : i32
        %dma_wait3A_1130 = arith.constant 0 : i32
        %dma_wait3A_1131 = arith.constant 2 : i32
        %dma_wait3A_1132 = arith.constant 0 : i32
        %dma_wait3A_1133 = tpu.memref_slice %arg27[%dma_wait3A_1129, %dma_wait3A_1132] : memref<1x128xf32, #tpu.memory_space<vmem>> -> memref<1x128xf32, #tpu.memory_space<vmem>>
        %dma_wait3A_1134 = tpu.memref_squeeze %dma_wait3A_1133 : memref<1x128xf32, #tpu.memory_space<vmem>> -> memref<128xf32, #tpu.memory_space<vmem>>
        %dma_wait3A_1135 = arith.constant 0 : i32
        %dma_wait3A_1136 = tpu.memref_slice %arg21[%dma_wait3A_1130, %dma_wait3A_1135] : memref<8x128xi32, #tpu.memory_space<vmem>> -> memref<1x128xi32, #tpu.memory_space<vmem>>
        %dma_wait3A_1137 = tpu.memref_squeeze %dma_wait3A_1136 : memref<1x128xi32, #tpu.memory_space<vmem>> -> memref<128xi32, #tpu.memory_space<vmem>>
        %dma_wait3A_1138 = arith.constant 0 : i32
        %dma_wait3A_1139 = tpu.memref_slice %arg29[%dma_wait3A_1138] : memref<100352xf32, #tpu.memory_space<vmem_shared>> -> memref<100352xf32, #tpu.memory_space<vmem_shared>>
        %dma_wait3A_1140 = tpu.memref_slice %arg31[%dma_wait3A_1131] : memref<3x!tpu.dma_semaphore, #tpu.memory_space<semaphore_mem>> -> memref<1x!tpu.dma_semaphore, #tpu.memory_space<semaphore_mem>>
        %dma_wait3A_1141 = tpu.memref_squeeze %dma_wait3A_1140 : memref<1x!tpu.dma_semaphore, #tpu.memory_space<semaphore_mem>> -> memref<!tpu.dma_semaphore, #tpu.memory_space<semaphore_mem>>
        tpu.wait_indirect_dma semaphore(%dma_wait3A_1141 : memref<!tpu.dma_semaphore, #tpu.memory_space<semaphore_mem>>) src(%dma_wait3A_1134 : memref<128xf32, #tpu.memory_space<vmem>>) dst(%dma_wait3A_1139 : memref<100352xf32, #tpu.memory_space<vmem_shared>>)
        %dma_wait3A_1142 = arith.constant 1 : i32
        %dma_wait3A_1143 = arith.constant 2 : i32
        %dma_wait3A_1144 = arith.constant 128 : i32
        %dma_wait3A_1145 = tpu.memref_slice %arg24[%dma_wait3A_1144] : memref<1024xf32, #tpu.memory_space<vmem>> -> memref<128xf32, #tpu.memory_space<vmem>>
        %dma_wait3A_1146 = arith.constant 0 : i32
        %dma_wait3A_1147 = tpu.memref_slice %arg21[%dma_wait3A_1142, %dma_wait3A_1146] : memref<8x128xi32, #tpu.memory_space<vmem>> -> memref<1x128xi32, #tpu.memory_space<vmem>>
        %dma_wait3A_1148 = tpu.memref_squeeze %dma_wait3A_1147 : memref<1x128xi32, #tpu.memory_space<vmem>> -> memref<128xi32, #tpu.memory_space<vmem>>
        %dma_wait3A_1149 = arith.constant 0 : i32
        %dma_wait3A_1150 = tpu.memref_slice %arg28[%dma_wait3A_1149] : memref<100352xf32, #tpu.memory_space<vmem_shared>> -> memref<100352xf32, #tpu.memory_space<vmem_shared>>
        %dma_wait3A_1151 = tpu.memref_slice %arg31[%dma_wait3A_1143] : memref<3x!tpu.dma_semaphore, #tpu.memory_space<semaphore_mem>> -> memref<1x!tpu.dma_semaphore, #tpu.memory_space<semaphore_mem>>
        %dma_wait3A_1152 = tpu.memref_squeeze %dma_wait3A_1151 : memref<1x!tpu.dma_semaphore, #tpu.memory_space<semaphore_mem>> -> memref<!tpu.dma_semaphore, #tpu.memory_space<semaphore_mem>>
        tpu.wait_indirect_dma semaphore(%dma_wait3A_1152 : memref<!tpu.dma_semaphore, #tpu.memory_space<semaphore_mem>>) src(%dma_wait3A_1145 : memref<128xf32, #tpu.memory_space<vmem>>) dst(%dma_wait3A_1150 : memref<100352xf32, #tpu.memory_space<vmem_shared>>)
        %dma_wait3A_1153 = arith.constant 0 : i32
        %dma_wait3A_1154 = arith.constant 1 : i32
        %dma_wait3A_1155 = arith.constant 2 : i32
        %dma_wait3A_1156 = arith.constant 0 : i32
        %dma_wait3A_1157 = tpu.memref_slice %arg27[%dma_wait3A_1153, %dma_wait3A_1156] : memref<1x128xf32, #tpu.memory_space<vmem>> -> memref<1x128xf32, #tpu.memory_space<vmem>>
        %dma_wait3A_1158 = tpu.memref_squeeze %dma_wait3A_1157 : memref<1x128xf32, #tpu.memory_space<vmem>> -> memref<128xf32, #tpu.memory_space<vmem>>
        %dma_wait3A_1159 = arith.constant 0 : i32
        %dma_wait3A_1160 = tpu.memref_slice %arg21[%dma_wait3A_1154, %dma_wait3A_1159] : memref<8x128xi32, #tpu.memory_space<vmem>> -> memref<1x128xi32, #tpu.memory_space<vmem>>
        %dma_wait3A_1161 = tpu.memref_squeeze %dma_wait3A_1160 : memref<1x128xi32, #tpu.memory_space<vmem>> -> memref<128xi32, #tpu.memory_space<vmem>>
        %dma_wait3A_1162 = arith.constant 0 : i32
        %dma_wait3A_1163 = tpu.memref_slice %arg29[%dma_wait3A_1162] : memref<100352xf32, #tpu.memory_space<vmem_shared>> -> memref<100352xf32, #tpu.memory_space<vmem_shared>>
        %dma_wait3A_1164 = tpu.memref_slice %arg31[%dma_wait3A_1155] : memref<3x!tpu.dma_semaphore, #tpu.memory_space<semaphore_mem>> -> memref<1x!tpu.dma_semaphore, #tpu.memory_space<semaphore_mem>>
        %dma_wait3A_1165 = tpu.memref_squeeze %dma_wait3A_1164 : memref<1x!tpu.dma_semaphore, #tpu.memory_space<semaphore_mem>> -> memref<!tpu.dma_semaphore, #tpu.memory_space<semaphore_mem>>
        tpu.wait_indirect_dma semaphore(%dma_wait3A_1165 : memref<!tpu.dma_semaphore, #tpu.memory_space<semaphore_mem>>) src(%dma_wait3A_1158 : memref<128xf32, #tpu.memory_space<vmem>>) dst(%dma_wait3A_1163 : memref<100352xf32, #tpu.memory_space<vmem_shared>>)
        %dma_wait3A_1166 = arith.constant 2 : i32
        %dma_wait3A_1167 = arith.constant 2 : i32
        %dma_wait3A_1168 = arith.constant 256 : i32
        %dma_wait3A_1169 = tpu.memref_slice %arg24[%dma_wait3A_1168] : memref<1024xf32, #tpu.memory_space<vmem>> -> memref<128xf32, #tpu.memory_space<vmem>>
        %dma_wait3A_1170 = arith.constant 0 : i32
        %dma_wait3A_1171 = tpu.memref_slice %arg21[%dma_wait3A_1166, %dma_wait3A_1170] : memref<8x128xi32, #tpu.memory_space<vmem>> -> memref<1x128xi32, #tpu.memory_space<vmem>>
        %dma_wait3A_1172 = tpu.memref_squeeze %dma_wait3A_1171 : memref<1x128xi32, #tpu.memory_space<vmem>> -> memref<128xi32, #tpu.memory_space<vmem>>
        %dma_wait3A_1173 = arith.constant 0 : i32
        %dma_wait3A_1174 = tpu.memref_slice %arg28[%dma_wait3A_1173] : memref<100352xf32, #tpu.memory_space<vmem_shared>> -> memref<100352xf32, #tpu.memory_space<vmem_shared>>
        %dma_wait3A_1175 = tpu.memref_slice %arg31[%dma_wait3A_1167] : memref<3x!tpu.dma_semaphore, #tpu.memory_space<semaphore_mem>> -> memref<1x!tpu.dma_semaphore, #tpu.memory_space<semaphore_mem>>
        %dma_wait3A_1176 = tpu.memref_squeeze %dma_wait3A_1175 : memref<1x!tpu.dma_semaphore, #tpu.memory_space<semaphore_mem>> -> memref<!tpu.dma_semaphore, #tpu.memory_space<semaphore_mem>>
        tpu.wait_indirect_dma semaphore(%dma_wait3A_1176 : memref<!tpu.dma_semaphore, #tpu.memory_space<semaphore_mem>>) src(%dma_wait3A_1169 : memref<128xf32, #tpu.memory_space<vmem>>) dst(%dma_wait3A_1174 : memref<100352xf32, #tpu.memory_space<vmem_shared>>)
        %dma_wait3A_1177 = arith.constant 0 : i32
        %dma_wait3A_1178 = arith.constant 2 : i32
        %dma_wait3A_1179 = arith.constant 2 : i32
        %dma_wait3A_1180 = arith.constant 0 : i32
        %dma_wait3A_1181 = tpu.memref_slice %arg27[%dma_wait3A_1177, %dma_wait3A_1180] : memref<1x128xf32, #tpu.memory_space<vmem>> -> memref<1x128xf32, #tpu.memory_space<vmem>>
        %dma_wait3A_1182 = tpu.memref_squeeze %dma_wait3A_1181 : memref<1x128xf32, #tpu.memory_space<vmem>> -> memref<128xf32, #tpu.memory_space<vmem>>
        %dma_wait3A_1183 = arith.constant 0 : i32
        %dma_wait3A_1184 = tpu.memref_slice %arg21[%dma_wait3A_1178, %dma_wait3A_1183] : memref<8x128xi32, #tpu.memory_space<vmem>> -> memref<1x128xi32, #tpu.memory_space<vmem>>
        %dma_wait3A_1185 = tpu.memref_squeeze %dma_wait3A_1184 : memref<1x128xi32, #tpu.memory_space<vmem>> -> memref<128xi32, #tpu.memory_space<vmem>>
        %dma_wait3A_1186 = arith.constant 0 : i32
        %dma_wait3A_1187 = tpu.memref_slice %arg29[%dma_wait3A_1186] : memref<100352xf32, #tpu.memory_space<vmem_shared>> -> memref<100352xf32, #tpu.memory_space<vmem_shared>>
        %dma_wait3A_1188 = tpu.memref_slice %arg31[%dma_wait3A_1179] : memref<3x!tpu.dma_semaphore, #tpu.memory_space<semaphore_mem>> -> memref<1x!tpu.dma_semaphore, #tpu.memory_space<semaphore_mem>>
        %dma_wait3A_1189 = tpu.memref_squeeze %dma_wait3A_1188 : memref<1x!tpu.dma_semaphore, #tpu.memory_space<semaphore_mem>> -> memref<!tpu.dma_semaphore, #tpu.memory_space<semaphore_mem>>
        tpu.wait_indirect_dma semaphore(%dma_wait3A_1189 : memref<!tpu.dma_semaphore, #tpu.memory_space<semaphore_mem>>) src(%dma_wait3A_1182 : memref<128xf32, #tpu.memory_space<vmem>>) dst(%dma_wait3A_1187 : memref<100352xf32, #tpu.memory_space<vmem_shared>>)
        %dma_wait3A_1190 = arith.constant 3 : i32
        %dma_wait3A_1191 = arith.constant 2 : i32
        %dma_wait3A_1192 = arith.constant 384 : i32
        %dma_wait3A_1193 = tpu.memref_slice %arg24[%dma_wait3A_1192] : memref<1024xf32, #tpu.memory_space<vmem>> -> memref<128xf32, #tpu.memory_space<vmem>>
        %dma_wait3A_1194 = arith.constant 0 : i32
        %dma_wait3A_1195 = tpu.memref_slice %arg21[%dma_wait3A_1190, %dma_wait3A_1194] : memref<8x128xi32, #tpu.memory_space<vmem>> -> memref<1x128xi32, #tpu.memory_space<vmem>>
        %dma_wait3A_1196 = tpu.memref_squeeze %dma_wait3A_1195 : memref<1x128xi32, #tpu.memory_space<vmem>> -> memref<128xi32, #tpu.memory_space<vmem>>
        %dma_wait3A_1197 = arith.constant 0 : i32
        %dma_wait3A_1198 = tpu.memref_slice %arg28[%dma_wait3A_1197] : memref<100352xf32, #tpu.memory_space<vmem_shared>> -> memref<100352xf32, #tpu.memory_space<vmem_shared>>
        %dma_wait3A_1199 = tpu.memref_slice %arg31[%dma_wait3A_1191] : memref<3x!tpu.dma_semaphore, #tpu.memory_space<semaphore_mem>> -> memref<1x!tpu.dma_semaphore, #tpu.memory_space<semaphore_mem>>
        %dma_wait3A_1200 = tpu.memref_squeeze %dma_wait3A_1199 : memref<1x!tpu.dma_semaphore, #tpu.memory_space<semaphore_mem>> -> memref<!tpu.dma_semaphore, #tpu.memory_space<semaphore_mem>>
        tpu.wait_indirect_dma semaphore(%dma_wait3A_1200 : memref<!tpu.dma_semaphore, #tpu.memory_space<semaphore_mem>>) src(%dma_wait3A_1193 : memref<128xf32, #tpu.memory_space<vmem>>) dst(%dma_wait3A_1198 : memref<100352xf32, #tpu.memory_space<vmem_shared>>)
        %dma_wait3A_1201 = arith.constant 0 : i32
        %dma_wait3A_1202 = arith.constant 3 : i32
        %dma_wait3A_1203 = arith.constant 2 : i32
        %dma_wait3A_1204 = arith.constant 0 : i32
        %dma_wait3A_1205 = tpu.memref_slice %arg27[%dma_wait3A_1201, %dma_wait3A_1204] : memref<1x128xf32, #tpu.memory_space<vmem>> -> memref<1x128xf32, #tpu.memory_space<vmem>>
        %dma_wait3A_1206 = tpu.memref_squeeze %dma_wait3A_1205 : memref<1x128xf32, #tpu.memory_space<vmem>> -> memref<128xf32, #tpu.memory_space<vmem>>
        %dma_wait3A_1207 = arith.constant 0 : i32
        %dma_wait3A_1208 = tpu.memref_slice %arg21[%dma_wait3A_1202, %dma_wait3A_1207] : memref<8x128xi32, #tpu.memory_space<vmem>> -> memref<1x128xi32, #tpu.memory_space<vmem>>
        %dma_wait3A_1209 = tpu.memref_squeeze %dma_wait3A_1208 : memref<1x128xi32, #tpu.memory_space<vmem>> -> memref<128xi32, #tpu.memory_space<vmem>>
        %dma_wait3A_1210 = arith.constant 0 : i32
        %dma_wait3A_1211 = tpu.memref_slice %arg29[%dma_wait3A_1210] : memref<100352xf32, #tpu.memory_space<vmem_shared>> -> memref<100352xf32, #tpu.memory_space<vmem_shared>>
        %dma_wait3A_1212 = tpu.memref_slice %arg31[%dma_wait3A_1203] : memref<3x!tpu.dma_semaphore, #tpu.memory_space<semaphore_mem>> -> memref<1x!tpu.dma_semaphore, #tpu.memory_space<semaphore_mem>>
        %dma_wait3A_1213 = tpu.memref_squeeze %dma_wait3A_1212 : memref<1x!tpu.dma_semaphore, #tpu.memory_space<semaphore_mem>> -> memref<!tpu.dma_semaphore, #tpu.memory_space<semaphore_mem>>
        tpu.wait_indirect_dma semaphore(%dma_wait3A_1213 : memref<!tpu.dma_semaphore, #tpu.memory_space<semaphore_mem>>) src(%dma_wait3A_1206 : memref<128xf32, #tpu.memory_space<vmem>>) dst(%dma_wait3A_1211 : memref<100352xf32, #tpu.memory_space<vmem_shared>>)
        %dma_wait3A_1214 = arith.constant 4 : i32
        %dma_wait3A_1215 = arith.constant 2 : i32
        %dma_wait3A_1216 = arith.constant 512 : i32
        %dma_wait3A_1217 = tpu.memref_slice %arg24[%dma_wait3A_1216] : memref<1024xf32, #tpu.memory_space<vmem>> -> memref<128xf32, #tpu.memory_space<vmem>>
        %dma_wait3A_1218 = arith.constant 0 : i32
        %dma_wait3A_1219 = tpu.memref_slice %arg21[%dma_wait3A_1214, %dma_wait3A_1218] : memref<8x128xi32, #tpu.memory_space<vmem>> -> memref<1x128xi32, #tpu.memory_space<vmem>>
        %dma_wait3A_1220 = tpu.memref_squeeze %dma_wait3A_1219 : memref<1x128xi32, #tpu.memory_space<vmem>> -> memref<128xi32, #tpu.memory_space<vmem>>
        %dma_wait3A_1221 = arith.constant 0 : i32
        %dma_wait3A_1222 = tpu.memref_slice %arg28[%dma_wait3A_1221] : memref<100352xf32, #tpu.memory_space<vmem_shared>> -> memref<100352xf32, #tpu.memory_space<vmem_shared>>
        %dma_wait3A_1223 = tpu.memref_slice %arg31[%dma_wait3A_1215] : memref<3x!tpu.dma_semaphore, #tpu.memory_space<semaphore_mem>> -> memref<1x!tpu.dma_semaphore, #tpu.memory_space<semaphore_mem>>
        %dma_wait3A_1224 = tpu.memref_squeeze %dma_wait3A_1223 : memref<1x!tpu.dma_semaphore, #tpu.memory_space<semaphore_mem>> -> memref<!tpu.dma_semaphore, #tpu.memory_space<semaphore_mem>>
        tpu.wait_indirect_dma semaphore(%dma_wait3A_1224 : memref<!tpu.dma_semaphore, #tpu.memory_space<semaphore_mem>>) src(%dma_wait3A_1217 : memref<128xf32, #tpu.memory_space<vmem>>) dst(%dma_wait3A_1222 : memref<100352xf32, #tpu.memory_space<vmem_shared>>)
        %dma_wait3A_1225 = arith.constant 0 : i32
        %dma_wait3A_1226 = arith.constant 4 : i32
        %dma_wait3A_1227 = arith.constant 2 : i32
        %dma_wait3A_1228 = arith.constant 0 : i32
        %dma_wait3A_1229 = tpu.memref_slice %arg27[%dma_wait3A_1225, %dma_wait3A_1228] : memref<1x128xf32, #tpu.memory_space<vmem>> -> memref<1x128xf32, #tpu.memory_space<vmem>>
        %dma_wait3A_1230 = tpu.memref_squeeze %dma_wait3A_1229 : memref<1x128xf32, #tpu.memory_space<vmem>> -> memref<128xf32, #tpu.memory_space<vmem>>
        %dma_wait3A_1231 = arith.constant 0 : i32
        %dma_wait3A_1232 = tpu.memref_slice %arg21[%dma_wait3A_1226, %dma_wait3A_1231] : memref<8x128xi32, #tpu.memory_space<vmem>> -> memref<1x128xi32, #tpu.memory_space<vmem>>
        %dma_wait3A_1233 = tpu.memref_squeeze %dma_wait3A_1232 : memref<1x128xi32, #tpu.memory_space<vmem>> -> memref<128xi32, #tpu.memory_space<vmem>>
        %dma_wait3A_1234 = arith.constant 0 : i32
        %dma_wait3A_1235 = tpu.memref_slice %arg29[%dma_wait3A_1234] : memref<100352xf32, #tpu.memory_space<vmem_shared>> -> memref<100352xf32, #tpu.memory_space<vmem_shared>>
        %dma_wait3A_1236 = tpu.memref_slice %arg31[%dma_wait3A_1227] : memref<3x!tpu.dma_semaphore, #tpu.memory_space<semaphore_mem>> -> memref<1x!tpu.dma_semaphore, #tpu.memory_space<semaphore_mem>>
        %dma_wait3A_1237 = tpu.memref_squeeze %dma_wait3A_1236 : memref<1x!tpu.dma_semaphore, #tpu.memory_space<semaphore_mem>> -> memref<!tpu.dma_semaphore, #tpu.memory_space<semaphore_mem>>
        tpu.wait_indirect_dma semaphore(%dma_wait3A_1237 : memref<!tpu.dma_semaphore, #tpu.memory_space<semaphore_mem>>) src(%dma_wait3A_1230 : memref<128xf32, #tpu.memory_space<vmem>>) dst(%dma_wait3A_1235 : memref<100352xf32, #tpu.memory_space<vmem_shared>>)
        %dma_wait3A_1238 = arith.constant 5 : i32
        %dma_wait3A_1239 = arith.constant 2 : i32
        %dma_wait3A_1240 = arith.constant 640 : i32
        %dma_wait3A_1241 = tpu.memref_slice %arg24[%dma_wait3A_1240] : memref<1024xf32, #tpu.memory_space<vmem>> -> memref<128xf32, #tpu.memory_space<vmem>>
        %dma_wait3A_1242 = arith.constant 0 : i32
        %dma_wait3A_1243 = tpu.memref_slice %arg21[%dma_wait3A_1238, %dma_wait3A_1242] : memref<8x128xi32, #tpu.memory_space<vmem>> -> memref<1x128xi32, #tpu.memory_space<vmem>>
        %dma_wait3A_1244 = tpu.memref_squeeze %dma_wait3A_1243 : memref<1x128xi32, #tpu.memory_space<vmem>> -> memref<128xi32, #tpu.memory_space<vmem>>
        %dma_wait3A_1245 = arith.constant 0 : i32
        %dma_wait3A_1246 = tpu.memref_slice %arg28[%dma_wait3A_1245] : memref<100352xf32, #tpu.memory_space<vmem_shared>> -> memref<100352xf32, #tpu.memory_space<vmem_shared>>
        %dma_wait3A_1247 = tpu.memref_slice %arg31[%dma_wait3A_1239] : memref<3x!tpu.dma_semaphore, #tpu.memory_space<semaphore_mem>> -> memref<1x!tpu.dma_semaphore, #tpu.memory_space<semaphore_mem>>
        %dma_wait3A_1248 = tpu.memref_squeeze %dma_wait3A_1247 : memref<1x!tpu.dma_semaphore, #tpu.memory_space<semaphore_mem>> -> memref<!tpu.dma_semaphore, #tpu.memory_space<semaphore_mem>>
        tpu.wait_indirect_dma semaphore(%dma_wait3A_1248 : memref<!tpu.dma_semaphore, #tpu.memory_space<semaphore_mem>>) src(%dma_wait3A_1241 : memref<128xf32, #tpu.memory_space<vmem>>) dst(%dma_wait3A_1246 : memref<100352xf32, #tpu.memory_space<vmem_shared>>)
        %dma_wait3A_1249 = arith.constant 0 : i32
        %dma_wait3A_1250 = arith.constant 5 : i32
        %dma_wait3A_1251 = arith.constant 2 : i32
        %dma_wait3A_1252 = arith.constant 0 : i32
        %dma_wait3A_1253 = tpu.memref_slice %arg27[%dma_wait3A_1249, %dma_wait3A_1252] : memref<1x128xf32, #tpu.memory_space<vmem>> -> memref<1x128xf32, #tpu.memory_space<vmem>>
        %dma_wait3A_1254 = tpu.memref_squeeze %dma_wait3A_1253 : memref<1x128xf32, #tpu.memory_space<vmem>> -> memref<128xf32, #tpu.memory_space<vmem>>
        %dma_wait3A_1255 = arith.constant 0 : i32
        %dma_wait3A_1256 = tpu.memref_slice %arg21[%dma_wait3A_1250, %dma_wait3A_1255] : memref<8x128xi32, #tpu.memory_space<vmem>> -> memref<1x128xi32, #tpu.memory_space<vmem>>
        %dma_wait3A_1257 = tpu.memref_squeeze %dma_wait3A_1256 : memref<1x128xi32, #tpu.memory_space<vmem>> -> memref<128xi32, #tpu.memory_space<vmem>>
        %dma_wait3A_1258 = arith.constant 0 : i32
        %dma_wait3A_1259 = tpu.memref_slice %arg29[%dma_wait3A_1258] : memref<100352xf32, #tpu.memory_space<vmem_shared>> -> memref<100352xf32, #tpu.memory_space<vmem_shared>>
        %dma_wait3A_1260 = tpu.memref_slice %arg31[%dma_wait3A_1251] : memref<3x!tpu.dma_semaphore, #tpu.memory_space<semaphore_mem>> -> memref<1x!tpu.dma_semaphore, #tpu.memory_space<semaphore_mem>>
        %dma_wait3A_1261 = tpu.memref_squeeze %dma_wait3A_1260 : memref<1x!tpu.dma_semaphore, #tpu.memory_space<semaphore_mem>> -> memref<!tpu.dma_semaphore, #tpu.memory_space<semaphore_mem>>
        tpu.wait_indirect_dma semaphore(%dma_wait3A_1261 : memref<!tpu.dma_semaphore, #tpu.memory_space<semaphore_mem>>) src(%dma_wait3A_1254 : memref<128xf32, #tpu.memory_space<vmem>>) dst(%dma_wait3A_1259 : memref<100352xf32, #tpu.memory_space<vmem_shared>>)
        %dma_wait3A_1262 = arith.constant 6 : i32
        %dma_wait3A_1263 = arith.constant 2 : i32
        %dma_wait3A_1264 = arith.constant 768 : i32
        %dma_wait3A_1265 = tpu.memref_slice %arg24[%dma_wait3A_1264] : memref<1024xf32, #tpu.memory_space<vmem>> -> memref<128xf32, #tpu.memory_space<vmem>>
        %dma_wait3A_1266 = arith.constant 0 : i32
        %dma_wait3A_1267 = tpu.memref_slice %arg21[%dma_wait3A_1262, %dma_wait3A_1266] : memref<8x128xi32, #tpu.memory_space<vmem>> -> memref<1x128xi32, #tpu.memory_space<vmem>>
        %dma_wait3A_1268 = tpu.memref_squeeze %dma_wait3A_1267 : memref<1x128xi32, #tpu.memory_space<vmem>> -> memref<128xi32, #tpu.memory_space<vmem>>
        %dma_wait3A_1269 = arith.constant 0 : i32
        %dma_wait3A_1270 = tpu.memref_slice %arg28[%dma_wait3A_1269] : memref<100352xf32, #tpu.memory_space<vmem_shared>> -> memref<100352xf32, #tpu.memory_space<vmem_shared>>
        %dma_wait3A_1271 = tpu.memref_slice %arg31[%dma_wait3A_1263] : memref<3x!tpu.dma_semaphore, #tpu.memory_space<semaphore_mem>> -> memref<1x!tpu.dma_semaphore, #tpu.memory_space<semaphore_mem>>
        %dma_wait3A_1272 = tpu.memref_squeeze %dma_wait3A_1271 : memref<1x!tpu.dma_semaphore, #tpu.memory_space<semaphore_mem>> -> memref<!tpu.dma_semaphore, #tpu.memory_space<semaphore_mem>>
        tpu.wait_indirect_dma semaphore(%dma_wait3A_1272 : memref<!tpu.dma_semaphore, #tpu.memory_space<semaphore_mem>>) src(%dma_wait3A_1265 : memref<128xf32, #tpu.memory_space<vmem>>) dst(%dma_wait3A_1270 : memref<100352xf32, #tpu.memory_space<vmem_shared>>)
        %dma_wait3A_1273 = arith.constant 0 : i32
        %dma_wait3A_1274 = arith.constant 6 : i32
        %dma_wait3A_1275 = arith.constant 2 : i32
        %dma_wait3A_1276 = arith.constant 0 : i32
        %dma_wait3A_1277 = tpu.memref_slice %arg27[%dma_wait3A_1273, %dma_wait3A_1276] : memref<1x128xf32, #tpu.memory_space<vmem>> -> memref<1x128xf32, #tpu.memory_space<vmem>>
        %dma_wait3A_1278 = tpu.memref_squeeze %dma_wait3A_1277 : memref<1x128xf32, #tpu.memory_space<vmem>> -> memref<128xf32, #tpu.memory_space<vmem>>
        %dma_wait3A_1279 = arith.constant 0 : i32
        %dma_wait3A_1280 = tpu.memref_slice %arg21[%dma_wait3A_1274, %dma_wait3A_1279] : memref<8x128xi32, #tpu.memory_space<vmem>> -> memref<1x128xi32, #tpu.memory_space<vmem>>
        %dma_wait3A_1281 = tpu.memref_squeeze %dma_wait3A_1280 : memref<1x128xi32, #tpu.memory_space<vmem>> -> memref<128xi32, #tpu.memory_space<vmem>>
        %dma_wait3A_1282 = arith.constant 0 : i32
        %dma_wait3A_1283 = tpu.memref_slice %arg29[%dma_wait3A_1282] : memref<100352xf32, #tpu.memory_space<vmem_shared>> -> memref<100352xf32, #tpu.memory_space<vmem_shared>>
        %dma_wait3A_1284 = tpu.memref_slice %arg31[%dma_wait3A_1275] : memref<3x!tpu.dma_semaphore, #tpu.memory_space<semaphore_mem>> -> memref<1x!tpu.dma_semaphore, #tpu.memory_space<semaphore_mem>>
        %dma_wait3A_1285 = tpu.memref_squeeze %dma_wait3A_1284 : memref<1x!tpu.dma_semaphore, #tpu.memory_space<semaphore_mem>> -> memref<!tpu.dma_semaphore, #tpu.memory_space<semaphore_mem>>
        tpu.wait_indirect_dma semaphore(%dma_wait3A_1285 : memref<!tpu.dma_semaphore, #tpu.memory_space<semaphore_mem>>) src(%dma_wait3A_1278 : memref<128xf32, #tpu.memory_space<vmem>>) dst(%dma_wait3A_1283 : memref<100352xf32, #tpu.memory_space<vmem_shared>>)
        %dma_wait3A_1286 = arith.constant 7 : i32
        %dma_wait3A_1287 = arith.constant 2 : i32
        %dma_wait3A_1288 = arith.constant 896 : i32
        %dma_wait3A_1289 = tpu.memref_slice %arg24[%dma_wait3A_1288] : memref<1024xf32, #tpu.memory_space<vmem>> -> memref<128xf32, #tpu.memory_space<vmem>>
        %dma_wait3A_1290 = arith.constant 0 : i32
        %dma_wait3A_1291 = tpu.memref_slice %arg21[%dma_wait3A_1286, %dma_wait3A_1290] : memref<8x128xi32, #tpu.memory_space<vmem>> -> memref<1x128xi32, #tpu.memory_space<vmem>>
        %dma_wait3A_1292 = tpu.memref_squeeze %dma_wait3A_1291 : memref<1x128xi32, #tpu.memory_space<vmem>> -> memref<128xi32, #tpu.memory_space<vmem>>
        %dma_wait3A_1293 = arith.constant 0 : i32
        %dma_wait3A_1294 = tpu.memref_slice %arg28[%dma_wait3A_1293] : memref<100352xf32, #tpu.memory_space<vmem_shared>> -> memref<100352xf32, #tpu.memory_space<vmem_shared>>
        %dma_wait3A_1295 = tpu.memref_slice %arg31[%dma_wait3A_1287] : memref<3x!tpu.dma_semaphore, #tpu.memory_space<semaphore_mem>> -> memref<1x!tpu.dma_semaphore, #tpu.memory_space<semaphore_mem>>
        %dma_wait3A_1296 = tpu.memref_squeeze %dma_wait3A_1295 : memref<1x!tpu.dma_semaphore, #tpu.memory_space<semaphore_mem>> -> memref<!tpu.dma_semaphore, #tpu.memory_space<semaphore_mem>>
        tpu.wait_indirect_dma semaphore(%dma_wait3A_1296 : memref<!tpu.dma_semaphore, #tpu.memory_space<semaphore_mem>>) src(%dma_wait3A_1289 : memref<128xf32, #tpu.memory_space<vmem>>) dst(%dma_wait3A_1294 : memref<100352xf32, #tpu.memory_space<vmem_shared>>)
        %dma_wait3A_1297 = arith.constant 0 : i32
        %dma_wait3A_1298 = arith.constant 7 : i32
        %dma_wait3A_1299 = arith.constant 2 : i32
        %dma_wait3A_1300 = arith.constant 0 : i32
        %dma_wait3A_1301 = tpu.memref_slice %arg27[%dma_wait3A_1297, %dma_wait3A_1300] : memref<1x128xf32, #tpu.memory_space<vmem>> -> memref<1x128xf32, #tpu.memory_space<vmem>>
        %dma_wait3A_1302 = tpu.memref_squeeze %dma_wait3A_1301 : memref<1x128xf32, #tpu.memory_space<vmem>> -> memref<128xf32, #tpu.memory_space<vmem>>
        %dma_wait3A_1303 = arith.constant 0 : i32
        %dma_wait3A_1304 = tpu.memref_slice %arg21[%dma_wait3A_1298, %dma_wait3A_1303] : memref<8x128xi32, #tpu.memory_space<vmem>> -> memref<1x128xi32, #tpu.memory_space<vmem>>
        %dma_wait3A_1305 = tpu.memref_squeeze %dma_wait3A_1304 : memref<1x128xi32, #tpu.memory_space<vmem>> -> memref<128xi32, #tpu.memory_space<vmem>>
        %dma_wait3A_1306 = arith.constant 0 : i32
        %dma_wait3A_1307 = tpu.memref_slice %arg29[%dma_wait3A_1306] : memref<100352xf32, #tpu.memory_space<vmem_shared>> -> memref<100352xf32, #tpu.memory_space<vmem_shared>>
        %dma_wait3A_1308 = tpu.memref_slice %arg31[%dma_wait3A_1299] : memref<3x!tpu.dma_semaphore, #tpu.memory_space<semaphore_mem>> -> memref<1x!tpu.dma_semaphore, #tpu.memory_space<semaphore_mem>>
        %dma_wait3A_1309 = tpu.memref_squeeze %dma_wait3A_1308 : memref<1x!tpu.dma_semaphore, #tpu.memory_space<semaphore_mem>> -> memref<!tpu.dma_semaphore, #tpu.memory_space<semaphore_mem>>
        tpu.wait_indirect_dma semaphore(%dma_wait3A_1309 : memref<!tpu.dma_semaphore, #tpu.memory_space<semaphore_mem>>) src(%dma_wait3A_1302 : memref<128xf32, #tpu.memory_space<vmem>>) dst(%dma_wait3A_1307 : memref<100352xf32, #tpu.memory_space<vmem_shared>>)
      } else {
      }
      %add3A_661 = arith.constant 1 : i32
      %add3A_662 = arith.addi %add3A_655, %add3A_661 : i32
      %lt3A_663 = arith.constant 201 : i32
      %lt3A_664 = arith.cmpi slt, %add3A_662, %lt3A_663 : i32
      %convert_element_type3A_665 = arith.extui %lt3A_664 : i1 to i32
      %cond3A_666 = arith.constant 0 : i32
      %cond3A_667 = arith.cmpi ne, %convert_element_type3A_665, %cond3A_666 : i32
      scf.if %cond3A_667 {
        %add3A_1118 = arith.constant 1 : i32
        %add3A_1119 = arith.addi %add3A_655, %add3A_1118 : i32
        %mul3A_1120 = arith.constant 1024 : i32
        %mul3A_1121 = arith.muli %add3A_1119, %mul3A_1120 : i32
        %add3A_1122 = arith.addi %mul3A_10, %mul3A_1121 : i32
        %mul3A_1123 = arith.constant 8 : i32
        %mul3A_1124 = arith.muli %add3A_1119, %mul3A_1123 : i32
        %add3A_1125 = arith.addi %mul3A_12, %mul3A_1124 : i32
        %dma_start3A_1126 = arith.constant 2 : i32
        %dma_start3A_1127 = tpu.memref_slice %arg4[%add3A_1122] : memref<6586368xi32, #tpu.memory_space<hbm>> -> memref<1024xi32, #tpu.memory_space<hbm>>
        %dma_start3A_1128 = tpu.memref_slice %arg30[%dma_start3A_1126] : memref<3x!tpu.dma_semaphore, #tpu.memory_space<semaphore_mem>> -> memref<1x!tpu.dma_semaphore, #tpu.memory_space<semaphore_mem>>
        %dma_start3A_1129 = tpu.memref_squeeze %dma_start3A_1128 : memref<1x!tpu.dma_semaphore, #tpu.memory_space<semaphore_mem>> -> memref<!tpu.dma_semaphore, #tpu.memory_space<semaphore_mem>>
        %dma_start3A_1130 = tpu.memref_slice %arg4[%add3A_1122] : memref<6586368xi32, #tpu.memory_space<hbm>> -> memref<1024xi32, #tpu.memory_space<hbm>>
        tpu.enqueue_dma source(%dma_start3A_1130 : memref<1024xi32, #tpu.memory_space<hbm>>) target(%arg15 : memref<1024xi32, #tpu.memory_space<vmem>>) target_semaphore(%dma_start3A_1129 : memref<!tpu.dma_semaphore, #tpu.memory_space<semaphore_mem>>)
        %dma_start3A_1131 = arith.constant 2 : i32
        %dma_start3A_1132 = tpu.memref_slice %arg3[%add3A_1122] : memref<6586368xf32, #tpu.memory_space<hbm>> -> memref<1024xf32, #tpu.memory_space<hbm>>
        %dma_start3A_1133 = tpu.memref_slice %arg30[%dma_start3A_1131] : memref<3x!tpu.dma_semaphore, #tpu.memory_space<semaphore_mem>> -> memref<1x!tpu.dma_semaphore, #tpu.memory_space<semaphore_mem>>
        %dma_start3A_1134 = tpu.memref_squeeze %dma_start3A_1133 : memref<1x!tpu.dma_semaphore, #tpu.memory_space<semaphore_mem>> -> memref<!tpu.dma_semaphore, #tpu.memory_space<semaphore_mem>>
        %dma_start3A_1135 = tpu.memref_slice %arg3[%add3A_1122] : memref<6586368xf32, #tpu.memory_space<hbm>> -> memref<1024xf32, #tpu.memory_space<hbm>>
        tpu.enqueue_dma source(%dma_start3A_1135 : memref<1024xf32, #tpu.memory_space<hbm>>) target(%arg18 : memref<1024xf32, #tpu.memory_space<vmem>>) target_semaphore(%dma_start3A_1134 : memref<!tpu.dma_semaphore, #tpu.memory_space<semaphore_mem>>)
        %dma_start3A_1136 = arith.constant 2 : i32
        %dma_start3A_1137 = arith.constant 0 : i32
        %dma_start3A_1138 = tpu.memref_slice %arg5[%add3A_1125, %dma_start3A_1137] : memref<51456x128xi32, #tpu.memory_space<hbm>> -> memref<8x128xi32, #tpu.memory_space<hbm>>
        %dma_start3A_1139 = tpu.memref_slice %arg30[%dma_start3A_1136] : memref<3x!tpu.dma_semaphore, #tpu.memory_space<semaphore_mem>> -> memref<1x!tpu.dma_semaphore, #tpu.memory_space<semaphore_mem>>
        %dma_start3A_1140 = tpu.memref_squeeze %dma_start3A_1139 : memref<1x!tpu.dma_semaphore, #tpu.memory_space<semaphore_mem>> -> memref<!tpu.dma_semaphore, #tpu.memory_space<semaphore_mem>>
        %dma_start3A_1141 = arith.constant 0 : i32
        %dma_start3A_1142 = tpu.memref_slice %arg5[%add3A_1125, %dma_start3A_1141] : memref<51456x128xi32, #tpu.memory_space<hbm>> -> memref<8x128xi32, #tpu.memory_space<hbm>>
        tpu.enqueue_dma source(%dma_start3A_1142 : memref<8x128xi32, #tpu.memory_space<hbm>>) target(%arg21 : memref<8x128xi32, #tpu.memory_space<vmem>>) target_semaphore(%dma_start3A_1140 : memref<!tpu.dma_semaphore, #tpu.memory_space<semaphore_mem>>)
      } else {
      }
      %dma_wait3A_668 = arith.constant 1 : i32
      %dma_wait3A_669 = arith.constant 0 : i32
      %dma_wait3A_670 = tpu.memref_slice %arg4[%dma_wait3A_669] : memref<6586368xi32, #tpu.memory_space<hbm>> -> memref<1024xi32, #tpu.memory_space<hbm>>
      %dma_wait3A_671 = tpu.memref_slice %arg30[%dma_wait3A_668] : memref<3x!tpu.dma_semaphore, #tpu.memory_space<semaphore_mem>> -> memref<1x!tpu.dma_semaphore, #tpu.memory_space<semaphore_mem>>
      %dma_wait3A_672 = tpu.memref_squeeze %dma_wait3A_671 : memref<1x!tpu.dma_semaphore, #tpu.memory_space<semaphore_mem>> -> memref<!tpu.dma_semaphore, #tpu.memory_space<semaphore_mem>>
      %dma_wait3A_673 = arith.constant 0 : i32
      %dma_wait3A_674 = tpu.memref_slice %arg4[%dma_wait3A_673] : memref<6586368xi32, #tpu.memory_space<hbm>> -> memref<1024xi32, #tpu.memory_space<hbm>>
      tpu.wait_dma2 semaphore(%dma_wait3A_672 : memref<!tpu.dma_semaphore, #tpu.memory_space<semaphore_mem>>) src(%dma_wait3A_674 : memref<1024xi32, #tpu.memory_space<hbm>>) dst(%arg14 : memref<1024xi32, #tpu.memory_space<vmem>>)
      %dma_wait3A_675 = arith.constant 1 : i32
      %dma_wait3A_676 = arith.constant 0 : i32
      %dma_wait3A_677 = tpu.memref_slice %arg3[%dma_wait3A_676] : memref<6586368xf32, #tpu.memory_space<hbm>> -> memref<1024xf32, #tpu.memory_space<hbm>>
      %dma_wait3A_678 = tpu.memref_slice %arg30[%dma_wait3A_675] : memref<3x!tpu.dma_semaphore, #tpu.memory_space<semaphore_mem>> -> memref<1x!tpu.dma_semaphore, #tpu.memory_space<semaphore_mem>>
      %dma_wait3A_679 = tpu.memref_squeeze %dma_wait3A_678 : memref<1x!tpu.dma_semaphore, #tpu.memory_space<semaphore_mem>> -> memref<!tpu.dma_semaphore, #tpu.memory_space<semaphore_mem>>
      %dma_wait3A_680 = arith.constant 0 : i32
      %dma_wait3A_681 = tpu.memref_slice %arg3[%dma_wait3A_680] : memref<6586368xf32, #tpu.memory_space<hbm>> -> memref<1024xf32, #tpu.memory_space<hbm>>
      tpu.wait_dma2 semaphore(%dma_wait3A_679 : memref<!tpu.dma_semaphore, #tpu.memory_space<semaphore_mem>>) src(%dma_wait3A_681 : memref<1024xf32, #tpu.memory_space<hbm>>) dst(%arg17 : memref<1024xf32, #tpu.memory_space<vmem>>)
      %dma_wait3A_682 = arith.constant 1 : i32
      %dma_wait3A_683 = arith.constant 0 : i32
      %dma_wait3A_684 = arith.constant 0 : i32
      %dma_wait3A_685 = tpu.memref_slice %arg5[%dma_wait3A_683, %dma_wait3A_684] : memref<51456x128xi32, #tpu.memory_space<hbm>> -> memref<8x128xi32, #tpu.memory_space<hbm>>
      %dma_wait3A_686 = tpu.memref_slice %arg30[%dma_wait3A_682] : memref<3x!tpu.dma_semaphore, #tpu.memory_space<semaphore_mem>> -> memref<1x!tpu.dma_semaphore, #tpu.memory_space<semaphore_mem>>
      %dma_wait3A_687 = tpu.memref_squeeze %dma_wait3A_686 : memref<1x!tpu.dma_semaphore, #tpu.memory_space<semaphore_mem>> -> memref<!tpu.dma_semaphore, #tpu.memory_space<semaphore_mem>>
      %dma_wait3A_688 = arith.constant 0 : i32
      %dma_wait3A_689 = arith.constant 0 : i32
      %dma_wait3A_690 = tpu.memref_slice %arg5[%dma_wait3A_688, %dma_wait3A_689] : memref<51456x128xi32, #tpu.memory_space<hbm>> -> memref<8x128xi32, #tpu.memory_space<hbm>>
      tpu.wait_dma2 semaphore(%dma_wait3A_687 : memref<!tpu.dma_semaphore, #tpu.memory_space<semaphore_mem>>) src(%dma_wait3A_690 : memref<8x128xi32, #tpu.memory_space<hbm>>) dst(%arg20 : memref<8x128xi32, #tpu.memory_space<vmem>>)
      %parallel_loop3A_691 = arith.constant 0 : i32
      %parallel_loop3A_692 = arith.constant 64 : i32
      %parallel_loop3A_693 = arith.constant 1 : i32
      scf.for %parallel_loop3A_1118 = %parallel_loop3A_691 to %parallel_loop3A_692 step %parallel_loop3A_693  : i32 {
        %parallel_loop3A_1119 = arith.constant 16 : i32
        %parallel_loop3A_1120 = arith.muli %parallel_loop3A_1118, %parallel_loop3A_1119 : i32
        %parallel_loop3A_1121 = arith.index_cast %parallel_loop3A_1120 : i32 to index
        %parallel_loop3A_1122 = tpu.vector_load %arg14[%parallel_loop3A_1121] {strides = array<i32>} : memref<1024xi32, #tpu.memory_space<vmem>>, vector<16xi32>,
        %parallel_loop3A_1123 = tpu.vector_load_idx %arg12[%parallel_loop3A_1122] : memref<100352xf32, #tpu.memory_space<vmem>>[vector<16xi32>], vector<16xf32>,
        %parallel_loop3A_1124 = arith.constant 16 : i32
        %parallel_loop3A_1125 = arith.muli %parallel_loop3A_1118, %parallel_loop3A_1124 : i32
        %parallel_loop3A_1126 = arith.index_cast %parallel_loop3A_1125 : i32 to index
        %parallel_loop3A_1127 = tpu.vector_load %arg17[%parallel_loop3A_1126] {strides = array<i32>} : memref<1024xf32, #tpu.memory_space<vmem>>, vector<16xf32>,
        %parallel_loop3A_1128 = arith.mulf %parallel_loop3A_1123, %parallel_loop3A_1127 : vector<16xf32>
        %parallel_loop3A_1129 = arith.constant 16 : i32
        %parallel_loop3A_1130 = arith.muli %parallel_loop3A_1118, %parallel_loop3A_1129 : i32
        %parallel_loop3A_1131 = arith.index_cast %parallel_loop3A_1130 : i32 to index
        %parallel_loop3A_1132 = tpu.vector_load %arg23[%parallel_loop3A_1131] {strides = array<i32>} : memref<1024xf32, #tpu.memory_space<vmem>>, vector<16xf32>,
        tpu.vector_store %arg23[%parallel_loop3A_1131], %parallel_loop3A_1128 {strides = array<i32>} : memref<1024xf32, #tpu.memory_space<vmem>>, vector<16xf32>,
      } {sc.loop_unroll_factor = 4 : i64, sc.parallel_access}
      %dma_start3A_694 = arith.constant 0 : i32
      %dma_start3A_695 = arith.constant 1 : i32
      %dma_start3A_696 = arith.constant 0 : i32
      %dma_start3A_697 = tpu.memref_slice %arg23[%dma_start3A_696] : memref<1024xf32, #tpu.memory_space<vmem>> -> memref<128xf32, #tpu.memory_space<vmem>>
      %dma_start3A_698 = arith.constant 0 : i32
      %dma_start3A_699 = tpu.memref_slice %arg20[%dma_start3A_694, %dma_start3A_698] : memref<8x128xi32, #tpu.memory_space<vmem>> -> memref<1x128xi32, #tpu.memory_space<vmem>>
      %dma_start3A_700 = tpu.memref_squeeze %dma_start3A_699 : memref<1x128xi32, #tpu.memory_space<vmem>> -> memref<128xi32, #tpu.memory_space<vmem>>
      %dma_start3A_701 = arith.constant 0 : i32
      %dma_start3A_702 = tpu.memref_slice %arg28[%dma_start3A_701] : memref<100352xf32, #tpu.memory_space<vmem_shared>> -> memref<100352xf32, #tpu.memory_space<vmem_shared>>
      %dma_start3A_703 = tpu.memref_slice %arg31[%dma_start3A_695] : memref<3x!tpu.dma_semaphore, #tpu.memory_space<semaphore_mem>> -> memref<1x!tpu.dma_semaphore, #tpu.memory_space<semaphore_mem>>
      %dma_start3A_704 = tpu.memref_squeeze %dma_start3A_703 : memref<1x!tpu.dma_semaphore, #tpu.memory_space<semaphore_mem>> -> memref<!tpu.dma_semaphore, #tpu.memory_space<semaphore_mem>>
      tpu.enqueue_indirect_dma source(%dma_start3A_697 : memref<128xf32, #tpu.memory_space<vmem>>) target(%dma_start3A_702 : memref<100352xf32, #tpu.memory_space<vmem_shared>>) offsets(%dma_start3A_700 : memref<128xi32, #tpu.memory_space<vmem>>) semaphore(%dma_start3A_704 : memref<!tpu.dma_semaphore, #tpu.memory_space<semaphore_mem>>) {add = true}
      %dma_start3A_705 = arith.constant 0 : i32
      %dma_start3A_706 = arith.constant 0 : i32
      %dma_start3A_707 = arith.constant 1 : i32
      %dma_start3A_708 = arith.constant 0 : i32
      %dma_start3A_709 = tpu.memref_slice %arg27[%dma_start3A_705, %dma_start3A_708] : memref<1x128xf32, #tpu.memory_space<vmem>> -> memref<1x128xf32, #tpu.memory_space<vmem>>
      %dma_start3A_710 = tpu.memref_squeeze %dma_start3A_709 : memref<1x128xf32, #tpu.memory_space<vmem>> -> memref<128xf32, #tpu.memory_space<vmem>>
      %dma_start3A_711 = arith.constant 0 : i32
      %dma_start3A_712 = tpu.memref_slice %arg20[%dma_start3A_706, %dma_start3A_711] : memref<8x128xi32, #tpu.memory_space<vmem>> -> memref<1x128xi32, #tpu.memory_space<vmem>>
      %dma_start3A_713 = tpu.memref_squeeze %dma_start3A_712 : memref<1x128xi32, #tpu.memory_space<vmem>> -> memref<128xi32, #tpu.memory_space<vmem>>
      %dma_start3A_714 = arith.constant 0 : i32
      %dma_start3A_715 = tpu.memref_slice %arg29[%dma_start3A_714] : memref<100352xf32, #tpu.memory_space<vmem_shared>> -> memref<100352xf32, #tpu.memory_space<vmem_shared>>
      %dma_start3A_716 = tpu.memref_slice %arg31[%dma_start3A_707] : memref<3x!tpu.dma_semaphore, #tpu.memory_space<semaphore_mem>> -> memref<1x!tpu.dma_semaphore, #tpu.memory_space<semaphore_mem>>
      %dma_start3A_717 = tpu.memref_squeeze %dma_start3A_716 : memref<1x!tpu.dma_semaphore, #tpu.memory_space<semaphore_mem>> -> memref<!tpu.dma_semaphore, #tpu.memory_space<semaphore_mem>>
      tpu.enqueue_indirect_dma source(%dma_start3A_710 : memref<128xf32, #tpu.memory_space<vmem>>) target(%dma_start3A_715 : memref<100352xf32, #tpu.memory_space<vmem_shared>>) offsets(%dma_start3A_713 : memref<128xi32, #tpu.memory_space<vmem>>) semaphore(%dma_start3A_717 : memref<!tpu.dma_semaphore, #tpu.memory_space<semaphore_mem>>) {add = true}
      %dma_start3A_718 = arith.constant 1 : i32
      %dma_start3A_719 = arith.constant 1 : i32
      %dma_start3A_720 = arith.constant 128 : i32
      %dma_start3A_721 = tpu.memref_slice %arg23[%dma_start3A_720] : memref<1024xf32, #tpu.memory_space<vmem>> -> memref<128xf32, #tpu.memory_space<vmem>>
      %dma_start3A_722 = arith.constant 0 : i32
      %dma_start3A_723 = tpu.memref_slice %arg20[%dma_start3A_718, %dma_start3A_722] : memref<8x128xi32, #tpu.memory_space<vmem>> -> memref<1x128xi32, #tpu.memory_space<vmem>>
      %dma_start3A_724 = tpu.memref_squeeze %dma_start3A_723 : memref<1x128xi32, #tpu.memory_space<vmem>> -> memref<128xi32, #tpu.memory_space<vmem>>
      %dma_start3A_725 = arith.constant 0 : i32
      %dma_start3A_726 = tpu.memref_slice %arg28[%dma_start3A_725] : memref<100352xf32, #tpu.memory_space<vmem_shared>> -> memref<100352xf32, #tpu.memory_space<vmem_shared>>
      %dma_start3A_727 = tpu.memref_slice %arg31[%dma_start3A_719] : memref<3x!tpu.dma_semaphore, #tpu.memory_space<semaphore_mem>> -> memref<1x!tpu.dma_semaphore, #tpu.memory_space<semaphore_mem>>
      %dma_start3A_728 = tpu.memref_squeeze %dma_start3A_727 : memref<1x!tpu.dma_semaphore, #tpu.memory_space<semaphore_mem>> -> memref<!tpu.dma_semaphore, #tpu.memory_space<semaphore_mem>>
      tpu.enqueue_indirect_dma source(%dma_start3A_721 : memref<128xf32, #tpu.memory_space<vmem>>) target(%dma_start3A_726 : memref<100352xf32, #tpu.memory_space<vmem_shared>>) offsets(%dma_start3A_724 : memref<128xi32, #tpu.memory_space<vmem>>) semaphore(%dma_start3A_728 : memref<!tpu.dma_semaphore, #tpu.memory_space<semaphore_mem>>) {add = true}
      %dma_start3A_729 = arith.constant 0 : i32
      %dma_start3A_730 = arith.constant 1 : i32
      %dma_start3A_731 = arith.constant 1 : i32
      %dma_start3A_732 = arith.constant 0 : i32
      %dma_start3A_733 = tpu.memref_slice %arg27[%dma_start3A_729, %dma_start3A_732] : memref<1x128xf32, #tpu.memory_space<vmem>> -> memref<1x128xf32, #tpu.memory_space<vmem>>
      %dma_start3A_734 = tpu.memref_squeeze %dma_start3A_733 : memref<1x128xf32, #tpu.memory_space<vmem>> -> memref<128xf32, #tpu.memory_space<vmem>>
      %dma_start3A_735 = arith.constant 0 : i32
      %dma_start3A_736 = tpu.memref_slice %arg20[%dma_start3A_730, %dma_start3A_735] : memref<8x128xi32, #tpu.memory_space<vmem>> -> memref<1x128xi32, #tpu.memory_space<vmem>>
      %dma_start3A_737 = tpu.memref_squeeze %dma_start3A_736 : memref<1x128xi32, #tpu.memory_space<vmem>> -> memref<128xi32, #tpu.memory_space<vmem>>
      %dma_start3A_738 = arith.constant 0 : i32
      %dma_start3A_739 = tpu.memref_slice %arg29[%dma_start3A_738] : memref<100352xf32, #tpu.memory_space<vmem_shared>> -> memref<100352xf32, #tpu.memory_space<vmem_shared>>
      %dma_start3A_740 = tpu.memref_slice %arg31[%dma_start3A_731] : memref<3x!tpu.dma_semaphore, #tpu.memory_space<semaphore_mem>> -> memref<1x!tpu.dma_semaphore, #tpu.memory_space<semaphore_mem>>
      %dma_start3A_741 = tpu.memref_squeeze %dma_start3A_740 : memref<1x!tpu.dma_semaphore, #tpu.memory_space<semaphore_mem>> -> memref<!tpu.dma_semaphore, #tpu.memory_space<semaphore_mem>>
      tpu.enqueue_indirect_dma source(%dma_start3A_734 : memref<128xf32, #tpu.memory_space<vmem>>) target(%dma_start3A_739 : memref<100352xf32, #tpu.memory_space<vmem_shared>>) offsets(%dma_start3A_737 : memref<128xi32, #tpu.memory_space<vmem>>) semaphore(%dma_start3A_741 : memref<!tpu.dma_semaphore, #tpu.memory_space<semaphore_mem>>) {add = true}
      %dma_start3A_742 = arith.constant 2 : i32
      %dma_start3A_743 = arith.constant 1 : i32
      %dma_start3A_744 = arith.constant 256 : i32
      %dma_start3A_745 = tpu.memref_slice %arg23[%dma_start3A_744] : memref<1024xf32, #tpu.memory_space<vmem>> -> memref<128xf32, #tpu.memory_space<vmem>>
      %dma_start3A_746 = arith.constant 0 : i32
      %dma_start3A_747 = tpu.memref_slice %arg20[%dma_start3A_742, %dma_start3A_746] : memref<8x128xi32, #tpu.memory_space<vmem>> -> memref<1x128xi32, #tpu.memory_space<vmem>>
      %dma_start3A_748 = tpu.memref_squeeze %dma_start3A_747 : memref<1x128xi32, #tpu.memory_space<vmem>> -> memref<128xi32, #tpu.memory_space<vmem>>
      %dma_start3A_749 = arith.constant 0 : i32
      %dma_start3A_750 = tpu.memref_slice %arg28[%dma_start3A_749] : memref<100352xf32, #tpu.memory_space<vmem_shared>> -> memref<100352xf32, #tpu.memory_space<vmem_shared>>
      %dma_start3A_751 = tpu.memref_slice %arg31[%dma_start3A_743] : memref<3x!tpu.dma_semaphore, #tpu.memory_space<semaphore_mem>> -> memref<1x!tpu.dma_semaphore, #tpu.memory_space<semaphore_mem>>
      %dma_start3A_752 = tpu.memref_squeeze %dma_start3A_751 : memref<1x!tpu.dma_semaphore, #tpu.memory_space<semaphore_mem>> -> memref<!tpu.dma_semaphore, #tpu.memory_space<semaphore_mem>>
      tpu.enqueue_indirect_dma source(%dma_start3A_745 : memref<128xf32, #tpu.memory_space<vmem>>) target(%dma_start3A_750 : memref<100352xf32, #tpu.memory_space<vmem_shared>>) offsets(%dma_start3A_748 : memref<128xi32, #tpu.memory_space<vmem>>) semaphore(%dma_start3A_752 : memref<!tpu.dma_semaphore, #tpu.memory_space<semaphore_mem>>) {add = true}
      %dma_start3A_753 = arith.constant 0 : i32
      %dma_start3A_754 = arith.constant 2 : i32
      %dma_start3A_755 = arith.constant 1 : i32
      %dma_start3A_756 = arith.constant 0 : i32
      %dma_start3A_757 = tpu.memref_slice %arg27[%dma_start3A_753, %dma_start3A_756] : memref<1x128xf32, #tpu.memory_space<vmem>> -> memref<1x128xf32, #tpu.memory_space<vmem>>
      %dma_start3A_758 = tpu.memref_squeeze %dma_start3A_757 : memref<1x128xf32, #tpu.memory_space<vmem>> -> memref<128xf32, #tpu.memory_space<vmem>>
      %dma_start3A_759 = arith.constant 0 : i32
      %dma_start3A_760 = tpu.memref_slice %arg20[%dma_start3A_754, %dma_start3A_759] : memref<8x128xi32, #tpu.memory_space<vmem>> -> memref<1x128xi32, #tpu.memory_space<vmem>>
      %dma_start3A_761 = tpu.memref_squeeze %dma_start3A_760 : memref<1x128xi32, #tpu.memory_space<vmem>> -> memref<128xi32, #tpu.memory_space<vmem>>
      %dma_start3A_762 = arith.constant 0 : i32
      %dma_start3A_763 = tpu.memref_slice %arg29[%dma_start3A_762] : memref<100352xf32, #tpu.memory_space<vmem_shared>> -> memref<100352xf32, #tpu.memory_space<vmem_shared>>
      %dma_start3A_764 = tpu.memref_slice %arg31[%dma_start3A_755] : memref<3x!tpu.dma_semaphore, #tpu.memory_space<semaphore_mem>> -> memref<1x!tpu.dma_semaphore, #tpu.memory_space<semaphore_mem>>
      %dma_start3A_765 = tpu.memref_squeeze %dma_start3A_764 : memref<1x!tpu.dma_semaphore, #tpu.memory_space<semaphore_mem>> -> memref<!tpu.dma_semaphore, #tpu.memory_space<semaphore_mem>>
      tpu.enqueue_indirect_dma source(%dma_start3A_758 : memref<128xf32, #tpu.memory_space<vmem>>) target(%dma_start3A_763 : memref<100352xf32, #tpu.memory_space<vmem_shared>>) offsets(%dma_start3A_761 : memref<128xi32, #tpu.memory_space<vmem>>) semaphore(%dma_start3A_765 : memref<!tpu.dma_semaphore, #tpu.memory_space<semaphore_mem>>) {add = true}
      %dma_start3A_766 = arith.constant 3 : i32
      %dma_start3A_767 = arith.constant 1 : i32
      %dma_start3A_768 = arith.constant 384 : i32
      %dma_start3A_769 = tpu.memref_slice %arg23[%dma_start3A_768] : memref<1024xf32, #tpu.memory_space<vmem>> -> memref<128xf32, #tpu.memory_space<vmem>>
      %dma_start3A_770 = arith.constant 0 : i32
      %dma_start3A_771 = tpu.memref_slice %arg20[%dma_start3A_766, %dma_start3A_770] : memref<8x128xi32, #tpu.memory_space<vmem>> -> memref<1x128xi32, #tpu.memory_space<vmem>>
      %dma_start3A_772 = tpu.memref_squeeze %dma_start3A_771 : memref<1x128xi32, #tpu.memory_space<vmem>> -> memref<128xi32, #tpu.memory_space<vmem>>
      %dma_start3A_773 = arith.constant 0 : i32
      %dma_start3A_774 = tpu.memref_slice %arg28[%dma_start3A_773] : memref<100352xf32, #tpu.memory_space<vmem_shared>> -> memref<100352xf32, #tpu.memory_space<vmem_shared>>
      %dma_start3A_775 = tpu.memref_slice %arg31[%dma_start3A_767] : memref<3x!tpu.dma_semaphore, #tpu.memory_space<semaphore_mem>> -> memref<1x!tpu.dma_semaphore, #tpu.memory_space<semaphore_mem>>
      %dma_start3A_776 = tpu.memref_squeeze %dma_start3A_775 : memref<1x!tpu.dma_semaphore, #tpu.memory_space<semaphore_mem>> -> memref<!tpu.dma_semaphore, #tpu.memory_space<semaphore_mem>>
      tpu.enqueue_indirect_dma source(%dma_start3A_769 : memref<128xf32, #tpu.memory_space<vmem>>) target(%dma_start3A_774 : memref<100352xf32, #tpu.memory_space<vmem_shared>>) offsets(%dma_start3A_772 : memref<128xi32, #tpu.memory_space<vmem>>) semaphore(%dma_start3A_776 : memref<!tpu.dma_semaphore, #tpu.memory_space<semaphore_mem>>) {add = true}
      %dma_start3A_777 = arith.constant 0 : i32
      %dma_start3A_778 = arith.constant 3 : i32
      %dma_start3A_779 = arith.constant 1 : i32
      %dma_start3A_780 = arith.constant 0 : i32
      %dma_start3A_781 = tpu.memref_slice %arg27[%dma_start3A_777, %dma_start3A_780] : memref<1x128xf32, #tpu.memory_space<vmem>> -> memref<1x128xf32, #tpu.memory_space<vmem>>
      %dma_start3A_782 = tpu.memref_squeeze %dma_start3A_781 : memref<1x128xf32, #tpu.memory_space<vmem>> -> memref<128xf32, #tpu.memory_space<vmem>>
      %dma_start3A_783 = arith.constant 0 : i32
      %dma_start3A_784 = tpu.memref_slice %arg20[%dma_start3A_778, %dma_start3A_783] : memref<8x128xi32, #tpu.memory_space<vmem>> -> memref<1x128xi32, #tpu.memory_space<vmem>>
      %dma_start3A_785 = tpu.memref_squeeze %dma_start3A_784 : memref<1x128xi32, #tpu.memory_space<vmem>> -> memref<128xi32, #tpu.memory_space<vmem>>
      %dma_start3A_786 = arith.constant 0 : i32
      %dma_start3A_787 = tpu.memref_slice %arg29[%dma_start3A_786] : memref<100352xf32, #tpu.memory_space<vmem_shared>> -> memref<100352xf32, #tpu.memory_space<vmem_shared>>
      %dma_start3A_788 = tpu.memref_slice %arg31[%dma_start3A_779] : memref<3x!tpu.dma_semaphore, #tpu.memory_space<semaphore_mem>> -> memref<1x!tpu.dma_semaphore, #tpu.memory_space<semaphore_mem>>
      %dma_start3A_789 = tpu.memref_squeeze %dma_start3A_788 : memref<1x!tpu.dma_semaphore, #tpu.memory_space<semaphore_mem>> -> memref<!tpu.dma_semaphore, #tpu.memory_space<semaphore_mem>>
      tpu.enqueue_indirect_dma source(%dma_start3A_782 : memref<128xf32, #tpu.memory_space<vmem>>) target(%dma_start3A_787 : memref<100352xf32, #tpu.memory_space<vmem_shared>>) offsets(%dma_start3A_785 : memref<128xi32, #tpu.memory_space<vmem>>) semaphore(%dma_start3A_789 : memref<!tpu.dma_semaphore, #tpu.memory_space<semaphore_mem>>) {add = true}
      %dma_start3A_790 = arith.constant 4 : i32
      %dma_start3A_791 = arith.constant 1 : i32
      %dma_start3A_792 = arith.constant 512 : i32
      %dma_start3A_793 = tpu.memref_slice %arg23[%dma_start3A_792] : memref<1024xf32, #tpu.memory_space<vmem>> -> memref<128xf32, #tpu.memory_space<vmem>>
      %dma_start3A_794 = arith.constant 0 : i32
      %dma_start3A_795 = tpu.memref_slice %arg20[%dma_start3A_790, %dma_start3A_794] : memref<8x128xi32, #tpu.memory_space<vmem>> -> memref<1x128xi32, #tpu.memory_space<vmem>>
      %dma_start3A_796 = tpu.memref_squeeze %dma_start3A_795 : memref<1x128xi32, #tpu.memory_space<vmem>> -> memref<128xi32, #tpu.memory_space<vmem>>
      %dma_start3A_797 = arith.constant 0 : i32
      %dma_start3A_798 = tpu.memref_slice %arg28[%dma_start3A_797] : memref<100352xf32, #tpu.memory_space<vmem_shared>> -> memref<100352xf32, #tpu.memory_space<vmem_shared>>
      %dma_start3A_799 = tpu.memref_slice %arg31[%dma_start3A_791] : memref<3x!tpu.dma_semaphore, #tpu.memory_space<semaphore_mem>> -> memref<1x!tpu.dma_semaphore, #tpu.memory_space<semaphore_mem>>
      %dma_start3A_800 = tpu.memref_squeeze %dma_start3A_799 : memref<1x!tpu.dma_semaphore, #tpu.memory_space<semaphore_mem>> -> memref<!tpu.dma_semaphore, #tpu.memory_space<semaphore_mem>>
      tpu.enqueue_indirect_dma source(%dma_start3A_793 : memref<128xf32, #tpu.memory_space<vmem>>) target(%dma_start3A_798 : memref<100352xf32, #tpu.memory_space<vmem_shared>>) offsets(%dma_start3A_796 : memref<128xi32, #tpu.memory_space<vmem>>) semaphore(%dma_start3A_800 : memref<!tpu.dma_semaphore, #tpu.memory_space<semaphore_mem>>) {add = true}
      %dma_start3A_801 = arith.constant 0 : i32
      %dma_start3A_802 = arith.constant 4 : i32
      %dma_start3A_803 = arith.constant 1 : i32
      %dma_start3A_804 = arith.constant 0 : i32
      %dma_start3A_805 = tpu.memref_slice %arg27[%dma_start3A_801, %dma_start3A_804] : memref<1x128xf32, #tpu.memory_space<vmem>> -> memref<1x128xf32, #tpu.memory_space<vmem>>
      %dma_start3A_806 = tpu.memref_squeeze %dma_start3A_805 : memref<1x128xf32, #tpu.memory_space<vmem>> -> memref<128xf32, #tpu.memory_space<vmem>>
      %dma_start3A_807 = arith.constant 0 : i32
      %dma_start3A_808 = tpu.memref_slice %arg20[%dma_start3A_802, %dma_start3A_807] : memref<8x128xi32, #tpu.memory_space<vmem>> -> memref<1x128xi32, #tpu.memory_space<vmem>>
      %dma_start3A_809 = tpu.memref_squeeze %dma_start3A_808 : memref<1x128xi32, #tpu.memory_space<vmem>> -> memref<128xi32, #tpu.memory_space<vmem>>
      %dma_start3A_810 = arith.constant 0 : i32
      %dma_start3A_811 = tpu.memref_slice %arg29[%dma_start3A_810] : memref<100352xf32, #tpu.memory_space<vmem_shared>> -> memref<100352xf32, #tpu.memory_space<vmem_shared>>
      %dma_start3A_812 = tpu.memref_slice %arg31[%dma_start3A_803] : memref<3x!tpu.dma_semaphore, #tpu.memory_space<semaphore_mem>> -> memref<1x!tpu.dma_semaphore, #tpu.memory_space<semaphore_mem>>
      %dma_start3A_813 = tpu.memref_squeeze %dma_start3A_812 : memref<1x!tpu.dma_semaphore, #tpu.memory_space<semaphore_mem>> -> memref<!tpu.dma_semaphore, #tpu.memory_space<semaphore_mem>>
      tpu.enqueue_indirect_dma source(%dma_start3A_806 : memref<128xf32, #tpu.memory_space<vmem>>) target(%dma_start3A_811 : memref<100352xf32, #tpu.memory_space<vmem_shared>>) offsets(%dma_start3A_809 : memref<128xi32, #tpu.memory_space<vmem>>) semaphore(%dma_start3A_813 : memref<!tpu.dma_semaphore, #tpu.memory_space<semaphore_mem>>) {add = true}
      %dma_start3A_814 = arith.constant 5 : i32
      %dma_start3A_815 = arith.constant 1 : i32
      %dma_start3A_816 = arith.constant 640 : i32
      %dma_start3A_817 = tpu.memref_slice %arg23[%dma_start3A_816] : memref<1024xf32, #tpu.memory_space<vmem>> -> memref<128xf32, #tpu.memory_space<vmem>>
      %dma_start3A_818 = arith.constant 0 : i32
      %dma_start3A_819 = tpu.memref_slice %arg20[%dma_start3A_814, %dma_start3A_818] : memref<8x128xi32, #tpu.memory_space<vmem>> -> memref<1x128xi32, #tpu.memory_space<vmem>>
      %dma_start3A_820 = tpu.memref_squeeze %dma_start3A_819 : memref<1x128xi32, #tpu.memory_space<vmem>> -> memref<128xi32, #tpu.memory_space<vmem>>
      %dma_start3A_821 = arith.constant 0 : i32
      %dma_start3A_822 = tpu.memref_slice %arg28[%dma_start3A_821] : memref<100352xf32, #tpu.memory_space<vmem_shared>> -> memref<100352xf32, #tpu.memory_space<vmem_shared>>
      %dma_start3A_823 = tpu.memref_slice %arg31[%dma_start3A_815] : memref<3x!tpu.dma_semaphore, #tpu.memory_space<semaphore_mem>> -> memref<1x!tpu.dma_semaphore, #tpu.memory_space<semaphore_mem>>
      %dma_start3A_824 = tpu.memref_squeeze %dma_start3A_823 : memref<1x!tpu.dma_semaphore, #tpu.memory_space<semaphore_mem>> -> memref<!tpu.dma_semaphore, #tpu.memory_space<semaphore_mem>>
      tpu.enqueue_indirect_dma source(%dma_start3A_817 : memref<128xf32, #tpu.memory_space<vmem>>) target(%dma_start3A_822 : memref<100352xf32, #tpu.memory_space<vmem_shared>>) offsets(%dma_start3A_820 : memref<128xi32, #tpu.memory_space<vmem>>) semaphore(%dma_start3A_824 : memref<!tpu.dma_semaphore, #tpu.memory_space<semaphore_mem>>) {add = true}
      %dma_start3A_825 = arith.constant 0 : i32
      %dma_start3A_826 = arith.constant 5 : i32
      %dma_start3A_827 = arith.constant 1 : i32
      %dma_start3A_828 = arith.constant 0 : i32
      %dma_start3A_829 = tpu.memref_slice %arg27[%dma_start3A_825, %dma_start3A_828] : memref<1x128xf32, #tpu.memory_space<vmem>> -> memref<1x128xf32, #tpu.memory_space<vmem>>
      %dma_start3A_830 = tpu.memref_squeeze %dma_start3A_829 : memref<1x128xf32, #tpu.memory_space<vmem>> -> memref<128xf32, #tpu.memory_space<vmem>>
      %dma_start3A_831 = arith.constant 0 : i32
      %dma_start3A_832 = tpu.memref_slice %arg20[%dma_start3A_826, %dma_start3A_831] : memref<8x128xi32, #tpu.memory_space<vmem>> -> memref<1x128xi32, #tpu.memory_space<vmem>>
      %dma_start3A_833 = tpu.memref_squeeze %dma_start3A_832 : memref<1x128xi32, #tpu.memory_space<vmem>> -> memref<128xi32, #tpu.memory_space<vmem>>
      %dma_start3A_834 = arith.constant 0 : i32
      %dma_start3A_835 = tpu.memref_slice %arg29[%dma_start3A_834] : memref<100352xf32, #tpu.memory_space<vmem_shared>> -> memref<100352xf32, #tpu.memory_space<vmem_shared>>
      %dma_start3A_836 = tpu.memref_slice %arg31[%dma_start3A_827] : memref<3x!tpu.dma_semaphore, #tpu.memory_space<semaphore_mem>> -> memref<1x!tpu.dma_semaphore, #tpu.memory_space<semaphore_mem>>
      %dma_start3A_837 = tpu.memref_squeeze %dma_start3A_836 : memref<1x!tpu.dma_semaphore, #tpu.memory_space<semaphore_mem>> -> memref<!tpu.dma_semaphore, #tpu.memory_space<semaphore_mem>>
      tpu.enqueue_indirect_dma source(%dma_start3A_830 : memref<128xf32, #tpu.memory_space<vmem>>) target(%dma_start3A_835 : memref<100352xf32, #tpu.memory_space<vmem_shared>>) offsets(%dma_start3A_833 : memref<128xi32, #tpu.memory_space<vmem>>) semaphore(%dma_start3A_837 : memref<!tpu.dma_semaphore, #tpu.memory_space<semaphore_mem>>) {add = true}
      %dma_start3A_838 = arith.constant 6 : i32
      %dma_start3A_839 = arith.constant 1 : i32
      %dma_start3A_840 = arith.constant 768 : i32
      %dma_start3A_841 = tpu.memref_slice %arg23[%dma_start3A_840] : memref<1024xf32, #tpu.memory_space<vmem>> -> memref<128xf32, #tpu.memory_space<vmem>>
      %dma_start3A_842 = arith.constant 0 : i32
      %dma_start3A_843 = tpu.memref_slice %arg20[%dma_start3A_838, %dma_start3A_842] : memref<8x128xi32, #tpu.memory_space<vmem>> -> memref<1x128xi32, #tpu.memory_space<vmem>>
      %dma_start3A_844 = tpu.memref_squeeze %dma_start3A_843 : memref<1x128xi32, #tpu.memory_space<vmem>> -> memref<128xi32, #tpu.memory_space<vmem>>
      %dma_start3A_845 = arith.constant 0 : i32
      %dma_start3A_846 = tpu.memref_slice %arg28[%dma_start3A_845] : memref<100352xf32, #tpu.memory_space<vmem_shared>> -> memref<100352xf32, #tpu.memory_space<vmem_shared>>
      %dma_start3A_847 = tpu.memref_slice %arg31[%dma_start3A_839] : memref<3x!tpu.dma_semaphore, #tpu.memory_space<semaphore_mem>> -> memref<1x!tpu.dma_semaphore, #tpu.memory_space<semaphore_mem>>
      %dma_start3A_848 = tpu.memref_squeeze %dma_start3A_847 : memref<1x!tpu.dma_semaphore, #tpu.memory_space<semaphore_mem>> -> memref<!tpu.dma_semaphore, #tpu.memory_space<semaphore_mem>>
      tpu.enqueue_indirect_dma source(%dma_start3A_841 : memref<128xf32, #tpu.memory_space<vmem>>) target(%dma_start3A_846 : memref<100352xf32, #tpu.memory_space<vmem_shared>>) offsets(%dma_start3A_844 : memref<128xi32, #tpu.memory_space<vmem>>) semaphore(%dma_start3A_848 : memref<!tpu.dma_semaphore, #tpu.memory_space<semaphore_mem>>) {add = true}
      %dma_start3A_849 = arith.constant 0 : i32
      %dma_start3A_850 = arith.constant 6 : i32
      %dma_start3A_851 = arith.constant 1 : i32
      %dma_start3A_852 = arith.constant 0 : i32
      %dma_start3A_853 = tpu.memref_slice %arg27[%dma_start3A_849, %dma_start3A_852] : memref<1x128xf32, #tpu.memory_space<vmem>> -> memref<1x128xf32, #tpu.memory_space<vmem>>
      %dma_start3A_854 = tpu.memref_squeeze %dma_start3A_853 : memref<1x128xf32, #tpu.memory_space<vmem>> -> memref<128xf32, #tpu.memory_space<vmem>>
      %dma_start3A_855 = arith.constant 0 : i32
      %dma_start3A_856 = tpu.memref_slice %arg20[%dma_start3A_850, %dma_start3A_855] : memref<8x128xi32, #tpu.memory_space<vmem>> -> memref<1x128xi32, #tpu.memory_space<vmem>>
      %dma_start3A_857 = tpu.memref_squeeze %dma_start3A_856 : memref<1x128xi32, #tpu.memory_space<vmem>> -> memref<128xi32, #tpu.memory_space<vmem>>
      %dma_start3A_858 = arith.constant 0 : i32
      %dma_start3A_859 = tpu.memref_slice %arg29[%dma_start3A_858] : memref<100352xf32, #tpu.memory_space<vmem_shared>> -> memref<100352xf32, #tpu.memory_space<vmem_shared>>
      %dma_start3A_860 = tpu.memref_slice %arg31[%dma_start3A_851] : memref<3x!tpu.dma_semaphore, #tpu.memory_space<semaphore_mem>> -> memref<1x!tpu.dma_semaphore, #tpu.memory_space<semaphore_mem>>
      %dma_start3A_861 = tpu.memref_squeeze %dma_start3A_860 : memref<1x!tpu.dma_semaphore, #tpu.memory_space<semaphore_mem>> -> memref<!tpu.dma_semaphore, #tpu.memory_space<semaphore_mem>>
      tpu.enqueue_indirect_dma source(%dma_start3A_854 : memref<128xf32, #tpu.memory_space<vmem>>) target(%dma_start3A_859 : memref<100352xf32, #tpu.memory_space<vmem_shared>>) offsets(%dma_start3A_857 : memref<128xi32, #tpu.memory_space<vmem>>) semaphore(%dma_start3A_861 : memref<!tpu.dma_semaphore, #tpu.memory_space<semaphore_mem>>) {add = true}
      %dma_start3A_862 = arith.constant 7 : i32
      %dma_start3A_863 = arith.constant 1 : i32
      %dma_start3A_864 = arith.constant 896 : i32
      %dma_start3A_865 = tpu.memref_slice %arg23[%dma_start3A_864] : memref<1024xf32, #tpu.memory_space<vmem>> -> memref<128xf32, #tpu.memory_space<vmem>>
      %dma_start3A_866 = arith.constant 0 : i32
      %dma_start3A_867 = tpu.memref_slice %arg20[%dma_start3A_862, %dma_start3A_866] : memref<8x128xi32, #tpu.memory_space<vmem>> -> memref<1x128xi32, #tpu.memory_space<vmem>>
      %dma_start3A_868 = tpu.memref_squeeze %dma_start3A_867 : memref<1x128xi32, #tpu.memory_space<vmem>> -> memref<128xi32, #tpu.memory_space<vmem>>
      %dma_start3A_869 = arith.constant 0 : i32
      %dma_start3A_870 = tpu.memref_slice %arg28[%dma_start3A_869] : memref<100352xf32, #tpu.memory_space<vmem_shared>> -> memref<100352xf32, #tpu.memory_space<vmem_shared>>
      %dma_start3A_871 = tpu.memref_slice %arg31[%dma_start3A_863] : memref<3x!tpu.dma_semaphore, #tpu.memory_space<semaphore_mem>> -> memref<1x!tpu.dma_semaphore, #tpu.memory_space<semaphore_mem>>
      %dma_start3A_872 = tpu.memref_squeeze %dma_start3A_871 : memref<1x!tpu.dma_semaphore, #tpu.memory_space<semaphore_mem>> -> memref<!tpu.dma_semaphore, #tpu.memory_space<semaphore_mem>>
      tpu.enqueue_indirect_dma source(%dma_start3A_865 : memref<128xf32, #tpu.memory_space<vmem>>) target(%dma_start3A_870 : memref<100352xf32, #tpu.memory_space<vmem_shared>>) offsets(%dma_start3A_868 : memref<128xi32, #tpu.memory_space<vmem>>) semaphore(%dma_start3A_872 : memref<!tpu.dma_semaphore, #tpu.memory_space<semaphore_mem>>) {add = true}
      %dma_start3A_873 = arith.constant 0 : i32
      %dma_start3A_874 = arith.constant 7 : i32
      %dma_start3A_875 = arith.constant 1 : i32
      %dma_start3A_876 = arith.constant 0 : i32
      %dma_start3A_877 = tpu.memref_slice %arg27[%dma_start3A_873, %dma_start3A_876] : memref<1x128xf32, #tpu.memory_space<vmem>> -> memref<1x128xf32, #tpu.memory_space<vmem>>
      %dma_start3A_878 = tpu.memref_squeeze %dma_start3A_877 : memref<1x128xf32, #tpu.memory_space<vmem>> -> memref<128xf32, #tpu.memory_space<vmem>>
      %dma_start3A_879 = arith.constant 0 : i32
      %dma_start3A_880 = tpu.memref_slice %arg20[%dma_start3A_874, %dma_start3A_879] : memref<8x128xi32, #tpu.memory_space<vmem>> -> memref<1x128xi32, #tpu.memory_space<vmem>>
      %dma_start3A_881 = tpu.memref_squeeze %dma_start3A_880 : memref<1x128xi32, #tpu.memory_space<vmem>> -> memref<128xi32, #tpu.memory_space<vmem>>
      %dma_start3A_882 = arith.constant 0 : i32
      %dma_start3A_883 = tpu.memref_slice %arg29[%dma_start3A_882] : memref<100352xf32, #tpu.memory_space<vmem_shared>> -> memref<100352xf32, #tpu.memory_space<vmem_shared>>
      %dma_start3A_884 = tpu.memref_slice %arg31[%dma_start3A_875] : memref<3x!tpu.dma_semaphore, #tpu.memory_space<semaphore_mem>> -> memref<1x!tpu.dma_semaphore, #tpu.memory_space<semaphore_mem>>
      %dma_start3A_885 = tpu.memref_squeeze %dma_start3A_884 : memref<1x!tpu.dma_semaphore, #tpu.memory_space<semaphore_mem>> -> memref<!tpu.dma_semaphore, #tpu.memory_space<semaphore_mem>>
      tpu.enqueue_indirect_dma source(%dma_start3A_878 : memref<128xf32, #tpu.memory_space<vmem>>) target(%dma_start3A_883 : memref<100352xf32, #tpu.memory_space<vmem_shared>>) offsets(%dma_start3A_881 : memref<128xi32, #tpu.memory_space<vmem>>) semaphore(%dma_start3A_885 : memref<!tpu.dma_semaphore, #tpu.memory_space<semaphore_mem>>) {add = true}
      %add3A_886 = arith.constant 2 : i32
      %add3A_887 = arith.addi %mul3A_424, %add3A_886 : i32
      %ge3A_888 = arith.constant 2 : i32
      %ge3A_889 = arith.cmpi sge, %add3A_887, %ge3A_888 : i32
      %convert_element_type3A_890 = arith.extui %ge3A_889 : i1 to i32
      %cond3A_891 = arith.constant 0 : i32
      %cond3A_892 = arith.cmpi ne, %convert_element_type3A_890, %cond3A_891 : i32
      scf.if %cond3A_892 {
        %dma_wait3A_1118 = arith.constant 0 : i32
        %dma_wait3A_1119 = arith.constant 0 : i32
        %dma_wait3A_1120 = arith.constant 0 : i32
        %dma_wait3A_1121 = tpu.memref_slice %arg22[%dma_wait3A_1120] : memref<1024xf32, #tpu.memory_space<vmem>> -> memref<128xf32, #tpu.memory_space<vmem>>
        %dma_wait3A_1122 = arith.constant 0 : i32
        %dma_wait3A_1123 = tpu.memref_slice %arg19[%dma_wait3A_1118, %dma_wait3A_1122] : memref<8x128xi32, #tpu.memory_space<vmem>> -> memref<1x128xi32, #tpu.memory_space<vmem>>
        %dma_wait3A_1124 = tpu.memref_squeeze %dma_wait3A_1123 : memref<1x128xi32, #tpu.memory_space<vmem>> -> memref<128xi32, #tpu.memory_space<vmem>>
        %dma_wait3A_1125 = arith.constant 0 : i32
        %dma_wait3A_1126 = tpu.memref_slice %arg28[%dma_wait3A_1125] : memref<100352xf32, #tpu.memory_space<vmem_shared>> -> memref<100352xf32, #tpu.memory_space<vmem_shared>>
        %dma_wait3A_1127 = tpu.memref_slice %arg31[%dma_wait3A_1119] : memref<3x!tpu.dma_semaphore, #tpu.memory_space<semaphore_mem>> -> memref<1x!tpu.dma_semaphore, #tpu.memory_space<semaphore_mem>>
        %dma_wait3A_1128 = tpu.memref_squeeze %dma_wait3A_1127 : memref<1x!tpu.dma_semaphore, #tpu.memory_space<semaphore_mem>> -> memref<!tpu.dma_semaphore, #tpu.memory_space<semaphore_mem>>
        tpu.wait_indirect_dma semaphore(%dma_wait3A_1128 : memref<!tpu.dma_semaphore, #tpu.memory_space<semaphore_mem>>) src(%dma_wait3A_1121 : memref<128xf32, #tpu.memory_space<vmem>>) dst(%dma_wait3A_1126 : memref<100352xf32, #tpu.memory_space<vmem_shared>>)
        %dma_wait3A_1129 = arith.constant 0 : i32
        %dma_wait3A_1130 = arith.constant 0 : i32
        %dma_wait3A_1131 = arith.constant 0 : i32
        %dma_wait3A_1132 = arith.constant 0 : i32
        %dma_wait3A_1133 = tpu.memref_slice %arg27[%dma_wait3A_1129, %dma_wait3A_1132] : memref<1x128xf32, #tpu.memory_space<vmem>> -> memref<1x128xf32, #tpu.memory_space<vmem>>
        %dma_wait3A_1134 = tpu.memref_squeeze %dma_wait3A_1133 : memref<1x128xf32, #tpu.memory_space<vmem>> -> memref<128xf32, #tpu.memory_space<vmem>>
        %dma_wait3A_1135 = arith.constant 0 : i32
        %dma_wait3A_1136 = tpu.memref_slice %arg19[%dma_wait3A_1130, %dma_wait3A_1135] : memref<8x128xi32, #tpu.memory_space<vmem>> -> memref<1x128xi32, #tpu.memory_space<vmem>>
        %dma_wait3A_1137 = tpu.memref_squeeze %dma_wait3A_1136 : memref<1x128xi32, #tpu.memory_space<vmem>> -> memref<128xi32, #tpu.memory_space<vmem>>
        %dma_wait3A_1138 = arith.constant 0 : i32
        %dma_wait3A_1139 = tpu.memref_slice %arg29[%dma_wait3A_1138] : memref<100352xf32, #tpu.memory_space<vmem_shared>> -> memref<100352xf32, #tpu.memory_space<vmem_shared>>
        %dma_wait3A_1140 = tpu.memref_slice %arg31[%dma_wait3A_1131] : memref<3x!tpu.dma_semaphore, #tpu.memory_space<semaphore_mem>> -> memref<1x!tpu.dma_semaphore, #tpu.memory_space<semaphore_mem>>
        %dma_wait3A_1141 = tpu.memref_squeeze %dma_wait3A_1140 : memref<1x!tpu.dma_semaphore, #tpu.memory_space<semaphore_mem>> -> memref<!tpu.dma_semaphore, #tpu.memory_space<semaphore_mem>>
        tpu.wait_indirect_dma semaphore(%dma_wait3A_1141 : memref<!tpu.dma_semaphore, #tpu.memory_space<semaphore_mem>>) src(%dma_wait3A_1134 : memref<128xf32, #tpu.memory_space<vmem>>) dst(%dma_wait3A_1139 : memref<100352xf32, #tpu.memory_space<vmem_shared>>)
        %dma_wait3A_1142 = arith.constant 1 : i32
        %dma_wait3A_1143 = arith.constant 0 : i32
        %dma_wait3A_1144 = arith.constant 128 : i32
        %dma_wait3A_1145 = tpu.memref_slice %arg22[%dma_wait3A_1144] : memref<1024xf32, #tpu.memory_space<vmem>> -> memref<128xf32, #tpu.memory_space<vmem>>
        %dma_wait3A_1146 = arith.constant 0 : i32
        %dma_wait3A_1147 = tpu.memref_slice %arg19[%dma_wait3A_1142, %dma_wait3A_1146] : memref<8x128xi32, #tpu.memory_space<vmem>> -> memref<1x128xi32, #tpu.memory_space<vmem>>
        %dma_wait3A_1148 = tpu.memref_squeeze %dma_wait3A_1147 : memref<1x128xi32, #tpu.memory_space<vmem>> -> memref<128xi32, #tpu.memory_space<vmem>>
        %dma_wait3A_1149 = arith.constant 0 : i32
        %dma_wait3A_1150 = tpu.memref_slice %arg28[%dma_wait3A_1149] : memref<100352xf32, #tpu.memory_space<vmem_shared>> -> memref<100352xf32, #tpu.memory_space<vmem_shared>>
        %dma_wait3A_1151 = tpu.memref_slice %arg31[%dma_wait3A_1143] : memref<3x!tpu.dma_semaphore, #tpu.memory_space<semaphore_mem>> -> memref<1x!tpu.dma_semaphore, #tpu.memory_space<semaphore_mem>>
        %dma_wait3A_1152 = tpu.memref_squeeze %dma_wait3A_1151 : memref<1x!tpu.dma_semaphore, #tpu.memory_space<semaphore_mem>> -> memref<!tpu.dma_semaphore, #tpu.memory_space<semaphore_mem>>
        tpu.wait_indirect_dma semaphore(%dma_wait3A_1152 : memref<!tpu.dma_semaphore, #tpu.memory_space<semaphore_mem>>) src(%dma_wait3A_1145 : memref<128xf32, #tpu.memory_space<vmem>>) dst(%dma_wait3A_1150 : memref<100352xf32, #tpu.memory_space<vmem_shared>>)
        %dma_wait3A_1153 = arith.constant 0 : i32
        %dma_wait3A_1154 = arith.constant 1 : i32
        %dma_wait3A_1155 = arith.constant 0 : i32
        %dma_wait3A_1156 = arith.constant 0 : i32
        %dma_wait3A_1157 = tpu.memref_slice %arg27[%dma_wait3A_1153, %dma_wait3A_1156] : memref<1x128xf32, #tpu.memory_space<vmem>> -> memref<1x128xf32, #tpu.memory_space<vmem>>
        %dma_wait3A_1158 = tpu.memref_squeeze %dma_wait3A_1157 : memref<1x128xf32, #tpu.memory_space<vmem>> -> memref<128xf32, #tpu.memory_space<vmem>>
        %dma_wait3A_1159 = arith.constant 0 : i32
        %dma_wait3A_1160 = tpu.memref_slice %arg19[%dma_wait3A_1154, %dma_wait3A_1159] : memref<8x128xi32, #tpu.memory_space<vmem>> -> memref<1x128xi32, #tpu.memory_space<vmem>>
        %dma_wait3A_1161 = tpu.memref_squeeze %dma_wait3A_1160 : memref<1x128xi32, #tpu.memory_space<vmem>> -> memref<128xi32, #tpu.memory_space<vmem>>
        %dma_wait3A_1162 = arith.constant 0 : i32
        %dma_wait3A_1163 = tpu.memref_slice %arg29[%dma_wait3A_1162] : memref<100352xf32, #tpu.memory_space<vmem_shared>> -> memref<100352xf32, #tpu.memory_space<vmem_shared>>
        %dma_wait3A_1164 = tpu.memref_slice %arg31[%dma_wait3A_1155] : memref<3x!tpu.dma_semaphore, #tpu.memory_space<semaphore_mem>> -> memref<1x!tpu.dma_semaphore, #tpu.memory_space<semaphore_mem>>
        %dma_wait3A_1165 = tpu.memref_squeeze %dma_wait3A_1164 : memref<1x!tpu.dma_semaphore, #tpu.memory_space<semaphore_mem>> -> memref<!tpu.dma_semaphore, #tpu.memory_space<semaphore_mem>>
        tpu.wait_indirect_dma semaphore(%dma_wait3A_1165 : memref<!tpu.dma_semaphore, #tpu.memory_space<semaphore_mem>>) src(%dma_wait3A_1158 : memref<128xf32, #tpu.memory_space<vmem>>) dst(%dma_wait3A_1163 : memref<100352xf32, #tpu.memory_space<vmem_shared>>)
        %dma_wait3A_1166 = arith.constant 2 : i32
        %dma_wait3A_1167 = arith.constant 0 : i32
        %dma_wait3A_1168 = arith.constant 256 : i32
        %dma_wait3A_1169 = tpu.memref_slice %arg22[%dma_wait3A_1168] : memref<1024xf32, #tpu.memory_space<vmem>> -> memref<128xf32, #tpu.memory_space<vmem>>
        %dma_wait3A_1170 = arith.constant 0 : i32
        %dma_wait3A_1171 = tpu.memref_slice %arg19[%dma_wait3A_1166, %dma_wait3A_1170] : memref<8x128xi32, #tpu.memory_space<vmem>> -> memref<1x128xi32, #tpu.memory_space<vmem>>
        %dma_wait3A_1172 = tpu.memref_squeeze %dma_wait3A_1171 : memref<1x128xi32, #tpu.memory_space<vmem>> -> memref<128xi32, #tpu.memory_space<vmem>>
        %dma_wait3A_1173 = arith.constant 0 : i32
        %dma_wait3A_1174 = tpu.memref_slice %arg28[%dma_wait3A_1173] : memref<100352xf32, #tpu.memory_space<vmem_shared>> -> memref<100352xf32, #tpu.memory_space<vmem_shared>>
        %dma_wait3A_1175 = tpu.memref_slice %arg31[%dma_wait3A_1167] : memref<3x!tpu.dma_semaphore, #tpu.memory_space<semaphore_mem>> -> memref<1x!tpu.dma_semaphore, #tpu.memory_space<semaphore_mem>>
        %dma_wait3A_1176 = tpu.memref_squeeze %dma_wait3A_1175 : memref<1x!tpu.dma_semaphore, #tpu.memory_space<semaphore_mem>> -> memref<!tpu.dma_semaphore, #tpu.memory_space<semaphore_mem>>
        tpu.wait_indirect_dma semaphore(%dma_wait3A_1176 : memref<!tpu.dma_semaphore, #tpu.memory_space<semaphore_mem>>) src(%dma_wait3A_1169 : memref<128xf32, #tpu.memory_space<vmem>>) dst(%dma_wait3A_1174 : memref<100352xf32, #tpu.memory_space<vmem_shared>>)
        %dma_wait3A_1177 = arith.constant 0 : i32
        %dma_wait3A_1178 = arith.constant 2 : i32
        %dma_wait3A_1179 = arith.constant 0 : i32
        %dma_wait3A_1180 = arith.constant 0 : i32
        %dma_wait3A_1181 = tpu.memref_slice %arg27[%dma_wait3A_1177, %dma_wait3A_1180] : memref<1x128xf32, #tpu.memory_space<vmem>> -> memref<1x128xf32, #tpu.memory_space<vmem>>
        %dma_wait3A_1182 = tpu.memref_squeeze %dma_wait3A_1181 : memref<1x128xf32, #tpu.memory_space<vmem>> -> memref<128xf32, #tpu.memory_space<vmem>>
        %dma_wait3A_1183 = arith.constant 0 : i32
        %dma_wait3A_1184 = tpu.memref_slice %arg19[%dma_wait3A_1178, %dma_wait3A_1183] : memref<8x128xi32, #tpu.memory_space<vmem>> -> memref<1x128xi32, #tpu.memory_space<vmem>>
        %dma_wait3A_1185 = tpu.memref_squeeze %dma_wait3A_1184 : memref<1x128xi32, #tpu.memory_space<vmem>> -> memref<128xi32, #tpu.memory_space<vmem>>
        %dma_wait3A_1186 = arith.constant 0 : i32
        %dma_wait3A_1187 = tpu.memref_slice %arg29[%dma_wait3A_1186] : memref<100352xf32, #tpu.memory_space<vmem_shared>> -> memref<100352xf32, #tpu.memory_space<vmem_shared>>
        %dma_wait3A_1188 = tpu.memref_slice %arg31[%dma_wait3A_1179] : memref<3x!tpu.dma_semaphore, #tpu.memory_space<semaphore_mem>> -> memref<1x!tpu.dma_semaphore, #tpu.memory_space<semaphore_mem>>
        %dma_wait3A_1189 = tpu.memref_squeeze %dma_wait3A_1188 : memref<1x!tpu.dma_semaphore, #tpu.memory_space<semaphore_mem>> -> memref<!tpu.dma_semaphore, #tpu.memory_space<semaphore_mem>>
        tpu.wait_indirect_dma semaphore(%dma_wait3A_1189 : memref<!tpu.dma_semaphore, #tpu.memory_space<semaphore_mem>>) src(%dma_wait3A_1182 : memref<128xf32, #tpu.memory_space<vmem>>) dst(%dma_wait3A_1187 : memref<100352xf32, #tpu.memory_space<vmem_shared>>)
        %dma_wait3A_1190 = arith.constant 3 : i32
        %dma_wait3A_1191 = arith.constant 0 : i32
        %dma_wait3A_1192 = arith.constant 384 : i32
        %dma_wait3A_1193 = tpu.memref_slice %arg22[%dma_wait3A_1192] : memref<1024xf32, #tpu.memory_space<vmem>> -> memref<128xf32, #tpu.memory_space<vmem>>
        %dma_wait3A_1194 = arith.constant 0 : i32
        %dma_wait3A_1195 = tpu.memref_slice %arg19[%dma_wait3A_1190, %dma_wait3A_1194] : memref<8x128xi32, #tpu.memory_space<vmem>> -> memref<1x128xi32, #tpu.memory_space<vmem>>
        %dma_wait3A_1196 = tpu.memref_squeeze %dma_wait3A_1195 : memref<1x128xi32, #tpu.memory_space<vmem>> -> memref<128xi32, #tpu.memory_space<vmem>>
        %dma_wait3A_1197 = arith.constant 0 : i32
        %dma_wait3A_1198 = tpu.memref_slice %arg28[%dma_wait3A_1197] : memref<100352xf32, #tpu.memory_space<vmem_shared>> -> memref<100352xf32, #tpu.memory_space<vmem_shared>>
        %dma_wait3A_1199 = tpu.memref_slice %arg31[%dma_wait3A_1191] : memref<3x!tpu.dma_semaphore, #tpu.memory_space<semaphore_mem>> -> memref<1x!tpu.dma_semaphore, #tpu.memory_space<semaphore_mem>>
        %dma_wait3A_1200 = tpu.memref_squeeze %dma_wait3A_1199 : memref<1x!tpu.dma_semaphore, #tpu.memory_space<semaphore_mem>> -> memref<!tpu.dma_semaphore, #tpu.memory_space<semaphore_mem>>
        tpu.wait_indirect_dma semaphore(%dma_wait3A_1200 : memref<!tpu.dma_semaphore, #tpu.memory_space<semaphore_mem>>) src(%dma_wait3A_1193 : memref<128xf32, #tpu.memory_space<vmem>>) dst(%dma_wait3A_1198 : memref<100352xf32, #tpu.memory_space<vmem_shared>>)
        %dma_wait3A_1201 = arith.constant 0 : i32
        %dma_wait3A_1202 = arith.constant 3 : i32
        %dma_wait3A_1203 = arith.constant 0 : i32
        %dma_wait3A_1204 = arith.constant 0 : i32
        %dma_wait3A_1205 = tpu.memref_slice %arg27[%dma_wait3A_1201, %dma_wait3A_1204] : memref<1x128xf32, #tpu.memory_space<vmem>> -> memref<1x128xf32, #tpu.memory_space<vmem>>
        %dma_wait3A_1206 = tpu.memref_squeeze %dma_wait3A_1205 : memref<1x128xf32, #tpu.memory_space<vmem>> -> memref<128xf32, #tpu.memory_space<vmem>>
        %dma_wait3A_1207 = arith.constant 0 : i32
        %dma_wait3A_1208 = tpu.memref_slice %arg19[%dma_wait3A_1202, %dma_wait3A_1207] : memref<8x128xi32, #tpu.memory_space<vmem>> -> memref<1x128xi32, #tpu.memory_space<vmem>>
        %dma_wait3A_1209 = tpu.memref_squeeze %dma_wait3A_1208 : memref<1x128xi32, #tpu.memory_space<vmem>> -> memref<128xi32, #tpu.memory_space<vmem>>
        %dma_wait3A_1210 = arith.constant 0 : i32
        %dma_wait3A_1211 = tpu.memref_slice %arg29[%dma_wait3A_1210] : memref<100352xf32, #tpu.memory_space<vmem_shared>> -> memref<100352xf32, #tpu.memory_space<vmem_shared>>
        %dma_wait3A_1212 = tpu.memref_slice %arg31[%dma_wait3A_1203] : memref<3x!tpu.dma_semaphore, #tpu.memory_space<semaphore_mem>> -> memref<1x!tpu.dma_semaphore, #tpu.memory_space<semaphore_mem>>
        %dma_wait3A_1213 = tpu.memref_squeeze %dma_wait3A_1212 : memref<1x!tpu.dma_semaphore, #tpu.memory_space<semaphore_mem>> -> memref<!tpu.dma_semaphore, #tpu.memory_space<semaphore_mem>>
        tpu.wait_indirect_dma semaphore(%dma_wait3A_1213 : memref<!tpu.dma_semaphore, #tpu.memory_space<semaphore_mem>>) src(%dma_wait3A_1206 : memref<128xf32, #tpu.memory_space<vmem>>) dst(%dma_wait3A_1211 : memref<100352xf32, #tpu.memory_space<vmem_shared>>)
        %dma_wait3A_1214 = arith.constant 4 : i32
        %dma_wait3A_1215 = arith.constant 0 : i32
        %dma_wait3A_1216 = arith.constant 512 : i32
        %dma_wait3A_1217 = tpu.memref_slice %arg22[%dma_wait3A_1216] : memref<1024xf32, #tpu.memory_space<vmem>> -> memref<128xf32, #tpu.memory_space<vmem>>
        %dma_wait3A_1218 = arith.constant 0 : i32
        %dma_wait3A_1219 = tpu.memref_slice %arg19[%dma_wait3A_1214, %dma_wait3A_1218] : memref<8x128xi32, #tpu.memory_space<vmem>> -> memref<1x128xi32, #tpu.memory_space<vmem>>
        %dma_wait3A_1220 = tpu.memref_squeeze %dma_wait3A_1219 : memref<1x128xi32, #tpu.memory_space<vmem>> -> memref<128xi32, #tpu.memory_space<vmem>>
        %dma_wait3A_1221 = arith.constant 0 : i32
        %dma_wait3A_1222 = tpu.memref_slice %arg28[%dma_wait3A_1221] : memref<100352xf32, #tpu.memory_space<vmem_shared>> -> memref<100352xf32, #tpu.memory_space<vmem_shared>>
        %dma_wait3A_1223 = tpu.memref_slice %arg31[%dma_wait3A_1215] : memref<3x!tpu.dma_semaphore, #tpu.memory_space<semaphore_mem>> -> memref<1x!tpu.dma_semaphore, #tpu.memory_space<semaphore_mem>>
        %dma_wait3A_1224 = tpu.memref_squeeze %dma_wait3A_1223 : memref<1x!tpu.dma_semaphore, #tpu.memory_space<semaphore_mem>> -> memref<!tpu.dma_semaphore, #tpu.memory_space<semaphore_mem>>
        tpu.wait_indirect_dma semaphore(%dma_wait3A_1224 : memref<!tpu.dma_semaphore, #tpu.memory_space<semaphore_mem>>) src(%dma_wait3A_1217 : memref<128xf32, #tpu.memory_space<vmem>>) dst(%dma_wait3A_1222 : memref<100352xf32, #tpu.memory_space<vmem_shared>>)
        %dma_wait3A_1225 = arith.constant 0 : i32
        %dma_wait3A_1226 = arith.constant 4 : i32
        %dma_wait3A_1227 = arith.constant 0 : i32
        %dma_wait3A_1228 = arith.constant 0 : i32
        %dma_wait3A_1229 = tpu.memref_slice %arg27[%dma_wait3A_1225, %dma_wait3A_1228] : memref<1x128xf32, #tpu.memory_space<vmem>> -> memref<1x128xf32, #tpu.memory_space<vmem>>
        %dma_wait3A_1230 = tpu.memref_squeeze %dma_wait3A_1229 : memref<1x128xf32, #tpu.memory_space<vmem>> -> memref<128xf32, #tpu.memory_space<vmem>>
        %dma_wait3A_1231 = arith.constant 0 : i32
        %dma_wait3A_1232 = tpu.memref_slice %arg19[%dma_wait3A_1226, %dma_wait3A_1231] : memref<8x128xi32, #tpu.memory_space<vmem>> -> memref<1x128xi32, #tpu.memory_space<vmem>>
        %dma_wait3A_1233 = tpu.memref_squeeze %dma_wait3A_1232 : memref<1x128xi32, #tpu.memory_space<vmem>> -> memref<128xi32, #tpu.memory_space<vmem>>
        %dma_wait3A_1234 = arith.constant 0 : i32
        %dma_wait3A_1235 = tpu.memref_slice %arg29[%dma_wait3A_1234] : memref<100352xf32, #tpu.memory_space<vmem_shared>> -> memref<100352xf32, #tpu.memory_space<vmem_shared>>
        %dma_wait3A_1236 = tpu.memref_slice %arg31[%dma_wait3A_1227] : memref<3x!tpu.dma_semaphore, #tpu.memory_space<semaphore_mem>> -> memref<1x!tpu.dma_semaphore, #tpu.memory_space<semaphore_mem>>
        %dma_wait3A_1237 = tpu.memref_squeeze %dma_wait3A_1236 : memref<1x!tpu.dma_semaphore, #tpu.memory_space<semaphore_mem>> -> memref<!tpu.dma_semaphore, #tpu.memory_space<semaphore_mem>>
        tpu.wait_indirect_dma semaphore(%dma_wait3A_1237 : memref<!tpu.dma_semaphore, #tpu.memory_space<semaphore_mem>>) src(%dma_wait3A_1230 : memref<128xf32, #tpu.memory_space<vmem>>) dst(%dma_wait3A_1235 : memref<100352xf32, #tpu.memory_space<vmem_shared>>)
        %dma_wait3A_1238 = arith.constant 5 : i32
        %dma_wait3A_1239 = arith.constant 0 : i32
        %dma_wait3A_1240 = arith.constant 640 : i32
        %dma_wait3A_1241 = tpu.memref_slice %arg22[%dma_wait3A_1240] : memref<1024xf32, #tpu.memory_space<vmem>> -> memref<128xf32, #tpu.memory_space<vmem>>
        %dma_wait3A_1242 = arith.constant 0 : i32
        %dma_wait3A_1243 = tpu.memref_slice %arg19[%dma_wait3A_1238, %dma_wait3A_1242] : memref<8x128xi32, #tpu.memory_space<vmem>> -> memref<1x128xi32, #tpu.memory_space<vmem>>
        %dma_wait3A_1244 = tpu.memref_squeeze %dma_wait3A_1243 : memref<1x128xi32, #tpu.memory_space<vmem>> -> memref<128xi32, #tpu.memory_space<vmem>>
        %dma_wait3A_1245 = arith.constant 0 : i32
        %dma_wait3A_1246 = tpu.memref_slice %arg28[%dma_wait3A_1245] : memref<100352xf32, #tpu.memory_space<vmem_shared>> -> memref<100352xf32, #tpu.memory_space<vmem_shared>>
        %dma_wait3A_1247 = tpu.memref_slice %arg31[%dma_wait3A_1239] : memref<3x!tpu.dma_semaphore, #tpu.memory_space<semaphore_mem>> -> memref<1x!tpu.dma_semaphore, #tpu.memory_space<semaphore_mem>>
        %dma_wait3A_1248 = tpu.memref_squeeze %dma_wait3A_1247 : memref<1x!tpu.dma_semaphore, #tpu.memory_space<semaphore_mem>> -> memref<!tpu.dma_semaphore, #tpu.memory_space<semaphore_mem>>
        tpu.wait_indirect_dma semaphore(%dma_wait3A_1248 : memref<!tpu.dma_semaphore, #tpu.memory_space<semaphore_mem>>) src(%dma_wait3A_1241 : memref<128xf32, #tpu.memory_space<vmem>>) dst(%dma_wait3A_1246 : memref<100352xf32, #tpu.memory_space<vmem_shared>>)
        %dma_wait3A_1249 = arith.constant 0 : i32
        %dma_wait3A_1250 = arith.constant 5 : i32
        %dma_wait3A_1251 = arith.constant 0 : i32
        %dma_wait3A_1252 = arith.constant 0 : i32
        %dma_wait3A_1253 = tpu.memref_slice %arg27[%dma_wait3A_1249, %dma_wait3A_1252] : memref<1x128xf32, #tpu.memory_space<vmem>> -> memref<1x128xf32, #tpu.memory_space<vmem>>
        %dma_wait3A_1254 = tpu.memref_squeeze %dma_wait3A_1253 : memref<1x128xf32, #tpu.memory_space<vmem>> -> memref<128xf32, #tpu.memory_space<vmem>>
        %dma_wait3A_1255 = arith.constant 0 : i32
        %dma_wait3A_1256 = tpu.memref_slice %arg19[%dma_wait3A_1250, %dma_wait3A_1255] : memref<8x128xi32, #tpu.memory_space<vmem>> -> memref<1x128xi32, #tpu.memory_space<vmem>>
        %dma_wait3A_1257 = tpu.memref_squeeze %dma_wait3A_1256 : memref<1x128xi32, #tpu.memory_space<vmem>> -> memref<128xi32, #tpu.memory_space<vmem>>
        %dma_wait3A_1258 = arith.constant 0 : i32
        %dma_wait3A_1259 = tpu.memref_slice %arg29[%dma_wait3A_1258] : memref<100352xf32, #tpu.memory_space<vmem_shared>> -> memref<100352xf32, #tpu.memory_space<vmem_shared>>
        %dma_wait3A_1260 = tpu.memref_slice %arg31[%dma_wait3A_1251] : memref<3x!tpu.dma_semaphore, #tpu.memory_space<semaphore_mem>> -> memref<1x!tpu.dma_semaphore, #tpu.memory_space<semaphore_mem>>
        %dma_wait3A_1261 = tpu.memref_squeeze %dma_wait3A_1260 : memref<1x!tpu.dma_semaphore, #tpu.memory_space<semaphore_mem>> -> memref<!tpu.dma_semaphore, #tpu.memory_space<semaphore_mem>>
        tpu.wait_indirect_dma semaphore(%dma_wait3A_1261 : memref<!tpu.dma_semaphore, #tpu.memory_space<semaphore_mem>>) src(%dma_wait3A_1254 : memref<128xf32, #tpu.memory_space<vmem>>) dst(%dma_wait3A_1259 : memref<100352xf32, #tpu.memory_space<vmem_shared>>)
        %dma_wait3A_1262 = arith.constant 6 : i32
        %dma_wait3A_1263 = arith.constant 0 : i32
        %dma_wait3A_1264 = arith.constant 768 : i32
        %dma_wait3A_1265 = tpu.memref_slice %arg22[%dma_wait3A_1264] : memref<1024xf32, #tpu.memory_space<vmem>> -> memref<128xf32, #tpu.memory_space<vmem>>
        %dma_wait3A_1266 = arith.constant 0 : i32
        %dma_wait3A_1267 = tpu.memref_slice %arg19[%dma_wait3A_1262, %dma_wait3A_1266] : memref<8x128xi32, #tpu.memory_space<vmem>> -> memref<1x128xi32, #tpu.memory_space<vmem>>
        %dma_wait3A_1268 = tpu.memref_squeeze %dma_wait3A_1267 : memref<1x128xi32, #tpu.memory_space<vmem>> -> memref<128xi32, #tpu.memory_space<vmem>>
        %dma_wait3A_1269 = arith.constant 0 : i32
        %dma_wait3A_1270 = tpu.memref_slice %arg28[%dma_wait3A_1269] : memref<100352xf32, #tpu.memory_space<vmem_shared>> -> memref<100352xf32, #tpu.memory_space<vmem_shared>>
        %dma_wait3A_1271 = tpu.memref_slice %arg31[%dma_wait3A_1263] : memref<3x!tpu.dma_semaphore, #tpu.memory_space<semaphore_mem>> -> memref<1x!tpu.dma_semaphore, #tpu.memory_space<semaphore_mem>>
        %dma_wait3A_1272 = tpu.memref_squeeze %dma_wait3A_1271 : memref<1x!tpu.dma_semaphore, #tpu.memory_space<semaphore_mem>> -> memref<!tpu.dma_semaphore, #tpu.memory_space<semaphore_mem>>
        tpu.wait_indirect_dma semaphore(%dma_wait3A_1272 : memref<!tpu.dma_semaphore, #tpu.memory_space<semaphore_mem>>) src(%dma_wait3A_1265 : memref<128xf32, #tpu.memory_space<vmem>>) dst(%dma_wait3A_1270 : memref<100352xf32, #tpu.memory_space<vmem_shared>>)
        %dma_wait3A_1273 = arith.constant 0 : i32
        %dma_wait3A_1274 = arith.constant 6 : i32
        %dma_wait3A_1275 = arith.constant 0 : i32
        %dma_wait3A_1276 = arith.constant 0 : i32
        %dma_wait3A_1277 = tpu.memref_slice %arg27[%dma_wait3A_1273, %dma_wait3A_1276] : memref<1x128xf32, #tpu.memory_space<vmem>> -> memref<1x128xf32, #tpu.memory_space<vmem>>
        %dma_wait3A_1278 = tpu.memref_squeeze %dma_wait3A_1277 : memref<1x128xf32, #tpu.memory_space<vmem>> -> memref<128xf32, #tpu.memory_space<vmem>>
        %dma_wait3A_1279 = arith.constant 0 : i32
        %dma_wait3A_1280 = tpu.memref_slice %arg19[%dma_wait3A_1274, %dma_wait3A_1279] : memref<8x128xi32, #tpu.memory_space<vmem>> -> memref<1x128xi32, #tpu.memory_space<vmem>>
        %dma_wait3A_1281 = tpu.memref_squeeze %dma_wait3A_1280 : memref<1x128xi32, #tpu.memory_space<vmem>> -> memref<128xi32, #tpu.memory_space<vmem>>
        %dma_wait3A_1282 = arith.constant 0 : i32
        %dma_wait3A_1283 = tpu.memref_slice %arg29[%dma_wait3A_1282] : memref<100352xf32, #tpu.memory_space<vmem_shared>> -> memref<100352xf32, #tpu.memory_space<vmem_shared>>
        %dma_wait3A_1284 = tpu.memref_slice %arg31[%dma_wait3A_1275] : memref<3x!tpu.dma_semaphore, #tpu.memory_space<semaphore_mem>> -> memref<1x!tpu.dma_semaphore, #tpu.memory_space<semaphore_mem>>
        %dma_wait3A_1285 = tpu.memref_squeeze %dma_wait3A_1284 : memref<1x!tpu.dma_semaphore, #tpu.memory_space<semaphore_mem>> -> memref<!tpu.dma_semaphore, #tpu.memory_space<semaphore_mem>>
        tpu.wait_indirect_dma semaphore(%dma_wait3A_1285 : memref<!tpu.dma_semaphore, #tpu.memory_space<semaphore_mem>>) src(%dma_wait3A_1278 : memref<128xf32, #tpu.memory_space<vmem>>) dst(%dma_wait3A_1283 : memref<100352xf32, #tpu.memory_space<vmem_shared>>)
        %dma_wait3A_1286 = arith.constant 7 : i32
        %dma_wait3A_1287 = arith.constant 0 : i32
        %dma_wait3A_1288 = arith.constant 896 : i32
        %dma_wait3A_1289 = tpu.memref_slice %arg22[%dma_wait3A_1288] : memref<1024xf32, #tpu.memory_space<vmem>> -> memref<128xf32, #tpu.memory_space<vmem>>
        %dma_wait3A_1290 = arith.constant 0 : i32
        %dma_wait3A_1291 = tpu.memref_slice %arg19[%dma_wait3A_1286, %dma_wait3A_1290] : memref<8x128xi32, #tpu.memory_space<vmem>> -> memref<1x128xi32, #tpu.memory_space<vmem>>
        %dma_wait3A_1292 = tpu.memref_squeeze %dma_wait3A_1291 : memref<1x128xi32, #tpu.memory_space<vmem>> -> memref<128xi32, #tpu.memory_space<vmem>>
        %dma_wait3A_1293 = arith.constant 0 : i32
        %dma_wait3A_1294 = tpu.memref_slice %arg28[%dma_wait3A_1293] : memref<100352xf32, #tpu.memory_space<vmem_shared>> -> memref<100352xf32, #tpu.memory_space<vmem_shared>>
        %dma_wait3A_1295 = tpu.memref_slice %arg31[%dma_wait3A_1287] : memref<3x!tpu.dma_semaphore, #tpu.memory_space<semaphore_mem>> -> memref<1x!tpu.dma_semaphore, #tpu.memory_space<semaphore_mem>>
        %dma_wait3A_1296 = tpu.memref_squeeze %dma_wait3A_1295 : memref<1x!tpu.dma_semaphore, #tpu.memory_space<semaphore_mem>> -> memref<!tpu.dma_semaphore, #tpu.memory_space<semaphore_mem>>
        tpu.wait_indirect_dma semaphore(%dma_wait3A_1296 : memref<!tpu.dma_semaphore, #tpu.memory_space<semaphore_mem>>) src(%dma_wait3A_1289 : memref<128xf32, #tpu.memory_space<vmem>>) dst(%dma_wait3A_1294 : memref<100352xf32, #tpu.memory_space<vmem_shared>>)
        %dma_wait3A_1297 = arith.constant 0 : i32
        %dma_wait3A_1298 = arith.constant 7 : i32
        %dma_wait3A_1299 = arith.constant 0 : i32
        %dma_wait3A_1300 = arith.constant 0 : i32
        %dma_wait3A_1301 = tpu.memref_slice %arg27[%dma_wait3A_1297, %dma_wait3A_1300] : memref<1x128xf32, #tpu.memory_space<vmem>> -> memref<1x128xf32, #tpu.memory_space<vmem>>
        %dma_wait3A_1302 = tpu.memref_squeeze %dma_wait3A_1301 : memref<1x128xf32, #tpu.memory_space<vmem>> -> memref<128xf32, #tpu.memory_space<vmem>>
        %dma_wait3A_1303 = arith.constant 0 : i32
        %dma_wait3A_1304 = tpu.memref_slice %arg19[%dma_wait3A_1298, %dma_wait3A_1303] : memref<8x128xi32, #tpu.memory_space<vmem>> -> memref<1x128xi32, #tpu.memory_space<vmem>>
        %dma_wait3A_1305 = tpu.memref_squeeze %dma_wait3A_1304 : memref<1x128xi32, #tpu.memory_space<vmem>> -> memref<128xi32, #tpu.memory_space<vmem>>
        %dma_wait3A_1306 = arith.constant 0 : i32
        %dma_wait3A_1307 = tpu.memref_slice %arg29[%dma_wait3A_1306] : memref<100352xf32, #tpu.memory_space<vmem_shared>> -> memref<100352xf32, #tpu.memory_space<vmem_shared>>
        %dma_wait3A_1308 = tpu.memref_slice %arg31[%dma_wait3A_1299] : memref<3x!tpu.dma_semaphore, #tpu.memory_space<semaphore_mem>> -> memref<1x!tpu.dma_semaphore, #tpu.memory_space<semaphore_mem>>
        %dma_wait3A_1309 = tpu.memref_squeeze %dma_wait3A_1308 : memref<1x!tpu.dma_semaphore, #tpu.memory_space<semaphore_mem>> -> memref<!tpu.dma_semaphore, #tpu.memory_space<semaphore_mem>>
        tpu.wait_indirect_dma semaphore(%dma_wait3A_1309 : memref<!tpu.dma_semaphore, #tpu.memory_space<semaphore_mem>>) src(%dma_wait3A_1302 : memref<128xf32, #tpu.memory_space<vmem>>) dst(%dma_wait3A_1307 : memref<100352xf32, #tpu.memory_space<vmem_shared>>)
      } else {
      }
      %add3A_893 = arith.constant 1 : i32
      %add3A_894 = arith.addi %add3A_887, %add3A_893 : i32
      %lt3A_895 = arith.constant 201 : i32
      %lt3A_896 = arith.cmpi slt, %add3A_894, %lt3A_895 : i32
      %convert_element_type3A_897 = arith.extui %lt3A_896 : i1 to i32
      %cond3A_898 = arith.constant 0 : i32
      %cond3A_899 = arith.cmpi ne, %convert_element_type3A_897, %cond3A_898 : i32
      scf.if %cond3A_899 {
        %add3A_1118 = arith.constant 1 : i32
        %add3A_1119 = arith.addi %add3A_887, %add3A_1118 : i32
        %mul3A_1120 = arith.constant 1024 : i32
        %mul3A_1121 = arith.muli %add3A_1119, %mul3A_1120 : i32
        %add3A_1122 = arith.addi %mul3A_10, %mul3A_1121 : i32
        %mul3A_1123 = arith.constant 8 : i32
        %mul3A_1124 = arith.muli %add3A_1119, %mul3A_1123 : i32
        %add3A_1125 = arith.addi %mul3A_12, %mul3A_1124 : i32
        %dma_start3A_1126 = arith.constant 0 : i32
        %dma_start3A_1127 = tpu.memref_slice %arg4[%add3A_1122] : memref<6586368xi32, #tpu.memory_space<hbm>> -> memref<1024xi32, #tpu.memory_space<hbm>>
        %dma_start3A_1128 = tpu.memref_slice %arg30[%dma_start3A_1126] : memref<3x!tpu.dma_semaphore, #tpu.memory_space<semaphore_mem>> -> memref<1x!tpu.dma_semaphore, #tpu.memory_space<semaphore_mem>>
        %dma_start3A_1129 = tpu.memref_squeeze %dma_start3A_1128 : memref<1x!tpu.dma_semaphore, #tpu.memory_space<semaphore_mem>> -> memref<!tpu.dma_semaphore, #tpu.memory_space<semaphore_mem>>
        %dma_start3A_1130 = tpu.memref_slice %arg4[%add3A_1122] : memref<6586368xi32, #tpu.memory_space<hbm>> -> memref<1024xi32, #tpu.memory_space<hbm>>
        tpu.enqueue_dma source(%dma_start3A_1130 : memref<1024xi32, #tpu.memory_space<hbm>>) target(%arg13 : memref<1024xi32, #tpu.memory_space<vmem>>) target_semaphore(%dma_start3A_1129 : memref<!tpu.dma_semaphore, #tpu.memory_space<semaphore_mem>>)
        %dma_start3A_1131 = arith.constant 0 : i32
        %dma_start3A_1132 = tpu.memref_slice %arg3[%add3A_1122] : memref<6586368xf32, #tpu.memory_space<hbm>> -> memref<1024xf32, #tpu.memory_space<hbm>>
        %dma_start3A_1133 = tpu.memref_slice %arg30[%dma_start3A_1131] : memref<3x!tpu.dma_semaphore, #tpu.memory_space<semaphore_mem>> -> memref<1x!tpu.dma_semaphore, #tpu.memory_space<semaphore_mem>>
        %dma_start3A_1134 = tpu.memref_squeeze %dma_start3A_1133 : memref<1x!tpu.dma_semaphore, #tpu.memory_space<semaphore_mem>> -> memref<!tpu.dma_semaphore, #tpu.memory_space<semaphore_mem>>
        %dma_start3A_1135 = tpu.memref_slice %arg3[%add3A_1122] : memref<6586368xf32, #tpu.memory_space<hbm>> -> memref<1024xf32, #tpu.memory_space<hbm>>
        tpu.enqueue_dma source(%dma_start3A_1135 : memref<1024xf32, #tpu.memory_space<hbm>>) target(%arg16 : memref<1024xf32, #tpu.memory_space<vmem>>) target_semaphore(%dma_start3A_1134 : memref<!tpu.dma_semaphore, #tpu.memory_space<semaphore_mem>>)
        %dma_start3A_1136 = arith.constant 0 : i32
        %dma_start3A_1137 = arith.constant 0 : i32
        %dma_start3A_1138 = tpu.memref_slice %arg5[%add3A_1125, %dma_start3A_1137] : memref<51456x128xi32, #tpu.memory_space<hbm>> -> memref<8x128xi32, #tpu.memory_space<hbm>>
        %dma_start3A_1139 = tpu.memref_slice %arg30[%dma_start3A_1136] : memref<3x!tpu.dma_semaphore, #tpu.memory_space<semaphore_mem>> -> memref<1x!tpu.dma_semaphore, #tpu.memory_space<semaphore_mem>>
        %dma_start3A_1140 = tpu.memref_squeeze %dma_start3A_1139 : memref<1x!tpu.dma_semaphore, #tpu.memory_space<semaphore_mem>> -> memref<!tpu.dma_semaphore, #tpu.memory_space<semaphore_mem>>
        %dma_start3A_1141 = arith.constant 0 : i32
        %dma_start3A_1142 = tpu.memref_slice %arg5[%add3A_1125, %dma_start3A_1141] : memref<51456x128xi32, #tpu.memory_space<hbm>> -> memref<8x128xi32, #tpu.memory_space<hbm>>
        tpu.enqueue_dma source(%dma_start3A_1142 : memref<8x128xi32, #tpu.memory_space<hbm>>) target(%arg19 : memref<8x128xi32, #tpu.memory_space<vmem>>) target_semaphore(%dma_start3A_1140 : memref<!tpu.dma_semaphore, #tpu.memory_space<semaphore_mem>>)
      } else {
      }
      %dma_wait3A_900 = arith.constant 2 : i32
      %dma_wait3A_901 = arith.constant 0 : i32
      %dma_wait3A_902 = tpu.memref_slice %arg4[%dma_wait3A_901] : memref<6586368xi32, #tpu.memory_space<hbm>> -> memref<1024xi32, #tpu.memory_space<hbm>>
      %dma_wait3A_903 = tpu.memref_slice %arg30[%dma_wait3A_900] : memref<3x!tpu.dma_semaphore, #tpu.memory_space<semaphore_mem>> -> memref<1x!tpu.dma_semaphore, #tpu.memory_space<semaphore_mem>>
      %dma_wait3A_904 = tpu.memref_squeeze %dma_wait3A_903 : memref<1x!tpu.dma_semaphore, #tpu.memory_space<semaphore_mem>> -> memref<!tpu.dma_semaphore, #tpu.memory_space<semaphore_mem>>
      %dma_wait3A_905 = arith.constant 0 : i32
      %dma_wait3A_906 = tpu.memref_slice %arg4[%dma_wait3A_905] : memref<6586368xi32, #tpu.memory_space<hbm>> -> memref<1024xi32, #tpu.memory_space<hbm>>
      tpu.wait_dma2 semaphore(%dma_wait3A_904 : memref<!tpu.dma_semaphore, #tpu.memory_space<semaphore_mem>>) src(%dma_wait3A_906 : memref<1024xi32, #tpu.memory_space<hbm>>) dst(%arg15 : memref<1024xi32, #tpu.memory_space<vmem>>)
      %dma_wait3A_907 = arith.constant 2 : i32
      %dma_wait3A_908 = arith.constant 0 : i32
      %dma_wait3A_909 = tpu.memref_slice %arg3[%dma_wait3A_908] : memref<6586368xf32, #tpu.memory_space<hbm>> -> memref<1024xf32, #tpu.memory_space<hbm>>
      %dma_wait3A_910 = tpu.memref_slice %arg30[%dma_wait3A_907] : memref<3x!tpu.dma_semaphore, #tpu.memory_space<semaphore_mem>> -> memref<1x!tpu.dma_semaphore, #tpu.memory_space<semaphore_mem>>
      %dma_wait3A_911 = tpu.memref_squeeze %dma_wait3A_910 : memref<1x!tpu.dma_semaphore, #tpu.memory_space<semaphore_mem>> -> memref<!tpu.dma_semaphore, #tpu.memory_space<semaphore_mem>>
      %dma_wait3A_912 = arith.constant 0 : i32
      %dma_wait3A_913 = tpu.memref_slice %arg3[%dma_wait3A_912] : memref<6586368xf32, #tpu.memory_space<hbm>> -> memref<1024xf32, #tpu.memory_space<hbm>>
      tpu.wait_dma2 semaphore(%dma_wait3A_911 : memref<!tpu.dma_semaphore, #tpu.memory_space<semaphore_mem>>) src(%dma_wait3A_913 : memref<1024xf32, #tpu.memory_space<hbm>>) dst(%arg18 : memref<1024xf32, #tpu.memory_space<vmem>>)
      %dma_wait3A_914 = arith.constant 2 : i32
      %dma_wait3A_915 = arith.constant 0 : i32
      %dma_wait3A_916 = arith.constant 0 : i32
      %dma_wait3A_917 = tpu.memref_slice %arg5[%dma_wait3A_915, %dma_wait3A_916] : memref<51456x128xi32, #tpu.memory_space<hbm>> -> memref<8x128xi32, #tpu.memory_space<hbm>>
      %dma_wait3A_918 = tpu.memref_slice %arg30[%dma_wait3A_914] : memref<3x!tpu.dma_semaphore, #tpu.memory_space<semaphore_mem>> -> memref<1x!tpu.dma_semaphore, #tpu.memory_space<semaphore_mem>>
      %dma_wait3A_919 = tpu.memref_squeeze %dma_wait3A_918 : memref<1x!tpu.dma_semaphore, #tpu.memory_space<semaphore_mem>> -> memref<!tpu.dma_semaphore, #tpu.memory_space<semaphore_mem>>
      %dma_wait3A_920 = arith.constant 0 : i32
      %dma_wait3A_921 = arith.constant 0 : i32
      %dma_wait3A_922 = tpu.memref_slice %arg5[%dma_wait3A_920, %dma_wait3A_921] : memref<51456x128xi32, #tpu.memory_space<hbm>> -> memref<8x128xi32, #tpu.memory_space<hbm>>
      tpu.wait_dma2 semaphore(%dma_wait3A_919 : memref<!tpu.dma_semaphore, #tpu.memory_space<semaphore_mem>>) src(%dma_wait3A_922 : memref<8x128xi32, #tpu.memory_space<hbm>>) dst(%arg21 : memref<8x128xi32, #tpu.memory_space<vmem>>)
      %parallel_loop3A_923 = arith.constant 0 : i32
      %parallel_loop3A_924 = arith.constant 64 : i32
      %parallel_loop3A_925 = arith.constant 1 : i32
      scf.for %parallel_loop3A_1118 = %parallel_loop3A_923 to %parallel_loop3A_924 step %parallel_loop3A_925  : i32 {
        %parallel_loop3A_1119 = arith.constant 16 : i32
        %parallel_loop3A_1120 = arith.muli %parallel_loop3A_1118, %parallel_loop3A_1119 : i32
        %parallel_loop3A_1121 = arith.index_cast %parallel_loop3A_1120 : i32 to index
        %parallel_loop3A_1122 = tpu.vector_load %arg15[%parallel_loop3A_1121] {strides = array<i32>} : memref<1024xi32, #tpu.memory_space<vmem>>, vector<16xi32>,
        %parallel_loop3A_1123 = tpu.vector_load_idx %arg12[%parallel_loop3A_1122] : memref<100352xf32, #tpu.memory_space<vmem>>[vector<16xi32>], vector<16xf32>,
        %parallel_loop3A_1124 = arith.constant 16 : i32
        %parallel_loop3A_1125 = arith.muli %parallel_loop3A_1118, %parallel_loop3A_1124 : i32
        %parallel_loop3A_1126 = arith.index_cast %parallel_loop3A_1125 : i32 to index
        %parallel_loop3A_1127 = tpu.vector_load %arg18[%parallel_loop3A_1126] {strides = array<i32>} : memref<1024xf32, #tpu.memory_space<vmem>>, vector<16xf32>,
        %parallel_loop3A_1128 = arith.mulf %parallel_loop3A_1123, %parallel_loop3A_1127 : vector<16xf32>
        %parallel_loop3A_1129 = arith.constant 16 : i32
        %parallel_loop3A_1130 = arith.muli %parallel_loop3A_1118, %parallel_loop3A_1129 : i32
        %parallel_loop3A_1131 = arith.index_cast %parallel_loop3A_1130 : i32 to index
        %parallel_loop3A_1132 = tpu.vector_load %arg24[%parallel_loop3A_1131] {strides = array<i32>} : memref<1024xf32, #tpu.memory_space<vmem>>, vector<16xf32>,
        tpu.vector_store %arg24[%parallel_loop3A_1131], %parallel_loop3A_1128 {strides = array<i32>} : memref<1024xf32, #tpu.memory_space<vmem>>, vector<16xf32>,
      } {sc.loop_unroll_factor = 4 : i64, sc.parallel_access}
      %dma_start3A_926 = arith.constant 0 : i32
      %dma_start3A_927 = arith.constant 2 : i32
      %dma_start3A_928 = arith.constant 0 : i32
      %dma_start3A_929 = tpu.memref_slice %arg24[%dma_start3A_928] : memref<1024xf32, #tpu.memory_space<vmem>> -> memref<128xf32, #tpu.memory_space<vmem>>
      %dma_start3A_930 = arith.constant 0 : i32
      %dma_start3A_931 = tpu.memref_slice %arg21[%dma_start3A_926, %dma_start3A_930] : memref<8x128xi32, #tpu.memory_space<vmem>> -> memref<1x128xi32, #tpu.memory_space<vmem>>
      %dma_start3A_932 = tpu.memref_squeeze %dma_start3A_931 : memref<1x128xi32, #tpu.memory_space<vmem>> -> memref<128xi32, #tpu.memory_space<vmem>>
      %dma_start3A_933 = arith.constant 0 : i32
      %dma_start3A_934 = tpu.memref_slice %arg28[%dma_start3A_933] : memref<100352xf32, #tpu.memory_space<vmem_shared>> -> memref<100352xf32, #tpu.memory_space<vmem_shared>>
      %dma_start3A_935 = tpu.memref_slice %arg31[%dma_start3A_927] : memref<3x!tpu.dma_semaphore, #tpu.memory_space<semaphore_mem>> -> memref<1x!tpu.dma_semaphore, #tpu.memory_space<semaphore_mem>>
      %dma_start3A_936 = tpu.memref_squeeze %dma_start3A_935 : memref<1x!tpu.dma_semaphore, #tpu.memory_space<semaphore_mem>> -> memref<!tpu.dma_semaphore, #tpu.memory_space<semaphore_mem>>
      tpu.enqueue_indirect_dma source(%dma_start3A_929 : memref<128xf32, #tpu.memory_space<vmem>>) target(%dma_start3A_934 : memref<100352xf32, #tpu.memory_space<vmem_shared>>) offsets(%dma_start3A_932 : memref<128xi32, #tpu.memory_space<vmem>>) semaphore(%dma_start3A_936 : memref<!tpu.dma_semaphore, #tpu.memory_space<semaphore_mem>>) {add = true}
      %dma_start3A_937 = arith.constant 0 : i32
      %dma_start3A_938 = arith.constant 0 : i32
      %dma_start3A_939 = arith.constant 2 : i32
      %dma_start3A_940 = arith.constant 0 : i32
      %dma_start3A_941 = tpu.memref_slice %arg27[%dma_start3A_937, %dma_start3A_940] : memref<1x128xf32, #tpu.memory_space<vmem>> -> memref<1x128xf32, #tpu.memory_space<vmem>>
      %dma_start3A_942 = tpu.memref_squeeze %dma_start3A_941 : memref<1x128xf32, #tpu.memory_space<vmem>> -> memref<128xf32, #tpu.memory_space<vmem>>
      %dma_start3A_943 = arith.constant 0 : i32
      %dma_start3A_944 = tpu.memref_slice %arg21[%dma_start3A_938, %dma_start3A_943] : memref<8x128xi32, #tpu.memory_space<vmem>> -> memref<1x128xi32, #tpu.memory_space<vmem>>
      %dma_start3A_945 = tpu.memref_squeeze %dma_start3A_944 : memref<1x128xi32, #tpu.memory_space<vmem>> -> memref<128xi32, #tpu.memory_space<vmem>>
      %dma_start3A_946 = arith.constant 0 : i32
      %dma_start3A_947 = tpu.memref_slice %arg29[%dma_start3A_946] : memref<100352xf32, #tpu.memory_space<vmem_shared>> -> memref<100352xf32, #tpu.memory_space<vmem_shared>>
      %dma_start3A_948 = tpu.memref_slice %arg31[%dma_start3A_939] : memref<3x!tpu.dma_semaphore, #tpu.memory_space<semaphore_mem>> -> memref<1x!tpu.dma_semaphore, #tpu.memory_space<semaphore_mem>>
      %dma_start3A_949 = tpu.memref_squeeze %dma_start3A_948 : memref<1x!tpu.dma_semaphore, #tpu.memory_space<semaphore_mem>> -> memref<!tpu.dma_semaphore, #tpu.memory_space<semaphore_mem>>
      tpu.enqueue_indirect_dma source(%dma_start3A_942 : memref<128xf32, #tpu.memory_space<vmem>>) target(%dma_start3A_947 : memref<100352xf32, #tpu.memory_space<vmem_shared>>) offsets(%dma_start3A_945 : memref<128xi32, #tpu.memory_space<vmem>>) semaphore(%dma_start3A_949 : memref<!tpu.dma_semaphore, #tpu.memory_space<semaphore_mem>>) {add = true}
      %dma_start3A_950 = arith.constant 1 : i32
      %dma_start3A_951 = arith.constant 2 : i32
      %dma_start3A_952 = arith.constant 128 : i32
      %dma_start3A_953 = tpu.memref_slice %arg24[%dma_start3A_952] : memref<1024xf32, #tpu.memory_space<vmem>> -> memref<128xf32, #tpu.memory_space<vmem>>
      %dma_start3A_954 = arith.constant 0 : i32
      %dma_start3A_955 = tpu.memref_slice %arg21[%dma_start3A_950, %dma_start3A_954] : memref<8x128xi32, #tpu.memory_space<vmem>> -> memref<1x128xi32, #tpu.memory_space<vmem>>
      %dma_start3A_956 = tpu.memref_squeeze %dma_start3A_955 : memref<1x128xi32, #tpu.memory_space<vmem>> -> memref<128xi32, #tpu.memory_space<vmem>>
      %dma_start3A_957 = arith.constant 0 : i32
      %dma_start3A_958 = tpu.memref_slice %arg28[%dma_start3A_957] : memref<100352xf32, #tpu.memory_space<vmem_shared>> -> memref<100352xf32, #tpu.memory_space<vmem_shared>>
      %dma_start3A_959 = tpu.memref_slice %arg31[%dma_start3A_951] : memref<3x!tpu.dma_semaphore, #tpu.memory_space<semaphore_mem>> -> memref<1x!tpu.dma_semaphore, #tpu.memory_space<semaphore_mem>>
      %dma_start3A_960 = tpu.memref_squeeze %dma_start3A_959 : memref<1x!tpu.dma_semaphore, #tpu.memory_space<semaphore_mem>> -> memref<!tpu.dma_semaphore, #tpu.memory_space<semaphore_mem>>
      tpu.enqueue_indirect_dma source(%dma_start3A_953 : memref<128xf32, #tpu.memory_space<vmem>>) target(%dma_start3A_958 : memref<100352xf32, #tpu.memory_space<vmem_shared>>) offsets(%dma_start3A_956 : memref<128xi32, #tpu.memory_space<vmem>>) semaphore(%dma_start3A_960 : memref<!tpu.dma_semaphore, #tpu.memory_space<semaphore_mem>>) {add = true}
      %dma_start3A_961 = arith.constant 0 : i32
      %dma_start3A_962 = arith.constant 1 : i32
      %dma_start3A_963 = arith.constant 2 : i32
      %dma_start3A_964 = arith.constant 0 : i32
      %dma_start3A_965 = tpu.memref_slice %arg27[%dma_start3A_961, %dma_start3A_964] : memref<1x128xf32, #tpu.memory_space<vmem>> -> memref<1x128xf32, #tpu.memory_space<vmem>>
      %dma_start3A_966 = tpu.memref_squeeze %dma_start3A_965 : memref<1x128xf32, #tpu.memory_space<vmem>> -> memref<128xf32, #tpu.memory_space<vmem>>
      %dma_start3A_967 = arith.constant 0 : i32
      %dma_start3A_968 = tpu.memref_slice %arg21[%dma_start3A_962, %dma_start3A_967] : memref<8x128xi32, #tpu.memory_space<vmem>> -> memref<1x128xi32, #tpu.memory_space<vmem>>
      %dma_start3A_969 = tpu.memref_squeeze %dma_start3A_968 : memref<1x128xi32, #tpu.memory_space<vmem>> -> memref<128xi32, #tpu.memory_space<vmem>>
      %dma_start3A_970 = arith.constant 0 : i32
      %dma_start3A_971 = tpu.memref_slice %arg29[%dma_start3A_970] : memref<100352xf32, #tpu.memory_space<vmem_shared>> -> memref<100352xf32, #tpu.memory_space<vmem_shared>>
      %dma_start3A_972 = tpu.memref_slice %arg31[%dma_start3A_963] : memref<3x!tpu.dma_semaphore, #tpu.memory_space<semaphore_mem>> -> memref<1x!tpu.dma_semaphore, #tpu.memory_space<semaphore_mem>>
      %dma_start3A_973 = tpu.memref_squeeze %dma_start3A_972 : memref<1x!tpu.dma_semaphore, #tpu.memory_space<semaphore_mem>> -> memref<!tpu.dma_semaphore, #tpu.memory_space<semaphore_mem>>
      tpu.enqueue_indirect_dma source(%dma_start3A_966 : memref<128xf32, #tpu.memory_space<vmem>>) target(%dma_start3A_971 : memref<100352xf32, #tpu.memory_space<vmem_shared>>) offsets(%dma_start3A_969 : memref<128xi32, #tpu.memory_space<vmem>>) semaphore(%dma_start3A_973 : memref<!tpu.dma_semaphore, #tpu.memory_space<semaphore_mem>>) {add = true}
      %dma_start3A_974 = arith.constant 2 : i32
      %dma_start3A_975 = arith.constant 2 : i32
      %dma_start3A_976 = arith.constant 256 : i32
      %dma_start3A_977 = tpu.memref_slice %arg24[%dma_start3A_976] : memref<1024xf32, #tpu.memory_space<vmem>> -> memref<128xf32, #tpu.memory_space<vmem>>
      %dma_start3A_978 = arith.constant 0 : i32
      %dma_start3A_979 = tpu.memref_slice %arg21[%dma_start3A_974, %dma_start3A_978] : memref<8x128xi32, #tpu.memory_space<vmem>> -> memref<1x128xi32, #tpu.memory_space<vmem>>
      %dma_start3A_980 = tpu.memref_squeeze %dma_start3A_979 : memref<1x128xi32, #tpu.memory_space<vmem>> -> memref<128xi32, #tpu.memory_space<vmem>>
      %dma_start3A_981 = arith.constant 0 : i32
      %dma_start3A_982 = tpu.memref_slice %arg28[%dma_start3A_981] : memref<100352xf32, #tpu.memory_space<vmem_shared>> -> memref<100352xf32, #tpu.memory_space<vmem_shared>>
      %dma_start3A_983 = tpu.memref_slice %arg31[%dma_start3A_975] : memref<3x!tpu.dma_semaphore, #tpu.memory_space<semaphore_mem>> -> memref<1x!tpu.dma_semaphore, #tpu.memory_space<semaphore_mem>>
      %dma_start3A_984 = tpu.memref_squeeze %dma_start3A_983 : memref<1x!tpu.dma_semaphore, #tpu.memory_space<semaphore_mem>> -> memref<!tpu.dma_semaphore, #tpu.memory_space<semaphore_mem>>
      tpu.enqueue_indirect_dma source(%dma_start3A_977 : memref<128xf32, #tpu.memory_space<vmem>>) target(%dma_start3A_982 : memref<100352xf32, #tpu.memory_space<vmem_shared>>) offsets(%dma_start3A_980 : memref<128xi32, #tpu.memory_space<vmem>>) semaphore(%dma_start3A_984 : memref<!tpu.dma_semaphore, #tpu.memory_space<semaphore_mem>>) {add = true}
      %dma_start3A_985 = arith.constant 0 : i32
      %dma_start3A_986 = arith.constant 2 : i32
      %dma_start3A_987 = arith.constant 2 : i32
      %dma_start3A_988 = arith.constant 0 : i32
      %dma_start3A_989 = tpu.memref_slice %arg27[%dma_start3A_985, %dma_start3A_988] : memref<1x128xf32, #tpu.memory_space<vmem>> -> memref<1x128xf32, #tpu.memory_space<vmem>>
      %dma_start3A_990 = tpu.memref_squeeze %dma_start3A_989 : memref<1x128xf32, #tpu.memory_space<vmem>> -> memref<128xf32, #tpu.memory_space<vmem>>
      %dma_start3A_991 = arith.constant 0 : i32
      %dma_start3A_992 = tpu.memref_slice %arg21[%dma_start3A_986, %dma_start3A_991] : memref<8x128xi32, #tpu.memory_space<vmem>> -> memref<1x128xi32, #tpu.memory_space<vmem>>
      %dma_start3A_993 = tpu.memref_squeeze %dma_start3A_992 : memref<1x128xi32, #tpu.memory_space<vmem>> -> memref<128xi32, #tpu.memory_space<vmem>>
      %dma_start3A_994 = arith.constant 0 : i32
      %dma_start3A_995 = tpu.memref_slice %arg29[%dma_start3A_994] : memref<100352xf32, #tpu.memory_space<vmem_shared>> -> memref<100352xf32, #tpu.memory_space<vmem_shared>>
      %dma_start3A_996 = tpu.memref_slice %arg31[%dma_start3A_987] : memref<3x!tpu.dma_semaphore, #tpu.memory_space<semaphore_mem>> -> memref<1x!tpu.dma_semaphore, #tpu.memory_space<semaphore_mem>>
      %dma_start3A_997 = tpu.memref_squeeze %dma_start3A_996 : memref<1x!tpu.dma_semaphore, #tpu.memory_space<semaphore_mem>> -> memref<!tpu.dma_semaphore, #tpu.memory_space<semaphore_mem>>
      tpu.enqueue_indirect_dma source(%dma_start3A_990 : memref<128xf32, #tpu.memory_space<vmem>>) target(%dma_start3A_995 : memref<100352xf32, #tpu.memory_space<vmem_shared>>) offsets(%dma_start3A_993 : memref<128xi32, #tpu.memory_space<vmem>>) semaphore(%dma_start3A_997 : memref<!tpu.dma_semaphore, #tpu.memory_space<semaphore_mem>>) {add = true}
      %dma_start3A_998 = arith.constant 3 : i32
      %dma_start3A_999 = arith.constant 2 : i32
      %dma_start3A_1000 = arith.constant 384 : i32
      %dma_start3A_1001 = tpu.memref_slice %arg24[%dma_start3A_1000] : memref<1024xf32, #tpu.memory_space<vmem>> -> memref<128xf32, #tpu.memory_space<vmem>>
      %dma_start3A_1002 = arith.constant 0 : i32
      %dma_start3A_1003 = tpu.memref_slice %arg21[%dma_start3A_998, %dma_start3A_1002] : memref<8x128xi32, #tpu.memory_space<vmem>> -> memref<1x128xi32, #tpu.memory_space<vmem>>
      %dma_start3A_1004 = tpu.memref_squeeze %dma_start3A_1003 : memref<1x128xi32, #tpu.memory_space<vmem>> -> memref<128xi32, #tpu.memory_space<vmem>>
      %dma_start3A_1005 = arith.constant 0 : i32
      %dma_start3A_1006 = tpu.memref_slice %arg28[%dma_start3A_1005] : memref<100352xf32, #tpu.memory_space<vmem_shared>> -> memref<100352xf32, #tpu.memory_space<vmem_shared>>
      %dma_start3A_1007 = tpu.memref_slice %arg31[%dma_start3A_999] : memref<3x!tpu.dma_semaphore, #tpu.memory_space<semaphore_mem>> -> memref<1x!tpu.dma_semaphore, #tpu.memory_space<semaphore_mem>>
      %dma_start3A_1008 = tpu.memref_squeeze %dma_start3A_1007 : memref<1x!tpu.dma_semaphore, #tpu.memory_space<semaphore_mem>> -> memref<!tpu.dma_semaphore, #tpu.memory_space<semaphore_mem>>
      tpu.enqueue_indirect_dma source(%dma_start3A_1001 : memref<128xf32, #tpu.memory_space<vmem>>) target(%dma_start3A_1006 : memref<100352xf32, #tpu.memory_space<vmem_shared>>) offsets(%dma_start3A_1004 : memref<128xi32, #tpu.memory_space<vmem>>) semaphore(%dma_start3A_1008 : memref<!tpu.dma_semaphore, #tpu.memory_space<semaphore_mem>>) {add = true}
      %dma_start3A_1009 = arith.constant 0 : i32
      %dma_start3A_1010 = arith.constant 3 : i32
      %dma_start3A_1011 = arith.constant 2 : i32
      %dma_start3A_1012 = arith.constant 0 : i32
      %dma_start3A_1013 = tpu.memref_slice %arg27[%dma_start3A_1009, %dma_start3A_1012] : memref<1x128xf32, #tpu.memory_space<vmem>> -> memref<1x128xf32, #tpu.memory_space<vmem>>
      %dma_start3A_1014 = tpu.memref_squeeze %dma_start3A_1013 : memref<1x128xf32, #tpu.memory_space<vmem>> -> memref<128xf32, #tpu.memory_space<vmem>>
      %dma_start3A_1015 = arith.constant 0 : i32
      %dma_start3A_1016 = tpu.memref_slice %arg21[%dma_start3A_1010, %dma_start3A_1015] : memref<8x128xi32, #tpu.memory_space<vmem>> -> memref<1x128xi32, #tpu.memory_space<vmem>>
      %dma_start3A_1017 = tpu.memref_squeeze %dma_start3A_1016 : memref<1x128xi32, #tpu.memory_space<vmem>> -> memref<128xi32, #tpu.memory_space<vmem>>
      %dma_start3A_1018 = arith.constant 0 : i32
      %dma_start3A_1019 = tpu.memref_slice %arg29[%dma_start3A_1018] : memref<100352xf32, #tpu.memory_space<vmem_shared>> -> memref<100352xf32, #tpu.memory_space<vmem_shared>>
      %dma_start3A_1020 = tpu.memref_slice %arg31[%dma_start3A_1011] : memref<3x!tpu.dma_semaphore, #tpu.memory_space<semaphore_mem>> -> memref<1x!tpu.dma_semaphore, #tpu.memory_space<semaphore_mem>>
      %dma_start3A_1021 = tpu.memref_squeeze %dma_start3A_1020 : memref<1x!tpu.dma_semaphore, #tpu.memory_space<semaphore_mem>> -> memref<!tpu.dma_semaphore, #tpu.memory_space<semaphore_mem>>
      tpu.enqueue_indirect_dma source(%dma_start3A_1014 : memref<128xf32, #tpu.memory_space<vmem>>) target(%dma_start3A_1019 : memref<100352xf32, #tpu.memory_space<vmem_shared>>) offsets(%dma_start3A_1017 : memref<128xi32, #tpu.memory_space<vmem>>) semaphore(%dma_start3A_1021 : memref<!tpu.dma_semaphore, #tpu.memory_space<semaphore_mem>>) {add = true}
      %dma_start3A_1022 = arith.constant 4 : i32
      %dma_start3A_1023 = arith.constant 2 : i32
      %dma_start3A_1024 = arith.constant 512 : i32
      %dma_start3A_1025 = tpu.memref_slice %arg24[%dma_start3A_1024] : memref<1024xf32, #tpu.memory_space<vmem>> -> memref<128xf32, #tpu.memory_space<vmem>>
      %dma_start3A_1026 = arith.constant 0 : i32
      %dma_start3A_1027 = tpu.memref_slice %arg21[%dma_start3A_1022, %dma_start3A_1026] : memref<8x128xi32, #tpu.memory_space<vmem>> -> memref<1x128xi32, #tpu.memory_space<vmem>>
      %dma_start3A_1028 = tpu.memref_squeeze %dma_start3A_1027 : memref<1x128xi32, #tpu.memory_space<vmem>> -> memref<128xi32, #tpu.memory_space<vmem>>
      %dma_start3A_1029 = arith.constant 0 : i32
      %dma_start3A_1030 = tpu.memref_slice %arg28[%dma_start3A_1029] : memref<100352xf32, #tpu.memory_space<vmem_shared>> -> memref<100352xf32, #tpu.memory_space<vmem_shared>>
      %dma_start3A_1031 = tpu.memref_slice %arg31[%dma_start3A_1023] : memref<3x!tpu.dma_semaphore, #tpu.memory_space<semaphore_mem>> -> memref<1x!tpu.dma_semaphore, #tpu.memory_space<semaphore_mem>>
      %dma_start3A_1032 = tpu.memref_squeeze %dma_start3A_1031 : memref<1x!tpu.dma_semaphore, #tpu.memory_space<semaphore_mem>> -> memref<!tpu.dma_semaphore, #tpu.memory_space<semaphore_mem>>
      tpu.enqueue_indirect_dma source(%dma_start3A_1025 : memref<128xf32, #tpu.memory_space<vmem>>) target(%dma_start3A_1030 : memref<100352xf32, #tpu.memory_space<vmem_shared>>) offsets(%dma_start3A_1028 : memref<128xi32, #tpu.memory_space<vmem>>) semaphore(%dma_start3A_1032 : memref<!tpu.dma_semaphore, #tpu.memory_space<semaphore_mem>>) {add = true}
      %dma_start3A_1033 = arith.constant 0 : i32
      %dma_start3A_1034 = arith.constant 4 : i32
      %dma_start3A_1035 = arith.constant 2 : i32
      %dma_start3A_1036 = arith.constant 0 : i32
      %dma_start3A_1037 = tpu.memref_slice %arg27[%dma_start3A_1033, %dma_start3A_1036] : memref<1x128xf32, #tpu.memory_space<vmem>> -> memref<1x128xf32, #tpu.memory_space<vmem>>
      %dma_start3A_1038 = tpu.memref_squeeze %dma_start3A_1037 : memref<1x128xf32, #tpu.memory_space<vmem>> -> memref<128xf32, #tpu.memory_space<vmem>>
      %dma_start3A_1039 = arith.constant 0 : i32
      %dma_start3A_1040 = tpu.memref_slice %arg21[%dma_start3A_1034, %dma_start3A_1039] : memref<8x128xi32, #tpu.memory_space<vmem>> -> memref<1x128xi32, #tpu.memory_space<vmem>>
      %dma_start3A_1041 = tpu.memref_squeeze %dma_start3A_1040 : memref<1x128xi32, #tpu.memory_space<vmem>> -> memref<128xi32, #tpu.memory_space<vmem>>
      %dma_start3A_1042 = arith.constant 0 : i32
      %dma_start3A_1043 = tpu.memref_slice %arg29[%dma_start3A_1042] : memref<100352xf32, #tpu.memory_space<vmem_shared>> -> memref<100352xf32, #tpu.memory_space<vmem_shared>>
      %dma_start3A_1044 = tpu.memref_slice %arg31[%dma_start3A_1035] : memref<3x!tpu.dma_semaphore, #tpu.memory_space<semaphore_mem>> -> memref<1x!tpu.dma_semaphore, #tpu.memory_space<semaphore_mem>>
      %dma_start3A_1045 = tpu.memref_squeeze %dma_start3A_1044 : memref<1x!tpu.dma_semaphore, #tpu.memory_space<semaphore_mem>> -> memref<!tpu.dma_semaphore, #tpu.memory_space<semaphore_mem>>
      tpu.enqueue_indirect_dma source(%dma_start3A_1038 : memref<128xf32, #tpu.memory_space<vmem>>) target(%dma_start3A_1043 : memref<100352xf32, #tpu.memory_space<vmem_shared>>) offsets(%dma_start3A_1041 : memref<128xi32, #tpu.memory_space<vmem>>) semaphore(%dma_start3A_1045 : memref<!tpu.dma_semaphore, #tpu.memory_space<semaphore_mem>>) {add = true}
      %dma_start3A_1046 = arith.constant 5 : i32
      %dma_start3A_1047 = arith.constant 2 : i32
      %dma_start3A_1048 = arith.constant 640 : i32
      %dma_start3A_1049 = tpu.memref_slice %arg24[%dma_start3A_1048] : memref<1024xf32, #tpu.memory_space<vmem>> -> memref<128xf32, #tpu.memory_space<vmem>>
      %dma_start3A_1050 = arith.constant 0 : i32
      %dma_start3A_1051 = tpu.memref_slice %arg21[%dma_start3A_1046, %dma_start3A_1050] : memref<8x128xi32, #tpu.memory_space<vmem>> -> memref<1x128xi32, #tpu.memory_space<vmem>>
      %dma_start3A_1052 = tpu.memref_squeeze %dma_start3A_1051 : memref<1x128xi32, #tpu.memory_space<vmem>> -> memref<128xi32, #tpu.memory_space<vmem>>
      %dma_start3A_1053 = arith.constant 0 : i32
      %dma_start3A_1054 = tpu.memref_slice %arg28[%dma_start3A_1053] : memref<100352xf32, #tpu.memory_space<vmem_shared>> -> memref<100352xf32, #tpu.memory_space<vmem_shared>>
      %dma_start3A_1055 = tpu.memref_slice %arg31[%dma_start3A_1047] : memref<3x!tpu.dma_semaphore, #tpu.memory_space<semaphore_mem>> -> memref<1x!tpu.dma_semaphore, #tpu.memory_space<semaphore_mem>>
      %dma_start3A_1056 = tpu.memref_squeeze %dma_start3A_1055 : memref<1x!tpu.dma_semaphore, #tpu.memory_space<semaphore_mem>> -> memref<!tpu.dma_semaphore, #tpu.memory_space<semaphore_mem>>
      tpu.enqueue_indirect_dma source(%dma_start3A_1049 : memref<128xf32, #tpu.memory_space<vmem>>) target(%dma_start3A_1054 : memref<100352xf32, #tpu.memory_space<vmem_shared>>) offsets(%dma_start3A_1052 : memref<128xi32, #tpu.memory_space<vmem>>) semaphore(%dma_start3A_1056 : memref<!tpu.dma_semaphore, #tpu.memory_space<semaphore_mem>>) {add = true}
      %dma_start3A_1057 = arith.constant 0 : i32
      %dma_start3A_1058 = arith.constant 5 : i32
      %dma_start3A_1059 = arith.constant 2 : i32
      %dma_start3A_1060 = arith.constant 0 : i32
      %dma_start3A_1061 = tpu.memref_slice %arg27[%dma_start3A_1057, %dma_start3A_1060] : memref<1x128xf32, #tpu.memory_space<vmem>> -> memref<1x128xf32, #tpu.memory_space<vmem>>
      %dma_start3A_1062 = tpu.memref_squeeze %dma_start3A_1061 : memref<1x128xf32, #tpu.memory_space<vmem>> -> memref<128xf32, #tpu.memory_space<vmem>>
      %dma_start3A_1063 = arith.constant 0 : i32
      %dma_start3A_1064 = tpu.memref_slice %arg21[%dma_start3A_1058, %dma_start3A_1063] : memref<8x128xi32, #tpu.memory_space<vmem>> -> memref<1x128xi32, #tpu.memory_space<vmem>>
      %dma_start3A_1065 = tpu.memref_squeeze %dma_start3A_1064 : memref<1x128xi32, #tpu.memory_space<vmem>> -> memref<128xi32, #tpu.memory_space<vmem>>
      %dma_start3A_1066 = arith.constant 0 : i32
      %dma_start3A_1067 = tpu.memref_slice %arg29[%dma_start3A_1066] : memref<100352xf32, #tpu.memory_space<vmem_shared>> -> memref<100352xf32, #tpu.memory_space<vmem_shared>>
      %dma_start3A_1068 = tpu.memref_slice %arg31[%dma_start3A_1059] : memref<3x!tpu.dma_semaphore, #tpu.memory_space<semaphore_mem>> -> memref<1x!tpu.dma_semaphore, #tpu.memory_space<semaphore_mem>>
      %dma_start3A_1069 = tpu.memref_squeeze %dma_start3A_1068 : memref<1x!tpu.dma_semaphore, #tpu.memory_space<semaphore_mem>> -> memref<!tpu.dma_semaphore, #tpu.memory_space<semaphore_mem>>
      tpu.enqueue_indirect_dma source(%dma_start3A_1062 : memref<128xf32, #tpu.memory_space<vmem>>) target(%dma_start3A_1067 : memref<100352xf32, #tpu.memory_space<vmem_shared>>) offsets(%dma_start3A_1065 : memref<128xi32, #tpu.memory_space<vmem>>) semaphore(%dma_start3A_1069 : memref<!tpu.dma_semaphore, #tpu.memory_space<semaphore_mem>>) {add = true}
      %dma_start3A_1070 = arith.constant 6 : i32
      %dma_start3A_1071 = arith.constant 2 : i32
      %dma_start3A_1072 = arith.constant 768 : i32
      %dma_start3A_1073 = tpu.memref_slice %arg24[%dma_start3A_1072] : memref<1024xf32, #tpu.memory_space<vmem>> -> memref<128xf32, #tpu.memory_space<vmem>>
      %dma_start3A_1074 = arith.constant 0 : i32
      %dma_start3A_1075 = tpu.memref_slice %arg21[%dma_start3A_1070, %dma_start3A_1074] : memref<8x128xi32, #tpu.memory_space<vmem>> -> memref<1x128xi32, #tpu.memory_space<vmem>>
      %dma_start3A_1076 = tpu.memref_squeeze %dma_start3A_1075 : memref<1x128xi32, #tpu.memory_space<vmem>> -> memref<128xi32, #tpu.memory_space<vmem>>
      %dma_start3A_1077 = arith.constant 0 : i32
      %dma_start3A_1078 = tpu.memref_slice %arg28[%dma_start3A_1077] : memref<100352xf32, #tpu.memory_space<vmem_shared>> -> memref<100352xf32, #tpu.memory_space<vmem_shared>>
      %dma_start3A_1079 = tpu.memref_slice %arg31[%dma_start3A_1071] : memref<3x!tpu.dma_semaphore, #tpu.memory_space<semaphore_mem>> -> memref<1x!tpu.dma_semaphore, #tpu.memory_space<semaphore_mem>>
      %dma_start3A_1080 = tpu.memref_squeeze %dma_start3A_1079 : memref<1x!tpu.dma_semaphore, #tpu.memory_space<semaphore_mem>> -> memref<!tpu.dma_semaphore, #tpu.memory_space<semaphore_mem>>
      tpu.enqueue_indirect_dma source(%dma_start3A_1073 : memref<128xf32, #tpu.memory_space<vmem>>) target(%dma_start3A_1078 : memref<100352xf32, #tpu.memory_space<vmem_shared>>) offsets(%dma_start3A_1076 : memref<128xi32, #tpu.memory_space<vmem>>) semaphore(%dma_start3A_1080 : memref<!tpu.dma_semaphore, #tpu.memory_space<semaphore_mem>>) {add = true}
      %dma_start3A_1081 = arith.constant 0 : i32
      %dma_start3A_1082 = arith.constant 6 : i32
      %dma_start3A_1083 = arith.constant 2 : i32
      %dma_start3A_1084 = arith.constant 0 : i32
      %dma_start3A_1085 = tpu.memref_slice %arg27[%dma_start3A_1081, %dma_start3A_1084] : memref<1x128xf32, #tpu.memory_space<vmem>> -> memref<1x128xf32, #tpu.memory_space<vmem>>
      %dma_start3A_1086 = tpu.memref_squeeze %dma_start3A_1085 : memref<1x128xf32, #tpu.memory_space<vmem>> -> memref<128xf32, #tpu.memory_space<vmem>>
      %dma_start3A_1087 = arith.constant 0 : i32
      %dma_start3A_1088 = tpu.memref_slice %arg21[%dma_start3A_1082, %dma_start3A_1087] : memref<8x128xi32, #tpu.memory_space<vmem>> -> memref<1x128xi32, #tpu.memory_space<vmem>>
      %dma_start3A_1089 = tpu.memref_squeeze %dma_start3A_1088 : memref<1x128xi32, #tpu.memory_space<vmem>> -> memref<128xi32, #tpu.memory_space<vmem>>
      %dma_start3A_1090 = arith.constant 0 : i32
      %dma_start3A_1091 = tpu.memref_slice %arg29[%dma_start3A_1090] : memref<100352xf32, #tpu.memory_space<vmem_shared>> -> memref<100352xf32, #tpu.memory_space<vmem_shared>>
      %dma_start3A_1092 = tpu.memref_slice %arg31[%dma_start3A_1083] : memref<3x!tpu.dma_semaphore, #tpu.memory_space<semaphore_mem>> -> memref<1x!tpu.dma_semaphore, #tpu.memory_space<semaphore_mem>>
      %dma_start3A_1093 = tpu.memref_squeeze %dma_start3A_1092 : memref<1x!tpu.dma_semaphore, #tpu.memory_space<semaphore_mem>> -> memref<!tpu.dma_semaphore, #tpu.memory_space<semaphore_mem>>
      tpu.enqueue_indirect_dma source(%dma_start3A_1086 : memref<128xf32, #tpu.memory_space<vmem>>) target(%dma_start3A_1091 : memref<100352xf32, #tpu.memory_space<vmem_shared>>) offsets(%dma_start3A_1089 : memref<128xi32, #tpu.memory_space<vmem>>) semaphore(%dma_start3A_1093 : memref<!tpu.dma_semaphore, #tpu.memory_space<semaphore_mem>>) {add = true}
      %dma_start3A_1094 = arith.constant 7 : i32
      %dma_start3A_1095 = arith.constant 2 : i32
      %dma_start3A_1096 = arith.constant 896 : i32
      %dma_start3A_1097 = tpu.memref_slice %arg24[%dma_start3A_1096] : memref<1024xf32, #tpu.memory_space<vmem>> -> memref<128xf32, #tpu.memory_space<vmem>>
      %dma_start3A_1098 = arith.constant 0 : i32
      %dma_start3A_1099 = tpu.memref_slice %arg21[%dma_start3A_1094, %dma_start3A_1098] : memref<8x128xi32, #tpu.memory_space<vmem>> -> memref<1x128xi32, #tpu.memory_space<vmem>>
      %dma_start3A_1100 = tpu.memref_squeeze %dma_start3A_1099 : memref<1x128xi32, #tpu.memory_space<vmem>> -> memref<128xi32, #tpu.memory_space<vmem>>
      %dma_start3A_1101 = arith.constant 0 : i32
      %dma_start3A_1102 = tpu.memref_slice %arg28[%dma_start3A_1101] : memref<100352xf32, #tpu.memory_space<vmem_shared>> -> memref<100352xf32, #tpu.memory_space<vmem_shared>>
      %dma_start3A_1103 = tpu.memref_slice %arg31[%dma_start3A_1095] : memref<3x!tpu.dma_semaphore, #tpu.memory_space<semaphore_mem>> -> memref<1x!tpu.dma_semaphore, #tpu.memory_space<semaphore_mem>>
      %dma_start3A_1104 = tpu.memref_squeeze %dma_start3A_1103 : memref<1x!tpu.dma_semaphore, #tpu.memory_space<semaphore_mem>> -> memref<!tpu.dma_semaphore, #tpu.memory_space<semaphore_mem>>
      tpu.enqueue_indirect_dma source(%dma_start3A_1097 : memref<128xf32, #tpu.memory_space<vmem>>) target(%dma_start3A_1102 : memref<100352xf32, #tpu.memory_space<vmem_shared>>) offsets(%dma_start3A_1100 : memref<128xi32, #tpu.memory_space<vmem>>) semaphore(%dma_start3A_1104 : memref<!tpu.dma_semaphore, #tpu.memory_space<semaphore_mem>>) {add = true}
      %dma_start3A_1105 = arith.constant 0 : i32
      %dma_start3A_1106 = arith.constant 7 : i32
      %dma_start3A_1107 = arith.constant 2 : i32
      %dma_start3A_1108 = arith.constant 0 : i32
      %dma_start3A_1109 = tpu.memref_slice %arg27[%dma_start3A_1105, %dma_start3A_1108] : memref<1x128xf32, #tpu.memory_space<vmem>> -> memref<1x128xf32, #tpu.memory_space<vmem>>
      %dma_start3A_1110 = tpu.memref_squeeze %dma_start3A_1109 : memref<1x128xf32, #tpu.memory_space<vmem>> -> memref<128xf32, #tpu.memory_space<vmem>>
      %dma_start3A_1111 = arith.constant 0 : i32
      %dma_start3A_1112 = tpu.memref_slice %arg21[%dma_start3A_1106, %dma_start3A_1111] : memref<8x128xi32, #tpu.memory_space<vmem>> -> memref<1x128xi32, #tpu.memory_space<vmem>>
      %dma_start3A_1113 = tpu.memref_squeeze %dma_start3A_1112 : memref<1x128xi32, #tpu.memory_space<vmem>> -> memref<128xi32, #tpu.memory_space<vmem>>
      %dma_start3A_1114 = arith.constant 0 : i32
      %dma_start3A_1115 = tpu.memref_slice %arg29[%dma_start3A_1114] : memref<100352xf32, #tpu.memory_space<vmem_shared>> -> memref<100352xf32, #tpu.memory_space<vmem_shared>>
      %dma_start3A_1116 = tpu.memref_slice %arg31[%dma_start3A_1107] : memref<3x!tpu.dma_semaphore, #tpu.memory_space<semaphore_mem>> -> memref<1x!tpu.dma_semaphore, #tpu.memory_space<semaphore_mem>>
      %dma_start3A_1117 = tpu.memref_squeeze %dma_start3A_1116 : memref<1x!tpu.dma_semaphore, #tpu.memory_space<semaphore_mem>> -> memref<!tpu.dma_semaphore, #tpu.memory_space<semaphore_mem>>
      tpu.enqueue_indirect_dma source(%dma_start3A_1110 : memref<128xf32, #tpu.memory_space<vmem>>) target(%dma_start3A_1115 : memref<100352xf32, #tpu.memory_space<vmem_shared>>) offsets(%dma_start3A_1113 : memref<128xi32, #tpu.memory_space<vmem>>) semaphore(%dma_start3A_1117 : memref<!tpu.dma_semaphore, #tpu.memory_space<semaphore_mem>>) {add = true}
    }
    %scan3A_37 = arith.constant 67 : i32
    %dma_wait3A = arith.constant 0 : i32
    %dma_wait3A_38 = arith.constant 1 : i32
    %dma_wait3A_39 = arith.constant 0 : i32
    %dma_wait3A_40 = tpu.memref_slice %arg23[%dma_wait3A_39] : memref<1024xf32, #tpu.memory_space<vmem>> -> memref<128xf32, #tpu.memory_space<vmem>>
    %dma_wait3A_41 = arith.constant 0 : i32
    %dma_wait3A_42 = tpu.memref_slice %arg20[%dma_wait3A, %dma_wait3A_41] : memref<8x128xi32, #tpu.memory_space<vmem>> -> memref<1x128xi32, #tpu.memory_space<vmem>>
    %dma_wait3A_43 = tpu.memref_squeeze %dma_wait3A_42 : memref<1x128xi32, #tpu.memory_space<vmem>> -> memref<128xi32, #tpu.memory_space<vmem>>
    %dma_wait3A_44 = arith.constant 0 : i32
    %dma_wait3A_45 = tpu.memref_slice %arg28[%dma_wait3A_44] : memref<100352xf32, #tpu.memory_space<vmem_shared>> -> memref<100352xf32, #tpu.memory_space<vmem_shared>>
    %dma_wait3A_46 = tpu.memref_slice %arg31[%dma_wait3A_38] : memref<3x!tpu.dma_semaphore, #tpu.memory_space<semaphore_mem>> -> memref<1x!tpu.dma_semaphore, #tpu.memory_space<semaphore_mem>>
    %dma_wait3A_47 = tpu.memref_squeeze %dma_wait3A_46 : memref<1x!tpu.dma_semaphore, #tpu.memory_space<semaphore_mem>> -> memref<!tpu.dma_semaphore, #tpu.memory_space<semaphore_mem>>
    tpu.wait_indirect_dma semaphore(%dma_wait3A_47 : memref<!tpu.dma_semaphore, #tpu.memory_space<semaphore_mem>>) src(%dma_wait3A_40 : memref<128xf32, #tpu.memory_space<vmem>>) dst(%dma_wait3A_45 : memref<100352xf32, #tpu.memory_space<vmem_shared>>)
    %dma_wait3A_48 = arith.constant 0 : i32
    %dma_wait3A_49 = arith.constant 0 : i32
    %dma_wait3A_50 = arith.constant 1 : i32
    %dma_wait3A_51 = arith.constant 0 : i32
    %dma_wait3A_52 = tpu.memref_slice %arg27[%dma_wait3A_48, %dma_wait3A_51] : memref<1x128xf32, #tpu.memory_space<vmem>> -> memref<1x128xf32, #tpu.memory_space<vmem>>
    %dma_wait3A_53 = tpu.memref_squeeze %dma_wait3A_52 : memref<1x128xf32, #tpu.memory_space<vmem>> -> memref<128xf32, #tpu.memory_space<vmem>>
    %dma_wait3A_54 = arith.constant 0 : i32
    %dma_wait3A_55 = tpu.memref_slice %arg20[%dma_wait3A_49, %dma_wait3A_54] : memref<8x128xi32, #tpu.memory_space<vmem>> -> memref<1x128xi32, #tpu.memory_space<vmem>>
    %dma_wait3A_56 = tpu.memref_squeeze %dma_wait3A_55 : memref<1x128xi32, #tpu.memory_space<vmem>> -> memref<128xi32, #tpu.memory_space<vmem>>
    %dma_wait3A_57 = arith.constant 0 : i32
    %dma_wait3A_58 = tpu.memref_slice %arg29[%dma_wait3A_57] : memref<100352xf32, #tpu.memory_space<vmem_shared>> -> memref<100352xf32, #tpu.memory_space<vmem_shared>>
    %dma_wait3A_59 = tpu.memref_slice %arg31[%dma_wait3A_50] : memref<3x!tpu.dma_semaphore, #tpu.memory_space<semaphore_mem>> -> memref<1x!tpu.dma_semaphore, #tpu.memory_space<semaphore_mem>>
    %dma_wait3A_60 = tpu.memref_squeeze %dma_wait3A_59 : memref<1x!tpu.dma_semaphore, #tpu.memory_space<semaphore_mem>> -> memref<!tpu.dma_semaphore, #tpu.memory_space<semaphore_mem>>
    tpu.wait_indirect_dma semaphore(%dma_wait3A_60 : memref<!tpu.dma_semaphore, #tpu.memory_space<semaphore_mem>>) src(%dma_wait3A_53 : memref<128xf32, #tpu.memory_space<vmem>>) dst(%dma_wait3A_58 : memref<100352xf32, #tpu.memory_space<vmem_shared>>)
    %dma_wait3A_61 = arith.constant 1 : i32
    %dma_wait3A_62 = arith.constant 1 : i32
    %dma_wait3A_63 = arith.constant 128 : i32
    %dma_wait3A_64 = tpu.memref_slice %arg23[%dma_wait3A_63] : memref<1024xf32, #tpu.memory_space<vmem>> -> memref<128xf32, #tpu.memory_space<vmem>>
    %dma_wait3A_65 = arith.constant 0 : i32
    %dma_wait3A_66 = tpu.memref_slice %arg20[%dma_wait3A_61, %dma_wait3A_65] : memref<8x128xi32, #tpu.memory_space<vmem>> -> memref<1x128xi32, #tpu.memory_space<vmem>>
    %dma_wait3A_67 = tpu.memref_squeeze %dma_wait3A_66 : memref<1x128xi32, #tpu.memory_space<vmem>> -> memref<128xi32, #tpu.memory_space<vmem>>
    %dma_wait3A_68 = arith.constant 0 : i32
    %dma_wait3A_69 = tpu.memref_slice %arg28[%dma_wait3A_68] : memref<100352xf32, #tpu.memory_space<vmem_shared>> -> memref<100352xf32, #tpu.memory_space<vmem_shared>>
    %dma_wait3A_70 = tpu.memref_slice %arg31[%dma_wait3A_62] : memref<3x!tpu.dma_semaphore, #tpu.memory_space<semaphore_mem>> -> memref<1x!tpu.dma_semaphore, #tpu.memory_space<semaphore_mem>>
    %dma_wait3A_71 = tpu.memref_squeeze %dma_wait3A_70 : memref<1x!tpu.dma_semaphore, #tpu.memory_space<semaphore_mem>> -> memref<!tpu.dma_semaphore, #tpu.memory_space<semaphore_mem>>
    tpu.wait_indirect_dma semaphore(%dma_wait3A_71 : memref<!tpu.dma_semaphore, #tpu.memory_space<semaphore_mem>>) src(%dma_wait3A_64 : memref<128xf32, #tpu.memory_space<vmem>>) dst(%dma_wait3A_69 : memref<100352xf32, #tpu.memory_space<vmem_shared>>)
    %dma_wait3A_72 = arith.constant 0 : i32
    %dma_wait3A_73 = arith.constant 1 : i32
    %dma_wait3A_74 = arith.constant 1 : i32
    %dma_wait3A_75 = arith.constant 0 : i32
    %dma_wait3A_76 = tpu.memref_slice %arg27[%dma_wait3A_72, %dma_wait3A_75] : memref<1x128xf32, #tpu.memory_space<vmem>> -> memref<1x128xf32, #tpu.memory_space<vmem>>
    %dma_wait3A_77 = tpu.memref_squeeze %dma_wait3A_76 : memref<1x128xf32, #tpu.memory_space<vmem>> -> memref<128xf32, #tpu.memory_space<vmem>>
    %dma_wait3A_78 = arith.constant 0 : i32
    %dma_wait3A_79 = tpu.memref_slice %arg20[%dma_wait3A_73, %dma_wait3A_78] : memref<8x128xi32, #tpu.memory_space<vmem>> -> memref<1x128xi32, #tpu.memory_space<vmem>>
    %dma_wait3A_80 = tpu.memref_squeeze %dma_wait3A_79 : memref<1x128xi32, #tpu.memory_space<vmem>> -> memref<128xi32, #tpu.memory_space<vmem>>
    %dma_wait3A_81 = arith.constant 0 : i32
    %dma_wait3A_82 = tpu.memref_slice %arg29[%dma_wait3A_81] : memref<100352xf32, #tpu.memory_space<vmem_shared>> -> memref<100352xf32, #tpu.memory_space<vmem_shared>>
    %dma_wait3A_83 = tpu.memref_slice %arg31[%dma_wait3A_74] : memref<3x!tpu.dma_semaphore, #tpu.memory_space<semaphore_mem>> -> memref<1x!tpu.dma_semaphore, #tpu.memory_space<semaphore_mem>>
    %dma_wait3A_84 = tpu.memref_squeeze %dma_wait3A_83 : memref<1x!tpu.dma_semaphore, #tpu.memory_space<semaphore_mem>> -> memref<!tpu.dma_semaphore, #tpu.memory_space<semaphore_mem>>
    tpu.wait_indirect_dma semaphore(%dma_wait3A_84 : memref<!tpu.dma_semaphore, #tpu.memory_space<semaphore_mem>>) src(%dma_wait3A_77 : memref<128xf32, #tpu.memory_space<vmem>>) dst(%dma_wait3A_82 : memref<100352xf32, #tpu.memory_space<vmem_shared>>)
    %dma_wait3A_85 = arith.constant 2 : i32
    %dma_wait3A_86 = arith.constant 1 : i32
    %dma_wait3A_87 = arith.constant 256 : i32
    %dma_wait3A_88 = tpu.memref_slice %arg23[%dma_wait3A_87] : memref<1024xf32, #tpu.memory_space<vmem>> -> memref<128xf32, #tpu.memory_space<vmem>>
    %dma_wait3A_89 = arith.constant 0 : i32
    %dma_wait3A_90 = tpu.memref_slice %arg20[%dma_wait3A_85, %dma_wait3A_89] : memref<8x128xi32, #tpu.memory_space<vmem>> -> memref<1x128xi32, #tpu.memory_space<vmem>>
    %dma_wait3A_91 = tpu.memref_squeeze %dma_wait3A_90 : memref<1x128xi32, #tpu.memory_space<vmem>> -> memref<128xi32, #tpu.memory_space<vmem>>
    %dma_wait3A_92 = arith.constant 0 : i32
    %dma_wait3A_93 = tpu.memref_slice %arg28[%dma_wait3A_92] : memref<100352xf32, #tpu.memory_space<vmem_shared>> -> memref<100352xf32, #tpu.memory_space<vmem_shared>>
    %dma_wait3A_94 = tpu.memref_slice %arg31[%dma_wait3A_86] : memref<3x!tpu.dma_semaphore, #tpu.memory_space<semaphore_mem>> -> memref<1x!tpu.dma_semaphore, #tpu.memory_space<semaphore_mem>>
    %dma_wait3A_95 = tpu.memref_squeeze %dma_wait3A_94 : memref<1x!tpu.dma_semaphore, #tpu.memory_space<semaphore_mem>> -> memref<!tpu.dma_semaphore, #tpu.memory_space<semaphore_mem>>
    tpu.wait_indirect_dma semaphore(%dma_wait3A_95 : memref<!tpu.dma_semaphore, #tpu.memory_space<semaphore_mem>>) src(%dma_wait3A_88 : memref<128xf32, #tpu.memory_space<vmem>>) dst(%dma_wait3A_93 : memref<100352xf32, #tpu.memory_space<vmem_shared>>)
    %dma_wait3A_96 = arith.constant 0 : i32
    %dma_wait3A_97 = arith.constant 2 : i32
    %dma_wait3A_98 = arith.constant 1 : i32
    %dma_wait3A_99 = arith.constant 0 : i32
    %dma_wait3A_100 = tpu.memref_slice %arg27[%dma_wait3A_96, %dma_wait3A_99] : memref<1x128xf32, #tpu.memory_space<vmem>> -> memref<1x128xf32, #tpu.memory_space<vmem>>
    %dma_wait3A_101 = tpu.memref_squeeze %dma_wait3A_100 : memref<1x128xf32, #tpu.memory_space<vmem>> -> memref<128xf32, #tpu.memory_space<vmem>>
    %dma_wait3A_102 = arith.constant 0 : i32
    %dma_wait3A_103 = tpu.memref_slice %arg20[%dma_wait3A_97, %dma_wait3A_102] : memref<8x128xi32, #tpu.memory_space<vmem>> -> memref<1x128xi32, #tpu.memory_space<vmem>>
    %dma_wait3A_104 = tpu.memref_squeeze %dma_wait3A_103 : memref<1x128xi32, #tpu.memory_space<vmem>> -> memref<128xi32, #tpu.memory_space<vmem>>
    %dma_wait3A_105 = arith.constant 0 : i32
    %dma_wait3A_106 = tpu.memref_slice %arg29[%dma_wait3A_105] : memref<100352xf32, #tpu.memory_space<vmem_shared>> -> memref<100352xf32, #tpu.memory_space<vmem_shared>>
    %dma_wait3A_107 = tpu.memref_slice %arg31[%dma_wait3A_98] : memref<3x!tpu.dma_semaphore, #tpu.memory_space<semaphore_mem>> -> memref<1x!tpu.dma_semaphore, #tpu.memory_space<semaphore_mem>>
    %dma_wait3A_108 = tpu.memref_squeeze %dma_wait3A_107 : memref<1x!tpu.dma_semaphore, #tpu.memory_space<semaphore_mem>> -> memref<!tpu.dma_semaphore, #tpu.memory_space<semaphore_mem>>
    tpu.wait_indirect_dma semaphore(%dma_wait3A_108 : memref<!tpu.dma_semaphore, #tpu.memory_space<semaphore_mem>>) src(%dma_wait3A_101 : memref<128xf32, #tpu.memory_space<vmem>>) dst(%dma_wait3A_106 : memref<100352xf32, #tpu.memory_space<vmem_shared>>)
    %dma_wait3A_109 = arith.constant 3 : i32
    %dma_wait3A_110 = arith.constant 1 : i32
    %dma_wait3A_111 = arith.constant 384 : i32
    %dma_wait3A_112 = tpu.memref_slice %arg23[%dma_wait3A_111] : memref<1024xf32, #tpu.memory_space<vmem>> -> memref<128xf32, #tpu.memory_space<vmem>>
    %dma_wait3A_113 = arith.constant 0 : i32
    %dma_wait3A_114 = tpu.memref_slice %arg20[%dma_wait3A_109, %dma_wait3A_113] : memref<8x128xi32, #tpu.memory_space<vmem>> -> memref<1x128xi32, #tpu.memory_space<vmem>>
    %dma_wait3A_115 = tpu.memref_squeeze %dma_wait3A_114 : memref<1x128xi32, #tpu.memory_space<vmem>> -> memref<128xi32, #tpu.memory_space<vmem>>
    %dma_wait3A_116 = arith.constant 0 : i32
    %dma_wait3A_117 = tpu.memref_slice %arg28[%dma_wait3A_116] : memref<100352xf32, #tpu.memory_space<vmem_shared>> -> memref<100352xf32, #tpu.memory_space<vmem_shared>>
    %dma_wait3A_118 = tpu.memref_slice %arg31[%dma_wait3A_110] : memref<3x!tpu.dma_semaphore, #tpu.memory_space<semaphore_mem>> -> memref<1x!tpu.dma_semaphore, #tpu.memory_space<semaphore_mem>>
    %dma_wait3A_119 = tpu.memref_squeeze %dma_wait3A_118 : memref<1x!tpu.dma_semaphore, #tpu.memory_space<semaphore_mem>> -> memref<!tpu.dma_semaphore, #tpu.memory_space<semaphore_mem>>
    tpu.wait_indirect_dma semaphore(%dma_wait3A_119 : memref<!tpu.dma_semaphore, #tpu.memory_space<semaphore_mem>>) src(%dma_wait3A_112 : memref<128xf32, #tpu.memory_space<vmem>>) dst(%dma_wait3A_117 : memref<100352xf32, #tpu.memory_space<vmem_shared>>)
    %dma_wait3A_120 = arith.constant 0 : i32
    %dma_wait3A_121 = arith.constant 3 : i32
    %dma_wait3A_122 = arith.constant 1 : i32
    %dma_wait3A_123 = arith.constant 0 : i32
    %dma_wait3A_124 = tpu.memref_slice %arg27[%dma_wait3A_120, %dma_wait3A_123] : memref<1x128xf32, #tpu.memory_space<vmem>> -> memref<1x128xf32, #tpu.memory_space<vmem>>
    %dma_wait3A_125 = tpu.memref_squeeze %dma_wait3A_124 : memref<1x128xf32, #tpu.memory_space<vmem>> -> memref<128xf32, #tpu.memory_space<vmem>>
    %dma_wait3A_126 = arith.constant 0 : i32
    %dma_wait3A_127 = tpu.memref_slice %arg20[%dma_wait3A_121, %dma_wait3A_126] : memref<8x128xi32, #tpu.memory_space<vmem>> -> memref<1x128xi32, #tpu.memory_space<vmem>>
    %dma_wait3A_128 = tpu.memref_squeeze %dma_wait3A_127 : memref<1x128xi32, #tpu.memory_space<vmem>> -> memref<128xi32, #tpu.memory_space<vmem>>
    %dma_wait3A_129 = arith.constant 0 : i32
    %dma_wait3A_130 = tpu.memref_slice %arg29[%dma_wait3A_129] : memref<100352xf32, #tpu.memory_space<vmem_shared>> -> memref<100352xf32, #tpu.memory_space<vmem_shared>>
    %dma_wait3A_131 = tpu.memref_slice %arg31[%dma_wait3A_122] : memref<3x!tpu.dma_semaphore, #tpu.memory_space<semaphore_mem>> -> memref<1x!tpu.dma_semaphore, #tpu.memory_space<semaphore_mem>>
    %dma_wait3A_132 = tpu.memref_squeeze %dma_wait3A_131 : memref<1x!tpu.dma_semaphore, #tpu.memory_space<semaphore_mem>> -> memref<!tpu.dma_semaphore, #tpu.memory_space<semaphore_mem>>
    tpu.wait_indirect_dma semaphore(%dma_wait3A_132 : memref<!tpu.dma_semaphore, #tpu.memory_space<semaphore_mem>>) src(%dma_wait3A_125 : memref<128xf32, #tpu.memory_space<vmem>>) dst(%dma_wait3A_130 : memref<100352xf32, #tpu.memory_space<vmem_shared>>)
    %dma_wait3A_133 = arith.constant 4 : i32
    %dma_wait3A_134 = arith.constant 1 : i32
    %dma_wait3A_135 = arith.constant 512 : i32
    %dma_wait3A_136 = tpu.memref_slice %arg23[%dma_wait3A_135] : memref<1024xf32, #tpu.memory_space<vmem>> -> memref<128xf32, #tpu.memory_space<vmem>>
    %dma_wait3A_137 = arith.constant 0 : i32
    %dma_wait3A_138 = tpu.memref_slice %arg20[%dma_wait3A_133, %dma_wait3A_137] : memref<8x128xi32, #tpu.memory_space<vmem>> -> memref<1x128xi32, #tpu.memory_space<vmem>>
    %dma_wait3A_139 = tpu.memref_squeeze %dma_wait3A_138 : memref<1x128xi32, #tpu.memory_space<vmem>> -> memref<128xi32, #tpu.memory_space<vmem>>
    %dma_wait3A_140 = arith.constant 0 : i32
    %dma_wait3A_141 = tpu.memref_slice %arg28[%dma_wait3A_140] : memref<100352xf32, #tpu.memory_space<vmem_shared>> -> memref<100352xf32, #tpu.memory_space<vmem_shared>>
    %dma_wait3A_142 = tpu.memref_slice %arg31[%dma_wait3A_134] : memref<3x!tpu.dma_semaphore, #tpu.memory_space<semaphore_mem>> -> memref<1x!tpu.dma_semaphore, #tpu.memory_space<semaphore_mem>>
    %dma_wait3A_143 = tpu.memref_squeeze %dma_wait3A_142 : memref<1x!tpu.dma_semaphore, #tpu.memory_space<semaphore_mem>> -> memref<!tpu.dma_semaphore, #tpu.memory_space<semaphore_mem>>
    tpu.wait_indirect_dma semaphore(%dma_wait3A_143 : memref<!tpu.dma_semaphore, #tpu.memory_space<semaphore_mem>>) src(%dma_wait3A_136 : memref<128xf32, #tpu.memory_space<vmem>>) dst(%dma_wait3A_141 : memref<100352xf32, #tpu.memory_space<vmem_shared>>)
    %dma_wait3A_144 = arith.constant 0 : i32
    %dma_wait3A_145 = arith.constant 4 : i32
    %dma_wait3A_146 = arith.constant 1 : i32
    %dma_wait3A_147 = arith.constant 0 : i32
    %dma_wait3A_148 = tpu.memref_slice %arg27[%dma_wait3A_144, %dma_wait3A_147] : memref<1x128xf32, #tpu.memory_space<vmem>> -> memref<1x128xf32, #tpu.memory_space<vmem>>
    %dma_wait3A_149 = tpu.memref_squeeze %dma_wait3A_148 : memref<1x128xf32, #tpu.memory_space<vmem>> -> memref<128xf32, #tpu.memory_space<vmem>>
    %dma_wait3A_150 = arith.constant 0 : i32
    %dma_wait3A_151 = tpu.memref_slice %arg20[%dma_wait3A_145, %dma_wait3A_150] : memref<8x128xi32, #tpu.memory_space<vmem>> -> memref<1x128xi32, #tpu.memory_space<vmem>>
    %dma_wait3A_152 = tpu.memref_squeeze %dma_wait3A_151 : memref<1x128xi32, #tpu.memory_space<vmem>> -> memref<128xi32, #tpu.memory_space<vmem>>
    %dma_wait3A_153 = arith.constant 0 : i32
    %dma_wait3A_154 = tpu.memref_slice %arg29[%dma_wait3A_153] : memref<100352xf32, #tpu.memory_space<vmem_shared>> -> memref<100352xf32, #tpu.memory_space<vmem_shared>>
    %dma_wait3A_155 = tpu.memref_slice %arg31[%dma_wait3A_146] : memref<3x!tpu.dma_semaphore, #tpu.memory_space<semaphore_mem>> -> memref<1x!tpu.dma_semaphore, #tpu.memory_space<semaphore_mem>>
    %dma_wait3A_156 = tpu.memref_squeeze %dma_wait3A_155 : memref<1x!tpu.dma_semaphore, #tpu.memory_space<semaphore_mem>> -> memref<!tpu.dma_semaphore, #tpu.memory_space<semaphore_mem>>
    tpu.wait_indirect_dma semaphore(%dma_wait3A_156 : memref<!tpu.dma_semaphore, #tpu.memory_space<semaphore_mem>>) src(%dma_wait3A_149 : memref<128xf32, #tpu.memory_space<vmem>>) dst(%dma_wait3A_154 : memref<100352xf32, #tpu.memory_space<vmem_shared>>)
    %dma_wait3A_157 = arith.constant 5 : i32
    %dma_wait3A_158 = arith.constant 1 : i32
    %dma_wait3A_159 = arith.constant 640 : i32
    %dma_wait3A_160 = tpu.memref_slice %arg23[%dma_wait3A_159] : memref<1024xf32, #tpu.memory_space<vmem>> -> memref<128xf32, #tpu.memory_space<vmem>>
    %dma_wait3A_161 = arith.constant 0 : i32
    %dma_wait3A_162 = tpu.memref_slice %arg20[%dma_wait3A_157, %dma_wait3A_161] : memref<8x128xi32, #tpu.memory_space<vmem>> -> memref<1x128xi32, #tpu.memory_space<vmem>>
    %dma_wait3A_163 = tpu.memref_squeeze %dma_wait3A_162 : memref<1x128xi32, #tpu.memory_space<vmem>> -> memref<128xi32, #tpu.memory_space<vmem>>
    %dma_wait3A_164 = arith.constant 0 : i32
    %dma_wait3A_165 = tpu.memref_slice %arg28[%dma_wait3A_164] : memref<100352xf32, #tpu.memory_space<vmem_shared>> -> memref<100352xf32, #tpu.memory_space<vmem_shared>>
    %dma_wait3A_166 = tpu.memref_slice %arg31[%dma_wait3A_158] : memref<3x!tpu.dma_semaphore, #tpu.memory_space<semaphore_mem>> -> memref<1x!tpu.dma_semaphore, #tpu.memory_space<semaphore_mem>>
    %dma_wait3A_167 = tpu.memref_squeeze %dma_wait3A_166 : memref<1x!tpu.dma_semaphore, #tpu.memory_space<semaphore_mem>> -> memref<!tpu.dma_semaphore, #tpu.memory_space<semaphore_mem>>
    tpu.wait_indirect_dma semaphore(%dma_wait3A_167 : memref<!tpu.dma_semaphore, #tpu.memory_space<semaphore_mem>>) src(%dma_wait3A_160 : memref<128xf32, #tpu.memory_space<vmem>>) dst(%dma_wait3A_165 : memref<100352xf32, #tpu.memory_space<vmem_shared>>)
    %dma_wait3A_168 = arith.constant 0 : i32
    %dma_wait3A_169 = arith.constant 5 : i32
    %dma_wait3A_170 = arith.constant 1 : i32
    %dma_wait3A_171 = arith.constant 0 : i32
    %dma_wait3A_172 = tpu.memref_slice %arg27[%dma_wait3A_168, %dma_wait3A_171] : memref<1x128xf32, #tpu.memory_space<vmem>> -> memref<1x128xf32, #tpu.memory_space<vmem>>
    %dma_wait3A_173 = tpu.memref_squeeze %dma_wait3A_172 : memref<1x128xf32, #tpu.memory_space<vmem>> -> memref<128xf32, #tpu.memory_space<vmem>>
    %dma_wait3A_174 = arith.constant 0 : i32
    %dma_wait3A_175 = tpu.memref_slice %arg20[%dma_wait3A_169, %dma_wait3A_174] : memref<8x128xi32, #tpu.memory_space<vmem>> -> memref<1x128xi32, #tpu.memory_space<vmem>>
    %dma_wait3A_176 = tpu.memref_squeeze %dma_wait3A_175 : memref<1x128xi32, #tpu.memory_space<vmem>> -> memref<128xi32, #tpu.memory_space<vmem>>
    %dma_wait3A_177 = arith.constant 0 : i32
    %dma_wait3A_178 = tpu.memref_slice %arg29[%dma_wait3A_177] : memref<100352xf32, #tpu.memory_space<vmem_shared>> -> memref<100352xf32, #tpu.memory_space<vmem_shared>>
    %dma_wait3A_179 = tpu.memref_slice %arg31[%dma_wait3A_170] : memref<3x!tpu.dma_semaphore, #tpu.memory_space<semaphore_mem>> -> memref<1x!tpu.dma_semaphore, #tpu.memory_space<semaphore_mem>>
    %dma_wait3A_180 = tpu.memref_squeeze %dma_wait3A_179 : memref<1x!tpu.dma_semaphore, #tpu.memory_space<semaphore_mem>> -> memref<!tpu.dma_semaphore, #tpu.memory_space<semaphore_mem>>
    tpu.wait_indirect_dma semaphore(%dma_wait3A_180 : memref<!tpu.dma_semaphore, #tpu.memory_space<semaphore_mem>>) src(%dma_wait3A_173 : memref<128xf32, #tpu.memory_space<vmem>>) dst(%dma_wait3A_178 : memref<100352xf32, #tpu.memory_space<vmem_shared>>)
    %dma_wait3A_181 = arith.constant 6 : i32
    %dma_wait3A_182 = arith.constant 1 : i32
    %dma_wait3A_183 = arith.constant 768 : i32
    %dma_wait3A_184 = tpu.memref_slice %arg23[%dma_wait3A_183] : memref<1024xf32, #tpu.memory_space<vmem>> -> memref<128xf32, #tpu.memory_space<vmem>>
    %dma_wait3A_185 = arith.constant 0 : i32
    %dma_wait3A_186 = tpu.memref_slice %arg20[%dma_wait3A_181, %dma_wait3A_185] : memref<8x128xi32, #tpu.memory_space<vmem>> -> memref<1x128xi32, #tpu.memory_space<vmem>>
    %dma_wait3A_187 = tpu.memref_squeeze %dma_wait3A_186 : memref<1x128xi32, #tpu.memory_space<vmem>> -> memref<128xi32, #tpu.memory_space<vmem>>
    %dma_wait3A_188 = arith.constant 0 : i32
    %dma_wait3A_189 = tpu.memref_slice %arg28[%dma_wait3A_188] : memref<100352xf32, #tpu.memory_space<vmem_shared>> -> memref<100352xf32, #tpu.memory_space<vmem_shared>>
    %dma_wait3A_190 = tpu.memref_slice %arg31[%dma_wait3A_182] : memref<3x!tpu.dma_semaphore, #tpu.memory_space<semaphore_mem>> -> memref<1x!tpu.dma_semaphore, #tpu.memory_space<semaphore_mem>>
    %dma_wait3A_191 = tpu.memref_squeeze %dma_wait3A_190 : memref<1x!tpu.dma_semaphore, #tpu.memory_space<semaphore_mem>> -> memref<!tpu.dma_semaphore, #tpu.memory_space<semaphore_mem>>
    tpu.wait_indirect_dma semaphore(%dma_wait3A_191 : memref<!tpu.dma_semaphore, #tpu.memory_space<semaphore_mem>>) src(%dma_wait3A_184 : memref<128xf32, #tpu.memory_space<vmem>>) dst(%dma_wait3A_189 : memref<100352xf32, #tpu.memory_space<vmem_shared>>)
    %dma_wait3A_192 = arith.constant 0 : i32
    %dma_wait3A_193 = arith.constant 6 : i32
    %dma_wait3A_194 = arith.constant 1 : i32
    %dma_wait3A_195 = arith.constant 0 : i32
    %dma_wait3A_196 = tpu.memref_slice %arg27[%dma_wait3A_192, %dma_wait3A_195] : memref<1x128xf32, #tpu.memory_space<vmem>> -> memref<1x128xf32, #tpu.memory_space<vmem>>
    %dma_wait3A_197 = tpu.memref_squeeze %dma_wait3A_196 : memref<1x128xf32, #tpu.memory_space<vmem>> -> memref<128xf32, #tpu.memory_space<vmem>>
    %dma_wait3A_198 = arith.constant 0 : i32
    %dma_wait3A_199 = tpu.memref_slice %arg20[%dma_wait3A_193, %dma_wait3A_198] : memref<8x128xi32, #tpu.memory_space<vmem>> -> memref<1x128xi32, #tpu.memory_space<vmem>>
    %dma_wait3A_200 = tpu.memref_squeeze %dma_wait3A_199 : memref<1x128xi32, #tpu.memory_space<vmem>> -> memref<128xi32, #tpu.memory_space<vmem>>
    %dma_wait3A_201 = arith.constant 0 : i32
    %dma_wait3A_202 = tpu.memref_slice %arg29[%dma_wait3A_201] : memref<100352xf32, #tpu.memory_space<vmem_shared>> -> memref<100352xf32, #tpu.memory_space<vmem_shared>>
    %dma_wait3A_203 = tpu.memref_slice %arg31[%dma_wait3A_194] : memref<3x!tpu.dma_semaphore, #tpu.memory_space<semaphore_mem>> -> memref<1x!tpu.dma_semaphore, #tpu.memory_space<semaphore_mem>>
    %dma_wait3A_204 = tpu.memref_squeeze %dma_wait3A_203 : memref<1x!tpu.dma_semaphore, #tpu.memory_space<semaphore_mem>> -> memref<!tpu.dma_semaphore, #tpu.memory_space<semaphore_mem>>
    tpu.wait_indirect_dma semaphore(%dma_wait3A_204 : memref<!tpu.dma_semaphore, #tpu.memory_space<semaphore_mem>>) src(%dma_wait3A_197 : memref<128xf32, #tpu.memory_space<vmem>>) dst(%dma_wait3A_202 : memref<100352xf32, #tpu.memory_space<vmem_shared>>)
    %dma_wait3A_205 = arith.constant 7 : i32
    %dma_wait3A_206 = arith.constant 1 : i32
    %dma_wait3A_207 = arith.constant 896 : i32
    %dma_wait3A_208 = tpu.memref_slice %arg23[%dma_wait3A_207] : memref<1024xf32, #tpu.memory_space<vmem>> -> memref<128xf32, #tpu.memory_space<vmem>>
    %dma_wait3A_209 = arith.constant 0 : i32
    %dma_wait3A_210 = tpu.memref_slice %arg20[%dma_wait3A_205, %dma_wait3A_209] : memref<8x128xi32, #tpu.memory_space<vmem>> -> memref<1x128xi32, #tpu.memory_space<vmem>>
    %dma_wait3A_211 = tpu.memref_squeeze %dma_wait3A_210 : memref<1x128xi32, #tpu.memory_space<vmem>> -> memref<128xi32, #tpu.memory_space<vmem>>
    %dma_wait3A_212 = arith.constant 0 : i32
    %dma_wait3A_213 = tpu.memref_slice %arg28[%dma_wait3A_212] : memref<100352xf32, #tpu.memory_space<vmem_shared>> -> memref<100352xf32, #tpu.memory_space<vmem_shared>>
    %dma_wait3A_214 = tpu.memref_slice %arg31[%dma_wait3A_206] : memref<3x!tpu.dma_semaphore, #tpu.memory_space<semaphore_mem>> -> memref<1x!tpu.dma_semaphore, #tpu.memory_space<semaphore_mem>>
    %dma_wait3A_215 = tpu.memref_squeeze %dma_wait3A_214 : memref<1x!tpu.dma_semaphore, #tpu.memory_space<semaphore_mem>> -> memref<!tpu.dma_semaphore, #tpu.memory_space<semaphore_mem>>
    tpu.wait_indirect_dma semaphore(%dma_wait3A_215 : memref<!tpu.dma_semaphore, #tpu.memory_space<semaphore_mem>>) src(%dma_wait3A_208 : memref<128xf32, #tpu.memory_space<vmem>>) dst(%dma_wait3A_213 : memref<100352xf32, #tpu.memory_space<vmem_shared>>)
    %dma_wait3A_216 = arith.constant 0 : i32
    %dma_wait3A_217 = arith.constant 7 : i32
    %dma_wait3A_218 = arith.constant 1 : i32
    %dma_wait3A_219 = arith.constant 0 : i32
    %dma_wait3A_220 = tpu.memref_slice %arg27[%dma_wait3A_216, %dma_wait3A_219] : memref<1x128xf32, #tpu.memory_space<vmem>> -> memref<1x128xf32, #tpu.memory_space<vmem>>
    %dma_wait3A_221 = tpu.memref_squeeze %dma_wait3A_220 : memref<1x128xf32, #tpu.memory_space<vmem>> -> memref<128xf32, #tpu.memory_space<vmem>>
    %dma_wait3A_222 = arith.constant 0 : i32
    %dma_wait3A_223 = tpu.memref_slice %arg20[%dma_wait3A_217, %dma_wait3A_222] : memref<8x128xi32, #tpu.memory_space<vmem>> -> memref<1x128xi32, #tpu.memory_space<vmem>>
    %dma_wait3A_224 = tpu.memref_squeeze %dma_wait3A_223 : memref<1x128xi32, #tpu.memory_space<vmem>> -> memref<128xi32, #tpu.memory_space<vmem>>
    %dma_wait3A_225 = arith.constant 0 : i32
    %dma_wait3A_226 = tpu.memref_slice %arg29[%dma_wait3A_225] : memref<100352xf32, #tpu.memory_space<vmem_shared>> -> memref<100352xf32, #tpu.memory_space<vmem_shared>>
    %dma_wait3A_227 = tpu.memref_slice %arg31[%dma_wait3A_218] : memref<3x!tpu.dma_semaphore, #tpu.memory_space<semaphore_mem>> -> memref<1x!tpu.dma_semaphore, #tpu.memory_space<semaphore_mem>>
    %dma_wait3A_228 = tpu.memref_squeeze %dma_wait3A_227 : memref<1x!tpu.dma_semaphore, #tpu.memory_space<semaphore_mem>> -> memref<!tpu.dma_semaphore, #tpu.memory_space<semaphore_mem>>
    tpu.wait_indirect_dma semaphore(%dma_wait3A_228 : memref<!tpu.dma_semaphore, #tpu.memory_space<semaphore_mem>>) src(%dma_wait3A_221 : memref<128xf32, #tpu.memory_space<vmem>>) dst(%dma_wait3A_226 : memref<100352xf32, #tpu.memory_space<vmem_shared>>)
    %dma_wait3A_229 = arith.constant 0 : i32
    %dma_wait3A_230 = arith.constant 2 : i32
    %dma_wait3A_231 = arith.constant 0 : i32
    %dma_wait3A_232 = tpu.memref_slice %arg24[%dma_wait3A_231] : memref<1024xf32, #tpu.memory_space<vmem>> -> memref<128xf32, #tpu.memory_space<vmem>>
    %dma_wait3A_233 = arith.constant 0 : i32
    %dma_wait3A_234 = tpu.memref_slice %arg21[%dma_wait3A_229, %dma_wait3A_233] : memref<8x128xi32, #tpu.memory_space<vmem>> -> memref<1x128xi32, #tpu.memory_space<vmem>>
    %dma_wait3A_235 = tpu.memref_squeeze %dma_wait3A_234 : memref<1x128xi32, #tpu.memory_space<vmem>> -> memref<128xi32, #tpu.memory_space<vmem>>
    %dma_wait3A_236 = arith.constant 0 : i32
    %dma_wait3A_237 = tpu.memref_slice %arg28[%dma_wait3A_236] : memref<100352xf32, #tpu.memory_space<vmem_shared>> -> memref<100352xf32, #tpu.memory_space<vmem_shared>>
    %dma_wait3A_238 = tpu.memref_slice %arg31[%dma_wait3A_230] : memref<3x!tpu.dma_semaphore, #tpu.memory_space<semaphore_mem>> -> memref<1x!tpu.dma_semaphore, #tpu.memory_space<semaphore_mem>>
    %dma_wait3A_239 = tpu.memref_squeeze %dma_wait3A_238 : memref<1x!tpu.dma_semaphore, #tpu.memory_space<semaphore_mem>> -> memref<!tpu.dma_semaphore, #tpu.memory_space<semaphore_mem>>
    tpu.wait_indirect_dma semaphore(%dma_wait3A_239 : memref<!tpu.dma_semaphore, #tpu.memory_space<semaphore_mem>>) src(%dma_wait3A_232 : memref<128xf32, #tpu.memory_space<vmem>>) dst(%dma_wait3A_237 : memref<100352xf32, #tpu.memory_space<vmem_shared>>)
    %dma_wait3A_240 = arith.constant 0 : i32
    %dma_wait3A_241 = arith.constant 0 : i32
    %dma_wait3A_242 = arith.constant 2 : i32
    %dma_wait3A_243 = arith.constant 0 : i32
    %dma_wait3A_244 = tpu.memref_slice %arg27[%dma_wait3A_240, %dma_wait3A_243] : memref<1x128xf32, #tpu.memory_space<vmem>> -> memref<1x128xf32, #tpu.memory_space<vmem>>
    %dma_wait3A_245 = tpu.memref_squeeze %dma_wait3A_244 : memref<1x128xf32, #tpu.memory_space<vmem>> -> memref<128xf32, #tpu.memory_space<vmem>>
    %dma_wait3A_246 = arith.constant 0 : i32
    %dma_wait3A_247 = tpu.memref_slice %arg21[%dma_wait3A_241, %dma_wait3A_246] : memref<8x128xi32, #tpu.memory_space<vmem>> -> memref<1x128xi32, #tpu.memory_space<vmem>>
    %dma_wait3A_248 = tpu.memref_squeeze %dma_wait3A_247 : memref<1x128xi32, #tpu.memory_space<vmem>> -> memref<128xi32, #tpu.memory_space<vmem>>
    %dma_wait3A_249 = arith.constant 0 : i32
    %dma_wait3A_250 = tpu.memref_slice %arg29[%dma_wait3A_249] : memref<100352xf32, #tpu.memory_space<vmem_shared>> -> memref<100352xf32, #tpu.memory_space<vmem_shared>>
    %dma_wait3A_251 = tpu.memref_slice %arg31[%dma_wait3A_242] : memref<3x!tpu.dma_semaphore, #tpu.memory_space<semaphore_mem>> -> memref<1x!tpu.dma_semaphore, #tpu.memory_space<semaphore_mem>>
    %dma_wait3A_252 = tpu.memref_squeeze %dma_wait3A_251 : memref<1x!tpu.dma_semaphore, #tpu.memory_space<semaphore_mem>> -> memref<!tpu.dma_semaphore, #tpu.memory_space<semaphore_mem>>
    tpu.wait_indirect_dma semaphore(%dma_wait3A_252 : memref<!tpu.dma_semaphore, #tpu.memory_space<semaphore_mem>>) src(%dma_wait3A_245 : memref<128xf32, #tpu.memory_space<vmem>>) dst(%dma_wait3A_250 : memref<100352xf32, #tpu.memory_space<vmem_shared>>)
    %dma_wait3A_253 = arith.constant 1 : i32
    %dma_wait3A_254 = arith.constant 2 : i32
    %dma_wait3A_255 = arith.constant 128 : i32
    %dma_wait3A_256 = tpu.memref_slice %arg24[%dma_wait3A_255] : memref<1024xf32, #tpu.memory_space<vmem>> -> memref<128xf32, #tpu.memory_space<vmem>>
    %dma_wait3A_257 = arith.constant 0 : i32
    %dma_wait3A_258 = tpu.memref_slice %arg21[%dma_wait3A_253, %dma_wait3A_257] : memref<8x128xi32, #tpu.memory_space<vmem>> -> memref<1x128xi32, #tpu.memory_space<vmem>>
    %dma_wait3A_259 = tpu.memref_squeeze %dma_wait3A_258 : memref<1x128xi32, #tpu.memory_space<vmem>> -> memref<128xi32, #tpu.memory_space<vmem>>
    %dma_wait3A_260 = arith.constant 0 : i32
    %dma_wait3A_261 = tpu.memref_slice %arg28[%dma_wait3A_260] : memref<100352xf32, #tpu.memory_space<vmem_shared>> -> memref<100352xf32, #tpu.memory_space<vmem_shared>>
    %dma_wait3A_262 = tpu.memref_slice %arg31[%dma_wait3A_254] : memref<3x!tpu.dma_semaphore, #tpu.memory_space<semaphore_mem>> -> memref<1x!tpu.dma_semaphore, #tpu.memory_space<semaphore_mem>>
    %dma_wait3A_263 = tpu.memref_squeeze %dma_wait3A_262 : memref<1x!tpu.dma_semaphore, #tpu.memory_space<semaphore_mem>> -> memref<!tpu.dma_semaphore, #tpu.memory_space<semaphore_mem>>
    tpu.wait_indirect_dma semaphore(%dma_wait3A_263 : memref<!tpu.dma_semaphore, #tpu.memory_space<semaphore_mem>>) src(%dma_wait3A_256 : memref<128xf32, #tpu.memory_space<vmem>>) dst(%dma_wait3A_261 : memref<100352xf32, #tpu.memory_space<vmem_shared>>)
    %dma_wait3A_264 = arith.constant 0 : i32
    %dma_wait3A_265 = arith.constant 1 : i32
    %dma_wait3A_266 = arith.constant 2 : i32
    %dma_wait3A_267 = arith.constant 0 : i32
    %dma_wait3A_268 = tpu.memref_slice %arg27[%dma_wait3A_264, %dma_wait3A_267] : memref<1x128xf32, #tpu.memory_space<vmem>> -> memref<1x128xf32, #tpu.memory_space<vmem>>
    %dma_wait3A_269 = tpu.memref_squeeze %dma_wait3A_268 : memref<1x128xf32, #tpu.memory_space<vmem>> -> memref<128xf32, #tpu.memory_space<vmem>>
    %dma_wait3A_270 = arith.constant 0 : i32
    %dma_wait3A_271 = tpu.memref_slice %arg21[%dma_wait3A_265, %dma_wait3A_270] : memref<8x128xi32, #tpu.memory_space<vmem>> -> memref<1x128xi32, #tpu.memory_space<vmem>>
    %dma_wait3A_272 = tpu.memref_squeeze %dma_wait3A_271 : memref<1x128xi32, #tpu.memory_space<vmem>> -> memref<128xi32, #tpu.memory_space<vmem>>
    %dma_wait3A_273 = arith.constant 0 : i32
    %dma_wait3A_274 = tpu.memref_slice %arg29[%dma_wait3A_273] : memref<100352xf32, #tpu.memory_space<vmem_shared>> -> memref<100352xf32, #tpu.memory_space<vmem_shared>>
    %dma_wait3A_275 = tpu.memref_slice %arg31[%dma_wait3A_266] : memref<3x!tpu.dma_semaphore, #tpu.memory_space<semaphore_mem>> -> memref<1x!tpu.dma_semaphore, #tpu.memory_space<semaphore_mem>>
    %dma_wait3A_276 = tpu.memref_squeeze %dma_wait3A_275 : memref<1x!tpu.dma_semaphore, #tpu.memory_space<semaphore_mem>> -> memref<!tpu.dma_semaphore, #tpu.memory_space<semaphore_mem>>
    tpu.wait_indirect_dma semaphore(%dma_wait3A_276 : memref<!tpu.dma_semaphore, #tpu.memory_space<semaphore_mem>>) src(%dma_wait3A_269 : memref<128xf32, #tpu.memory_space<vmem>>) dst(%dma_wait3A_274 : memref<100352xf32, #tpu.memory_space<vmem_shared>>)
    %dma_wait3A_277 = arith.constant 2 : i32
    %dma_wait3A_278 = arith.constant 2 : i32
    %dma_wait3A_279 = arith.constant 256 : i32
    %dma_wait3A_280 = tpu.memref_slice %arg24[%dma_wait3A_279] : memref<1024xf32, #tpu.memory_space<vmem>> -> memref<128xf32, #tpu.memory_space<vmem>>
    %dma_wait3A_281 = arith.constant 0 : i32
    %dma_wait3A_282 = tpu.memref_slice %arg21[%dma_wait3A_277, %dma_wait3A_281] : memref<8x128xi32, #tpu.memory_space<vmem>> -> memref<1x128xi32, #tpu.memory_space<vmem>>
    %dma_wait3A_283 = tpu.memref_squeeze %dma_wait3A_282 : memref<1x128xi32, #tpu.memory_space<vmem>> -> memref<128xi32, #tpu.memory_space<vmem>>
    %dma_wait3A_284 = arith.constant 0 : i32
    %dma_wait3A_285 = tpu.memref_slice %arg28[%dma_wait3A_284] : memref<100352xf32, #tpu.memory_space<vmem_shared>> -> memref<100352xf32, #tpu.memory_space<vmem_shared>>
    %dma_wait3A_286 = tpu.memref_slice %arg31[%dma_wait3A_278] : memref<3x!tpu.dma_semaphore, #tpu.memory_space<semaphore_mem>> -> memref<1x!tpu.dma_semaphore, #tpu.memory_space<semaphore_mem>>
    %dma_wait3A_287 = tpu.memref_squeeze %dma_wait3A_286 : memref<1x!tpu.dma_semaphore, #tpu.memory_space<semaphore_mem>> -> memref<!tpu.dma_semaphore, #tpu.memory_space<semaphore_mem>>
    tpu.wait_indirect_dma semaphore(%dma_wait3A_287 : memref<!tpu.dma_semaphore, #tpu.memory_space<semaphore_mem>>) src(%dma_wait3A_280 : memref<128xf32, #tpu.memory_space<vmem>>) dst(%dma_wait3A_285 : memref<100352xf32, #tpu.memory_space<vmem_shared>>)
    %dma_wait3A_288 = arith.constant 0 : i32
    %dma_wait3A_289 = arith.constant 2 : i32
    %dma_wait3A_290 = arith.constant 2 : i32
    %dma_wait3A_291 = arith.constant 0 : i32
    %dma_wait3A_292 = tpu.memref_slice %arg27[%dma_wait3A_288, %dma_wait3A_291] : memref<1x128xf32, #tpu.memory_space<vmem>> -> memref<1x128xf32, #tpu.memory_space<vmem>>
    %dma_wait3A_293 = tpu.memref_squeeze %dma_wait3A_292 : memref<1x128xf32, #tpu.memory_space<vmem>> -> memref<128xf32, #tpu.memory_space<vmem>>
    %dma_wait3A_294 = arith.constant 0 : i32
    %dma_wait3A_295 = tpu.memref_slice %arg21[%dma_wait3A_289, %dma_wait3A_294] : memref<8x128xi32, #tpu.memory_space<vmem>> -> memref<1x128xi32, #tpu.memory_space<vmem>>
    %dma_wait3A_296 = tpu.memref_squeeze %dma_wait3A_295 : memref<1x128xi32, #tpu.memory_space<vmem>> -> memref<128xi32, #tpu.memory_space<vmem>>
    %dma_wait3A_297 = arith.constant 0 : i32
    %dma_wait3A_298 = tpu.memref_slice %arg29[%dma_wait3A_297] : memref<100352xf32, #tpu.memory_space<vmem_shared>> -> memref<100352xf32, #tpu.memory_space<vmem_shared>>
    %dma_wait3A_299 = tpu.memref_slice %arg31[%dma_wait3A_290] : memref<3x!tpu.dma_semaphore, #tpu.memory_space<semaphore_mem>> -> memref<1x!tpu.dma_semaphore, #tpu.memory_space<semaphore_mem>>
    %dma_wait3A_300 = tpu.memref_squeeze %dma_wait3A_299 : memref<1x!tpu.dma_semaphore, #tpu.memory_space<semaphore_mem>> -> memref<!tpu.dma_semaphore, #tpu.memory_space<semaphore_mem>>
    tpu.wait_indirect_dma semaphore(%dma_wait3A_300 : memref<!tpu.dma_semaphore, #tpu.memory_space<semaphore_mem>>) src(%dma_wait3A_293 : memref<128xf32, #tpu.memory_space<vmem>>) dst(%dma_wait3A_298 : memref<100352xf32, #tpu.memory_space<vmem_shared>>)
    %dma_wait3A_301 = arith.constant 3 : i32
    %dma_wait3A_302 = arith.constant 2 : i32
    %dma_wait3A_303 = arith.constant 384 : i32
    %dma_wait3A_304 = tpu.memref_slice %arg24[%dma_wait3A_303] : memref<1024xf32, #tpu.memory_space<vmem>> -> memref<128xf32, #tpu.memory_space<vmem>>
    %dma_wait3A_305 = arith.constant 0 : i32
    %dma_wait3A_306 = tpu.memref_slice %arg21[%dma_wait3A_301, %dma_wait3A_305] : memref<8x128xi32, #tpu.memory_space<vmem>> -> memref<1x128xi32, #tpu.memory_space<vmem>>
    %dma_wait3A_307 = tpu.memref_squeeze %dma_wait3A_306 : memref<1x128xi32, #tpu.memory_space<vmem>> -> memref<128xi32, #tpu.memory_space<vmem>>
    %dma_wait3A_308 = arith.constant 0 : i32
    %dma_wait3A_309 = tpu.memref_slice %arg28[%dma_wait3A_308] : memref<100352xf32, #tpu.memory_space<vmem_shared>> -> memref<100352xf32, #tpu.memory_space<vmem_shared>>
    %dma_wait3A_310 = tpu.memref_slice %arg31[%dma_wait3A_302] : memref<3x!tpu.dma_semaphore, #tpu.memory_space<semaphore_mem>> -> memref<1x!tpu.dma_semaphore, #tpu.memory_space<semaphore_mem>>
    %dma_wait3A_311 = tpu.memref_squeeze %dma_wait3A_310 : memref<1x!tpu.dma_semaphore, #tpu.memory_space<semaphore_mem>> -> memref<!tpu.dma_semaphore, #tpu.memory_space<semaphore_mem>>
    tpu.wait_indirect_dma semaphore(%dma_wait3A_311 : memref<!tpu.dma_semaphore, #tpu.memory_space<semaphore_mem>>) src(%dma_wait3A_304 : memref<128xf32, #tpu.memory_space<vmem>>) dst(%dma_wait3A_309 : memref<100352xf32, #tpu.memory_space<vmem_shared>>)
    %dma_wait3A_312 = arith.constant 0 : i32
    %dma_wait3A_313 = arith.constant 3 : i32
    %dma_wait3A_314 = arith.constant 2 : i32
    %dma_wait3A_315 = arith.constant 0 : i32
    %dma_wait3A_316 = tpu.memref_slice %arg27[%dma_wait3A_312, %dma_wait3A_315] : memref<1x128xf32, #tpu.memory_space<vmem>> -> memref<1x128xf32, #tpu.memory_space<vmem>>
    %dma_wait3A_317 = tpu.memref_squeeze %dma_wait3A_316 : memref<1x128xf32, #tpu.memory_space<vmem>> -> memref<128xf32, #tpu.memory_space<vmem>>
    %dma_wait3A_318 = arith.constant 0 : i32
    %dma_wait3A_319 = tpu.memref_slice %arg21[%dma_wait3A_313, %dma_wait3A_318] : memref<8x128xi32, #tpu.memory_space<vmem>> -> memref<1x128xi32, #tpu.memory_space<vmem>>
    %dma_wait3A_320 = tpu.memref_squeeze %dma_wait3A_319 : memref<1x128xi32, #tpu.memory_space<vmem>> -> memref<128xi32, #tpu.memory_space<vmem>>
    %dma_wait3A_321 = arith.constant 0 : i32
    %dma_wait3A_322 = tpu.memref_slice %arg29[%dma_wait3A_321] : memref<100352xf32, #tpu.memory_space<vmem_shared>> -> memref<100352xf32, #tpu.memory_space<vmem_shared>>
    %dma_wait3A_323 = tpu.memref_slice %arg31[%dma_wait3A_314] : memref<3x!tpu.dma_semaphore, #tpu.memory_space<semaphore_mem>> -> memref<1x!tpu.dma_semaphore, #tpu.memory_space<semaphore_mem>>
    %dma_wait3A_324 = tpu.memref_squeeze %dma_wait3A_323 : memref<1x!tpu.dma_semaphore, #tpu.memory_space<semaphore_mem>> -> memref<!tpu.dma_semaphore, #tpu.memory_space<semaphore_mem>>
    tpu.wait_indirect_dma semaphore(%dma_wait3A_324 : memref<!tpu.dma_semaphore, #tpu.memory_space<semaphore_mem>>) src(%dma_wait3A_317 : memref<128xf32, #tpu.memory_space<vmem>>) dst(%dma_wait3A_322 : memref<100352xf32, #tpu.memory_space<vmem_shared>>)
    %dma_wait3A_325 = arith.constant 4 : i32
    %dma_wait3A_326 = arith.constant 2 : i32
    %dma_wait3A_327 = arith.constant 512 : i32
    %dma_wait3A_328 = tpu.memref_slice %arg24[%dma_wait3A_327] : memref<1024xf32, #tpu.memory_space<vmem>> -> memref<128xf32, #tpu.memory_space<vmem>>
    %dma_wait3A_329 = arith.constant 0 : i32
    %dma_wait3A_330 = tpu.memref_slice %arg21[%dma_wait3A_325, %dma_wait3A_329] : memref<8x128xi32, #tpu.memory_space<vmem>> -> memref<1x128xi32, #tpu.memory_space<vmem>>
    %dma_wait3A_331 = tpu.memref_squeeze %dma_wait3A_330 : memref<1x128xi32, #tpu.memory_space<vmem>> -> memref<128xi32, #tpu.memory_space<vmem>>
    %dma_wait3A_332 = arith.constant 0 : i32
    %dma_wait3A_333 = tpu.memref_slice %arg28[%dma_wait3A_332] : memref<100352xf32, #tpu.memory_space<vmem_shared>> -> memref<100352xf32, #tpu.memory_space<vmem_shared>>
    %dma_wait3A_334 = tpu.memref_slice %arg31[%dma_wait3A_326] : memref<3x!tpu.dma_semaphore, #tpu.memory_space<semaphore_mem>> -> memref<1x!tpu.dma_semaphore, #tpu.memory_space<semaphore_mem>>
    %dma_wait3A_335 = tpu.memref_squeeze %dma_wait3A_334 : memref<1x!tpu.dma_semaphore, #tpu.memory_space<semaphore_mem>> -> memref<!tpu.dma_semaphore, #tpu.memory_space<semaphore_mem>>
    tpu.wait_indirect_dma semaphore(%dma_wait3A_335 : memref<!tpu.dma_semaphore, #tpu.memory_space<semaphore_mem>>) src(%dma_wait3A_328 : memref<128xf32, #tpu.memory_space<vmem>>) dst(%dma_wait3A_333 : memref<100352xf32, #tpu.memory_space<vmem_shared>>)
    %dma_wait3A_336 = arith.constant 0 : i32
    %dma_wait3A_337 = arith.constant 4 : i32
    %dma_wait3A_338 = arith.constant 2 : i32
    %dma_wait3A_339 = arith.constant 0 : i32
    %dma_wait3A_340 = tpu.memref_slice %arg27[%dma_wait3A_336, %dma_wait3A_339] : memref<1x128xf32, #tpu.memory_space<vmem>> -> memref<1x128xf32, #tpu.memory_space<vmem>>
    %dma_wait3A_341 = tpu.memref_squeeze %dma_wait3A_340 : memref<1x128xf32, #tpu.memory_space<vmem>> -> memref<128xf32, #tpu.memory_space<vmem>>
    %dma_wait3A_342 = arith.constant 0 : i32
    %dma_wait3A_343 = tpu.memref_slice %arg21[%dma_wait3A_337, %dma_wait3A_342] : memref<8x128xi32, #tpu.memory_space<vmem>> -> memref<1x128xi32, #tpu.memory_space<vmem>>
    %dma_wait3A_344 = tpu.memref_squeeze %dma_wait3A_343 : memref<1x128xi32, #tpu.memory_space<vmem>> -> memref<128xi32, #tpu.memory_space<vmem>>
    %dma_wait3A_345 = arith.constant 0 : i32
    %dma_wait3A_346 = tpu.memref_slice %arg29[%dma_wait3A_345] : memref<100352xf32, #tpu.memory_space<vmem_shared>> -> memref<100352xf32, #tpu.memory_space<vmem_shared>>
    %dma_wait3A_347 = tpu.memref_slice %arg31[%dma_wait3A_338] : memref<3x!tpu.dma_semaphore, #tpu.memory_space<semaphore_mem>> -> memref<1x!tpu.dma_semaphore, #tpu.memory_space<semaphore_mem>>
    %dma_wait3A_348 = tpu.memref_squeeze %dma_wait3A_347 : memref<1x!tpu.dma_semaphore, #tpu.memory_space<semaphore_mem>> -> memref<!tpu.dma_semaphore, #tpu.memory_space<semaphore_mem>>
    tpu.wait_indirect_dma semaphore(%dma_wait3A_348 : memref<!tpu.dma_semaphore, #tpu.memory_space<semaphore_mem>>) src(%dma_wait3A_341 : memref<128xf32, #tpu.memory_space<vmem>>) dst(%dma_wait3A_346 : memref<100352xf32, #tpu.memory_space<vmem_shared>>)
    %dma_wait3A_349 = arith.constant 5 : i32
    %dma_wait3A_350 = arith.constant 2 : i32
    %dma_wait3A_351 = arith.constant 640 : i32
    %dma_wait3A_352 = tpu.memref_slice %arg24[%dma_wait3A_351] : memref<1024xf32, #tpu.memory_space<vmem>> -> memref<128xf32, #tpu.memory_space<vmem>>
    %dma_wait3A_353 = arith.constant 0 : i32
    %dma_wait3A_354 = tpu.memref_slice %arg21[%dma_wait3A_349, %dma_wait3A_353] : memref<8x128xi32, #tpu.memory_space<vmem>> -> memref<1x128xi32, #tpu.memory_space<vmem>>
    %dma_wait3A_355 = tpu.memref_squeeze %dma_wait3A_354 : memref<1x128xi32, #tpu.memory_space<vmem>> -> memref<128xi32, #tpu.memory_space<vmem>>
    %dma_wait3A_356 = arith.constant 0 : i32
    %dma_wait3A_357 = tpu.memref_slice %arg28[%dma_wait3A_356] : memref<100352xf32, #tpu.memory_space<vmem_shared>> -> memref<100352xf32, #tpu.memory_space<vmem_shared>>
    %dma_wait3A_358 = tpu.memref_slice %arg31[%dma_wait3A_350] : memref<3x!tpu.dma_semaphore, #tpu.memory_space<semaphore_mem>> -> memref<1x!tpu.dma_semaphore, #tpu.memory_space<semaphore_mem>>
    %dma_wait3A_359 = tpu.memref_squeeze %dma_wait3A_358 : memref<1x!tpu.dma_semaphore, #tpu.memory_space<semaphore_mem>> -> memref<!tpu.dma_semaphore, #tpu.memory_space<semaphore_mem>>
    tpu.wait_indirect_dma semaphore(%dma_wait3A_359 : memref<!tpu.dma_semaphore, #tpu.memory_space<semaphore_mem>>) src(%dma_wait3A_352 : memref<128xf32, #tpu.memory_space<vmem>>) dst(%dma_wait3A_357 : memref<100352xf32, #tpu.memory_space<vmem_shared>>)
    %dma_wait3A_360 = arith.constant 0 : i32
    %dma_wait3A_361 = arith.constant 5 : i32
    %dma_wait3A_362 = arith.constant 2 : i32
    %dma_wait3A_363 = arith.constant 0 : i32
    %dma_wait3A_364 = tpu.memref_slice %arg27[%dma_wait3A_360, %dma_wait3A_363] : memref<1x128xf32, #tpu.memory_space<vmem>> -> memref<1x128xf32, #tpu.memory_space<vmem>>
    %dma_wait3A_365 = tpu.memref_squeeze %dma_wait3A_364 : memref<1x128xf32, #tpu.memory_space<vmem>> -> memref<128xf32, #tpu.memory_space<vmem>>
    %dma_wait3A_366 = arith.constant 0 : i32
    %dma_wait3A_367 = tpu.memref_slice %arg21[%dma_wait3A_361, %dma_wait3A_366] : memref<8x128xi32, #tpu.memory_space<vmem>> -> memref<1x128xi32, #tpu.memory_space<vmem>>
    %dma_wait3A_368 = tpu.memref_squeeze %dma_wait3A_367 : memref<1x128xi32, #tpu.memory_space<vmem>> -> memref<128xi32, #tpu.memory_space<vmem>>
    %dma_wait3A_369 = arith.constant 0 : i32
    %dma_wait3A_370 = tpu.memref_slice %arg29[%dma_wait3A_369] : memref<100352xf32, #tpu.memory_space<vmem_shared>> -> memref<100352xf32, #tpu.memory_space<vmem_shared>>
    %dma_wait3A_371 = tpu.memref_slice %arg31[%dma_wait3A_362] : memref<3x!tpu.dma_semaphore, #tpu.memory_space<semaphore_mem>> -> memref<1x!tpu.dma_semaphore, #tpu.memory_space<semaphore_mem>>
    %dma_wait3A_372 = tpu.memref_squeeze %dma_wait3A_371 : memref<1x!tpu.dma_semaphore, #tpu.memory_space<semaphore_mem>> -> memref<!tpu.dma_semaphore, #tpu.memory_space<semaphore_mem>>
    tpu.wait_indirect_dma semaphore(%dma_wait3A_372 : memref<!tpu.dma_semaphore, #tpu.memory_space<semaphore_mem>>) src(%dma_wait3A_365 : memref<128xf32, #tpu.memory_space<vmem>>) dst(%dma_wait3A_370 : memref<100352xf32, #tpu.memory_space<vmem_shared>>)
    %dma_wait3A_373 = arith.constant 6 : i32
    %dma_wait3A_374 = arith.constant 2 : i32
    %dma_wait3A_375 = arith.constant 768 : i32
    %dma_wait3A_376 = tpu.memref_slice %arg24[%dma_wait3A_375] : memref<1024xf32, #tpu.memory_space<vmem>> -> memref<128xf32, #tpu.memory_space<vmem>>
    %dma_wait3A_377 = arith.constant 0 : i32
    %dma_wait3A_378 = tpu.memref_slice %arg21[%dma_wait3A_373, %dma_wait3A_377] : memref<8x128xi32, #tpu.memory_space<vmem>> -> memref<1x128xi32, #tpu.memory_space<vmem>>
    %dma_wait3A_379 = tpu.memref_squeeze %dma_wait3A_378 : memref<1x128xi32, #tpu.memory_space<vmem>> -> memref<128xi32, #tpu.memory_space<vmem>>
    %dma_wait3A_380 = arith.constant 0 : i32
    %dma_wait3A_381 = tpu.memref_slice %arg28[%dma_wait3A_380] : memref<100352xf32, #tpu.memory_space<vmem_shared>> -> memref<100352xf32, #tpu.memory_space<vmem_shared>>
    %dma_wait3A_382 = tpu.memref_slice %arg31[%dma_wait3A_374] : memref<3x!tpu.dma_semaphore, #tpu.memory_space<semaphore_mem>> -> memref<1x!tpu.dma_semaphore, #tpu.memory_space<semaphore_mem>>
    %dma_wait3A_383 = tpu.memref_squeeze %dma_wait3A_382 : memref<1x!tpu.dma_semaphore, #tpu.memory_space<semaphore_mem>> -> memref<!tpu.dma_semaphore, #tpu.memory_space<semaphore_mem>>
    tpu.wait_indirect_dma semaphore(%dma_wait3A_383 : memref<!tpu.dma_semaphore, #tpu.memory_space<semaphore_mem>>) src(%dma_wait3A_376 : memref<128xf32, #tpu.memory_space<vmem>>) dst(%dma_wait3A_381 : memref<100352xf32, #tpu.memory_space<vmem_shared>>)
    %dma_wait3A_384 = arith.constant 0 : i32
    %dma_wait3A_385 = arith.constant 6 : i32
    %dma_wait3A_386 = arith.constant 2 : i32
    %dma_wait3A_387 = arith.constant 0 : i32
    %dma_wait3A_388 = tpu.memref_slice %arg27[%dma_wait3A_384, %dma_wait3A_387] : memref<1x128xf32, #tpu.memory_space<vmem>> -> memref<1x128xf32, #tpu.memory_space<vmem>>
    %dma_wait3A_389 = tpu.memref_squeeze %dma_wait3A_388 : memref<1x128xf32, #tpu.memory_space<vmem>> -> memref<128xf32, #tpu.memory_space<vmem>>
    %dma_wait3A_390 = arith.constant 0 : i32
    %dma_wait3A_391 = tpu.memref_slice %arg21[%dma_wait3A_385, %dma_wait3A_390] : memref<8x128xi32, #tpu.memory_space<vmem>> -> memref<1x128xi32, #tpu.memory_space<vmem>>
    %dma_wait3A_392 = tpu.memref_squeeze %dma_wait3A_391 : memref<1x128xi32, #tpu.memory_space<vmem>> -> memref<128xi32, #tpu.memory_space<vmem>>
    %dma_wait3A_393 = arith.constant 0 : i32
    %dma_wait3A_394 = tpu.memref_slice %arg29[%dma_wait3A_393] : memref<100352xf32, #tpu.memory_space<vmem_shared>> -> memref<100352xf32, #tpu.memory_space<vmem_shared>>
    %dma_wait3A_395 = tpu.memref_slice %arg31[%dma_wait3A_386] : memref<3x!tpu.dma_semaphore, #tpu.memory_space<semaphore_mem>> -> memref<1x!tpu.dma_semaphore, #tpu.memory_space<semaphore_mem>>
    %dma_wait3A_396 = tpu.memref_squeeze %dma_wait3A_395 : memref<1x!tpu.dma_semaphore, #tpu.memory_space<semaphore_mem>> -> memref<!tpu.dma_semaphore, #tpu.memory_space<semaphore_mem>>
    tpu.wait_indirect_dma semaphore(%dma_wait3A_396 : memref<!tpu.dma_semaphore, #tpu.memory_space<semaphore_mem>>) src(%dma_wait3A_389 : memref<128xf32, #tpu.memory_space<vmem>>) dst(%dma_wait3A_394 : memref<100352xf32, #tpu.memory_space<vmem_shared>>)
    %dma_wait3A_397 = arith.constant 7 : i32
    %dma_wait3A_398 = arith.constant 2 : i32
    %dma_wait3A_399 = arith.constant 896 : i32
    %dma_wait3A_400 = tpu.memref_slice %arg24[%dma_wait3A_399] : memref<1024xf32, #tpu.memory_space<vmem>> -> memref<128xf32, #tpu.memory_space<vmem>>
    %dma_wait3A_401 = arith.constant 0 : i32
    %dma_wait3A_402 = tpu.memref_slice %arg21[%dma_wait3A_397, %dma_wait3A_401] : memref<8x128xi32, #tpu.memory_space<vmem>> -> memref<1x128xi32, #tpu.memory_space<vmem>>
    %dma_wait3A_403 = tpu.memref_squeeze %dma_wait3A_402 : memref<1x128xi32, #tpu.memory_space<vmem>> -> memref<128xi32, #tpu.memory_space<vmem>>
    %dma_wait3A_404 = arith.constant 0 : i32
    %dma_wait3A_405 = tpu.memref_slice %arg28[%dma_wait3A_404] : memref<100352xf32, #tpu.memory_space<vmem_shared>> -> memref<100352xf32, #tpu.memory_space<vmem_shared>>
    %dma_wait3A_406 = tpu.memref_slice %arg31[%dma_wait3A_398] : memref<3x!tpu.dma_semaphore, #tpu.memory_space<semaphore_mem>> -> memref<1x!tpu.dma_semaphore, #tpu.memory_space<semaphore_mem>>
    %dma_wait3A_407 = tpu.memref_squeeze %dma_wait3A_406 : memref<1x!tpu.dma_semaphore, #tpu.memory_space<semaphore_mem>> -> memref<!tpu.dma_semaphore, #tpu.memory_space<semaphore_mem>>
    tpu.wait_indirect_dma semaphore(%dma_wait3A_407 : memref<!tpu.dma_semaphore, #tpu.memory_space<semaphore_mem>>) src(%dma_wait3A_400 : memref<128xf32, #tpu.memory_space<vmem>>) dst(%dma_wait3A_405 : memref<100352xf32, #tpu.memory_space<vmem_shared>>)
    %dma_wait3A_408 = arith.constant 0 : i32
    %dma_wait3A_409 = arith.constant 7 : i32
    %dma_wait3A_410 = arith.constant 2 : i32
    %dma_wait3A_411 = arith.constant 0 : i32
    %dma_wait3A_412 = tpu.memref_slice %arg27[%dma_wait3A_408, %dma_wait3A_411] : memref<1x128xf32, #tpu.memory_space<vmem>> -> memref<1x128xf32, #tpu.memory_space<vmem>>
    %dma_wait3A_413 = tpu.memref_squeeze %dma_wait3A_412 : memref<1x128xf32, #tpu.memory_space<vmem>> -> memref<128xf32, #tpu.memory_space<vmem>>
    %dma_wait3A_414 = arith.constant 0 : i32
    %dma_wait3A_415 = tpu.memref_slice %arg21[%dma_wait3A_409, %dma_wait3A_414] : memref<8x128xi32, #tpu.memory_space<vmem>> -> memref<1x128xi32, #tpu.memory_space<vmem>>
    %dma_wait3A_416 = tpu.memref_squeeze %dma_wait3A_415 : memref<1x128xi32, #tpu.memory_space<vmem>> -> memref<128xi32, #tpu.memory_space<vmem>>
    %dma_wait3A_417 = arith.constant 0 : i32
    %dma_wait3A_418 = tpu.memref_slice %arg29[%dma_wait3A_417] : memref<100352xf32, #tpu.memory_space<vmem_shared>> -> memref<100352xf32, #tpu.memory_space<vmem_shared>>
    %dma_wait3A_419 = tpu.memref_slice %arg31[%dma_wait3A_410] : memref<3x!tpu.dma_semaphore, #tpu.memory_space<semaphore_mem>> -> memref<1x!tpu.dma_semaphore, #tpu.memory_space<semaphore_mem>>
    %dma_wait3A_420 = tpu.memref_squeeze %dma_wait3A_419 : memref<1x!tpu.dma_semaphore, #tpu.memory_space<semaphore_mem>> -> memref<!tpu.dma_semaphore, #tpu.memory_space<semaphore_mem>>
    tpu.wait_indirect_dma semaphore(%dma_wait3A_420 : memref<!tpu.dma_semaphore, #tpu.memory_space<semaphore_mem>>) src(%dma_wait3A_413 : memref<128xf32, #tpu.memory_space<vmem>>) dst(%dma_wait3A_418 : memref<100352xf32, #tpu.memory_space<vmem_shared>>)
    %barrier3A_421 = arith.constant 0 : index
    tpu.barrier barrier_id(%barrier3A_421)
    "tpu.region"() ({
      %run_scoped3A = tpu.sem_alloc : memref<!tpu.dma_semaphore, #tpu.memory_space<semaphore_mem>>
      %dma_start3A_422 = tpu.memref_slice %arg9[%arg0, %mul3A_2] : memref<2x100352xf32, #tpu.memory_space<hbm>> -> memref<1x6272xf32, #tpu.memory_space<hbm>>
      %dma_start3A_423 = tpu.memref_squeeze %dma_start3A_422 : memref<1x6272xf32, #tpu.memory_space<hbm>> -> memref<6272xf32, #tpu.memory_space<hbm>>
      %dma_start3A_424 = tpu.memref_slice %arg28[%mul3A_2] : memref<100352xf32, #tpu.memory_space<vmem_shared>> -> memref<6272xf32, #tpu.memory_space<vmem_shared>>
      tpu.enqueue_dma source(%dma_start3A_424 : memref<6272xf32, #tpu.memory_space<vmem_shared>>) target(%dma_start3A_423 : memref<6272xf32, #tpu.memory_space<hbm>>) target_semaphore(%run_scoped3A : memref<!tpu.dma_semaphore, #tpu.memory_space<semaphore_mem>>)
      %dma_wait3A_425 = tpu.memref_slice %arg9[%arg0, %mul3A_2] : memref<2x100352xf32, #tpu.memory_space<hbm>> -> memref<1x6272xf32, #tpu.memory_space<hbm>>
      %dma_wait3A_426 = tpu.memref_squeeze %dma_wait3A_425 : memref<1x6272xf32, #tpu.memory_space<hbm>> -> memref<6272xf32, #tpu.memory_space<hbm>>
      %dma_wait3A_427 = tpu.memref_slice %arg28[%mul3A_2] : memref<100352xf32, #tpu.memory_space<vmem_shared>> -> memref<6272xf32, #tpu.memory_space<vmem_shared>>
      tpu.wait_dma2 semaphore(%run_scoped3A : memref<!tpu.dma_semaphore, #tpu.memory_space<semaphore_mem>>) src(%dma_wait3A_427 : memref<6272xf32, #tpu.memory_space<vmem_shared>>) dst(%dma_wait3A_426 : memref<6272xf32, #tpu.memory_space<hbm>>)
      tpu.yield
    }) : () -> ()
    "tpu.region"() ({
      %run_scoped3A = tpu.sem_alloc : memref<!tpu.dma_semaphore, #tpu.memory_space<semaphore_mem>>
      %dma_start3A_422 = tpu.memref_slice %arg10[%arg0, %mul3A_2] : memref<2x100352xf32, #tpu.memory_space<hbm>> -> memref<1x6272xf32, #tpu.memory_space<hbm>>
      %dma_start3A_423 = tpu.memref_squeeze %dma_start3A_422 : memref<1x6272xf32, #tpu.memory_space<hbm>> -> memref<6272xf32, #tpu.memory_space<hbm>>
      %dma_start3A_424 = tpu.memref_slice %arg29[%mul3A_2] : memref<100352xf32, #tpu.memory_space<vmem_shared>> -> memref<6272xf32, #tpu.memory_space<vmem_shared>>
      tpu.enqueue_dma source(%dma_start3A_424 : memref<6272xf32, #tpu.memory_space<vmem_shared>>) target(%dma_start3A_423 : memref<6272xf32, #tpu.memory_space<hbm>>) target_semaphore(%run_scoped3A : memref<!tpu.dma_semaphore, #tpu.memory_space<semaphore_mem>>)
      %dma_wait3A_425 = tpu.memref_slice %arg10[%arg0, %mul3A_2] : memref<2x100352xf32, #tpu.memory_space<hbm>> -> memref<1x6272xf32, #tpu.memory_space<hbm>>
      %dma_wait3A_426 = tpu.memref_squeeze %dma_wait3A_425 : memref<1x6272xf32, #tpu.memory_space<hbm>> -> memref<6272xf32, #tpu.memory_space<hbm>>
      %dma_wait3A_427 = tpu.memref_slice %arg29[%mul3A_2] : memref<100352xf32, #tpu.memory_space<vmem_shared>> -> memref<6272xf32, #tpu.memory_space<vmem_shared>>
      tpu.wait_dma2 semaphore(%run_scoped3A : memref<!tpu.dma_semaphore, #tpu.memory_space<semaphore_mem>>) src(%dma_wait3A_427 : memref<6272xf32, #tpu.memory_space<vmem_shared>>) dst(%dma_wait3A_426 : memref<6272xf32, #tpu.memory_space<hbm>>)
      tpu.yield
    }) : () -> ()
    return
  }
}

module attributes {stable_mosaic.version = 14 : i64} {
  func.func @_combine_body(%arg0: memref<2x784x128xf32, #tpu.memory_space<vmem>>, %arg1: memref<2x784x128xf32, #tpu.memory_space<vmem>>, %arg2: memref<784x128xf32, #tpu.memory_space<vmem>>) attributes {dimension_semantics = [], scalar_prefetch = 0 : i64, scratch_operands = 0 : i64, tpu.core_type = #tpu.core_type<tc>} {
    %get3A = arith.constant 0 : index
    %get3A_0 = arith.constant 0 : index
    %get3A_1 = arith.constant 0 : index
    %get3A_2 = vector.load %arg0[%get3A, %get3A_0, %get3A_1] : memref<2x784x128xf32, #tpu.memory_space<vmem>>, vector<1x784x128xf32>
    %get3A_3 = vector.shape_cast %get3A_2 : vector<1x784x128xf32> to vector<784x128xf32>
    %get3A_4 = arith.constant 1 : index
    %get3A_5 = arith.constant 0 : index
    %get3A_6 = arith.constant 0 : index
    %get3A_7 = vector.load %arg0[%get3A_4, %get3A_5, %get3A_6] : memref<2x784x128xf32, #tpu.memory_space<vmem>>, vector<1x784x128xf32>
    %get3A_8 = vector.shape_cast %get3A_7 : vector<1x784x128xf32> to vector<784x128xf32>
    %add3A = arith.addf %get3A_3, %get3A_8 : vector<784x128xf32>
    %get3A_9 = arith.constant 0 : index
    %get3A_10 = arith.constant 0 : index
    %get3A_11 = arith.constant 0 : index
    %get3A_12 = vector.load %arg1[%get3A_9, %get3A_10, %get3A_11] : memref<2x784x128xf32, #tpu.memory_space<vmem>>, vector<1x784x128xf32>
    %get3A_13 = vector.shape_cast %get3A_12 : vector<1x784x128xf32> to vector<784x128xf32>
    %get3A_14 = arith.constant 1 : index
    %get3A_15 = arith.constant 0 : index
    %get3A_16 = arith.constant 0 : index
    %get3A_17 = vector.load %arg1[%get3A_14, %get3A_15, %get3A_16] : memref<2x784x128xf32, #tpu.memory_space<vmem>>, vector<1x784x128xf32>
    %get3A_18 = vector.shape_cast %get3A_17 : vector<1x784x128xf32> to vector<784x128xf32>
    %add3A_19 = arith.addf %get3A_13, %get3A_18 : vector<784x128xf32>
    %max3A = arith.constant 1.000000e+00 : f32
    %max3A_20 = vector.broadcast %max3A : f32 to vector<784x128xf32>
    %max3A_21 = arith.maximumf %add3A_19, %max3A_20 : vector<784x128xf32>
    %div3A = arith.divf %add3A, %max3A_21 : vector<784x128xf32>
    %swap3A = arith.constant 0 : index
    %swap3A_22 = arith.constant 0 : index
    %swap3A_23 = vector.load %arg2[%swap3A, %swap3A_22] : memref<784x128xf32, #tpu.memory_space<vmem>>, vector<784x128xf32>
    tpu.vector_store %arg2[%swap3A, %swap3A_22], %div3A {strides = array<i32>} : memref<784x128xf32, #tpu.memory_space<vmem>>, vector<784x128xf32>,
    return
  }
}

</mosaic_0001>

<sc_bundles>
// kernel: kernel.4.cloned.1.call-start
scs
__scs_entry_jumppad:
0x0: {  	(pc) =	sbr.rel $0x88, $3  }
0x1: {  	(tag) =	ssettag $0x0;
	lr =	simm.s32 $0x1  }
0x2: {  	[smem:$0x3F9C] =	sst lr;
	_ =	strace $0xD0000000  }
0x3: {  	_ = 	snop  }
0x4: {  	_ = 	snop  }
0x5: {  	_ = 	snop  }
0x6: {  	_ = 	snop  }
0x7: {  	_ = 	snop  }
__scs_overlays_trampoline_lowered:
0x8: {  	[smem:$0x3FAB] =	sst s0  }
0x9: {  	[smem:$0x3FAC] =	sst s1  }
0xa: {  	[smem:$0x3FAD] =	sst s2  }
0xb: {  	[smem:$0x3FAE] =	sst s3  }
0xc: {  	[smem:$0x3FAF] =	sst s4  }
0xd: {  	[smem:$0x3FB0] =	sst s5  }
0xe: {  	[smem:$0x3FB1] =	sst s6  }
0xf: {  	[smem:$0x3FB2] =	sst s7  }
0x10: {  	[smem:$0x3FB3] =	sst s8  }
0x11: {  	[smem:$0x3FB4] =	sst s9;
	s0 =	simm.s32 @!p0 $0x0  }
0x12: {  	s1 =	sld [smem:$0x3F9A];
	s0 =	simm.s32 @p0 $0x1  }
0x13: {  	[smem:$0x3FB5] =	sst s0;
	s0 =	simm.s32 @!p1 $0x0  }
0x14: {  	s2 =	sld [smem:$0x3F99];
	s0 =	simm.s32 @p1 $0x1  }
0x15: {  	[smem:$0x3FB6] =	sst s0;
	s0 =	simm.s32 @!p2 $0x0  }
0x16: {  	s3 =	sld [smem:$0x3FDB];
	s0 =	simm.s32 @p2 $0x1  }
0x17: {  	s4 =	simm.s32 $0x1BF5;
	[smem:$0x3FB8] =	sst s0  }
0x18: {  	s0 =	sld [smem:$0x3F9B];
	_ =	swait.ge [sflag:s4], $0x0  }
0x19: {  	s7 =	sld [smem:$0x3F9C]  }
0x1a: {  	s8 =	sadd.s32 $0xFFFFE003, lr  }
0x1b: {  	s9 =	sadd.s32 $0xFFFFFEF7, lr;
	s5 =	simm.s32 $0xFFFFFFFF;
	p2 =	slt.u32 s8, $0xFFFFF086  }
0x1c: {  	p1 =	slt.u32 s9, $0xF7A;
	s5 =	simm.s32 @!p2 $0x0  }
0x1d: {  	s5 =	simm.s32 @p1 $0x1;
	p0 =	seq.s32 s7, s2  }
0x1e: {  	s7 =	smul.u32 @!p0 $0xF7A, s2;
	p2 =	seq.s32 @!p0 s5, $0x0  }
0x1f: {  	s9 =	smul.u32 $0xF7A, s1;
	s8 =	simm.s32 @!p0 $0x1BF5;
	p2 =	por !p2, p0  }
0x20: {  	[sflag:s8] =	ssyncset.s32 @!p0 $0xFFFFF086;
	s6 =	sadd.s32 @!p0 s3, s7;
	s7 =	simm.s32 @!p0 $0x108  }
0x21: {  	s3 =	sadd.s32 s3, s9;
	s6 =	sadd.s32 @!p0 $0x88, s6;
	s7 =	simm.s32 @p2 $0x1082  }
0x22: {  	[simem:s7], [sflag:s8] =	dma.local @!p0 [hbm:s6], $0xF7A  }
0x23: {  	s9 =	sor.u32 $0xD0000000, s2;
	s6 =	simm.s32 $0x108;
	_ =	swait.ge @!p0 [sflag:s8], $0x0  }
0x24: {  	s3 =	sadd.s32 $0x88, s3;
	s6 =	simm.s32 @!p1 $0x1082;
	[sflag:s4] =	ssyncset.s32 $0xFFFFF086  }
0x25: {  	[simem:s6], [sflag:s4] =	dma.local [hbm:s3], $0xF7A  }
0x26: {  	[smem:$0x3F9C] =	sst s1;
	(tag) =	ssettag s2;
	_ =	strace s9  }
0x27: {  	s1 =	sld [smem:$0x3FAC]  }
0x28: {  	s2 =	sld [smem:$0x3FAD]  }
0x29: {  	s4 =	sld [smem:$0x3FAF]  }
0x2a: {  	p0 =	seq.s32 s5, $0x0;
	s5 =	sld [smem:$0x3FB0]  }
0x2b: {  	s6 =	sld [smem:$0x3FB1]  }
0x2c: {  	s7 =	sld [smem:$0x3FB2]  }
0x2d: {  	s3 =	simm.s32 $0x108;
	s8 =	sld [smem:$0x3FB3]  }
0x2e: {  	s3 =	simm.s32 @!p0 $0x1082;
	s9 =	sld [smem:$0x3FB4]  }
0x2f: {  	lr =	sadd.s32 s0, s3;
	s0 =	sld [smem:$0x3FAB]  }
0x30: {  	s3 =	sld [smem:$0x3FAE]  }
0x31: {  	[smem:$0x3FB7] =	sst s10  }
0x32: {  	s10 =	sld [smem:$0x3FB5];
	_ =	sdelay $0x3  }
0x33: {  	p0 =	seq.s32 s10, $0x1;
	s10 =	sld [smem:$0x3FB7];
	_ =	sdelay $0x3  }
0x34: {  	[smem:$0x3FB7] =	sst s10  }
0x35: {  	s10 =	sld [smem:$0x3FB6];
	_ =	sdelay $0x3  }
0x36: {  	p1 =	seq.s32 s10, $0x1;
	s10 =	sld [smem:$0x3FB7];
	_ =	sdelay $0x3  }
0x37: {  	[smem:$0x3FB7] =	sst s10  }
0x38: {  	s10 =	sld [smem:$0x3FB8]  }
0x39: {  	_ = 	snop;
	(pc) =	sbr.ind lr, $3  }
0x3a: {  	_ = 	snop  }
0x3b: {  	_ = 	snop  }
0x3c: {  	p2 =	seq.s32 s10, $0x1;
	s10 =	sld [smem:$0x3FB7]  }
0x3d: {  	_ =	shalt  }
0x3e: {  	_ =	shalt  }
0x3f: {  	_ =	shalt  }
0x40: {  	_ =	shalt  }
0x41: {  	_ =	shalt  }
0x42: {  	_ =	shalt  }
0x43: {  	_ =	shalt  }
0x44: {  	_ =	shalt  }
0x45: {  	_ =	shalt  }
0x46: {  	_ =	shalt  }
0x47: {  	_ =	shalt  }
0x48: {  	_ =	shalt  }
0x49: {  	_ =	shalt  }
0x4a: {  	_ =	shalt  }
0x4b: {  	_ =	shalt  }
0x4c: {  	_ =	shalt  }
0x4d: {  	_ =	shalt  }
0x4e: {  	_ =	shalt  }
0x4f: {  	_ =	shalt  }
0x50: {  	_ =	shalt  }
0x51: {  	_ =	shalt  }
0x52: {  	_ =	shalt  }
0x53: {  	_ =	shalt  }
0x54: {  	_ =	shalt  }
0x55: {  	_ =	shalt  }
0x56: {  	_ =	shalt  }
0x57: {  	_ =	shalt  }
0x58: {  	_ =	shalt  }
0x59: {  	_ =	shalt  }
0x5a: {  	_ =	shalt  }
0x5b: {  	_ =	shalt  }
0x5c: {  	_ =	shalt  }
0x5d: {  	_ =	shalt  }
0x5e: {  	_ =	shalt  }
0x5f: {  	_ =	shalt  }
0x60: {  	_ =	shalt  }
0x61: {  	_ =	shalt  }
0x62: {  	_ =	shalt  }
0x63: {  	_ =	shalt  }
0x64: {  	_ =	shalt  }
0x65: {  	_ =	shalt  }
0x66: {  	_ =	shalt  }
0x67: {  	_ =	shalt  }
0x68: {  	_ =	shalt  }
0x69: {  	_ =	shalt  }
0x6a: {  	_ =	shalt  }
0x6b: {  	_ =	shalt  }
0x6c: {  	_ =	shalt  }
0x6d: {  	_ =	shalt  }
0x6e: {  	_ =	shalt  }
0x6f: {  	_ =	shalt  }
0x70: {  	_ =	shalt  }
0x71: {  	_ =	shalt  }
0x72: {  	_ =	shalt  }
0x73: {  	_ =	shalt  }
0x74: {  	_ =	shalt  }
0x75: {  	_ =	shalt  }
0x76: {  	_ =	shalt  }
0x77: {  	_ =	shalt  }
0x78: {  	_ =	shalt  }
0x79: {  	_ =	shalt  }
0x7a: {  	_ =	shalt  }
0x7b: {  	_ =	shalt  }
0x7c: {  	_ =	shalt  }
0x7d: {  	_ =	shalt  }
0x7e: {  	_ =	shalt  }
0x7f: {  	_ =	shalt  }
0x80: {  	_ =	shalt  }
0x81: {  	_ =	shalt  }
0x82: {  	_ =	shalt  }
0x83: {  	_ =	shalt  }
0x84: {  	_ =	shalt  }
0x85: {  	_ =	shalt  }
0x86: {  	_ =	shalt  }
0x87: {  	_ =	shalt  }
.Lfunc_end0:
.L_simem_size_0:
called_computation_lowered:
.L_overlay_start_0:
0x88: {  	s2 =	sld [smem:$0x3FD9]  }
0x89: {  	s3 =	sld [smem:$0x3FFE];
	_ =	sdelay $0x1  }
0x8a: {  	s1 =	srdreg.scid  }
0x8b: {  	s0 =	sand.u32 $0x1, s1  }
0x8c: {  	s14 =	sshll.u32 s0, $0xA;
	s2 =	sadd.s32 s3, s2  }
0x8d: {  	s2 =	sadd.s32 s2, s14  }
0x8e: {  	[smem:$0x3FC3] =	sst s2  }
0x8f: {  	_ = 	snop  }
0x90: {  	s2 =	sld [smem:$0x3FD0];
	_ =	sdelay $0x1  }
0x91: {  	s15 =	sld [smem:$0x3FC9]  }
0x92: {  	s5 =	simm.s32 $0xA;
	s6 =	simm.s32 $0x10;
	s4 =	sld [smem:$0x3FC5]  }
0x93: {  	[smem:s6], [sflag:s5] =	dma.local [hbm:s2], $0x1  }
0x94: {  	_ =	swait.eq [sflag:s5], $0x1  }
0x95: {  	[sflag:s5] =	ssyncset.done $0x0  }
0x96: {  	s16 =	sld [smem:$0x10];
	[sflag:s5] =	ssyncadd.s32 $0xFFFFFFFF  }
0x97: {  	s17 =	sld [smem:$0x11];
	(tm) =	ssettm $0x1  }
0x98: {  	s18 =	sld [smem:$0x3FFB];
	_ =	sdelay $0x3  }
0x99: {  	_ =	strace s18  }
0x9a: {  	s6 =	sld [smem:$0x3FFC];
	_ =	sdelay $0x3  }
0x9b: {  	_ =	strace s6  }
0x9c: {  	s6 =	sld [smem:$0x3FFD];
	_ =	sdelay $0x3  }
0x9d: {  	_ =	strace s6  }
0x9e: {  	_ =	strace $0x8FFFFFFF  }
0x9f: {  	s19 =	sld [smem:$0x3FDB];
	_ =	sdelay $0x1  }
0xa0: {  	s7 =	simm.s32 $_scs_section_size  }
0xa1: {  	s8 =	simm.s32 $_size__tile_overlayer_lowered;
	s9 =	simm.s32 $_tile_overlayer_lowered  }
0xa2: {  	s22 =	simm.s32 $0x1BFF;
	s21 =	sshll.u32 s9, $0x1;
	s6 =	sadd.s32 s7, s19  }
0xa3: {  	s10 =	simm.s32 $0x0;
	s20 =	sshll.u32 s8, $0x1;
	s8 =	sadd.s32 s21, s6  }
0xa4: {  	[timem:s10], [sflag:s22] =	dma.local [hbm:s8], s20  }
0xa5: {  	_ =	swait.ge [sflag:s22], s20  }
0xa6: {  	s7 =	ssub.s32 $0x0, s20;
	[sflag:s22] =	ssyncset.done $0x0  }
0xa7: {  	[sflag:s22] =	ssyncadd.s32 s7;
	_ =	sdelay $0x1  }
0xa8: {  	s23 =	simm.s32 $0x1B8B  }
0xa9: {  	_ =	swait.ge [sflag:s23], $0x1  }
0xaa: {  	[sflag:s23] =	ssyncset.done $0x0  }
0xab: {  	s25 =	simm.s32 $0x1B8E;
	s24 =	sld [smem:$0x3FFE];
	[sflag:s23] =	ssyncadd.s32 $0xFFFFFFFF  }
0xac: {  	s26 =	simm.s32 $execute0_lowered;
	[smem:$0x3FD2] =	sst s25  }
0xad: {  	s8 =	sshll.u32 s26, $0x1;
	_ =	strace $0x80000046;
	[dreg:$0x1] =	wrdreg $0xFFFFFFFF  }
0xae: {  	s28 =	simm.s32 $_size_execute0_lowered;
	s6 =	sadd.s32 s6, s8;
	[dreg:$0x0] =	wrdreg $0x0  }
0xaf: {  	s8 =	sshll.u32 s28, $0x1;
	[dreg:$0x2] =	wrdreg s6  }
0xb0: {  	[dreg:$0x3] =	wrdreg s8  }
0xb1: {  	[dreg:$0x4] =	wrdreg $0xC0  }
0xb2: {  	_ =	task [dreg:s10], $0x5FFFF  }
0xb3: {  	[dreg:$0x1] =	wrdreg $0xFFFFFFFF  }
0xb4: {  	[dreg:$0x0] =	wrdreg $0x60  }
0xb5: {  	[dreg:$0x2] =	wrdreg s15  }
0xb6: {  	[dreg:$0x3] =	wrdreg s24  }
0xb7: {  	[dreg:$0x4] =	wrdreg s4  }
0xb8: {  	[dreg:$0x5] =	wrdreg s16  }
0xb9: {  	[dreg:$0x6] =	wrdreg s17  }
0xba: {  	[dreg:$0x7] =	wrdreg $0x1BD000  }
0xbb: {  	[dreg:$0x8] =	wrdreg $0x1D5800  }
0xbc: {  	[dreg:$0x9] =	wrdreg $0x9  }
0xbd: {  	_ =	task.clear_ibuf [dreg:s10], $0xAFFFF;
	_ =	strace $0x90000046  }
0xbe: {  	s29 =	simm.s32 $0x9;
	_ =	strace $0x80000048  }
0xbf: {  	_ =	swait.ge [sflag:s29], $0x1  }
0xc0: {  	[sflag:s29] =	ssyncadd.s32 $0xFFFFFFFF  }
0xc1: {  	_ =	strace $0x90000048  }
0xc2: {  	_ =	sfence  }
0xc3: {  	s30 =	sld [smem:$0x0];
	_ =	sdelay $0x2  }
0xc4: {  	s31 =	sshll.u32 s1, $0xD;
	s1 =	sshrl.u32 s1, $0x2  }
0xc5: {  	s3 =	sand.u32 $0x4000, s31;
	s1 =	sadd.s32 s1, s30  }
0xc6: {  	s0 =	sor.u32 s3, s0;
	s1 =	sshll.u32 s1, $0x11  }
0xc7: {  	s0 =	sor.u32 s1, s0  }
0xc8: {  	s0 =	sadd.s32 $0x8F2B, s0  }
0xc9: {  	[sflag:s0] =	ssyncadd.remote.s32 $0x1  }
0xca: {  	_ =	sfence.sel $0xFFFF  }
0xcb: {  	[dreg:$0x0] =	wrdreg $0xFFFFFFFF;
	(pc) =	sbr.abs _section_cstart, $3  }
0xcc: {  	[dreg:$0x1] =	wrdreg $0xFFFFFFFF  }
0xcd: {  	_ =	task.clear_ibuf [dreg:s10], $0x2FFFF;
	_ =	strace $0x9FFFFFFF  }
0xce: {  	(tm) =	ssettm $0x7FFFFFFF  }
0xcf: {  	_ =	shalt  }
tec
execute0_lowered:
.L_overlay_start_1:
0x0: {  	(tag) =	ssettag $0x1  }
0x1: {  	s0 =	rddreg [dreg:$0x0]  }
0x2: {  	s2 =	rddreg [dreg:$0x1]  }
0x3: {  	s1 =	rddreg [dreg:$0x2]  }
0x4: {  	s4 =	rddreg [dreg:$0x4]  }
0x5: {  	s3 =	rddreg [dreg:$0x5];
	s6 =	srdreg.scid  }
0x6: {  	s7 =	stileid.u32;
	s5 =	rddreg [dreg:$0x6];
	s28 =	simm.s32 $0x1BC80  }
0x7: {  	s29 =	simm.s32 $0x1B800;
	s30 =	simm.s32 $0x80;
	s31 =	simm.s32 $0x1B880  }
0x8: {  	s10 =	sand.u32 $0x1, s6;
	s8 =	smul.u32 $0x3100, s7;
	s6 =	simm.s32 $0x0  }
0x9: {  	s17 =	sadd.s32 $0xC9E00, s2;
	s21 =	sadd.s32 $0x192E00, s2;
	s18 =	sadd.s32 $0xE00, s2  }
0xa: {  	s14 =	smul.u32 $0x1880, s7;
	s15 =	sshll.u32 s7, $0x1;
	s16 =	sshll.u32 s7, $0x6  }
0xb: {  	p0 =	sne.s32 s7, $0x0;
	s9 =	sshll.u32 s10, $0x7;
	[smem:$0x7FF] =	sst s6  }
0xc: {  	s22 =	sshll.u32 s10, $0x4;
	s13 =	ssub.s32 $0x2, s10;
	s10 =	sor.u32 s10, s15  }
0xd: {  	s8 =	sor.u32 s9, s8;
	_ =	strace $0x80000047;
	s23 =	sshrl.u32 s13, $0x1  }
0xe: {  	s24 =	sadd.s32 s14, s3;
	s25 =	sshrl.u32 s14, $0x3;
	s26 =	smul.u32 $0x32400, s10  }
0xf: {  	s15 =	smul.u32 $0x6480, s10;
	s14 =	sadd.s32 s14, s5;
	s9 =	smov.u32 s21  }
0x10: {  	s19 =	smul.u32 $0xC9, s10;
	s10 =	simm.s32 $0x1BB80;
	s11 =	sshrl.u32 s8, $0x3  }
0x11: {  	s13 =	ssub.s32 s13, s23;
	[dreg:$0x8] =	wrdreg s24;
	s20 =	sadd.s32 s4, s25  }
0x12: {  	s4 =	sor.u32 $0x1C07, s16;
	[dreg:$0xb] =	wrdreg s14;
	s24 =	sadd.s32 $0x80, s1  }
0x13: {  	s25 =	sadd.s32 $0x100, s1;
	s14 =	simm.s32 $0x1BC00;
	[dreg:$0x17] =	wrdreg s26  }
0x14: {  	s12 =	sadd.s32 s11, s2;
	s2 =	sadd.s32 s22, s2;
	[dreg:$0x10] =	wrdreg s19  }
0x15: {  	s16 =	sshrl.u32 s26, $0x3;
	s11 =	smov.u32 s18;
	[dreg:$0x14] =	wrdreg s24  }
0x16: {  	s18 =	sadd.s32 s18, s15;
	s23 =	smax.u32 s13, $0x1;
	[dreg:$0x15] =	wrdreg s25  }
0x17: {  	s26 =	sadd.s32 $0x180, s1;
	s24 =	simm.s32 $0x1BA00;
	[dreg:$0x9] =	wrdreg s20  }
0x18: {  	s25 =	simm.s32 $0x1BA80;
	s19 =	simm.s32 $0x1A800;
	[dreg:$0xf] =	wrdreg s18  }
0x19: {  	s15 =	simm.s32 $0x3;
	s2 =	sadd.s32 $0x25BE00, s2;
	[dreg:$0x13] =	wrdreg s23  }
0x1a: {  	s8 =	sadd.s32 s21, s16;
	s21 =	sadd.s32 $0x262000, s12;
	[dreg:$0x16] =	wrdreg s26  }
0x1b: {  	s22 =	sadd.s32 $0x268200, s12;
	s26 =	simm.s32 $0x7;
	[dreg:$0xc] =	wrdreg s2  }
0x1c: {  	s23 =	simm.s32 $0x1B980;
	s12 =	simm.s32 $0x0;
	[dreg:$0xd] =	wrdreg s8  }
0x1d: {  	s8 =	smov.u32 s17;
	s2 =	sadd.s32 s17, s16;
	[dreg:$0x11] =	wrdreg s21  }
0x1e: {  	s17 =	smov.u32 s4;
	[dreg:$0x12] =	wrdreg s22;
	s4 =	simm.s32 $0x1B900  }
0x1f: {  	s16 =	simm.s32 $0x1;
	s22 =	simm.s32 $0x2;
	[dreg:$0xe] =	wrdreg s2  }
0x20: {  	s21 =	simm.s32 $0x4;
	s2 =	simm.s32 $0x1BB00;
	[dreg:$0xa] =	wrdreg s17  }
.LBB2_1:
0x21: {  	s7 =	rddreg [dreg:$0x8]  }
0x22: {  	[dreg:$0x18] =	wrdreg s12;
	s12 =	sshrl.u32 s7, $0x3  }
0x23: {  	[spmem:s12], [sflag:s17] =	dma.local [hbm:s20], $0x310  }
0x24: {  	_ =	swait.ge [sflag:s26], $0x310  }
0x25: {  	s13 =	rddreg [dreg:$0xb]  }
0x26: {  	[sflag:s26] =	ssyncset.done $0x0;
	s7 =	sshrl.u32 s13, $0x3  }
0x27: {  	[sflag:s26] =	ssyncadd.s32 $0xFFFFFCF0;
	[dreg:$0x1a] =	wrdreg s7  }
0x28: {  	[spmem:s7], [sflag:s17] =	dma.local [hbm:s20], $0x310  }
0x29: {  	_ =	swait.ge [sflag:s26], $0x310  }
0x2a: {  	[sflag:s26] =	ssyncset.done $0x0  }
0x2b: {  	[sflag:s26] =	ssyncadd.s32 $0xFFFFFCF0  }
0x2c: {  	s18 =	rddreg [dreg:$0x3]  }
0x2d: {  	[tilespmem:s28], [sflag:$0x7] =	stream.linear.gather [hbm4b:s18+s6], $0x80, $0x38;
	[tilespmem:$0x1EE00] =	vst v63  }
.Ltmp0:
0x2e: {  	_ =	swait.ge [sflag:s26], $0x80;
	(pc) =	sbr.rel @p0 .LBB2_5-.Ltmp0, $4  }
0x2f: {  	[sflag:s26] =	ssyncset.done $0x0  }
0x30: {  	[sflag:s26] =	ssyncadd.s32 $0xFFFFFF80  }
0x31: {  	[bflag:$0x0] =	sbarrier.arrive $0xFFFF  }
0x32: {  	[dreg:$0x19] =	wrdreg s12  }
0x33: {  	s12 =	simm.s32 $0x0  }
0x34: {  	[tilespmem:s29], [sflag:$0x7] =	stream.linear.gather [hbm4b:s1+s12], $0x400, $0x38;
	[tilespmem:$0x1EE00] =	vst v63  }
0x35: {  	_ =	swait.ge [sflag:s26], $0x400  }
0x36: {  	[sflag:s26] =	ssyncset.done $0x0  }
0x37: {  	[sflag:s26] =	ssyncadd.s32 $0xFFFFFC00  }
0x38: {  	[spmem:s3] =	stream.indirect.scatter [tilespmem:s28], [sflag:$0x7], $0x1, s29, s30, $0xb8;
	[tilespmem:$0x1EE00] =	vst v63  }
0x39: {  	_ =	swait.ge [sflag:s26], $0x80  }
0x3a: {  	[sflag:s26] =	ssyncset.done $0x0  }
0x3b: {  	[sflag:s26] =	ssyncadd.s32 $0xFFFFFF80  }
0x3c: {  	[spmem:s3] =	stream.indirect.scatter [tilespmem:s28], [sflag:$0x7], $0x1, s31, s30, $0xb8;
	[tilespmem:$0x1EE00] =	vst v63  }
0x3d: {  	_ =	swait.ge [sflag:s26], $0x80  }
0x3e: {  	[sflag:s26] =	ssyncset.done $0x0  }
0x3f: {  	[sflag:s26] =	ssyncadd.s32 $0xFFFFFF80  }
0x40: {  	[spmem:s3] =	stream.indirect.scatter [tilespmem:s28], [sflag:$0x7], $0x1, s4, s30, $0xb8;
	[tilespmem:$0x1EE00] =	vst v63  }
0x41: {  	_ =	swait.ge [sflag:s26], $0x80  }
0x42: {  	[sflag:s26] =	ssyncset.done $0x0  }
0x43: {  	[sflag:s26] =	ssyncadd.s32 $0xFFFFFF80  }
0x44: {  	[spmem:s3] =	stream.indirect.scatter [tilespmem:s28], [sflag:$0x7], $0x1, s23, s30, $0xb8;
	[tilespmem:$0x1EE00] =	vst v63  }
0x45: {  	_ =	swait.ge [sflag:s26], $0x80  }
0x46: {  	[sflag:s26] =	ssyncset.done $0x0  }
0x47: {  	[sflag:s26] =	ssyncadd.s32 $0xFFFFFF80  }
0x48: {  	[spmem:s3] =	stream.indirect.scatter [tilespmem:s28], [sflag:$0x7], $0x1, s24, s30, $0xb8;
	[tilespmem:$0x1EE00] =	vst v63  }
0x49: {  	_ =	swait.ge [sflag:s26], $0x80  }
0x4a: {  	[sflag:s26] =	ssyncset.done $0x0  }
0x4b: {  	[sflag:s26] =	ssyncadd.s32 $0xFFFFFF80  }
0x4c: {  	[spmem:s3] =	stream.indirect.scatter [tilespmem:s28], [sflag:$0x7], $0x1, s25, s30, $0xb8;
	[tilespmem:$0x1EE00] =	vst v63  }
0x4d: {  	_ =	swait.ge [sflag:s26], $0x80  }
0x4e: {  	[sflag:s26] =	ssyncset.done $0x0  }
0x4f: {  	[sflag:s26] =	ssyncadd.s32 $0xFFFFFF80  }
0x50: {  	[spmem:s3] =	stream.indirect.scatter [tilespmem:s28], [sflag:$0x7], $0x1, s2, s30, $0xb8;
	[tilespmem:$0x1EE00] =	vst v63  }
0x51: {  	_ =	swait.ge [sflag:s26], $0x80  }
0x52: {  	[sflag:s26] =	ssyncset.done $0x0  }
0x53: {  	[sflag:s26] =	ssyncadd.s32 $0xFFFFFF80  }
0x54: {  	[spmem:s3] =	stream.indirect.scatter [tilespmem:s28], [sflag:$0x7], $0x1, s10, s30, $0xb8;
	[tilespmem:$0x1EE00] =	vst v63  }
0x55: {  	_ =	swait.ge [sflag:s26], $0x80  }
0x56: {  	[sflag:s26] =	ssyncset.done $0x0  }
0x57: {  	s7 =	rddreg [dreg:$0x14];
	[sflag:s26] =	ssyncadd.s32 $0xFFFFFF80  }
0x58: {  	[tilespmem:s29], [sflag:$0x7] =	stream.linear.gather [hbm4b:s7+s12], $0x400, $0x38;
	[tilespmem:$0x1EE00] =	vst v63  }
0x59: {  	_ =	swait.ge [sflag:s26], $0x400  }
0x5a: {  	[sflag:s26] =	ssyncset.done $0x0  }
0x5b: {  	[sflag:s26] =	ssyncadd.s32 $0xFFFFFC00  }
0x5c: {  	[spmem:s3] =	stream.indirect.scatter [tilespmem:s28], [sflag:$0x7], $0x1, s29, s30, $0xb8;
	[tilespmem:$0x1EE00] =	vst v63  }
0x5d: {  	_ =	swait.ge [sflag:s26], $0x80  }
0x5e: {  	[sflag:s26] =	ssyncset.done $0x0  }
0x5f: {  	[sflag:s26] =	ssyncadd.s32 $0xFFFFFF80  }
0x60: {  	[spmem:s3] =	stream.indirect.scatter [tilespmem:s28], [sflag:$0x7], $0x1, s31, s30, $0xb8;
	[tilespmem:$0x1EE00] =	vst v63  }
0x61: {  	_ =	swait.ge [sflag:s26], $0x80  }
0x62: {  	[sflag:s26] =	ssyncset.done $0x0  }
0x63: {  	[sflag:s26] =	ssyncadd.s32 $0xFFFFFF80  }
0x64: {  	[spmem:s3] =	stream.indirect.scatter [tilespmem:s28], [sflag:$0x7], $0x1, s4, s30, $0xb8;
	[tilespmem:$0x1EE00] =	vst v63  }
0x65: {  	_ =	swait.ge [sflag:s26], $0x80  }
0x66: {  	[sflag:s26] =	ssyncset.done $0x0  }
0x67: {  	[sflag:s26] =	ssyncadd.s32 $0xFFFFFF80  }
0x68: {  	[spmem:s3] =	stream.indirect.scatter [tilespmem:s28], [sflag:$0x7], $0x1, s23, s30, $0xb8;
	[tilespmem:$0x1EE00] =	vst v63  }
0x69: {  	_ =	swait.ge [sflag:s26], $0x80  }
0x6a: {  	[sflag:s26] =	ssyncset.done $0x0  }
0x6b: {  	[sflag:s26] =	ssyncadd.s32 $0xFFFFFF80  }
0x6c: {  	[spmem:s3] =	stream.indirect.scatter [tilespmem:s28], [sflag:$0x7], $0x1, s24, s30, $0xb8;
	[tilespmem:$0x1EE00] =	vst v63  }
0x6d: {  	_ =	swait.ge [sflag:s26], $0x80  }
0x6e: {  	[sflag:s26] =	ssyncset.done $0x0  }
0x6f: {  	[sflag:s26] =	ssyncadd.s32 $0xFFFFFF80  }
0x70: {  	[spmem:s3] =	stream.indirect.scatter [tilespmem:s28], [sflag:$0x7], $0x1, s25, s30, $0xb8;
	[tilespmem:$0x1EE00] =	vst v63  }
0x71: {  	_ =	swait.ge [sflag:s26], $0x80  }
0x72: {  	[sflag:s26] =	ssyncset.done $0x0  }
0x73: {  	[sflag:s26] =	ssyncadd.s32 $0xFFFFFF80  }
0x74: {  	[spmem:s3] =	stream.indirect.scatter [tilespmem:s28], [sflag:$0x7], $0x1, s2, s30, $0xb8;
	[tilespmem:$0x1EE00] =	vst v63  }
0x75: {  	_ =	swait.ge [sflag:s26], $0x80  }
0x76: {  	[sflag:s26] =	ssyncset.done $0x0  }
0x77: {  	[sflag:s26] =	ssyncadd.s32 $0xFFFFFF80  }
0x78: {  	[spmem:s3] =	stream.indirect.scatter [tilespmem:s28], [sflag:$0x7], $0x1, s10, s30, $0xb8;
	[tilespmem:$0x1EE00] =	vst v63  }
0x79: {  	_ =	swait.ge [sflag:s26], $0x80  }
0x7a: {  	[sflag:s26] =	ssyncset.done $0x0  }
0x7b: {  	s18 =	rddreg [dreg:$0x15];
	[sflag:s26] =	ssyncadd.s32 $0xFFFFFF80  }
0x7c: {  	[tilespmem:s29], [sflag:$0x7] =	stream.linear.gather [hbm4b:s18+s12], $0x400, $0x38;
	[tilespmem:$0x1EE00] =	vst v63  }
0x7d: {  	_ =	swait.ge [sflag:s26], $0x400  }
0x7e: {  	[sflag:s26] =	ssyncset.done $0x0  }
0x7f: {  	[sflag:s26] =	ssyncadd.s32 $0xFFFFFC00  }
0x80: {  	[spmem:s3] =	stream.indirect.scatter [tilespmem:s28], [sflag:$0x7], $0x1, s29, s30, $0xb8;
	[tilespmem:$0x1EE00] =	vst v63  }
0x81: {  	_ =	swait.ge [sflag:s26], $0x80  }
0x82: {  	[sflag:s26] =	ssyncset.done $0x0  }
0x83: {  	[sflag:s26] =	ssyncadd.s32 $0xFFFFFF80  }
0x84: {  	[spmem:s3] =	stream.indirect.scatter [tilespmem:s28], [sflag:$0x7], $0x1, s31, s30, $0xb8;
	[tilespmem:$0x1EE00] =	vst v63  }
0x85: {  	_ =	swait.ge [sflag:s26], $0x80  }
0x86: {  	[sflag:s26] =	ssyncset.done $0x0  }
0x87: {  	[sflag:s26] =	ssyncadd.s32 $0xFFFFFF80  }
0x88: {  	[spmem:s3] =	stream.indirect.scatter [tilespmem:s28], [sflag:$0x7], $0x1, s4, s30, $0xb8;
	[tilespmem:$0x1EE00] =	vst v63  }
0x89: {  	_ =	swait.ge [sflag:s26], $0x80  }
0x8a: {  	[sflag:s26] =	ssyncset.done $0x0  }
0x8b: {  	[sflag:s26] =	ssyncadd.s32 $0xFFFFFF80  }
0x8c: {  	[spmem:s3] =	stream.indirect.scatter [tilespmem:s28], [sflag:$0x7], $0x1, s23, s30, $0xb8;
	[tilespmem:$0x1EE00] =	vst v63  }
0x8d: {  	_ =	swait.ge [sflag:s26], $0x80  }
0x8e: {  	[sflag:s26] =	ssyncset.done $0x0  }
0x8f: {  	[sflag:s26] =	ssyncadd.s32 $0xFFFFFF80  }
0x90: {  	[spmem:s3] =	stream.indirect.scatter [tilespmem:s28], [sflag:$0x7], $0x1, s24, s30, $0xb8;
	[tilespmem:$0x1EE00] =	vst v63  }
0x91: {  	_ =	swait.ge [sflag:s26], $0x80  }
0x92: {  	[sflag:s26] =	ssyncset.done $0x0  }
0x93: {  	[sflag:s26] =	ssyncadd.s32 $0xFFFFFF80  }
0x94: {  	[spmem:s3] =	stream.indirect.scatter [tilespmem:s28], [sflag:$0x7], $0x1, s25, s30, $0xb8;
	[tilespmem:$0x1EE00] =	vst v63  }
0x95: {  	_ =	swait.ge [sflag:s26], $0x80  }
0x96: {  	[sflag:s26] =	ssyncset.done $0x0  }
0x97: {  	[sflag:s26] =	ssyncadd.s32 $0xFFFFFF80  }
0x98: {  	[spmem:s3] =	stream.indirect.scatter [tilespmem:s28], [sflag:$0x7], $0x1, s2, s30, $0xb8;
	[tilespmem:$0x1EE00] =	vst v63  }
0x99: {  	_ =	swait.ge [sflag:s26], $0x80  }
0x9a: {  	[sflag:s26] =	ssyncset.done $0x0  }
0x9b: {  	[sflag:s26] =	ssyncadd.s32 $0xFFFFFF80  }
0x9c: {  	[spmem:s3] =	stream.indirect.scatter [tilespmem:s28], [sflag:$0x7], $0x1, s10, s30, $0xb8;
	[tilespmem:$0x1EE00] =	vst v63  }
0x9d: {  	_ =	swait.ge [sflag:s26], $0x80  }
0x9e: {  	[sflag:s26] =	ssyncset.done $0x0  }
0x9f: {  	s13 =	rddreg [dreg:$0x16];
	[sflag:s26] =	ssyncadd.s32 $0xFFFFFF80  }
0xa0: {  	[tilespmem:s29], [sflag:$0x7] =	stream.linear.gather [hbm4b:s13+s12], $0x400, $0x38;
	[tilespmem:$0x1EE00] =	vst v63  }
0xa1: {  	_ =	swait.ge [sflag:s26], $0x400  }
0xa2: {  	[sflag:s26] =	ssyncset.done $0x0  }
0xa3: {  	[sflag:s26] =	ssyncadd.s32 $0xFFFFFC00  }
0xa4: {  	[spmem:s3] =	stream.indirect.scatter [tilespmem:s28], [sflag:$0x7], $0x1, s29, s30, $0xb8;
	[tilespmem:$0x1EE00] =	vst v63  }
0xa5: {  	_ =	swait.ge [sflag:s26], $0x80  }
0xa6: {  	[sflag:s26] =	ssyncset.done $0x0  }
0xa7: {  	[sflag:s26] =	ssyncadd.s32 $0xFFFFFF80  }
0xa8: {  	[spmem:s3] =	stream.indirect.scatter [tilespmem:s28], [sflag:$0x7], $0x1, s31, s30, $0xb8;
	[tilespmem:$0x1EE00] =	vst v63  }
0xa9: {  	_ =	swait.ge [sflag:s26], $0x80  }
0xaa: {  	[sflag:s26] =	ssyncset.done $0x0  }
0xab: {  	[sflag:s26] =	ssyncadd.s32 $0xFFFFFF80  }
0xac: {  	[spmem:s3] =	stream.indirect.scatter [tilespmem:s28], [sflag:$0x7], $0x1, s4, s30, $0xb8;
	[tilespmem:$0x1EE00] =	vst v63  }
0xad: {  	_ =	swait.ge [sflag:s26], $0x80  }
0xae: {  	[sflag:s26] =	ssyncset.done $0x0  }
0xaf: {  	[sflag:s26] =	ssyncadd.s32 $0xFFFFFF80  }
0xb0: {  	[spmem:s3] =	stream.indirect.scatter [tilespmem:s28], [sflag:$0x7], $0x1, s23, s30, $0xb8;
	[tilespmem:$0x1EE00] =	vst v63  }
0xb1: {  	_ =	swait.ge [sflag:s26], $0x80  }
0xb2: {  	[sflag:s26] =	ssyncset.done $0x0  }
0xb3: {  	[sflag:s26] =	ssyncadd.s32 $0xFFFFFF80  }
0xb4: {  	[spmem:s3] =	stream.indirect.scatter [tilespmem:s28], [sflag:$0x7], $0x1, s24, s30, $0xb8;
	[tilespmem:$0x1EE00] =	vst v63  }
0xb5: {  	_ =	swait.ge [sflag:s26], $0x80  }
0xb6: {  	[sflag:s26] =	ssyncset.done $0x0  }
0xb7: {  	[sflag:s26] =	ssyncadd.s32 $0xFFFFFF80  }
0xb8: {  	[spmem:s3] =	stream.indirect.scatter [tilespmem:s28], [sflag:$0x7], $0x1, s25, s30, $0xb8;
	[tilespmem:$0x1EE00] =	vst v63  }
0xb9: {  	_ =	swait.ge [sflag:s26], $0x80  }
0xba: {  	[sflag:s26] =	ssyncset.done $0x0  }
0xbb: {  	[sflag:s26] =	ssyncadd.s32 $0xFFFFFF80  }
0xbc: {  	[spmem:s3] =	stream.indirect.scatter [tilespmem:s28], [sflag:$0x7], $0x1, s2, s30, $0xb8;
	[tilespmem:$0x1EE00] =	vst v63  }
0xbd: {  	_ =	swait.ge [sflag:s26], $0x80  }
0xbe: {  	[sflag:s26] =	ssyncset.done $0x0  }
0xbf: {  	[sflag:s26] =	ssyncadd.s32 $0xFFFFFF80  }
0xc0: {  	[spmem:s3] =	stream.indirect.scatter [tilespmem:s28], [sflag:$0x7], $0x1, s10, s30, $0xb8;
	[tilespmem:$0x1EE00] =	vst v63  }
0xc1: {  	_ =	swait.ge [sflag:s26], $0x80  }
0xc2: {  	[sflag:s26] =	ssyncset.done $0x0  }
0xc3: {  	s18 =	sadd.s32 $0x0, s1;
	[sflag:s26] =	ssyncadd.s32 $0xFFFFFF80  }
0xc4: {  	[tilespmem:s29], [sflag:$0x7] =	stream.linear.gather [hbm4b:s18+s6], $0x400, $0x38;
	[tilespmem:$0x1EE00] =	vst v63  }
0xc5: {  	_ =	swait.ge [sflag:s26], $0x400  }
0xc6: {  	[sflag:s26] =	ssyncset.done $0x0  }
0xc7: {  	[sflag:s26] =	ssyncadd.s32 $0xFFFFFC00  }
0xc8: {  	[tilespmem:s14], [sflag:$0x7] =	stream.indirect.gather [hbm4b:s0+s30], $0x1, s29, s30, $0xb8;
	[tilespmem:$0x1EE00] =	vst v63  }
0xc9: {  	_ =	swait.ge [sflag:s26], $0x80  }
0xca: {  	[sflag:s26] =	ssyncset.done $0x0  }
0xcb: {  	[sflag:s26] =	ssyncadd.s32 $0xFFFFFF80  }
0xcc: {  	[spmem:s3] =	stream.indirect.scatter.add.f32 [tilespmem:s14], [sflag:$0x7], $0x1, s29, s30, $0xb8;
	[tilespmem:$0x1EE00] =	vst v63  }
0xcd: {  	_ =	swait.ge [sflag:s26], $0x80  }
0xce: {  	[sflag:s26] =	ssyncset.done $0x0  }
0xcf: {  	[sflag:s26] =	ssyncadd.s32 $0xFFFFFF80  }
0xd0: {  	[tilespmem:s14], [sflag:$0x7] =	stream.indirect.gather [hbm4b:s0+s30], $0x1, s31, s30, $0xb8;
	[tilespmem:$0x1EE00] =	vst v63  }
0xd1: {  	_ =	swait.ge [sflag:s26], $0x80  }
0xd2: {  	[sflag:s26] =	ssyncset.done $0x0  }
0xd3: {  	[sflag:s26] =	ssyncadd.s32 $0xFFFFFF80  }
0xd4: {  	[spmem:s3] =	stream.indirect.scatter.add.f32 [tilespmem:s14], [sflag:$0x7], $0x1, s31, s30, $0xb8;
	[tilespmem:$0x1EE00] =	vst v63  }
0xd5: {  	_ =	swait.ge [sflag:s26], $0x80  }
0xd6: {  	[sflag:s26] =	ssyncset.done $0x0  }
0xd7: {  	[sflag:s26] =	ssyncadd.s32 $0xFFFFFF80  }
0xd8: {  	[tilespmem:s14], [sflag:$0x7] =	stream.indirect.gather [hbm4b:s0+s30], $0x1, s4, s30, $0xb8;
	[tilespmem:$0x1EE00] =	vst v63  }
0xd9: {  	_ =	swait.ge [sflag:s26], $0x80  }
0xda: {  	[sflag:s26] =	ssyncset.done $0x0  }
0xdb: {  	[sflag:s26] =	ssyncadd.s32 $0xFFFFFF80  }
0xdc: {  	[spmem:s3] =	stream.indirect.scatter.add.f32 [tilespmem:s14], [sflag:$0x7], $0x1, s4, s30, $0xb8;
	[tilespmem:$0x1EE00] =	vst v63  }
0xdd: {  	_ =	swait.ge [sflag:s26], $0x80  }
0xde: {  	[sflag:s26] =	ssyncset.done $0x0  }
0xdf: {  	[sflag:s26] =	ssyncadd.s32 $0xFFFFFF80  }
0xe0: {  	[tilespmem:s14], [sflag:$0x7] =	stream.indirect.gather [hbm4b:s0+s30], $0x1, s23, s30, $0xb8;
	[tilespmem:$0x1EE00] =	vst v63  }
0xe1: {  	_ =	swait.ge [sflag:s26], $0x80  }
0xe2: {  	[sflag:s26] =	ssyncset.done $0x0  }
0xe3: {  	[sflag:s26] =	ssyncadd.s32 $0xFFFFFF80  }
0xe4: {  	[spmem:s3] =	stream.indirect.scatter.add.f32 [tilespmem:s14], [sflag:$0x7], $0x1, s23, s30, $0xb8;
	[tilespmem:$0x1EE00] =	vst v63  }
0xe5: {  	_ =	swait.ge [sflag:s26], $0x80  }
0xe6: {  	[sflag:s26] =	ssyncset.done $0x0  }
0xe7: {  	[sflag:s26] =	ssyncadd.s32 $0xFFFFFF80  }
0xe8: {  	[tilespmem:s14], [sflag:$0x7] =	stream.indirect.gather [hbm4b:s0+s30], $0x1, s24, s30, $0xb8;
	[tilespmem:$0x1EE00] =	vst v63  }
0xe9: {  	_ =	swait.ge [sflag:s26], $0x80  }
0xea: {  	[sflag:s26] =	ssyncset.done $0x0  }
0xeb: {  	[sflag:s26] =	ssyncadd.s32 $0xFFFFFF80  }
0xec: {  	[spmem:s3] =	stream.indirect.scatter.add.f32 [tilespmem:s14], [sflag:$0x7], $0x1, s24, s30, $0xb8;
	[tilespmem:$0x1EE00] =	vst v63  }
0xed: {  	_ =	swait.ge [sflag:s26], $0x80  }
0xee: {  	[sflag:s26] =	ssyncset.done $0x0  }
0xef: {  	[sflag:s26] =	ssyncadd.s32 $0xFFFFFF80  }
0xf0: {  	[tilespmem:s14], [sflag:$0x7] =	stream.indirect.gather [hbm4b:s0+s30], $0x1, s25, s30, $0xb8;
	[tilespmem:$0x1EE00] =	vst v63  }
0xf1: {  	_ =	swait.ge [sflag:s26], $0x80  }
0xf2: {  	[sflag:s26] =	ssyncset.done $0x0  }
0xf3: {  	[sflag:s26] =	ssyncadd.s32 $0xFFFFFF80  }
0xf4: {  	[spmem:s3] =	stream.indirect.scatter.add.f32 [tilespmem:s14], [sflag:$0x7], $0x1, s25, s30, $0xb8;
	[tilespmem:$0x1EE00] =	vst v63  }
0xf5: {  	_ =	swait.ge [sflag:s26], $0x80  }
0xf6: {  	[sflag:s26] =	ssyncset.done $0x0  }
0xf7: {  	[sflag:s26] =	ssyncadd.s32 $0xFFFFFF80  }
0xf8: {  	[tilespmem:s14], [sflag:$0x7] =	stream.indirect.gather [hbm4b:s0+s30], $0x1, s2, s30, $0xb8;
	[tilespmem:$0x1EE00] =	vst v63  }
0xf9: {  	_ =	swait.ge [sflag:s26], $0x80  }
0xfa: {  	[sflag:s26] =	ssyncset.done $0x0  }
0xfb: {  	[sflag:s26] =	ssyncadd.s32 $0xFFFFFF80  }
0xfc: {  	[spmem:s3] =	stream.indirect.scatter.add.f32 [tilespmem:s14], [sflag:$0x7], $0x1, s2, s30, $0xb8;
	[tilespmem:$0x1EE00] =	vst v63  }
0xfd: {  	_ =	swait.ge [sflag:s26], $0x80  }
0xfe: {  	[sflag:s26] =	ssyncset.done $0x0  }
0xff: {  	[sflag:s26] =	ssyncadd.s32 $0xFFFFFF80  }
0x100: {  	[tilespmem:s14], [sflag:$0x7] =	stream.indirect.gather [hbm4b:s0+s30], $0x1, s10, s30, $0xb8;
	[tilespmem:$0x1EE00] =	vst v63  }
0x101: {  	_ =	swait.ge [sflag:s26], $0x80  }
0x102: {  	[sflag:s26] =	ssyncset.done $0x0  }
0x103: {  	[sflag:s26] =	ssyncadd.s32 $0xFFFFFF80  }
0x104: {  	[spmem:s3] =	stream.indirect.scatter.add.f32 [tilespmem:s14], [sflag:$0x7], $0x1, s10, s30, $0xb8;
	[tilespmem:$0x1EE00] =	vst v63  }
0x105: {  	_ =	swait.ge [sflag:s26], $0x80  }
0x106: {  	s7 =	simm.s32 $0x100;
	s12 =	simm.s32 $0x80;
	[sflag:s26] =	ssyncset.done $0x0  }
.LBB2_3:
0x107: {  	s13 =	sadd.s32 s12, s1  }
0x108: {  	[sflag:s26] =	ssyncadd.s32 $0xFFFFFF80;
	s12 =	smov.u32 s7;
	s18 =	sadd.s32 $0x80, s7  }
0x109: {  	[tilespmem:s29], [sflag:$0x7] =	stream.linear.gather [hbm4b:s13+s6], $0x400, $0x38;
	[tilespmem:$0x1EE00] =	vst v63  }
0x10a: {  	p1 =	sne.s32 s7, $0x180;
	_ =	swait.ge [sflag:s26], $0x400  }
0x10b: {  	[sflag:s26] =	ssyncset.done $0x0  }
0x10c: {  	[sflag:s26] =	ssyncadd.s32 $0xFFFFFC00  }
0x10d: {  	[tilespmem:s14], [sflag:$0x7] =	stream.indirect.gather [hbm4b:s0+s30], $0x1, s29, s30, $0xb8;
	[tilespmem:$0x1EE00] =	vst v63  }
0x10e: {  	_ =	swait.ge [sflag:s26], $0x80  }
0x10f: {  	[sflag:s26] =	ssyncset.done $0x0  }
0x110: {  	[sflag:s26] =	ssyncadd.s32 $0xFFFFFF80  }
0x111: {  	[spmem:s3] =	stream.indirect.scatter.add.f32 [tilespmem:s14], [sflag:$0x7], $0x1, s29, s30, $0xb8;
	[tilespmem:$0x1EE00] =	vst v63  }
0x112: {  	_ =	swait.ge [sflag:s26], $0x80  }
0x113: {  	[sflag:s26] =	ssyncset.done $0x0  }
0x114: {  	[sflag:s26] =	ssyncadd.s32 $0xFFFFFF80  }
0x115: {  	[tilespmem:s14], [sflag:$0x7] =	stream.indirect.gather [hbm4b:s0+s30], $0x1, s31, s30, $0xb8;
	[tilespmem:$0x1EE00] =	vst v63  }
0x116: {  	_ =	swait.ge [sflag:s26], $0x80  }
0x117: {  	[sflag:s26] =	ssyncset.done $0x0  }
0x118: {  	[sflag:s26] =	ssyncadd.s32 $0xFFFFFF80  }
0x119: {  	[spmem:s3] =	stream.indirect.scatter.add.f32 [tilespmem:s14], [sflag:$0x7], $0x1, s31, s30, $0xb8;
	[tilespmem:$0x1EE00] =	vst v63  }
0x11a: {  	_ =	swait.ge [sflag:s26], $0x80  }
0x11b: {  	[sflag:s26] =	ssyncset.done $0x0  }
0x11c: {  	[sflag:s26] =	ssyncadd.s32 $0xFFFFFF80  }
0x11d: {  	[tilespmem:s14], [sflag:$0x7] =	stream.indirect.gather [hbm4b:s0+s30], $0x1, s4, s30, $0xb8;
	[tilespmem:$0x1EE00] =	vst v63  }
0x11e: {  	_ =	swait.ge [sflag:s26], $0x80  }
0x11f: {  	[sflag:s26] =	ssyncset.done $0x0  }
0x120: {  	[sflag:s26] =	ssyncadd.s32 $0xFFFFFF80  }
0x121: {  	[spmem:s3] =	stream.indirect.scatter.add.f32 [tilespmem:s14], [sflag:$0x7], $0x1, s4, s30, $0xb8;
	[tilespmem:$0x1EE00] =	vst v63  }
0x122: {  	_ =	swait.ge [sflag:s26], $0x80  }
0x123: {  	[sflag:s26] =	ssyncset.done $0x0  }
0x124: {  	[sflag:s26] =	ssyncadd.s32 $0xFFFFFF80  }
0x125: {  	[tilespmem:s14], [sflag:$0x7] =	stream.indirect.gather [hbm4b:s0+s30], $0x1, s23, s30, $0xb8;
	[tilespmem:$0x1EE00] =	vst v63  }
0x126: {  	_ =	swait.ge [sflag:s26], $0x80  }
0x127: {  	[sflag:s26] =	ssyncset.done $0x0  }
0x128: {  	[sflag:s26] =	ssyncadd.s32 $0xFFFFFF80  }
0x129: {  	[spmem:s3] =	stream.indirect.scatter.add.f32 [tilespmem:s14], [sflag:$0x7], $0x1, s23, s30, $0xb8;
	[tilespmem:$0x1EE00] =	vst v63  }
0x12a: {  	_ =	swait.ge [sflag:s26], $0x80  }
0x12b: {  	[sflag:s26] =	ssyncset.done $0x0  }
0x12c: {  	[sflag:s26] =	ssyncadd.s32 $0xFFFFFF80  }
0x12d: {  	[tilespmem:s14], [sflag:$0x7] =	stream.indirect.gather [hbm4b:s0+s30], $0x1, s24, s30, $0xb8;
	[tilespmem:$0x1EE00] =	vst v63  }
0x12e: {  	_ =	swait.ge [sflag:s26], $0x80  }
0x12f: {  	[sflag:s26] =	ssyncset.done $0x0  }
0x130: {  	[sflag:s26] =	ssyncadd.s32 $0xFFFFFF80  }
0x131: {  	[spmem:s3] =	stream.indirect.scatter.add.f32 [tilespmem:s14], [sflag:$0x7], $0x1, s24, s30, $0xb8;
	[tilespmem:$0x1EE00] =	vst v63  }
0x132: {  	_ =	swait.ge [sflag:s26], $0x80  }
0x133: {  	[sflag:s26] =	ssyncset.done $0x0  }
0x134: {  	[sflag:s26] =	ssyncadd.s32 $0xFFFFFF80  }
0x135: {  	[tilespmem:s14], [sflag:$0x7] =	stream.indirect.gather [hbm4b:s0+s30], $0x1, s25, s30, $0xb8;
	[tilespmem:$0x1EE00] =	vst v63  }
0x136: {  	_ =	swait.ge [sflag:s26], $0x80  }
0x137: {  	[sflag:s26] =	ssyncset.done $0x0  }
0x138: {  	[sflag:s26] =	ssyncadd.s32 $0xFFFFFF80  }
0x139: {  	[spmem:s3] =	stream.indirect.scatter.add.f32 [tilespmem:s14], [sflag:$0x7], $0x1, s25, s30, $0xb8;
	[tilespmem:$0x1EE00] =	vst v63  }
0x13a: {  	_ =	swait.ge [sflag:s26], $0x80  }
0x13b: {  	[sflag:s26] =	ssyncset.done $0x0  }
0x13c: {  	[sflag:s26] =	ssyncadd.s32 $0xFFFFFF80  }
0x13d: {  	[tilespmem:s14], [sflag:$0x7] =	stream.indirect.gather [hbm4b:s0+s30], $0x1, s2, s30, $0xb8;
	[tilespmem:$0x1EE00] =	vst v63  }
0x13e: {  	_ =	swait.ge [sflag:s26], $0x80  }
0x13f: {  	[sflag:s26] =	ssyncset.done $0x0  }
0x140: {  	[sflag:s26] =	ssyncadd.s32 $0xFFFFFF80  }
0x141: {  	[spmem:s3] =	stream.indirect.scatter.add.f32 [tilespmem:s14], [sflag:$0x7], $0x1, s2, s30, $0xb8;
	[tilespmem:$0x1EE00] =	vst v63  }
0x142: {  	_ =	swait.ge [sflag:s26], $0x80  }
0x143: {  	[sflag:s26] =	ssyncset.done $0x0  }
0x144: {  	[sflag:s26] =	ssyncadd.s32 $0xFFFFFF80  }
0x145: {  	[tilespmem:s14], [sflag:$0x7] =	stream.indirect.gather [hbm4b:s0+s30], $0x1, s10, s30, $0xb8;
	[tilespmem:$0x1EE00] =	vst v63  }
0x146: {  	_ =	swait.ge [sflag:s26], $0x80  }
.Ltmp1:
0x147: {  	[sflag:s26] =	ssyncset.done $0x0;
	(pc) =	sbr.rel @p1 .LBB2_3-.Ltmp1, $4  }
0x148: {  	[sflag:s26] =	ssyncadd.s32 $0xFFFFFF80  }
0x149: {  	[spmem:s3] =	stream.indirect.scatter.add.f32 [tilespmem:s14], [sflag:$0x7], $0x1, s10, s30, $0xb8;
	[tilespmem:$0x1EE00] =	vst v63  }
0x14a: {  	_ =	swait.ge [sflag:s26], $0x80  }
0x14b: {  	s7 =	smov.u32 s18;
	[sflag:s26] =	ssyncset.done $0x0  }
0x14c: {  	s7 =	sadd.s32 s12, s1;
	[sflag:s26] =	ssyncadd.s32 $0xFFFFFF80  }
0x14d: {  	[tilespmem:s29], [sflag:$0x7] =	stream.linear.gather [hbm4b:s7+s6], $0x400, $0x38;
	[tilespmem:$0x1EE00] =	vst v63  }
0x14e: {  	_ =	swait.ge [sflag:s26], $0x400  }
0x14f: {  	[sflag:s26] =	ssyncset.done $0x0  }
0x150: {  	[sflag:s26] =	ssyncadd.s32 $0xFFFFFC00  }
0x151: {  	[tilespmem:s14], [sflag:$0x7] =	stream.indirect.gather [hbm4b:s0+s30], $0x1, s29, s30, $0xb8;
	[tilespmem:$0x1EE00] =	vst v63  }
0x152: {  	_ =	swait.ge [sflag:s26], $0x80  }
0x153: {  	[sflag:s26] =	ssyncset.done $0x0  }
0x154: {  	[sflag:s26] =	ssyncadd.s32 $0xFFFFFF80  }
0x155: {  	[spmem:s3] =	stream.indirect.scatter.add.f32 [tilespmem:s14], [sflag:$0x7], $0x1, s29, s30, $0xb8;
	[tilespmem:$0x1EE00] =	vst v63  }
0x156: {  	_ =	swait.ge [sflag:s26], $0x80  }
0x157: {  	[sflag:s26] =	ssyncset.done $0x0  }
0x158: {  	[sflag:s26] =	ssyncadd.s32 $0xFFFFFF80  }
0x159: {  	[tilespmem:s14], [sflag:$0x7] =	stream.indirect.gather [hbm4b:s0+s30], $0x1, s31, s30, $0xb8;
	[tilespmem:$0x1EE00] =	vst v63  }
0x15a: {  	_ =	swait.ge [sflag:s26], $0x80  }
0x15b: {  	[sflag:s26] =	ssyncset.done $0x0  }
0x15c: {  	[sflag:s26] =	ssyncadd.s32 $0xFFFFFF80  }
0x15d: {  	[spmem:s3] =	stream.indirect.scatter.add.f32 [tilespmem:s14], [sflag:$0x7], $0x1, s31, s30, $0xb8;
	[tilespmem:$0x1EE00] =	vst v63  }
0x15e: {  	_ =	swait.ge [sflag:s26], $0x80  }
0x15f: {  	[sflag:s26] =	ssyncset.done $0x0  }
0x160: {  	[sflag:s26] =	ssyncadd.s32 $0xFFFFFF80  }
0x161: {  	[tilespmem:s14], [sflag:$0x7] =	stream.indirect.gather [hbm4b:s0+s30], $0x1, s4, s30, $0xb8;
	[tilespmem:$0x1EE00] =	vst v63  }
0x162: {  	_ =	swait.ge [sflag:s26], $0x80  }
0x163: {  	[sflag:s26] =	ssyncset.done $0x0  }
0x164: {  	[sflag:s26] =	ssyncadd.s32 $0xFFFFFF80  }
0x165: {  	[spmem:s3] =	stream.indirect.scatter.add.f32 [tilespmem:s14], [sflag:$0x7], $0x1, s4, s30, $0xb8;
	[tilespmem:$0x1EE00] =	vst v63  }
0x166: {  	_ =	swait.ge [sflag:s26], $0x80  }
0x167: {  	[sflag:s26] =	ssyncset.done $0x0  }
0x168: {  	[sflag:s26] =	ssyncadd.s32 $0xFFFFFF80  }
0x169: {  	[tilespmem:s14], [sflag:$0x7] =	stream.indirect.gather [hbm4b:s0+s30], $0x1, s23, s30, $0xb8;
	[tilespmem:$0x1EE00] =	vst v63  }
0x16a: {  	_ =	swait.ge [sflag:s26], $0x80  }
0x16b: {  	[sflag:s26] =	ssyncset.done $0x0  }
0x16c: {  	[sflag:s26] =	ssyncadd.s32 $0xFFFFFF80  }
0x16d: {  	[spmem:s3] =	stream.indirect.scatter.add.f32 [tilespmem:s14], [sflag:$0x7], $0x1, s23, s30, $0xb8;
	[tilespmem:$0x1EE00] =	vst v63  }
0x16e: {  	_ =	swait.ge [sflag:s26], $0x80  }
0x16f: {  	[sflag:s26] =	ssyncset.done $0x0  }
0x170: {  	[sflag:s26] =	ssyncadd.s32 $0xFFFFFF80  }
0x171: {  	[tilespmem:s14], [sflag:$0x7] =	stream.indirect.gather [hbm4b:s0+s30], $0x1, s24, s30, $0xb8;
	[tilespmem:$0x1EE00] =	vst v63  }
0x172: {  	_ =	swait.ge [sflag:s26], $0x80  }
0x173: {  	[sflag:s26] =	ssyncset.done $0x0  }
0x174: {  	[sflag:s26] =	ssyncadd.s32 $0xFFFFFF80  }
0x175: {  	[spmem:s3] =	stream.indirect.scatter.add.f32 [tilespmem:s14], [sflag:$0x7], $0x1, s24, s30, $0xb8;
	[tilespmem:$0x1EE00] =	vst v63  }
0x176: {  	_ =	swait.ge [sflag:s26], $0x80  }
0x177: {  	[sflag:s26] =	ssyncset.done $0x0  }
0x178: {  	[sflag:s26] =	ssyncadd.s32 $0xFFFFFF80  }
0x179: {  	[tilespmem:s14], [sflag:$0x7] =	stream.indirect.gather [hbm4b:s0+s30], $0x1, s25, s30, $0xb8;
	[tilespmem:$0x1EE00] =	vst v63  }
0x17a: {  	_ =	swait.ge [sflag:s26], $0x80  }
0x17b: {  	[sflag:s26] =	ssyncset.done $0x0  }
0x17c: {  	[sflag:s26] =	ssyncadd.s32 $0xFFFFFF80  }
0x17d: {  	[spmem:s3] =	stream.indirect.scatter.add.f32 [tilespmem:s14], [sflag:$0x7], $0x1, s25, s30, $0xb8;
	[tilespmem:$0x1EE00] =	vst v63  }
0x17e: {  	_ =	swait.ge [sflag:s26], $0x80  }
0x17f: {  	[sflag:s26] =	ssyncset.done $0x0  }
0x180: {  	[sflag:s26] =	ssyncadd.s32 $0xFFFFFF80  }
0x181: {  	[tilespmem:s14], [sflag:$0x7] =	stream.indirect.gather [hbm4b:s0+s30], $0x1, s2, s30, $0xb8;
	[tilespmem:$0x1EE00] =	vst v63  }
0x182: {  	_ =	swait.ge [sflag:s26], $0x80  }
0x183: {  	[sflag:s26] =	ssyncset.done $0x0  }
0x184: {  	[sflag:s26] =	ssyncadd.s32 $0xFFFFFF80  }
0x185: {  	[spmem:s3] =	stream.indirect.scatter.add.f32 [tilespmem:s14], [sflag:$0x7], $0x1, s2, s30, $0xb8;
	[tilespmem:$0x1EE00] =	vst v63  }
0x186: {  	_ =	swait.ge [sflag:s26], $0x80  }
0x187: {  	[sflag:s26] =	ssyncset.done $0x0  }
0x188: {  	[sflag:s26] =	ssyncadd.s32 $0xFFFFFF80  }
0x189: {  	[tilespmem:s14], [sflag:$0x7] =	stream.indirect.gather [hbm4b:s0+s30], $0x1, s10, s30, $0xb8;
	[tilespmem:$0x1EE00] =	vst v63  }
0x18a: {  	_ =	swait.ge [sflag:s26], $0x80  }
0x18b: {  	[sflag:s26] =	ssyncset.done $0x0  }
0x18c: {  	[sflag:s26] =	ssyncadd.s32 $0xFFFFFF80  }
0x18d: {  	[spmem:s3] =	stream.indirect.scatter.add.f32 [tilespmem:s14], [sflag:$0x7], $0x1, s10, s30, $0xb8;
	[tilespmem:$0x1EE00] =	vst v63  }
0x18e: {  	_ =	swait.ge [sflag:s26], $0x80  }
0x18f: {  	s13 =	simm.s32 $0x20;
	s18 =	simm.s32 $0x10;
	[sflag:s26] =	ssyncset.done $0x0  }
0x190: {  	s7 =	sshrl.u32 s3, $0x3;
	s12 =	rddreg [dreg:$0xc];
	[sflag:s26] =	ssyncadd.s32 $0xFFFFFF80  }
0x191: {  	[hbm:s12@s13], [sflag:s17] =	dma.strided [spmem:s7@s18], $0x3100, s16, $0x10   }
0x192: {  	_ =	swait.ge [sflag:s26], $0x3100  }
0x193: {  	[sflag:s26] =	ssyncset.done $0x0  }
0x194: {  	s12 =	rddreg [dreg:$0x19];
	[sflag:s26] =	ssyncadd.s32 $0xFFFFCF00  }
.LBB2_5:
0x195: {  	[bflag:$0x0] =	sbarrier.arrive $0xFFFF  }
0x196: {  	[spmem:s12], [sflag:s17] =	dma.local [hbm:s20], $0x310  }
0x197: {  	_ =	swait.ge [sflag:s26], $0x310  }
0x198: {  	s13 =	simm.s32 $0x100;
	[sflag:s26] =	ssyncset.done $0x0  }
0x199: {  	s12 =	simm.s32 $0x0;
	s7 =	rddreg [dreg:$0xc];
	[sflag:s26] =	ssyncadd.s32 $0xFFFFFCF0  }
0x19a: {  	[tilespmem:s12], [sflag:$0x7] =	stream.strided.gather [hbm4b:s7+s30], $0x18800, s13, s30, $0x38;
	[tilespmem:$0x1EE00] =	vst v63  }
0x19b: {  	_ =	swait.ge [sflag:s26], $0x18800  }
0x19c: {  	[sflag:s26] =	ssyncset.done $0x0  }
0x19d: {  	[sflag:s26] =	ssyncadd.s32 $0xFFFE7800  }
0x19e: {  	[bflag:$0x0] =	sbarrier.arrive $0xFFFF  }
0x19f: {  	s20 =	simm.s32 $0x18800;
	s18 =	rddreg [dreg:$0xd]  }
0x1a0: {  	[tilespmem:s20], [sflag:$0x1] =	stream.linear.gather [hbm4b:s18+s12], $0x400, $0x38;
	[tilespmem:$0x1EE00] =	vst v63  }
0x1a1: {  	s17 =	simm.s32 $0x19400;
	s13 =	rddreg [dreg:$0xe]  }
0x1a2: {  	[tilespmem:s17], [sflag:$0x1] =	stream.linear.gather [hbm4b:s13+s12], $0x400, $0x38;
	[tilespmem:$0x1EE00] =	vst v63  }
0x1a3: {  	s18 =	rddreg [dreg:$0xf];
	s20 =	simm.s32 $0x1A000  }
0x1a4: {  	[tilespmem:s20], [sflag:$0x1] =	stream.linear.gather [hbm4b:s18+s12], $0x400, $0x38;
	[tilespmem:$0x1EE00] =	vst v63  }
.LBB2_6:
0x1a5: {  	p1 =	seq.s32 s12, $0x0  }
0x1a6: {  	s7 =	simm.s32 @!p1 $0x5  }
0x1a7: {  	_ =	swait.ge @!p1 [sflag:s7], $0x80  }
0x1a8: {  	[sflag:s7] =	ssyncset.done @!p1 $0x0  }
0x1a9: {  	[sflag:s7] =	ssyncadd.s32 @!p1 $0xFFFFFF80  }
0x1aa: {  	_ =	swait.ge @!p1 [sflag:s7], $0x80  }
0x1ab: {  	[sflag:s7] =	ssyncset.done @!p1 $0x0  }
0x1ac: {  	[sflag:s7] =	ssyncadd.s32 @!p1 $0xFFFFFF80  }
0x1ad: {  	_ =	swait.ge @!p1 [sflag:s7], $0x80  }
0x1ae: {  	[sflag:s7] =	ssyncset.done @!p1 $0x0  }
0x1af: {  	[sflag:s7] =	ssyncadd.s32 @!p1 $0xFFFFFF80  }
0x1b0: {  	_ =	swait.ge @!p1 [sflag:s7], $0x80  }
0x1b1: {  	[sflag:s7] =	ssyncset.done @!p1 $0x0  }
0x1b2: {  	[sflag:s7] =	ssyncadd.s32 @!p1 $0xFFFFFF80  }
0x1b3: {  	_ =	swait.ge @!p1 [sflag:s7], $0x80  }
0x1b4: {  	[sflag:s7] =	ssyncset.done @!p1 $0x0  }
0x1b5: {  	[sflag:s7] =	ssyncadd.s32 @!p1 $0xFFFFFF80  }
0x1b6: {  	_ =	swait.ge @!p1 [sflag:s7], $0x80  }
0x1b7: {  	[sflag:s7] =	ssyncset.done @!p1 $0x0  }
0x1b8: {  	[sflag:s7] =	ssyncadd.s32 @!p1 $0xFFFFFF80  }
0x1b9: {  	_ =	swait.ge @!p1 [sflag:s7], $0x80  }
0x1ba: {  	[sflag:s7] =	ssyncset.done @!p1 $0x0  }
0x1bb: {  	[sflag:s7] =	ssyncadd.s32 @!p1 $0xFFFFFF80  }
0x1bc: {  	_ =	swait.ge @!p1 [sflag:s7], $0x80  }
0x1bd: {  	[sflag:s7] =	ssyncset.done @!p1 $0x0  }
0x1be: {  	[sflag:s7] =	ssyncadd.s32 @!p1 $0xFFFFFF80  }
0x1bf: {  	_ =	swait.ge @!p1 [sflag:s7], $0x80  }
0x1c0: {  	[sflag:s7] =	ssyncset.done @!p1 $0x0  }
0x1c1: {  	[sflag:s7] =	ssyncadd.s32 @!p1 $0xFFFFFF80  }
0x1c2: {  	_ =	swait.ge @!p1 [sflag:s7], $0x80  }
0x1c3: {  	[sflag:s7] =	ssyncset.done @!p1 $0x0  }
0x1c4: {  	[sflag:s7] =	ssyncadd.s32 @!p1 $0xFFFFFF80  }
0x1c5: {  	_ =	swait.ge @!p1 [sflag:s7], $0x80  }
0x1c6: {  	[sflag:s7] =	ssyncset.done @!p1 $0x0  }
0x1c7: {  	[sflag:s7] =	ssyncadd.s32 @!p1 $0xFFFFFF80  }
0x1c8: {  	_ =	swait.ge @!p1 [sflag:s7], $0x80  }
0x1c9: {  	[sflag:s7] =	ssyncset.done @!p1 $0x0  }
0x1ca: {  	[sflag:s7] =	ssyncadd.s32 @!p1 $0xFFFFFF80  }
0x1cb: {  	_ =	swait.ge @!p1 [sflag:s7], $0x80  }
0x1cc: {  	[sflag:s7] =	ssyncset.done @!p1 $0x0  }
0x1cd: {  	[sflag:s7] =	ssyncadd.s32 @!p1 $0xFFFFFF80  }
0x1ce: {  	_ =	swait.ge @!p1 [sflag:s7], $0x80  }
0x1cf: {  	[sflag:s7] =	ssyncset.done @!p1 $0x0  }
0x1d0: {  	[sflag:s7] =	ssyncadd.s32 @!p1 $0xFFFFFF80  }
0x1d1: {  	_ =	swait.ge @!p1 [sflag:s7], $0x80  }
0x1d2: {  	s18 =	smul.u32 $0x3, s12;
	[sflag:s7] =	ssyncset.done @!p1 $0x0  }
0x1d3: {  	[sflag:s7] =	ssyncadd.s32 @!p1 $0xFFFFFF80  }
0x1d4: {  	s13 =	sadd.s32 $0x1, s18;
	_ =	swait.ge @!p1 [sflag:s7], $0x80  }
0x1d5: {  	s17 =	sshll.u32 s13, $0xA;
	s20 =	rddreg [dreg:$0x17]  }
0x1d6: {  	s17 =	sadd.s32 s20, s17  }
0x1d7: {  	[sflag:s7] =	ssyncset.done @!p1 $0x0;
	s17 =	sshrl.u32 s17, $0x3  }
0x1d8: {  	[sflag:s7] =	ssyncadd.s32 @!p1 $0xFFFFFF80;
	s20 =	simm.s32 $0x18C00;
	s7 =	sadd.s32 s9, s17  }
0x1d9: {  	[tilespmem:s20], [sflag:$0x2] =	stream.linear.gather [hbm4b:s7+s6], $0x400, $0x38;
	[tilespmem:$0x1EE00] =	vst v63  }
0x1da: {  	s17 =	sadd.s32 s8, s17;
	s20 =	simm.s32 $0x19800  }
0x1db: {  	[tilespmem:s20], [sflag:$0x2] =	stream.linear.gather [hbm4b:s17+s6], $0x400, $0x38;
	[tilespmem:$0x1EE00] =	vst v63  }
0x1dc: {  	s17 =	rddreg [dreg:$0x10]  }
0x1dd: {  	s7 =	sadd.s32 s17, s13  }
0x1de: {  	s7 =	sshll.u32 s7, $0x7  }
0x1df: {  	s7 =	sand.u32 $0x1FFFFF80, s7  }
0x1e0: {  	s20 =	simm.s32 $0x1A400;
	s7 =	sadd.s32 s11, s7  }
0x1e1: {  	[tilespmem:s20], [sflag:$0x2] =	stream.linear.gather [hbm4b:s7+s6], $0x400, $0x38;
	[tilespmem:$0x1EE00] =	vst v63  }
0x1e2: {  	_ =	swait.ge [sflag:s16], $0x400  }
0x1e3: {  	[sflag:s16] =	ssyncset.done $0x0  }
0x1e4: {  	[sflag:s16] =	ssyncadd.s32 $0xFFFFFC00  }
0x1e5: {  	_ =	swait.ge [sflag:s16], $0x400  }
0x1e6: {  	[sflag:s16] =	ssyncset.done $0x0  }
0x1e7: {  	[sflag:s16] =	ssyncadd.s32 $0xFFFFFC00  }
0x1e8: {  	_ =	swait.ge [sflag:s16], $0x400  }
0x1e9: {  	[sflag:s16] =	ssyncset.done $0x0  }
0x1ea: {  	s13 =	simm.s32 $0x18820;
	[sflag:s16] =	ssyncadd.s32 $0xFFFFFC00  }
0x1eb: {  	v0 =	vld [tilespmem:s13+$0x10]  }
0x1ec: {  	v1 =	vld [tilespmem:s13+$0xFFFFFFF0]  }
0x1ed: {  	v2 =	vld [tilespmem:s13+$0xFFFFFFE0]  }
0x1ee: {  	s17 =	simm.s32 $0x19420;
	v3 =	vld [tilespmem:s13+$0x0]  }
0x1ef: {  	s20 =	simm.s32 $0x18860;
	v6 =	vld [tilespmem:s17+$0x10]  }
0x1f0: {  	v4 =	vld [tilespmem:s20+$0x10]  }
0x1f1: {  	v9 =	vld [tilespmem:s20+$0xFFFFFFF0]  }
0x1f2: {  	v10 =	vld [tilespmem:s20+$0xFFFFFFE0]  }
0x1f3: {  	v11 =	vld [tilespmem:s17+$0xFFFFFFE0]  }
0x1f4: {  	v12 =	vld [tilespmem:s17+$0xFFFFFFF0]  }
0x1f5: {  	v5 =	vld [tilespmem:s17+$0x0]  }
0x1f6: {  	v0 =	vld.idx.msk [tilespmem:v0+s6+$0x0], $0xffff  }
0x1f7: {  	v8 =	vld.idx.msk [tilespmem:v1+s6+$0x0], $0xffff  }
0x1f8: {  	v7 =	vld.idx.msk [tilespmem:v2+s6+$0x0], $0xffff  }
0x1f9: {  	v1 =	vld [tilespmem:s20+$0x0]  }
0x1fa: {  	v2 =	vld.idx.msk [tilespmem:v3+s6+$0x0], $0xffff  }
0x1fb: {  	s17 =	simm.s32 $0x19460;
	v4 =	vld.idx.msk [tilespmem:v4+s6+$0x0], $0xffff  }
0x1fc: {  	v0 =	vmul.f32 v6, v0;
	v6 =	vld [tilespmem:s17+$0x10]  }
0x1fd: {  	s20 =	simm.s32 $0x1AC20;
	v3 =	vld.idx.msk [tilespmem:v9+s6+$0x0], $0xffff;
	v7 =	vmul.f32 v11, v7  }
0x1fe: {  	s7 =	simm.s32 $0x188A0;
	s13 =	simm.s32 $0x4;
	v8 =	vmul.f32 v12, v8;
	[tilespmem:s20+$0x10] =	vst v0;
	v0 =	vld.idx.msk [tilespmem:v10+s6+$0x0], $0xffff  }
.LBB2_7:
0x1ff: {  	v9 =	vld [tilespmem:s7+$0x10];
	s13 =	sadd.s32 $0x4, s13;
	[tilespmem:s20+$0xFFFFFFE0] =	vst v7;
	v2 =	vmul.f32 v5, v2  }
0x200: {  	v7 =	vld [tilespmem:s7+$0xFFFFFFF0];
	p2 =	slt.u32 s13, $0x3C;
	[tilespmem:s20+$0xFFFFFFF0] =	vst v8  }
0x201: {  	v8 =	vld [tilespmem:s7+$0x0];
	v4 =	vmul.f32 v6, v4;
	[tilespmem:s20+$0x0] =	vst v2  }
0x202: {  	s20 =	sadd.s32 $0x40, s20;
	v10 =	vld [tilespmem:s7+$0xFFFFFFE0]  }
0x203: {  	v11 =	vmov v3;
	v2 =	vld.idx.msk [tilespmem:v1+s6+$0x0], $0xffff;
	[tilespmem:s20+$0x10] =	vst v4  }
0x204: {  	v12 =	vld [tilespmem:s17+$0xFFFFFFE0]  }
0x205: {  	v13 =	vld [tilespmem:s17+$0xFFFFFFF0]  }
.Ltmp2:
0x206: {  	v5 =	vld [tilespmem:s17+$0x0];
	v1 =	vmov v8;
	(pc) =	sbr.rel @p2 .LBB2_7-.Ltmp2, $4  }
0x207: {  	s17 =	sadd.s32 $0x40, s17;
	v4 =	vld.idx.msk [tilespmem:v9+s6+$0x0], $0xffff  }
0x208: {  	v6 =	vld [tilespmem:s17+$0x10]  }
0x209: {  	v3 =	vld.idx.msk [tilespmem:v7+s6+$0x0], $0xffff;
	v7 =	vmul.f32 v12, v0  }
0x20a: {  	s7 =	sadd.s32 $0x40, s7;
	v0 =	vld.idx.msk [tilespmem:v10+s6+$0x0], $0xffff;
	v8 =	vmul.f32 v13, v11  }
0x20b: {  	_ =	sdelay $0x3  }
0x20c: {  	v1 =	vld.idx.msk [tilespmem:v1+s6+$0x0], $0xffff  }
0x20d: {  	v9 =	vld [tilespmem:s17+$0xFFFFFFE0]  }
0x20e: {  	v10 =	vld [tilespmem:s17+$0xFFFFFFF0]  }
0x20f: {  	v11 =	vld [tilespmem:s17+$0x0]  }
0x210: {  	[tilespmem:s20+$0xFFFFFFE0] =	vst v7;
	v2 =	vmul.f32 v5, v2  }
0x211: {  	[tilespmem:s20+$0xFFFFFFF0] =	vst v8;
	v4 =	vmul.f32 v6, v4  }
0x212: {  	s7 =	sadd.s32 $0x40, s20;
	[tilespmem:s20+$0x0] =	vst v2;
	v0 =	vmul.f32 v9, v0  }
0x213: {  	[tilespmem:s7+$0x10] =	vst v4;
	v2 =	vmul.f32 v10, v3  }
0x214: {  	[tilespmem:s7+$0xFFFFFFE0] =	vst v0;
	v0 =	vmul.f32 v11, v1  }
0x215: {  	[tilespmem:s7+$0xFFFFFFF0] =	vst v2  }
0x216: {  	s13 =	simm.s32 $0x1AC00;
	s20 =	simm.s32 $0x1A000;
	[tilespmem:s7+$0x0] =	vst v0  }
0x217: {  	[spmem:s3] =	stream.indirect.scatter.add.f32 [tilespmem:s13], [sflag:$0x4], $0x1, s20, s30, $0xb8;
	[tilespmem:$0x1EE00] =	vst v63  }
0x218: {  	_ = 	snop  }
0x219: {  	[spmem:s5] =	stream.indirect.scatter.add.f32 [tilespmem:s28], [sflag:$0x4], $0x1, s20, s30, $0xb8;
	[tilespmem:$0x1EE00] =	vst v63  }
0x21a: {  	s17 =	simm.s32 $0x1A080;
	s20 =	simm.s32 $0x1AC80  }
0x21b: {  	[spmem:s3] =	stream.indirect.scatter.add.f32 [tilespmem:s20], [sflag:$0x4], $0x1, s17, s30, $0xb8;
	[tilespmem:$0x1EE00] =	vst v63  }
0x21c: {  	_ = 	snop  }
0x21d: {  	[spmem:s5] =	stream.indirect.scatter.add.f32 [tilespmem:s28], [sflag:$0x4], $0x1, s17, s30, $0xb8;
	[tilespmem:$0x1EE00] =	vst v63  }
0x21e: {  	s20 =	simm.s32 $0x1AD00;
	s17 =	simm.s32 $0x1A100  }
0x21f: {  	[spmem:s3] =	stream.indirect.scatter.add.f32 [tilespmem:s20], [sflag:$0x4], $0x1, s17, s30, $0xb8;
	[tilespmem:$0x1EE00] =	vst v63  }
0x220: {  	_ = 	snop  }
0x221: {  	[spmem:s5] =	stream.indirect.scatter.add.f32 [tilespmem:s28], [sflag:$0x4], $0x1, s17, s30, $0xb8;
	[tilespmem:$0x1EE00] =	vst v63  }
0x222: {  	s20 =	simm.s32 $0x1AD80;
	s17 =	simm.s32 $0x1A180  }
0x223: {  	[spmem:s3] =	stream.indirect.scatter.add.f32 [tilespmem:s20], [sflag:$0x4], $0x1, s17, s30, $0xb8;
	[tilespmem:$0x1EE00] =	vst v63  }
0x224: {  	_ = 	snop  }
0x225: {  	[spmem:s5] =	stream.indirect.scatter.add.f32 [tilespmem:s28], [sflag:$0x4], $0x1, s17, s30, $0xb8;
	[tilespmem:$0x1EE00] =	vst v63  }
0x226: {  	s20 =	simm.s32 $0x1AE00;
	s17 =	simm.s32 $0x1A200  }
0x227: {  	[spmem:s3] =	stream.indirect.scatter.add.f32 [tilespmem:s20], [sflag:$0x4], $0x1, s17, s30, $0xb8;
	[tilespmem:$0x1EE00] =	vst v63  }
0x228: {  	_ = 	snop  }
0x229: {  	[spmem:s5] =	stream.indirect.scatter.add.f32 [tilespmem:s28], [sflag:$0x4], $0x1, s17, s30, $0xb8;
	[tilespmem:$0x1EE00] =	vst v63  }
0x22a: {  	s20 =	simm.s32 $0x1AE80;
	s17 =	simm.s32 $0x1A280  }
0x22b: {  	[spmem:s3] =	stream.indirect.scatter.add.f32 [tilespmem:s20], [sflag:$0x4], $0x1, s17, s30, $0xb8;
	[tilespmem:$0x1EE00] =	vst v63  }
0x22c: {  	_ = 	snop  }
0x22d: {  	[spmem:s5] =	stream.indirect.scatter.add.f32 [tilespmem:s28], [sflag:$0x4], $0x1, s17, s30, $0xb8;
	[tilespmem:$0x1EE00] =	vst v63  }
0x22e: {  	s20 =	simm.s32 $0x1AF00;
	s17 =	simm.s32 $0x1A300  }
0x22f: {  	[spmem:s3] =	stream.indirect.scatter.add.f32 [tilespmem:s20], [sflag:$0x4], $0x1, s17, s30, $0xb8;
	[tilespmem:$0x1EE00] =	vst v63  }
0x230: {  	_ = 	snop  }
0x231: {  	[spmem:s5] =	stream.indirect.scatter.add.f32 [tilespmem:s28], [sflag:$0x4], $0x1, s17, s30, $0xb8;
	[tilespmem:$0x1EE00] =	vst v63  }
0x232: {  	s20 =	simm.s32 $0x1AF80;
	s17 =	simm.s32 $0x1A380  }
0x233: {  	[spmem:s3] =	stream.indirect.scatter.add.f32 [tilespmem:s20], [sflag:$0x4], $0x1, s17, s30, $0xb8;
	[tilespmem:$0x1EE00] =	vst v63  }
0x234: {  	s7 =	simm.s32 @!p1 $0x6  }
0x235: {  	[spmem:s5] =	stream.indirect.scatter.add.f32 [tilespmem:s28], [sflag:$0x4], $0x1, s17, s30, $0xb8;
	[tilespmem:$0x1EE00] =	vst v63  }
0x236: {  	_ =	swait.ge @!p1 [sflag:s7], $0x80  }
0x237: {  	[sflag:s7] =	ssyncset.done @!p1 $0x0  }
0x238: {  	[sflag:s7] =	ssyncadd.s32 @!p1 $0xFFFFFF80  }
0x239: {  	_ =	swait.ge @!p1 [sflag:s7], $0x80  }
0x23a: {  	[sflag:s7] =	ssyncset.done @!p1 $0x0  }
0x23b: {  	[sflag:s7] =	ssyncadd.s32 @!p1 $0xFFFFFF80  }
0x23c: {  	_ =	swait.ge @!p1 [sflag:s7], $0x80  }
0x23d: {  	[sflag:s7] =	ssyncset.done @!p1 $0x0  }
0x23e: {  	[sflag:s7] =	ssyncadd.s32 @!p1 $0xFFFFFF80  }
0x23f: {  	_ =	swait.ge @!p1 [sflag:s7], $0x80  }
0x240: {  	[sflag:s7] =	ssyncset.done @!p1 $0x0  }
0x241: {  	[sflag:s7] =	ssyncadd.s32 @!p1 $0xFFFFFF80  }
0x242: {  	_ =	swait.ge @!p1 [sflag:s7], $0x80  }
0x243: {  	[sflag:s7] =	ssyncset.done @!p1 $0x0  }
0x244: {  	[sflag:s7] =	ssyncadd.s32 @!p1 $0xFFFFFF80  }
0x245: {  	_ =	swait.ge @!p1 [sflag:s7], $0x80  }
0x246: {  	[sflag:s7] =	ssyncset.done @!p1 $0x0  }
0x247: {  	[sflag:s7] =	ssyncadd.s32 @!p1 $0xFFFFFF80  }
0x248: {  	_ =	swait.ge @!p1 [sflag:s7], $0x80  }
0x249: {  	[sflag:s7] =	ssyncset.done @!p1 $0x0  }
0x24a: {  	[sflag:s7] =	ssyncadd.s32 @!p1 $0xFFFFFF80  }
0x24b: {  	_ =	swait.ge @!p1 [sflag:s7], $0x80  }
0x24c: {  	[sflag:s7] =	ssyncset.done @!p1 $0x0  }
0x24d: {  	[sflag:s7] =	ssyncadd.s32 @!p1 $0xFFFFFF80  }
0x24e: {  	_ =	swait.ge @!p1 [sflag:s7], $0x80  }
0x24f: {  	[sflag:s7] =	ssyncset.done @!p1 $0x0  }
0x250: {  	[sflag:s7] =	ssyncadd.s32 @!p1 $0xFFFFFF80  }
0x251: {  	_ =	swait.ge @!p1 [sflag:s7], $0x80  }
0x252: {  	[sflag:s7] =	ssyncset.done @!p1 $0x0  }
0x253: {  	[sflag:s7] =	ssyncadd.s32 @!p1 $0xFFFFFF80  }
0x254: {  	_ =	swait.ge @!p1 [sflag:s7], $0x80  }
0x255: {  	[sflag:s7] =	ssyncset.done @!p1 $0x0  }
0x256: {  	[sflag:s7] =	ssyncadd.s32 @!p1 $0xFFFFFF80  }
0x257: {  	_ =	swait.ge @!p1 [sflag:s7], $0x80  }
0x258: {  	[sflag:s7] =	ssyncset.done @!p1 $0x0  }
0x259: {  	[sflag:s7] =	ssyncadd.s32 @!p1 $0xFFFFFF80  }
0x25a: {  	_ =	swait.ge @!p1 [sflag:s7], $0x80  }
0x25b: {  	[sflag:s7] =	ssyncset.done @!p1 $0x0  }
0x25c: {  	[sflag:s7] =	ssyncadd.s32 @!p1 $0xFFFFFF80  }
0x25d: {  	_ =	swait.ge @!p1 [sflag:s7], $0x80  }
0x25e: {  	[sflag:s7] =	ssyncset.done @!p1 $0x0  }
0x25f: {  	[sflag:s7] =	ssyncadd.s32 @!p1 $0xFFFFFF80  }
0x260: {  	_ =	swait.ge @!p1 [sflag:s7], $0x80  }
0x261: {  	[sflag:s7] =	ssyncset.done @!p1 $0x0  }
0x262: {  	[sflag:s7] =	ssyncadd.s32 @!p1 $0xFFFFFF80  }
0x263: {  	s13 =	sadd.s32 $0x2, s18;
	_ =	swait.ge @!p1 [sflag:s7], $0x80  }
0x264: {  	s17 =	sshll.u32 s13, $0xA;
	s20 =	rddreg [dreg:$0x17]  }
0x265: {  	s17 =	sadd.s32 s20, s17  }
0x266: {  	[sflag:s7] =	ssyncset.done @!p1 $0x0;
	s17 =	sshrl.u32 s17, $0x3  }
0x267: {  	[sflag:s7] =	ssyncadd.s32 @!p1 $0xFFFFFF80;
	s20 =	simm.s32 $0x19000;
	s7 =	sadd.s32 s9, s17  }
0x268: {  	[tilespmem:s20], [sflag:$0x3] =	stream.linear.gather [hbm4b:s7+s6], $0x400, $0x38;
	[tilespmem:$0x1EE00] =	vst v63  }
0x269: {  	s17 =	sadd.s32 s8, s17;
	s20 =	simm.s32 $0x19C00  }
0x26a: {  	[tilespmem:s20], [sflag:$0x3] =	stream.linear.gather [hbm4b:s17+s6], $0x400, $0x38;
	[tilespmem:$0x1EE00] =	vst v63  }
0x26b: {  	s20 =	rddreg [dreg:$0x10]  }
0x26c: {  	s7 =	sadd.s32 s20, s13  }
0x26d: {  	s7 =	sshll.u32 s7, $0x7  }
0x26e: {  	s7 =	sand.u32 $0x1FFFFF80, s7  }
0x26f: {  	s7 =	sadd.s32 s11, s7  }
0x270: {  	[tilespmem:s19], [sflag:$0x3] =	stream.linear.gather [hbm4b:s7+s6], $0x400, $0x38;
	[tilespmem:$0x1EE00] =	vst v63  }
0x271: {  	_ =	swait.ge [sflag:s22], $0x400  }
0x272: {  	[sflag:s22] =	ssyncset.done $0x0  }
0x273: {  	[sflag:s22] =	ssyncadd.s32 $0xFFFFFC00  }
0x274: {  	_ =	swait.ge [sflag:s22], $0x400  }
0x275: {  	[sflag:s22] =	ssyncset.done $0x0  }
0x276: {  	[sflag:s22] =	ssyncadd.s32 $0xFFFFFC00  }
0x277: {  	_ =	swait.ge [sflag:s22], $0x400  }
0x278: {  	[sflag:s22] =	ssyncset.done $0x0  }
0x279: {  	s17 =	simm.s32 $0x18C20;
	[sflag:s22] =	ssyncadd.s32 $0xFFFFFC00  }
0x27a: {  	v0 =	vld [tilespmem:s17+$0x10]  }
0x27b: {  	v1 =	vld [tilespmem:s17+$0xFFFFFFF0]  }
0x27c: {  	v2 =	vld [tilespmem:s17+$0xFFFFFFE0]  }
0x27d: {  	s19 =	simm.s32 $0x19820;
	v3 =	vld [tilespmem:s17+$0x0]  }
0x27e: {  	s20 =	simm.s32 $0x18C60;
	v6 =	vld [tilespmem:s19+$0x10]  }
0x27f: {  	v4 =	vld [tilespmem:s20+$0x10]  }
0x280: {  	v9 =	vld [tilespmem:s20+$0xFFFFFFF0]  }
0x281: {  	v10 =	vld [tilespmem:s20+$0xFFFFFFE0]  }
0x282: {  	v11 =	vld [tilespmem:s19+$0xFFFFFFE0]  }
0x283: {  	v12 =	vld [tilespmem:s19+$0xFFFFFFF0]  }
0x284: {  	v5 =	vld [tilespmem:s19+$0x0]  }
0x285: {  	v0 =	vld.idx.msk [tilespmem:v0+s6+$0x0], $0xffff  }
0x286: {  	v8 =	vld.idx.msk [tilespmem:v1+s6+$0x0], $0xffff  }
0x287: {  	v7 =	vld.idx.msk [tilespmem:v2+s6+$0x0], $0xffff  }
0x288: {  	v1 =	vld [tilespmem:s20+$0x0]  }
0x289: {  	v2 =	vld.idx.msk [tilespmem:v3+s6+$0x0], $0xffff  }
0x28a: {  	s17 =	simm.s32 $0x19860;
	v4 =	vld.idx.msk [tilespmem:v4+s6+$0x0], $0xffff  }
0x28b: {  	v0 =	vmul.f32 v6, v0;
	v6 =	vld [tilespmem:s17+$0x10]  }
0x28c: {  	s20 =	simm.s32 $0x1B020;
	v3 =	vld.idx.msk [tilespmem:v9+s6+$0x0], $0xffff;
	v7 =	vmul.f32 v11, v7  }
0x28d: {  	s13 =	simm.s32 $0x4;
	s7 =	simm.s32 $0x18CA0;
	v8 =	vmul.f32 v12, v8;
	[tilespmem:s20+$0x10] =	vst v0;
	v0 =	vld.idx.msk [tilespmem:v10+s6+$0x0], $0xffff  }
.LBB2_9:
0x28e: {  	v9 =	vld [tilespmem:s7+$0x10];
	s13 =	sadd.s32 $0x4, s13;
	[tilespmem:s20+$0xFFFFFFE0] =	vst v7;
	v2 =	vmul.f32 v5, v2  }
0x28f: {  	v7 =	vld [tilespmem:s7+$0xFFFFFFF0];
	p1 =	slt.u32 s13, $0x3C;
	[tilespmem:s20+$0xFFFFFFF0] =	vst v8  }
0x290: {  	v8 =	vld [tilespmem:s7+$0x0];
	v4 =	vmul.f32 v6, v4;
	[tilespmem:s20+$0x0] =	vst v2  }
0x291: {  	s20 =	sadd.s32 $0x40, s20;
	v10 =	vld [tilespmem:s7+$0xFFFFFFE0]  }
0x292: {  	v11 =	vmov v3;
	v2 =	vld.idx.msk [tilespmem:v1+s6+$0x0], $0xffff;
	[tilespmem:s20+$0x10] =	vst v4  }
0x293: {  	v12 =	vld [tilespmem:s17+$0xFFFFFFE0]  }
0x294: {  	v13 =	vld [tilespmem:s17+$0xFFFFFFF0]  }
.Ltmp3:
0x295: {  	v5 =	vld [tilespmem:s17+$0x0];
	v1 =	vmov v8;
	(pc) =	sbr.rel @p1 .LBB2_9-.Ltmp3, $4  }
0x296: {  	s17 =	sadd.s32 $0x40, s17;
	v4 =	vld.idx.msk [tilespmem:v9+s6+$0x0], $0xffff  }
0x297: {  	v6 =	vld [tilespmem:s17+$0x10]  }
0x298: {  	v3 =	vld.idx.msk [tilespmem:v7+s6+$0x0], $0xffff;
	v7 =	vmul.f32 v12, v0  }
0x299: {  	s7 =	sadd.s32 $0x40, s7;
	v0 =	vld.idx.msk [tilespmem:v10+s6+$0x0], $0xffff;
	v8 =	vmul.f32 v13, v11  }
0x29a: {  	_ =	sdelay $0x3  }
0x29b: {  	v1 =	vld.idx.msk [tilespmem:v1+s6+$0x0], $0xffff  }
0x29c: {  	v9 =	vld [tilespmem:s17+$0xFFFFFFE0]  }
0x29d: {  	v10 =	vld [tilespmem:s17+$0xFFFFFFF0]  }
0x29e: {  	v11 =	vld [tilespmem:s17+$0x0]  }
0x29f: {  	[tilespmem:s20+$0xFFFFFFE0] =	vst v7;
	v2 =	vmul.f32 v5, v2  }
0x2a0: {  	[tilespmem:s20+$0xFFFFFFF0] =	vst v8;
	v4 =	vmul.f32 v6, v4  }
0x2a1: {  	s7 =	sadd.s32 $0x40, s20;
	[tilespmem:s20+$0x0] =	vst v2;
	v0 =	vmul.f32 v9, v0  }
0x2a2: {  	[tilespmem:s7+$0x10] =	vst v4;
	v2 =	vmul.f32 v10, v3  }
0x2a3: {  	[tilespmem:s7+$0xFFFFFFE0] =	vst v0;
	v0 =	vmul.f32 v11, v1  }
0x2a4: {  	[tilespmem:s7+$0xFFFFFFF0] =	vst v2  }
0x2a5: {  	s19 =	simm.s32 $0x1A400;
	s13 =	simm.s32 $0x1B000;
	[tilespmem:s7+$0x0] =	vst v0  }
0x2a6: {  	[spmem:s3] =	stream.indirect.scatter.add.f32 [tilespmem:s13], [sflag:$0x5], $0x1, s19, s30, $0xb8;
	[tilespmem:$0x1EE00] =	vst v63  }
0x2a7: {  	_ = 	snop  }
0x2a8: {  	[spmem:s5] =	stream.indirect.scatter.add.f32 [tilespmem:s28], [sflag:$0x5], $0x1, s19, s30, $0xb8;
	[tilespmem:$0x1EE00] =	vst v63  }
0x2a9: {  	s17 =	simm.s32 $0x1B080;
	s20 =	simm.s32 $0x1A480  }
0x2aa: {  	[spmem:s3] =	stream.indirect.scatter.add.f32 [tilespmem:s17], [sflag:$0x5], $0x1, s20, s30, $0xb8;
	[tilespmem:$0x1EE00] =	vst v63  }
0x2ab: {  	_ = 	snop  }
0x2ac: {  	[spmem:s5] =	stream.indirect.scatter.add.f32 [tilespmem:s28], [sflag:$0x5], $0x1, s20, s30, $0xb8;
	[tilespmem:$0x1EE00] =	vst v63  }
0x2ad: {  	s19 =	simm.s32 $0x1A500;
	s20 =	simm.s32 $0x1B100  }
0x2ae: {  	[spmem:s3] =	stream.indirect.scatter.add.f32 [tilespmem:s20], [sflag:$0x5], $0x1, s19, s30, $0xb8;
	[tilespmem:$0x1EE00] =	vst v63  }
0x2af: {  	_ = 	snop  }
0x2b0: {  	[spmem:s5] =	stream.indirect.scatter.add.f32 [tilespmem:s28], [sflag:$0x5], $0x1, s19, s30, $0xb8;
	[tilespmem:$0x1EE00] =	vst v63  }
0x2b1: {  	s17 =	simm.s32 $0x1A580;
	s19 =	simm.s32 $0x1B180  }
0x2b2: {  	[spmem:s3] =	stream.indirect.scatter.add.f32 [tilespmem:s19], [sflag:$0x5], $0x1, s17, s30, $0xb8;
	[tilespmem:$0x1EE00] =	vst v63  }
0x2b3: {  	_ = 	snop  }
0x2b4: {  	[spmem:s5] =	stream.indirect.scatter.add.f32 [tilespmem:s28], [sflag:$0x5], $0x1, s17, s30, $0xb8;
	[tilespmem:$0x1EE00] =	vst v63  }
0x2b5: {  	s20 =	simm.s32 $0x1A600;
	s17 =	simm.s32 $0x1B200  }
0x2b6: {  	[spmem:s3] =	stream.indirect.scatter.add.f32 [tilespmem:s17], [sflag:$0x5], $0x1, s20, s30, $0xb8;
	[tilespmem:$0x1EE00] =	vst v63  }
0x2b7: {  	_ = 	snop  }
0x2b8: {  	[spmem:s5] =	stream.indirect.scatter.add.f32 [tilespmem:s28], [sflag:$0x5], $0x1, s20, s30, $0xb8;
	[tilespmem:$0x1EE00] =	vst v63  }
0x2b9: {  	s19 =	simm.s32 $0x1A680;
	s20 =	simm.s32 $0x1B280  }
0x2ba: {  	[spmem:s3] =	stream.indirect.scatter.add.f32 [tilespmem:s20], [sflag:$0x5], $0x1, s19, s30, $0xb8;
	[tilespmem:$0x1EE00] =	vst v63  }
0x2bb: {  	_ = 	snop  }
0x2bc: {  	[spmem:s5] =	stream.indirect.scatter.add.f32 [tilespmem:s28], [sflag:$0x5], $0x1, s19, s30, $0xb8;
	[tilespmem:$0x1EE00] =	vst v63  }
0x2bd: {  	s17 =	simm.s32 $0x1A700;
	s19 =	simm.s32 $0x1B300  }
0x2be: {  	[spmem:s3] =	stream.indirect.scatter.add.f32 [tilespmem:s19], [sflag:$0x5], $0x1, s17, s30, $0xb8;
	[tilespmem:$0x1EE00] =	vst v63  }
0x2bf: {  	_ = 	snop  }
0x2c0: {  	[spmem:s5] =	stream.indirect.scatter.add.f32 [tilespmem:s28], [sflag:$0x5], $0x1, s17, s30, $0xb8;
	[tilespmem:$0x1EE00] =	vst v63  }
0x2c1: {  	s20 =	simm.s32 $0x1A780;
	s17 =	simm.s32 $0x1B380  }
0x2c2: {  	[spmem:s3] =	stream.indirect.scatter.add.f32 [tilespmem:s17], [sflag:$0x5], $0x1, s20, s30, $0xb8;
	[tilespmem:$0x1EE00] =	vst v63  }
0x2c3: {  	_ = 	snop  }
0x2c4: {  	[spmem:s5] =	stream.indirect.scatter.add.f32 [tilespmem:s28], [sflag:$0x5], $0x1, s20, s30, $0xb8;
	[tilespmem:$0x1EE00] =	vst v63  }
0x2c5: {  	_ =	swait.ge [sflag:s21], $0x80  }
0x2c6: {  	[sflag:s21] =	ssyncset.done $0x0  }
0x2c7: {  	[sflag:s21] =	ssyncadd.s32 $0xFFFFFF80  }
0x2c8: {  	_ =	swait.ge [sflag:s21], $0x80  }
0x2c9: {  	[sflag:s21] =	ssyncset.done $0x0  }
0x2ca: {  	[sflag:s21] =	ssyncadd.s32 $0xFFFFFF80  }
0x2cb: {  	_ =	swait.ge [sflag:s21], $0x80  }
0x2cc: {  	[sflag:s21] =	ssyncset.done $0x0  }
0x2cd: {  	[sflag:s21] =	ssyncadd.s32 $0xFFFFFF80  }
0x2ce: {  	_ =	swait.ge [sflag:s21], $0x80  }
0x2cf: {  	[sflag:s21] =	ssyncset.done $0x0  }
0x2d0: {  	[sflag:s21] =	ssyncadd.s32 $0xFFFFFF80  }
0x2d1: {  	_ =	swait.ge [sflag:s21], $0x80  }
0x2d2: {  	[sflag:s21] =	ssyncset.done $0x0  }
0x2d3: {  	[sflag:s21] =	ssyncadd.s32 $0xFFFFFF80  }
0x2d4: {  	_ =	swait.ge [sflag:s21], $0x80  }
0x2d5: {  	[sflag:s21] =	ssyncset.done $0x0  }
0x2d6: {  	[sflag:s21] =	ssyncadd.s32 $0xFFFFFF80  }
0x2d7: {  	_ =	swait.ge [sflag:s21], $0x80  }
0x2d8: {  	[sflag:s21] =	ssyncset.done $0x0  }
0x2d9: {  	[sflag:s21] =	ssyncadd.s32 $0xFFFFFF80  }
0x2da: {  	_ =	swait.ge [sflag:s21], $0x80  }
0x2db: {  	[sflag:s21] =	ssyncset.done $0x0  }
0x2dc: {  	[sflag:s21] =	ssyncadd.s32 $0xFFFFFF80  }
0x2dd: {  	_ =	swait.ge [sflag:s21], $0x80  }
0x2de: {  	[sflag:s21] =	ssyncset.done $0x0  }
0x2df: {  	[sflag:s21] =	ssyncadd.s32 $0xFFFFFF80  }
0x2e0: {  	_ =	swait.ge [sflag:s21], $0x80  }
0x2e1: {  	[sflag:s21] =	ssyncset.done $0x0  }
0x2e2: {  	[sflag:s21] =	ssyncadd.s32 $0xFFFFFF80  }
0x2e3: {  	_ =	swait.ge [sflag:s21], $0x80  }
0x2e4: {  	[sflag:s21] =	ssyncset.done $0x0  }
0x2e5: {  	[sflag:s21] =	ssyncadd.s32 $0xFFFFFF80  }
0x2e6: {  	_ =	swait.ge [sflag:s21], $0x80  }
0x2e7: {  	[sflag:s21] =	ssyncset.done $0x0  }
0x2e8: {  	[sflag:s21] =	ssyncadd.s32 $0xFFFFFF80  }
0x2e9: {  	_ =	swait.ge [sflag:s21], $0x80  }
0x2ea: {  	[sflag:s21] =	ssyncset.done $0x0  }
0x2eb: {  	[sflag:s21] =	ssyncadd.s32 $0xFFFFFF80  }
0x2ec: {  	_ =	swait.ge [sflag:s21], $0x80  }
0x2ed: {  	[sflag:s21] =	ssyncset.done $0x0  }
0x2ee: {  	[sflag:s21] =	ssyncadd.s32 $0xFFFFFF80  }
0x2ef: {  	_ =	swait.ge [sflag:s21], $0x80  }
0x2f0: {  	[sflag:s21] =	ssyncset.done $0x0  }
0x2f1: {  	p1 =	seq.s32 s12, $0x42;
	[sflag:s21] =	ssyncadd.s32 $0xFFFFFF80  }
0x2f2: {  	s7 =	sadd.s32 @!p1 $0x3, s18;
	_ =	swait.ge [sflag:s21], $0x80  }
0x2f3: {  	s13 =	sshll.u32 @!p1 s7, $0xA;
	s17 =	rddreg [dreg:$0x17]  }
0x2f4: {  	s13 =	sadd.s32 @!p1 s17, s13  }
0x2f5: {  	s18 =	simm.s32 @!p1 $0x0;
	[sflag:s21] =	ssyncset.done $0x0;
	s13 =	sshrl.u32 @!p1 s13, $0x3  }
0x2f6: {  	s20 =	simm.s32 @!p1 $0x18800;
	[sflag:s21] =	ssyncadd.s32 $0xFFFFFF80;
	s17 =	sadd.s32 @!p1 s9, s13  }
0x2f7: {  	[tilespmem:s20], [sflag:$0x1] =	stream.linear.gather @!p1 [hbm4b:s17+s18], $0x400, $0x38;
	[tilespmem:$0x1EE00] =	vst v63  }
0x2f8: {  	s13 =	sadd.s32 @!p1 s8, s13;
	s17 =	simm.s32 @!p1 $0x19400  }
0x2f9: {  	[tilespmem:s17], [sflag:$0x1] =	stream.linear.gather @!p1 [hbm4b:s13+s18], $0x400, $0x38;
	[tilespmem:$0x1EE00] =	vst v63  }
0x2fa: {  	s13 =	rddreg [dreg:$0x10]  }
0x2fb: {  	s7 =	sadd.s32 @!p1 s13, s7  }
0x2fc: {  	s7 =	sshll.u32 @!p1 s7, $0x7  }
0x2fd: {  	s7 =	sand.u32 @!p1 $0x1FFFFF80, s7  }
0x2fe: {  	s13 =	simm.s32 @!p1 $0x1A000;
	s7 =	sadd.s32 @!p1 s11, s7  }
0x2ff: {  	[tilespmem:s13], [sflag:$0x1] =	stream.linear.gather @!p1 [hbm4b:s7+s18], $0x400, $0x38;
	[tilespmem:$0x1EE00] =	vst v63  }
0x300: {  	_ =	swait.ge [sflag:s15], $0x400  }
0x301: {  	[sflag:s15] =	ssyncset.done $0x0  }
0x302: {  	[sflag:s15] =	ssyncadd.s32 $0xFFFFFC00  }
0x303: {  	_ =	swait.ge [sflag:s15], $0x400  }
0x304: {  	[sflag:s15] =	ssyncset.done $0x0  }
0x305: {  	[sflag:s15] =	ssyncadd.s32 $0xFFFFFC00  }
0x306: {  	_ =	swait.ge [sflag:s15], $0x400  }
0x307: {  	[sflag:s15] =	ssyncset.done $0x0  }
0x308: {  	s18 =	simm.s32 $0x19020;
	[sflag:s15] =	ssyncadd.s32 $0xFFFFFC00  }
0x309: {  	v0 =	vld [tilespmem:s18+$0x10]  }
0x30a: {  	v1 =	vld [tilespmem:s18+$0xFFFFFFF0]  }
0x30b: {  	v2 =	vld [tilespmem:s18+$0xFFFFFFE0]  }
0x30c: {  	s19 =	simm.s32 $0x19C20;
	v3 =	vld [tilespmem:s18+$0x0]  }
0x30d: {  	s20 =	simm.s32 $0x19060;
	v6 =	vld [tilespmem:s19+$0x10]  }
0x30e: {  	v4 =	vld [tilespmem:s20+$0x10]  }
0x30f: {  	v9 =	vld [tilespmem:s20+$0xFFFFFFF0]  }
0x310: {  	v10 =	vld [tilespmem:s20+$0xFFFFFFE0]  }
0x311: {  	v11 =	vld [tilespmem:s19+$0xFFFFFFE0]  }
0x312: {  	v12 =	vld [tilespmem:s19+$0xFFFFFFF0]  }
0x313: {  	v5 =	vld [tilespmem:s19+$0x0]  }
0x314: {  	v0 =	vld.idx.msk [tilespmem:v0+s6+$0x0], $0xffff  }
0x315: {  	v8 =	vld.idx.msk [tilespmem:v1+s6+$0x0], $0xffff  }
0x316: {  	v7 =	vld.idx.msk [tilespmem:v2+s6+$0x0], $0xffff  }
0x317: {  	v1 =	vld [tilespmem:s20+$0x0]  }
0x318: {  	v2 =	vld.idx.msk [tilespmem:v3+s6+$0x0], $0xffff  }
0x319: {  	s17 =	simm.s32 $0x19C60;
	v4 =	vld.idx.msk [tilespmem:v4+s6+$0x0], $0xffff  }
0x31a: {  	v0 =	vmul.f32 v6, v0;
	v6 =	vld [tilespmem:s17+$0x10]  }
0x31b: {  	s18 =	simm.s32 $0x1B420;
	v3 =	vld.idx.msk [tilespmem:v9+s6+$0x0], $0xffff;
	v7 =	vmul.f32 v11, v7  }
0x31c: {  	s13 =	simm.s32 $0x4;
	s7 =	simm.s32 $0x190A0;
	v8 =	vmul.f32 v12, v8;
	[tilespmem:s18+$0x10] =	vst v0;
	v0 =	vld.idx.msk [tilespmem:v10+s6+$0x0], $0xffff  }
.LBB2_11:
0x31d: {  	v9 =	vld [tilespmem:s7+$0x10];
	s13 =	sadd.s32 $0x4, s13;
	[tilespmem:s18+$0xFFFFFFE0] =	vst v7;
	v2 =	vmul.f32 v5, v2  }
0x31e: {  	v7 =	vld [tilespmem:s7+$0xFFFFFFF0];
	p1 =	slt.u32 s13, $0x3C;
	[tilespmem:s18+$0xFFFFFFF0] =	vst v8  }
0x31f: {  	v8 =	vld [tilespmem:s7+$0x0];
	v4 =	vmul.f32 v6, v4;
	[tilespmem:s18+$0x0] =	vst v2  }
0x320: {  	s18 =	sadd.s32 $0x40, s18;
	v10 =	vld [tilespmem:s7+$0xFFFFFFE0]  }
0x321: {  	v11 =	vmov v3;
	v2 =	vld.idx.msk [tilespmem:v1+s6+$0x0], $0xffff;
	[tilespmem:s18+$0x10] =	vst v4  }
0x322: {  	v12 =	vld [tilespmem:s17+$0xFFFFFFE0]  }
0x323: {  	v13 =	vld [tilespmem:s17+$0xFFFFFFF0]  }
.Ltmp4:
0x324: {  	v5 =	vld [tilespmem:s17+$0x0];
	v1 =	vmov v8;
	(pc) =	sbr.rel @p1 .LBB2_11-.Ltmp4, $4  }
0x325: {  	s17 =	sadd.s32 $0x40, s17;
	v4 =	vld.idx.msk [tilespmem:v9+s6+$0x0], $0xffff  }
0x326: {  	v6 =	vld [tilespmem:s17+$0x10]  }
0x327: {  	v3 =	vld.idx.msk [tilespmem:v7+s6+$0x0], $0xffff;
	v7 =	vmul.f32 v12, v0  }
0x328: {  	s7 =	sadd.s32 $0x40, s7;
	v0 =	vld.idx.msk [tilespmem:v10+s6+$0x0], $0xffff;
	v8 =	vmul.f32 v13, v11  }
0x329: {  	_ =	sdelay $0x3  }
0x32a: {  	v1 =	vld.idx.msk [tilespmem:v1+s6+$0x0], $0xffff  }
0x32b: {  	v9 =	vld [tilespmem:s17+$0xFFFFFFE0]  }
0x32c: {  	v10 =	vld [tilespmem:s17+$0xFFFFFFF0]  }
0x32d: {  	v11 =	vld [tilespmem:s17+$0x0]  }
0x32e: {  	[tilespmem:s18+$0xFFFFFFE0] =	vst v7;
	v2 =	vmul.f32 v5, v2  }
0x32f: {  	[tilespmem:s18+$0xFFFFFFF0] =	vst v8;
	v4 =	vmul.f32 v6, v4  }
0x330: {  	s7 =	sadd.s32 $0x40, s18;
	[tilespmem:s18+$0x0] =	vst v2;
	v0 =	vmul.f32 v9, v0  }
0x331: {  	[tilespmem:s7+$0x10] =	vst v4;
	v62 =	vmul.f32 v10, v3  }
0x332: {  	v63 =	vmul.f32 v11, v1;
	[tilespmem:s7+$0xFFFFFFE0] =	vst v0  }
0x333: {  	[tilespmem:s7+$0xFFFFFFF0] =	vst v62  }
0x334: {  	s17 =	simm.s32 $0x1A800;
	s13 =	simm.s32 $0x1B400;
	[tilespmem:s7+$0x0] =	vst v63  }
0x335: {  	[spmem:s3] =	stream.indirect.scatter.add.f32 [tilespmem:s13], [sflag:$0x6], $0x1, s17, s30, $0xb8;
	[tilespmem:$0x1EE00] =	vst v63  }
0x336: {  	_ = 	snop  }
0x337: {  	[spmem:s5] =	stream.indirect.scatter.add.f32 [tilespmem:s28], [sflag:$0x6], $0x1, s17, s30, $0xb8;
	[tilespmem:$0x1EE00] =	vst v63  }
0x338: {  	s20 =	simm.s32 $0x1B480;
	s18 =	simm.s32 $0x1A880  }
0x339: {  	[spmem:s3] =	stream.indirect.scatter.add.f32 [tilespmem:s20], [sflag:$0x6], $0x1, s18, s30, $0xb8;
	[tilespmem:$0x1EE00] =	vst v63  }
0x33a: {  	_ = 	snop  }
0x33b: {  	[spmem:s5] =	stream.indirect.scatter.add.f32 [tilespmem:s28], [sflag:$0x6], $0x1, s18, s30, $0xb8;
	[tilespmem:$0x1EE00] =	vst v63  }
0x33c: {  	s17 =	simm.s32 $0x1A900;
	s18 =	simm.s32 $0x1B500  }
0x33d: {  	[spmem:s3] =	stream.indirect.scatter.add.f32 [tilespmem:s18], [sflag:$0x6], $0x1, s17, s30, $0xb8;
	[tilespmem:$0x1EE00] =	vst v63  }
0x33e: {  	_ = 	snop  }
0x33f: {  	[spmem:s5] =	stream.indirect.scatter.add.f32 [tilespmem:s28], [sflag:$0x6], $0x1, s17, s30, $0xb8;
	[tilespmem:$0x1EE00] =	vst v63  }
0x340: {  	s20 =	simm.s32 $0x1A980;
	s17 =	simm.s32 $0x1B580  }
0x341: {  	[spmem:s3] =	stream.indirect.scatter.add.f32 [tilespmem:s17], [sflag:$0x6], $0x1, s20, s30, $0xb8;
	[tilespmem:$0x1EE00] =	vst v63  }
0x342: {  	_ = 	snop  }
0x343: {  	[spmem:s5] =	stream.indirect.scatter.add.f32 [tilespmem:s28], [sflag:$0x6], $0x1, s20, s30, $0xb8;
	[tilespmem:$0x1EE00] =	vst v63  }
0x344: {  	s18 =	simm.s32 $0x1AA00;
	s20 =	simm.s32 $0x1B600  }
0x345: {  	[spmem:s3] =	stream.indirect.scatter.add.f32 [tilespmem:s20], [sflag:$0x6], $0x1, s18, s30, $0xb8;
	[tilespmem:$0x1EE00] =	vst v63  }
0x346: {  	_ = 	snop  }
0x347: {  	[spmem:s5] =	stream.indirect.scatter.add.f32 [tilespmem:s28], [sflag:$0x6], $0x1, s18, s30, $0xb8;
	[tilespmem:$0x1EE00] =	vst v63  }
0x348: {  	s17 =	simm.s32 $0x1AA80;
	s18 =	simm.s32 $0x1B680  }
0x349: {  	[spmem:s3] =	stream.indirect.scatter.add.f32 [tilespmem:s18], [sflag:$0x6], $0x1, s17, s30, $0xb8;
	[tilespmem:$0x1EE00] =	vst v63  }
0x34a: {  	_ = 	snop  }
0x34b: {  	[spmem:s5] =	stream.indirect.scatter.add.f32 [tilespmem:s28], [sflag:$0x6], $0x1, s17, s30, $0xb8;
	[tilespmem:$0x1EE00] =	vst v63  }
0x34c: {  	s12 =	sadd.s32 $0x1, s12;
	s20 =	simm.s32 $0x1AB00;
	s17 =	simm.s32 $0x1B700  }
0x34d: {  	[spmem:s3] =	stream.indirect.scatter.add.f32 [tilespmem:s17], [sflag:$0x6], $0x1, s20, s30, $0xb8;
	[tilespmem:$0x1EE00] =	vst v63  }
0x34e: {  	p1 =	sne.s32 s12, $0x43  }
0x34f: {  	[spmem:s5] =	stream.indirect.scatter.add.f32 [tilespmem:s28], [sflag:$0x6], $0x1, s20, s30, $0xb8;
	[tilespmem:$0x1EE00] =	vst v63  }
.Ltmp5:
0x350: {  	_ = 	snop;
	(pc) =	sbr.rel @p1 .LBB2_6-.Ltmp5, $4  }
0x351: {  	s18 =	simm.s32 $0x1AB80;
	s20 =	simm.s32 $0x1B780  }
0x352: {  	[spmem:s3] =	stream.indirect.scatter.add.f32 [tilespmem:s20], [sflag:$0x6], $0x1, s18, s30, $0xb8;
	[tilespmem:$0x1EE00] =	vst v63  }
0x353: {  	s19 =	simm.s32 $0x1A800  }
0x354: {  	[spmem:s5] =	stream.indirect.scatter.add.f32 [tilespmem:s28], [sflag:$0x6], $0x1, s18, s30, $0xb8;
	[tilespmem:$0x1EE00] =	vst v63  }
0x355: {  	s7 =	simm.s32 $0x5  }
0x356: {  	_ =	swait.ge [sflag:s7], $0x80  }
0x357: {  	[sflag:s7] =	ssyncset.done $0x0  }
0x358: {  	[sflag:s7] =	ssyncadd.s32 $0xFFFFFF80  }
0x359: {  	_ =	swait.ge [sflag:s7], $0x80  }
0x35a: {  	[sflag:s7] =	ssyncset.done $0x0  }
0x35b: {  	[sflag:s7] =	ssyncadd.s32 $0xFFFFFF80  }
0x35c: {  	_ =	swait.ge [sflag:s7], $0x80  }
0x35d: {  	[sflag:s7] =	ssyncset.done $0x0  }
0x35e: {  	[sflag:s7] =	ssyncadd.s32 $0xFFFFFF80  }
0x35f: {  	_ =	swait.ge [sflag:s7], $0x80  }
0x360: {  	[sflag:s7] =	ssyncset.done $0x0  }
0x361: {  	[sflag:s7] =	ssyncadd.s32 $0xFFFFFF80  }
0x362: {  	_ =	swait.ge [sflag:s7], $0x80  }
0x363: {  	[sflag:s7] =	ssyncset.done $0x0  }
0x364: {  	[sflag:s7] =	ssyncadd.s32 $0xFFFFFF80  }
0x365: {  	_ =	swait.ge [sflag:s7], $0x80  }
0x366: {  	[sflag:s7] =	ssyncset.done $0x0  }
0x367: {  	[sflag:s7] =	ssyncadd.s32 $0xFFFFFF80  }
0x368: {  	_ =	swait.ge [sflag:s7], $0x80  }
0x369: {  	[sflag:s7] =	ssyncset.done $0x0  }
0x36a: {  	[sflag:s7] =	ssyncadd.s32 $0xFFFFFF80  }
0x36b: {  	_ =	swait.ge [sflag:s7], $0x80  }
0x36c: {  	[sflag:s7] =	ssyncset.done $0x0  }
0x36d: {  	[sflag:s7] =	ssyncadd.s32 $0xFFFFFF80  }
0x36e: {  	_ =	swait.ge [sflag:s7], $0x80  }
0x36f: {  	[sflag:s7] =	ssyncset.done $0x0  }
0x370: {  	[sflag:s7] =	ssyncadd.s32 $0xFFFFFF80  }
0x371: {  	_ =	swait.ge [sflag:s7], $0x80  }
0x372: {  	[sflag:s7] =	ssyncset.done $0x0  }
0x373: {  	[sflag:s7] =	ssyncadd.s32 $0xFFFFFF80  }
0x374: {  	_ =	swait.ge [sflag:s7], $0x80  }
0x375: {  	[sflag:s7] =	ssyncset.done $0x0  }
0x376: {  	[sflag:s7] =	ssyncadd.s32 $0xFFFFFF80  }
0x377: {  	_ =	swait.ge [sflag:s7], $0x80  }
0x378: {  	[sflag:s7] =	ssyncset.done $0x0  }
0x379: {  	[sflag:s7] =	ssyncadd.s32 $0xFFFFFF80  }
0x37a: {  	_ =	swait.ge [sflag:s7], $0x80  }
0x37b: {  	[sflag:s7] =	ssyncset.done $0x0  }
0x37c: {  	[sflag:s7] =	ssyncadd.s32 $0xFFFFFF80  }
0x37d: {  	_ =	swait.ge [sflag:s7], $0x80  }
0x37e: {  	[sflag:s7] =	ssyncset.done $0x0  }
0x37f: {  	[sflag:s7] =	ssyncadd.s32 $0xFFFFFF80  }
0x380: {  	_ =	swait.ge [sflag:s7], $0x80  }
0x381: {  	[sflag:s7] =	ssyncset.done $0x0  }
0x382: {  	[sflag:s7] =	ssyncadd.s32 $0xFFFFFF80  }
0x383: {  	_ =	swait.ge [sflag:s7], $0x80  }
0x384: {  	[sflag:s7] =	ssyncset.done $0x0  }
0x385: {  	s18 =	simm.s32 $0x6;
	[sflag:s7] =	ssyncadd.s32 $0xFFFFFF80  }
0x386: {  	_ =	swait.ge [sflag:s18], $0x80  }
0x387: {  	[sflag:s18] =	ssyncset.done $0x0  }
0x388: {  	[sflag:s18] =	ssyncadd.s32 $0xFFFFFF80  }
0x389: {  	_ =	swait.ge [sflag:s18], $0x80  }
0x38a: {  	[sflag:s18] =	ssyncset.done $0x0  }
0x38b: {  	[sflag:s18] =	ssyncadd.s32 $0xFFFFFF80  }
0x38c: {  	_ =	swait.ge [sflag:s18], $0x80  }
0x38d: {  	[sflag:s18] =	ssyncset.done $0x0  }
0x38e: {  	[sflag:s18] =	ssyncadd.s32 $0xFFFFFF80  }
0x38f: {  	_ =	swait.ge [sflag:s18], $0x80  }
0x390: {  	[sflag:s18] =	ssyncset.done $0x0  }
0x391: {  	[sflag:s18] =	ssyncadd.s32 $0xFFFFFF80  }
0x392: {  	_ =	swait.ge [sflag:s18], $0x80  }
0x393: {  	[sflag:s18] =	ssyncset.done $0x0  }
0x394: {  	[sflag:s18] =	ssyncadd.s32 $0xFFFFFF80  }
0x395: {  	_ =	swait.ge [sflag:s18], $0x80  }
0x396: {  	[sflag:s18] =	ssyncset.done $0x0  }
0x397: {  	[sflag:s18] =	ssyncadd.s32 $0xFFFFFF80  }
0x398: {  	_ =	swait.ge [sflag:s18], $0x80  }
0x399: {  	[sflag:s18] =	ssyncset.done $0x0  }
0x39a: {  	[sflag:s18] =	ssyncadd.s32 $0xFFFFFF80  }
0x39b: {  	_ =	swait.ge [sflag:s18], $0x80  }
0x39c: {  	[sflag:s18] =	ssyncset.done $0x0  }
0x39d: {  	[sflag:s18] =	ssyncadd.s32 $0xFFFFFF80  }
0x39e: {  	_ =	swait.ge [sflag:s18], $0x80  }
0x39f: {  	[sflag:s18] =	ssyncset.done $0x0  }
0x3a0: {  	[sflag:s18] =	ssyncadd.s32 $0xFFFFFF80  }
0x3a1: {  	_ =	swait.ge [sflag:s18], $0x80  }
0x3a2: {  	[sflag:s18] =	ssyncset.done $0x0  }
0x3a3: {  	[sflag:s18] =	ssyncadd.s32 $0xFFFFFF80  }
0x3a4: {  	_ =	swait.ge [sflag:s18], $0x80  }
0x3a5: {  	[sflag:s18] =	ssyncset.done $0x0  }
0x3a6: {  	[sflag:s18] =	ssyncadd.s32 $0xFFFFFF80  }
0x3a7: {  	_ =	swait.ge [sflag:s18], $0x80  }
0x3a8: {  	[sflag:s18] =	ssyncset.done $0x0  }
0x3a9: {  	[sflag:s18] =	ssyncadd.s32 $0xFFFFFF80  }
0x3aa: {  	_ =	swait.ge [sflag:s18], $0x80  }
0x3ab: {  	[sflag:s18] =	ssyncset.done $0x0  }
0x3ac: {  	[sflag:s18] =	ssyncadd.s32 $0xFFFFFF80  }
0x3ad: {  	_ =	swait.ge [sflag:s18], $0x80  }
0x3ae: {  	[sflag:s18] =	ssyncset.done $0x0  }
0x3af: {  	[sflag:s18] =	ssyncadd.s32 $0xFFFFFF80  }
0x3b0: {  	_ =	swait.ge [sflag:s18], $0x80  }
0x3b1: {  	[sflag:s18] =	ssyncset.done $0x0  }
0x3b2: {  	[sflag:s18] =	ssyncadd.s32 $0xFFFFFF80  }
0x3b3: {  	_ =	swait.ge [sflag:s18], $0x80  }
0x3b4: {  	[sflag:s18] =	ssyncset.done $0x0  }
0x3b5: {  	[sflag:s18] =	ssyncadd.s32 $0xFFFFFF80  }
0x3b6: {  	[bflag:$0x0] =	sbarrier.arrive $0xFFFF  }
0x3b7: {  	s17 =	rddreg [dreg:$0xa]  }
0x3b8: {  	s20 =	rddreg [dreg:$0x11]  }
0x3b9: {  	s12 =	simm.s32 $0x20;
	s13 =	simm.s32 $0x10;
	s18 =	rddreg [dreg:$0x19]  }
0x3ba: {  	[hbm:s20@s12], [sflag:s17] =	dma.strided [spmem:s18@s13], $0x310, s16, $0x10   }
0x3bb: {  	_ =	swait.ge [sflag:s26], $0x310  }
0x3bc: {  	[sflag:s26] =	ssyncset.done $0x0;
	s18 =	rddreg [dreg:$0x12]  }
0x3bd: {  	s20 =	rddreg [dreg:$0x1a];
	[sflag:s26] =	ssyncadd.s32 $0xFFFFFCF0  }
0x3be: {  	[hbm:s18@s12], [sflag:s17] =	dma.strided [spmem:s20@s13], $0x310, s16, $0x10   }
0x3bf: {  	_ =	swait.ge [sflag:s26], $0x310  }
0x3c0: {  	s18 =	rddreg [dreg:$0x18]  }
0x3c1: {  	s20 =	rddreg [dreg:$0x13];
	s12 =	sadd.s32 $0x1, s18  }
0x3c2: {  	p1 =	sne.s32 s12, s20  }
.Ltmp6:
0x3c3: {  	_ = 	snop;
	(pc) =	sbr.rel @p1 .LBB2_1-.Ltmp6, $3  }
0x3c4: {  	_ =	sdelay $0x1  }
0x3c5: {  	[sflag:s26] =	ssyncset.done $0x0  }
0x3c6: {  	[sflag:s26] =	ssyncadd.s32 $0xFFFFFCF0;
	s20 =	rddreg [dreg:$0x9]  }
0x3c7: {  	_ =	sfence.sel $0x180000  }
0x3c8: {  	[bflag:$0x0] =	sbarrier.arrive $0xFFFF  }
0x3c9: {  	_ =	strace $0x90000047  }
0x3ca: {  	[bflag:$0x2] =	sbarrier.arrive $0xFFFF  }
0x3cb: {  	s0 =	rddreg [dreg:$0x7]  }
0x3cc: {  	s0 =	sadd.s32 @!p0 $0x100000, s0  }
0x3cd: {  	[sflag:s0] =	ssyncadd.tile.s32 @!p0 $0x1;
	_ =	shalt  }
.Lfunc_end2:
_tile_overlayer_lowered:
.L_overlay_start_2:
0x3ce: {  	(tag) =	ssettag $0x2  }
0x3cf: {  	s0 =	rddreg [dreg:$0x0];
	s2 =	stileid.u32  }
0x3d0: {  	s1 =	rddreg [dreg:$0x1];
	p0 =	sne.s32 s2, $0x0  }
0x3d1: {  	s3 =	rddreg [dreg:$0x2];
	[bflag:$0x3] =	sbarrier.arrive $0xFFFF;
	s2 =	simm.s32 @!p0 $0x1C07  }
0x3d2: {  	[timem:s3], [sflag:s2] =	dma.local @!p0 [hbm:s0], s1  }
0x3d3: {  	s0 =	simm.s32 @!p0 $0x7  }
0x3d4: {  	_ =	swait.ge @!p0 [sflag:s0], s1  }
0x3d5: {  	s1 =	ssub.s32 @!p0 $0x0, s1;
	[sflag:s0] =	ssyncset.done @!p0 $0x0  }
0x3d6: {  	[sflag:s0] =	ssyncadd.s32 @!p0 s1  }
0x3d7: {  	[bflag:$0x3] =	sbarrier.arrive $0xFFFF  }
0x3d8: {  	_ =	shalt  }

</sc_bundles>
